<compile_context>
chip_gen: v7x
topology: tpu7x:2x2x1
jax: 0.10.2.dev20260603
libtpu: 0.0.44.dev20260713+nightly
codegen_flags: <defaults>
</compile_context>

<pallas_src>
import functools

import jax
import jax.numpy as jnp
from jax import lax
from jax.experimental import pallas as pl
from jax.experimental.pallas import tpu as pltpu
from jax.experimental.pallas import tpu_sc as plsc

_D = 64
_K = 64
_HW = 1024
_LANES = 16


def _dist_body(z_ref, w_ref, idx_ref, *, K):
    z = z_ref[0]
    w = w_ref[...]
    wsq_row = jnp.sum(w * w, axis=0, keepdims=True)
    wsq = jnp.transpose(wsq_row, (1, 0))
    scores = jax.lax.dot_general(
        w, z, (((0,), (0,)), ((), ())),
        preferred_element_type=jnp.float32)
    zsq = jnp.sum(z * z, axis=0, keepdims=True)
    dist = (zsq - 2.0 * scores) + wsq
    mind = jnp.min(dist, axis=0, keepdims=True)
    iota = jax.lax.broadcasted_iota(jnp.int32, dist.shape, 0)
    cand = jnp.where(dist == mind, iota, K)
    idx = jnp.min(cand, axis=0, keepdims=True)
    idx_ref[0, 0] = idx[0]


def _nearest_indices(z3, weight):
    B = z3.shape[0]
    idx3 = pl.pallas_call(
        functools.partial(_dist_body, K=_K),
        grid=(B,),
        in_specs=[
            pl.BlockSpec((1, _D, _HW), lambda i: (i, 0, 0)),
            pl.BlockSpec((_D, _K), lambda i: (0, 0)),
        ],
        out_specs=pl.BlockSpec((1, 1, _HW), lambda i: (i, 0, 0)),
        out_shape=jax.ShapeDtypeStruct((B, 1, _HW), jnp.int32),
    )(z3, weight)
    return idx3.reshape(B, _HW)


def _make_sc_gather(B):
    n_workers = 32
    b_per_w = B // n_workers
    mesh = plsc.VectorSubcoreMesh(core_axis_name="c", subcore_axis_name="s")

    @functools.partial(
        pl.kernel,
        mesh=mesh,
        compiler_params=pltpu.CompilerParams(
            needs_layout_passes=False, use_tc_tiling_on_sc=True),
        out_type=[
            jax.ShapeDtypeStruct((B, _D * _HW), jnp.float32),
            jax.ShapeDtypeStruct((B, _D * _HW), jnp.float32),
        ],
        scratch_types=[
            pltpu.VMEM((_D * _K,), jnp.float32),
            pltpu.VMEM((_HW,), jnp.int32),
            pltpu.VMEM((_D * _HW,), jnp.float32),
        ],
    )
    def sc_gather(w_hbm, idx_hbm, zq_hbm, emb_hbm, w_v, idx_v, out_v):
        wid = lax.axis_index("s") * 2 + lax.axis_index("c")
        pltpu.sync_copy(w_hbm, w_v)

        for bb in range(b_per_w):
            b = wid * b_per_w + bb
            pltpu.sync_copy(idx_hbm.at[b], idx_v)

            @plsc.parallel_loop(0, _HW // _LANES, unroll=4)
            def point_chunk(j):
                base = j * _LANES
                codes = idx_v[pl.ds(base, _LANES)]
                for d in range(_D):
                    vals = plsc.load_gather(w_v, [codes + d * _K])
                    out_v[pl.ds(d * _HW + base, _LANES)] = vals

            pltpu.sync_copy(out_v, zq_hbm.at[b])
            pltpu.sync_copy(out_v, emb_hbm.at[b])

    return sc_gather


def kernel(z_g, weight):
    B, D, H, W = z_g.shape
    z3 = z_g.reshape(B, D, H * W)
    idx = _nearest_indices(z3, weight)
    w_flat = weight.reshape(D * _K)
    zq, emb = _make_sc_gather(B)(w_flat, idx)
    return (zq.reshape(B, D, H, W), emb.reshape(B, D, H, W))

# --- scband reference (transcript-rebuilt; emitter-appended) ---
"""Pipeline reference for scband-vector-quantizer-67138928771109 (READ-ONLY COPY).

The authoritative reference and input builder live on the scoring server;
editing this copy changes nothing except your own understanding.
"""

import jax, jax.numpy as jnp
import numpy as np

K = 64  # num codebook entries (== emb_size == k)
D = 64  # embedding dim (== k, module ties them)

def setup_inputs(seed: int = 0):
    key = jax.random.key(seed)
    k1, k2 = jax.random.split(key)
    z_g = jax.random.normal(k1, (64, D, 32, 32), dtype=jnp.float32)
    # NearestEmbed stores weight as [embeddings_dim, num_embeddings]
    weight = jax.random.normal(k2, (D, K), dtype=jnp.float32) * 0.1
    return {"z_g": z_g, "weight": weight}

def _nearest_idx(z, w):
    # z: [B, D, H, W]; w: [D, K]
    B, Dd, H, W = z.shape
    zf = jnp.transpose(z, (0, 2, 3, 1)).reshape(-1, Dd)
    dist = (jnp.sum(zf * zf, axis=1, keepdims=True)
            - 2.0 * (zf @ w)
            + jnp.sum(w * w, axis=0, keepdims=True))
    return jnp.argmin(dist, axis=1)  # [B*H*W]

def _gather(w, idx, shape):
    B, Dd, H, W = shape
    q = jnp.take(w, idx, axis=1).T          # [N, D]
    q = q.reshape(B, H, W, Dd)
    return jnp.transpose(q, (0, 3, 1, 2))   # [B, D, H, W]

def reference(z_g, weight):
    # self.emb(z_g, weight_sg=True): nearest-embedding quantization,
    # straight-through to the input, no grad to the codebook.
    idx = _nearest_idx(z_g, weight)
    q = _gather(jax.lax.stop_gradient(weight), idx, z_g.shape)
    z_q = z_g + jax.lax.stop_gradient(q - z_g)
    # self.emb(z_g.detach()): same quantization, grads flow to the codebook only.
    emb = _gather(weight, idx, z_g.shape)
    return (z_q, emb)

if __name__ == "__main__":
    import jax
    _d = setup_inputs()
    print(jax.jit(kernel)(*tuple(_d.values())))

</pallas_src>

<mosaic_0001>
#map = affine_map<(d0, d1) -> (0)>
#map1 = affine_map<(d0, d1) -> (0, 0)>
module attributes {stable_mosaic.version = 14 : i64} {
  func.func @sc_gather(%arg0: i32, %arg1: i32, %arg2: memref<4096xf32, #tpu.memory_space<hbm>>, %arg3: memref<64x1024xi32, #tpu.memory_space<hbm>>, %arg4: memref<64x65536xf32, #tpu.memory_space<hbm>>, %arg5: memref<64x65536xf32, #tpu.memory_space<hbm>>, %arg6: memref<4096xf32, #tpu.memory_space<vmem>>, %arg7: memref<1024xi32, #tpu.memory_space<vmem>>, %arg8: memref<65536xf32, #tpu.memory_space<vmem>>) attributes {dimension_semantics = [#tpu.dimension_semantics<core_parallel>, #tpu.dimension_semantics<subcore_parallel>], iteration_bounds = array<i64: 2, 16>, scalar_prefetch = 0 : i64, scratch_operands = 3 : i64, tpu.core_type = #tpu.core_type<sc_vector_subcore>, window_params = [{transform_indices = #map}, {transform_indices = #map1}, {transform_indices = #map1}, {transform_indices = #map1}]} {
    %mul3A = arith.constant 2 : i32
    %mul3A_0 = arith.muli %arg1, %mul3A : i32
    %add3A = arith.addi %mul3A_0, %arg0 : i32
    "tpu.region"() ({
      %run_scoped3A = tpu.sem_alloc : memref<!tpu.dma_semaphore, #tpu.memory_space<semaphore_mem>>
      tpu.enqueue_dma source(%arg2 : memref<4096xf32, #tpu.memory_space<hbm>>) target(%arg6 : memref<4096xf32, #tpu.memory_space<vmem>>) target_semaphore(%run_scoped3A : memref<!tpu.dma_semaphore, #tpu.memory_space<semaphore_mem>>)
      tpu.wait_dma2 semaphore(%run_scoped3A : memref<!tpu.dma_semaphore, #tpu.memory_space<semaphore_mem>>) src(%arg2 : memref<4096xf32, #tpu.memory_space<hbm>>) dst(%arg6 : memref<4096xf32, #tpu.memory_space<vmem>>)
      tpu.yield
    }) : () -> ()
    %mul3A_1 = arith.constant 2 : i32
    %mul3A_2 = arith.muli %add3A, %mul3A_1 : i32
    %add3A_3 = arith.constant 0 : i32
    %add3A_4 = arith.addi %mul3A_2, %add3A_3 : i32
    "tpu.region"() ({
      %run_scoped3A = tpu.sem_alloc : memref<!tpu.dma_semaphore, #tpu.memory_space<semaphore_mem>>
      %dma_start3A = arith.constant 0 : i32
      %dma_start3A_14 = tpu.memref_slice %arg3[%add3A_4, %dma_start3A] : memref<64x1024xi32, #tpu.memory_space<hbm>> -> memref<1x1024xi32, #tpu.memory_space<hbm>>
      %dma_start3A_15 = tpu.memref_squeeze %dma_start3A_14 : memref<1x1024xi32, #tpu.memory_space<hbm>> -> memref<1024xi32, #tpu.memory_space<hbm>>
      %dma_start3A_16 = arith.constant 0 : i32
      %dma_start3A_17 = tpu.memref_slice %arg3[%add3A_4, %dma_start3A_16] : memref<64x1024xi32, #tpu.memory_space<hbm>> -> memref<1x1024xi32, #tpu.memory_space<hbm>>
      %dma_start3A_18 = tpu.memref_squeeze %dma_start3A_17 : memref<1x1024xi32, #tpu.memory_space<hbm>> -> memref<1024xi32, #tpu.memory_space<hbm>>
      tpu.enqueue_dma source(%dma_start3A_18 : memref<1024xi32, #tpu.memory_space<hbm>>) target(%arg7 : memref<1024xi32, #tpu.memory_space<vmem>>) target_semaphore(%run_scoped3A : memref<!tpu.dma_semaphore, #tpu.memory_space<semaphore_mem>>)
      %dma_wait3A = arith.constant 0 : i32
      %dma_wait3A_19 = tpu.memref_slice %arg3[%add3A_4, %dma_wait3A] : memref<64x1024xi32, #tpu.memory_space<hbm>> -> memref<1x1024xi32, #tpu.memory_space<hbm>>
      %dma_wait3A_20 = tpu.memref_squeeze %dma_wait3A_19 : memref<1x1024xi32, #tpu.memory_space<hbm>> -> memref<1024xi32, #tpu.memory_space<hbm>>
      %dma_wait3A_21 = arith.constant 0 : i32
      %dma_wait3A_22 = tpu.memref_slice %arg3[%add3A_4, %dma_wait3A_21] : memref<64x1024xi32, #tpu.memory_space<hbm>> -> memref<1x1024xi32, #tpu.memory_space<hbm>>
      %dma_wait3A_23 = tpu.memref_squeeze %dma_wait3A_22 : memref<1x1024xi32, #tpu.memory_space<hbm>> -> memref<1024xi32, #tpu.memory_space<hbm>>
      tpu.wait_dma2 semaphore(%run_scoped3A : memref<!tpu.dma_semaphore, #tpu.memory_space<semaphore_mem>>) src(%dma_wait3A_23 : memref<1024xi32, #tpu.memory_space<hbm>>) dst(%arg7 : memref<1024xi32, #tpu.memory_space<vmem>>)
      tpu.yield
    }) : () -> ()
    %parallel_loop3A = arith.constant 0 : i32
    %parallel_loop3A_5 = arith.constant 64 : i32
    %parallel_loop3A_6 = arith.constant 1 : i32
    scf.for %parallel_loop3A_14 = %parallel_loop3A to %parallel_loop3A_5 step %parallel_loop3A_6  : i32 {
      %parallel_loop3A_15 = arith.constant 16 : i32
      %parallel_loop3A_16 = arith.muli %parallel_loop3A_14, %parallel_loop3A_15 : i32
      %parallel_loop3A_17 = arith.index_cast %parallel_loop3A_16 : i32 to index
      %parallel_loop3A_18 = tpu.vector_load %arg7[%parallel_loop3A_17] {strides = array<i32>} : memref<1024xi32, #tpu.memory_space<vmem>>, vector<16xi32>,
      %parallel_loop3A_19 = arith.constant 0 : i32
      %parallel_loop3A_20 = vector.broadcast %parallel_loop3A_19 : i32 to vector<16xi32>
      %parallel_loop3A_21 = arith.addi %parallel_loop3A_18, %parallel_loop3A_20 : vector<16xi32>
      %parallel_loop3A_22 = tpu.vector_load_idx %arg6[%parallel_loop3A_21] : memref<4096xf32, #tpu.memory_space<vmem>>[vector<16xi32>], vector<16xf32>,
      %parallel_loop3A_23 = arith.constant 0 : i32
      %parallel_loop3A_24 = arith.addi %parallel_loop3A_23, %parallel_loop3A_16 : i32
      %parallel_loop3A_25 = arith.index_cast %parallel_loop3A_24 : i32 to index
      %parallel_loop3A_26 = tpu.vector_load %arg8[%parallel_loop3A_25] {strides = array<i32>} : memref<65536xf32, #tpu.memory_space<vmem>>, vector<16xf32>,
      tpu.vector_store %arg8[%parallel_loop3A_25], %parallel_loop3A_22 {strides = array<i32>} : memref<65536xf32, #tpu.memory_space<vmem>>, vector<16xf32>,
      %parallel_loop3A_27 = arith.constant 64 : i32
      %parallel_loop3A_28 = vector.broadcast %parallel_loop3A_27 : i32 to vector<16xi32>
      %parallel_loop3A_29 = arith.addi %parallel_loop3A_18, %parallel_loop3A_28 : vector<16xi32>
      %parallel_loop3A_30 = tpu.vector_load_idx %arg6[%parallel_loop3A_29] : memref<4096xf32, #tpu.memory_space<vmem>>[vector<16xi32>], vector<16xf32>,
      %parallel_loop3A_31 = arith.constant 1024 : i32
      %parallel_loop3A_32 = arith.addi %parallel_loop3A_31, %parallel_loop3A_16 : i32
      %parallel_loop3A_33 = arith.index_cast %parallel_loop3A_32 : i32 to index
      %parallel_loop3A_34 = tpu.vector_load %arg8[%parallel_loop3A_33] {strides = array<i32>} : memref<65536xf32, #tpu.memory_space<vmem>>, vector<16xf32>,
      tpu.vector_store %arg8[%parallel_loop3A_33], %parallel_loop3A_30 {strides = array<i32>} : memref<65536xf32, #tpu.memory_space<vmem>>, vector<16xf32>,
      %parallel_loop3A_35 = arith.constant 128 : i32
      %parallel_loop3A_36 = vector.broadcast %parallel_loop3A_35 : i32 to vector<16xi32>
      %parallel_loop3A_37 = arith.addi %parallel_loop3A_18, %parallel_loop3A_36 : vector<16xi32>
      %parallel_loop3A_38 = tpu.vector_load_idx %arg6[%parallel_loop3A_37] : memref<4096xf32, #tpu.memory_space<vmem>>[vector<16xi32>], vector<16xf32>,
      %parallel_loop3A_39 = arith.constant 2048 : i32
      %parallel_loop3A_40 = arith.addi %parallel_loop3A_39, %parallel_loop3A_16 : i32
      %parallel_loop3A_41 = arith.index_cast %parallel_loop3A_40 : i32 to index
      %parallel_loop3A_42 = tpu.vector_load %arg8[%parallel_loop3A_41] {strides = array<i32>} : memref<65536xf32, #tpu.memory_space<vmem>>, vector<16xf32>,
      tpu.vector_store %arg8[%parallel_loop3A_41], %parallel_loop3A_38 {strides = array<i32>} : memref<65536xf32, #tpu.memory_space<vmem>>, vector<16xf32>,
      %parallel_loop3A_43 = arith.constant 192 : i32
      %parallel_loop3A_44 = vector.broadcast %parallel_loop3A_43 : i32 to vector<16xi32>
      %parallel_loop3A_45 = arith.addi %parallel_loop3A_18, %parallel_loop3A_44 : vector<16xi32>
      %parallel_loop3A_46 = tpu.vector_load_idx %arg6[%parallel_loop3A_45] : memref<4096xf32, #tpu.memory_space<vmem>>[vector<16xi32>], vector<16xf32>,
      %parallel_loop3A_47 = arith.constant 3072 : i32
      %parallel_loop3A_48 = arith.addi %parallel_loop3A_47, %parallel_loop3A_16 : i32
      %parallel_loop3A_49 = arith.index_cast %parallel_loop3A_48 : i32 to index
      %parallel_loop3A_50 = tpu.vector_load %arg8[%parallel_loop3A_49] {strides = array<i32>} : memref<65536xf32, #tpu.memory_space<vmem>>, vector<16xf32>,
      tpu.vector_store %arg8[%parallel_loop3A_49], %parallel_loop3A_46 {strides = array<i32>} : memref<65536xf32, #tpu.memory_space<vmem>>, vector<16xf32>,
      %parallel_loop3A_51 = arith.constant 256 : i32
      %parallel_loop3A_52 = vector.broadcast %parallel_loop3A_51 : i32 to vector<16xi32>
      %parallel_loop3A_53 = arith.addi %parallel_loop3A_18, %parallel_loop3A_52 : vector<16xi32>
      %parallel_loop3A_54 = tpu.vector_load_idx %arg6[%parallel_loop3A_53] : memref<4096xf32, #tpu.memory_space<vmem>>[vector<16xi32>], vector<16xf32>,
      %parallel_loop3A_55 = arith.constant 4096 : i32
      %parallel_loop3A_56 = arith.addi %parallel_loop3A_55, %parallel_loop3A_16 : i32
      %parallel_loop3A_57 = arith.index_cast %parallel_loop3A_56 : i32 to index
      %parallel_loop3A_58 = tpu.vector_load %arg8[%parallel_loop3A_57] {strides = array<i32>} : memref<65536xf32, #tpu.memory_space<vmem>>, vector<16xf32>,
      tpu.vector_store %arg8[%parallel_loop3A_57], %parallel_loop3A_54 {strides = array<i32>} : memref<65536xf32, #tpu.memory_space<vmem>>, vector<16xf32>,
      %parallel_loop3A_59 = arith.constant 320 : i32
      %parallel_loop3A_60 = vector.broadcast %parallel_loop3A_59 : i32 to vector<16xi32>
      %parallel_loop3A_61 = arith.addi %parallel_loop3A_18, %parallel_loop3A_60 : vector<16xi32>
      %parallel_loop3A_62 = tpu.vector_load_idx %arg6[%parallel_loop3A_61] : memref<4096xf32, #tpu.memory_space<vmem>>[vector<16xi32>], vector<16xf32>,
      %parallel_loop3A_63 = arith.constant 5120 : i32
      %parallel_loop3A_64 = arith.addi %parallel_loop3A_63, %parallel_loop3A_16 : i32
      %parallel_loop3A_65 = arith.index_cast %parallel_loop3A_64 : i32 to index
      %parallel_loop3A_66 = tpu.vector_load %arg8[%parallel_loop3A_65] {strides = array<i32>} : memref<65536xf32, #tpu.memory_space<vmem>>, vector<16xf32>,
      tpu.vector_store %arg8[%parallel_loop3A_65], %parallel_loop3A_62 {strides = array<i32>} : memref<65536xf32, #tpu.memory_space<vmem>>, vector<16xf32>,
      %parallel_loop3A_67 = arith.constant 384 : i32
      %parallel_loop3A_68 = vector.broadcast %parallel_loop3A_67 : i32 to vector<16xi32>
      %parallel_loop3A_69 = arith.addi %parallel_loop3A_18, %parallel_loop3A_68 : vector<16xi32>
      %parallel_loop3A_70 = tpu.vector_load_idx %arg6[%parallel_loop3A_69] : memref<4096xf32, #tpu.memory_space<vmem>>[vector<16xi32>], vector<16xf32>,
      %parallel_loop3A_71 = arith.constant 6144 : i32
      %parallel_loop3A_72 = arith.addi %parallel_loop3A_71, %parallel_loop3A_16 : i32
      %parallel_loop3A_73 = arith.index_cast %parallel_loop3A_72 : i32 to index
      %parallel_loop3A_74 = tpu.vector_load %arg8[%parallel_loop3A_73] {strides = array<i32>} : memref<65536xf32, #tpu.memory_space<vmem>>, vector<16xf32>,
      tpu.vector_store %arg8[%parallel_loop3A_73], %parallel_loop3A_70 {strides = array<i32>} : memref<65536xf32, #tpu.memory_space<vmem>>, vector<16xf32>,
      %parallel_loop3A_75 = arith.constant 448 : i32
      %parallel_loop3A_76 = vector.broadcast %parallel_loop3A_75 : i32 to vector<16xi32>
      %parallel_loop3A_77 = arith.addi %parallel_loop3A_18, %parallel_loop3A_76 : vector<16xi32>
      %parallel_loop3A_78 = tpu.vector_load_idx %arg6[%parallel_loop3A_77] : memref<4096xf32, #tpu.memory_space<vmem>>[vector<16xi32>], vector<16xf32>,
      %parallel_loop3A_79 = arith.constant 7168 : i32
      %parallel_loop3A_80 = arith.addi %parallel_loop3A_79, %parallel_loop3A_16 : i32
      %parallel_loop3A_81 = arith.index_cast %parallel_loop3A_80 : i32 to index
      %parallel_loop3A_82 = tpu.vector_load %arg8[%parallel_loop3A_81] {strides = array<i32>} : memref<65536xf32, #tpu.memory_space<vmem>>, vector<16xf32>,
      tpu.vector_store %arg8[%parallel_loop3A_81], %parallel_loop3A_78 {strides = array<i32>} : memref<65536xf32, #tpu.memory_space<vmem>>, vector<16xf32>,
      %parallel_loop3A_83 = arith.constant 512 : i32
      %parallel_loop3A_84 = vector.broadcast %parallel_loop3A_83 : i32 to vector<16xi32>
      %parallel_loop3A_85 = arith.addi %parallel_loop3A_18, %parallel_loop3A_84 : vector<16xi32>
      %parallel_loop3A_86 = tpu.vector_load_idx %arg6[%parallel_loop3A_85] : memref<4096xf32, #tpu.memory_space<vmem>>[vector<16xi32>], vector<16xf32>,
      %parallel_loop3A_87 = arith.constant 8192 : i32
      %parallel_loop3A_88 = arith.addi %parallel_loop3A_87, %parallel_loop3A_16 : i32
      %parallel_loop3A_89 = arith.index_cast %parallel_loop3A_88 : i32 to index
      %parallel_loop3A_90 = tpu.vector_load %arg8[%parallel_loop3A_89] {strides = array<i32>} : memref<65536xf32, #tpu.memory_space<vmem>>, vector<16xf32>,
      tpu.vector_store %arg8[%parallel_loop3A_89], %parallel_loop3A_86 {strides = array<i32>} : memref<65536xf32, #tpu.memory_space<vmem>>, vector<16xf32>,
      %parallel_loop3A_91 = arith.constant 576 : i32
      %parallel_loop3A_92 = vector.broadcast %parallel_loop3A_91 : i32 to vector<16xi32>
      %parallel_loop3A_93 = arith.addi %parallel_loop3A_18, %parallel_loop3A_92 : vector<16xi32>
      %parallel_loop3A_94 = tpu.vector_load_idx %arg6[%parallel_loop3A_93] : memref<4096xf32, #tpu.memory_space<vmem>>[vector<16xi32>], vector<16xf32>,
      %parallel_loop3A_95 = arith.constant 9216 : i32
      %parallel_loop3A_96 = arith.addi %parallel_loop3A_95, %parallel_loop3A_16 : i32
      %parallel_loop3A_97 = arith.index_cast %parallel_loop3A_96 : i32 to index
      %parallel_loop3A_98 = tpu.vector_load %arg8[%parallel_loop3A_97] {strides = array<i32>} : memref<65536xf32, #tpu.memory_space<vmem>>, vector<16xf32>,
      tpu.vector_store %arg8[%parallel_loop3A_97], %parallel_loop3A_94 {strides = array<i32>} : memref<65536xf32, #tpu.memory_space<vmem>>, vector<16xf32>,
      %parallel_loop3A_99 = arith.constant 640 : i32
      %parallel_loop3A_100 = vector.broadcast %parallel_loop3A_99 : i32 to vector<16xi32>
      %parallel_loop3A_101 = arith.addi %parallel_loop3A_18, %parallel_loop3A_100 : vector<16xi32>
      %parallel_loop3A_102 = tpu.vector_load_idx %arg6[%parallel_loop3A_101] : memref<4096xf32, #tpu.memory_space<vmem>>[vector<16xi32>], vector<16xf32>,
      %parallel_loop3A_103 = arith.constant 10240 : i32
      %parallel_loop3A_104 = arith.addi %parallel_loop3A_103, %parallel_loop3A_16 : i32
      %parallel_loop3A_105 = arith.index_cast %parallel_loop3A_104 : i32 to index
      %parallel_loop3A_106 = tpu.vector_load %arg8[%parallel_loop3A_105] {strides = array<i32>} : memref<65536xf32, #tpu.memory_space<vmem>>, vector<16xf32>,
      tpu.vector_store %arg8[%parallel_loop3A_105], %parallel_loop3A_102 {strides = array<i32>} : memref<65536xf32, #tpu.memory_space<vmem>>, vector<16xf32>,
      %parallel_loop3A_107 = arith.constant 704 : i32
      %parallel_loop3A_108 = vector.broadcast %parallel_loop3A_107 : i32 to vector<16xi32>
      %parallel_loop3A_109 = arith.addi %parallel_loop3A_18, %parallel_loop3A_108 : vector<16xi32>
      %parallel_loop3A_110 = tpu.vector_load_idx %arg6[%parallel_loop3A_109] : memref<4096xf32, #tpu.memory_space<vmem>>[vector<16xi32>], vector<16xf32>,
      %parallel_loop3A_111 = arith.constant 11264 : i32
      %parallel_loop3A_112 = arith.addi %parallel_loop3A_111, %parallel_loop3A_16 : i32
      %parallel_loop3A_113 = arith.index_cast %parallel_loop3A_112 : i32 to index
      %parallel_loop3A_114 = tpu.vector_load %arg8[%parallel_loop3A_113] {strides = array<i32>} : memref<65536xf32, #tpu.memory_space<vmem>>, vector<16xf32>,
      tpu.vector_store %arg8[%parallel_loop3A_113], %parallel_loop3A_110 {strides = array<i32>} : memref<65536xf32, #tpu.memory_space<vmem>>, vector<16xf32>,
      %parallel_loop3A_115 = arith.constant 768 : i32
      %parallel_loop3A_116 = vector.broadcast %parallel_loop3A_115 : i32 to vector<16xi32>
      %parallel_loop3A_117 = arith.addi %parallel_loop3A_18, %parallel_loop3A_116 : vector<16xi32>
      %parallel_loop3A_118 = tpu.vector_load_idx %arg6[%parallel_loop3A_117] : memref<4096xf32, #tpu.memory_space<vmem>>[vector<16xi32>], vector<16xf32>,
      %parallel_loop3A_119 = arith.constant 12288 : i32
      %parallel_loop3A_120 = arith.addi %parallel_loop3A_119, %parallel_loop3A_16 : i32
      %parallel_loop3A_121 = arith.index_cast %parallel_loop3A_120 : i32 to index
      %parallel_loop3A_122 = tpu.vector_load %arg8[%parallel_loop3A_121] {strides = array<i32>} : memref<65536xf32, #tpu.memory_space<vmem>>, vector<16xf32>,
      tpu.vector_store %arg8[%parallel_loop3A_121], %parallel_loop3A_118 {strides = array<i32>} : memref<65536xf32, #tpu.memory_space<vmem>>, vector<16xf32>,
      %parallel_loop3A_123 = arith.constant 832 : i32
      %parallel_loop3A_124 = vector.broadcast %parallel_loop3A_123 : i32 to vector<16xi32>
      %parallel_loop3A_125 = arith.addi %parallel_loop3A_18, %parallel_loop3A_124 : vector<16xi32>
      %parallel_loop3A_126 = tpu.vector_load_idx %arg6[%parallel_loop3A_125] : memref<4096xf32, #tpu.memory_space<vmem>>[vector<16xi32>], vector<16xf32>,
      %parallel_loop3A_127 = arith.constant 13312 : i32
      %parallel_loop3A_128 = arith.addi %parallel_loop3A_127, %parallel_loop3A_16 : i32
      %parallel_loop3A_129 = arith.index_cast %parallel_loop3A_128 : i32 to index
      %parallel_loop3A_130 = tpu.vector_load %arg8[%parallel_loop3A_129] {strides = array<i32>} : memref<65536xf32, #tpu.memory_space<vmem>>, vector<16xf32>,
      tpu.vector_store %arg8[%parallel_loop3A_129], %parallel_loop3A_126 {strides = array<i32>} : memref<65536xf32, #tpu.memory_space<vmem>>, vector<16xf32>,
      %parallel_loop3A_131 = arith.constant 896 : i32
      %parallel_loop3A_132 = vector.broadcast %parallel_loop3A_131 : i32 to vector<16xi32>
      %parallel_loop3A_133 = arith.addi %parallel_loop3A_18, %parallel_loop3A_132 : vector<16xi32>
      %parallel_loop3A_134 = tpu.vector_load_idx %arg6[%parallel_loop3A_133] : memref<4096xf32, #tpu.memory_space<vmem>>[vector<16xi32>], vector<16xf32>,
      %parallel_loop3A_135 = arith.constant 14336 : i32
      %parallel_loop3A_136 = arith.addi %parallel_loop3A_135, %parallel_loop3A_16 : i32
      %parallel_loop3A_137 = arith.index_cast %parallel_loop3A_136 : i32 to index
      %parallel_loop3A_138 = tpu.vector_load %arg8[%parallel_loop3A_137] {strides = array<i32>} : memref<65536xf32, #tpu.memory_space<vmem>>, vector<16xf32>,
      tpu.vector_store %arg8[%parallel_loop3A_137], %parallel_loop3A_134 {strides = array<i32>} : memref<65536xf32, #tpu.memory_space<vmem>>, vector<16xf32>,
      %parallel_loop3A_139 = arith.constant 960 : i32
      %parallel_loop3A_140 = vector.broadcast %parallel_loop3A_139 : i32 to vector<16xi32>
      %parallel_loop3A_141 = arith.addi %parallel_loop3A_18, %parallel_loop3A_140 : vector<16xi32>
      %parallel_loop3A_142 = tpu.vector_load_idx %arg6[%parallel_loop3A_141] : memref<4096xf32, #tpu.memory_space<vmem>>[vector<16xi32>], vector<16xf32>,
      %parallel_loop3A_143 = arith.constant 15360 : i32
      %parallel_loop3A_144 = arith.addi %parallel_loop3A_143, %parallel_loop3A_16 : i32
      %parallel_loop3A_145 = arith.index_cast %parallel_loop3A_144 : i32 to index
      %parallel_loop3A_146 = tpu.vector_load %arg8[%parallel_loop3A_145] {strides = array<i32>} : memref<65536xf32, #tpu.memory_space<vmem>>, vector<16xf32>,
      tpu.vector_store %arg8[%parallel_loop3A_145], %parallel_loop3A_142 {strides = array<i32>} : memref<65536xf32, #tpu.memory_space<vmem>>, vector<16xf32>,
      %parallel_loop3A_147 = arith.constant 1024 : i32
      %parallel_loop3A_148 = vector.broadcast %parallel_loop3A_147 : i32 to vector<16xi32>
      %parallel_loop3A_149 = arith.addi %parallel_loop3A_18, %parallel_loop3A_148 : vector<16xi32>
      %parallel_loop3A_150 = tpu.vector_load_idx %arg6[%parallel_loop3A_149] : memref<4096xf32, #tpu.memory_space<vmem>>[vector<16xi32>], vector<16xf32>,
      %parallel_loop3A_151 = arith.constant 16384 : i32
      %parallel_loop3A_152 = arith.addi %parallel_loop3A_151, %parallel_loop3A_16 : i32
      %parallel_loop3A_153 = arith.index_cast %parallel_loop3A_152 : i32 to index
      %parallel_loop3A_154 = tpu.vector_load %arg8[%parallel_loop3A_153] {strides = array<i32>} : memref<65536xf32, #tpu.memory_space<vmem>>, vector<16xf32>,
      tpu.vector_store %arg8[%parallel_loop3A_153], %parallel_loop3A_150 {strides = array<i32>} : memref<65536xf32, #tpu.memory_space<vmem>>, vector<16xf32>,
      %parallel_loop3A_155 = arith.constant 1088 : i32
      %parallel_loop3A_156 = vector.broadcast %parallel_loop3A_155 : i32 to vector<16xi32>
      %parallel_loop3A_157 = arith.addi %parallel_loop3A_18, %parallel_loop3A_156 : vector<16xi32>
      %parallel_loop3A_158 = tpu.vector_load_idx %arg6[%parallel_loop3A_157] : memref<4096xf32, #tpu.memory_space<vmem>>[vector<16xi32>], vector<16xf32>,
      %parallel_loop3A_159 = arith.constant 17408 : i32
      %parallel_loop3A_160 = arith.addi %parallel_loop3A_159, %parallel_loop3A_16 : i32
      %parallel_loop3A_161 = arith.index_cast %parallel_loop3A_160 : i32 to index
      %parallel_loop3A_162 = tpu.vector_load %arg8[%parallel_loop3A_161] {strides = array<i32>} : memref<65536xf32, #tpu.memory_space<vmem>>, vector<16xf32>,
      tpu.vector_store %arg8[%parallel_loop3A_161], %parallel_loop3A_158 {strides = array<i32>} : memref<65536xf32, #tpu.memory_space<vmem>>, vector<16xf32>,
      %parallel_loop3A_163 = arith.constant 1152 : i32
      %parallel_loop3A_164 = vector.broadcast %parallel_loop3A_163 : i32 to vector<16xi32>
      %parallel_loop3A_165 = arith.addi %parallel_loop3A_18, %parallel_loop3A_164 : vector<16xi32>
      %parallel_loop3A_166 = tpu.vector_load_idx %arg6[%parallel_loop3A_165] : memref<4096xf32, #tpu.memory_space<vmem>>[vector<16xi32>], vector<16xf32>,
      %parallel_loop3A_167 = arith.constant 18432 : i32
      %parallel_loop3A_168 = arith.addi %parallel_loop3A_167, %parallel_loop3A_16 : i32
      %parallel_loop3A_169 = arith.index_cast %parallel_loop3A_168 : i32 to index
      %parallel_loop3A_170 = tpu.vector_load %arg8[%parallel_loop3A_169] {strides = array<i32>} : memref<65536xf32, #tpu.memory_space<vmem>>, vector<16xf32>,
      tpu.vector_store %arg8[%parallel_loop3A_169], %parallel_loop3A_166 {strides = array<i32>} : memref<65536xf32, #tpu.memory_space<vmem>>, vector<16xf32>,
      %parallel_loop3A_171 = arith.constant 1216 : i32
      %parallel_loop3A_172 = vector.broadcast %parallel_loop3A_171 : i32 to vector<16xi32>
      %parallel_loop3A_173 = arith.addi %parallel_loop3A_18, %parallel_loop3A_172 : vector<16xi32>
      %parallel_loop3A_174 = tpu.vector_load_idx %arg6[%parallel_loop3A_173] : memref<4096xf32, #tpu.memory_space<vmem>>[vector<16xi32>], vector<16xf32>,
      %parallel_loop3A_175 = arith.constant 19456 : i32
      %parallel_loop3A_176 = arith.addi %parallel_loop3A_175, %parallel_loop3A_16 : i32
      %parallel_loop3A_177 = arith.index_cast %parallel_loop3A_176 : i32 to index
      %parallel_loop3A_178 = tpu.vector_load %arg8[%parallel_loop3A_177] {strides = array<i32>} : memref<65536xf32, #tpu.memory_space<vmem>>, vector<16xf32>,
      tpu.vector_store %arg8[%parallel_loop3A_177], %parallel_loop3A_174 {strides = array<i32>} : memref<65536xf32, #tpu.memory_space<vmem>>, vector<16xf32>,
      %parallel_loop3A_179 = arith.constant 1280 : i32
      %parallel_loop3A_180 = vector.broadcast %parallel_loop3A_179 : i32 to vector<16xi32>
      %parallel_loop3A_181 = arith.addi %parallel_loop3A_18, %parallel_loop3A_180 : vector<16xi32>
      %parallel_loop3A_182 = tpu.vector_load_idx %arg6[%parallel_loop3A_181] : memref<4096xf32, #tpu.memory_space<vmem>>[vector<16xi32>], vector<16xf32>,
      %parallel_loop3A_183 = arith.constant 20480 : i32
      %parallel_loop3A_184 = arith.addi %parallel_loop3A_183, %parallel_loop3A_16 : i32
      %parallel_loop3A_185 = arith.index_cast %parallel_loop3A_184 : i32 to index
      %parallel_loop3A_186 = tpu.vector_load %arg8[%parallel_loop3A_185] {strides = array<i32>} : memref<65536xf32, #tpu.memory_space<vmem>>, vector<16xf32>,
      tpu.vector_store %arg8[%parallel_loop3A_185], %parallel_loop3A_182 {strides = array<i32>} : memref<65536xf32, #tpu.memory_space<vmem>>, vector<16xf32>,
      %parallel_loop3A_187 = arith.constant 1344 : i32
      %parallel_loop3A_188 = vector.broadcast %parallel_loop3A_187 : i32 to vector<16xi32>
      %parallel_loop3A_189 = arith.addi %parallel_loop3A_18, %parallel_loop3A_188 : vector<16xi32>
      %parallel_loop3A_190 = tpu.vector_load_idx %arg6[%parallel_loop3A_189] : memref<4096xf32, #tpu.memory_space<vmem>>[vector<16xi32>], vector<16xf32>,
      %parallel_loop3A_191 = arith.constant 21504 : i32
      %parallel_loop3A_192 = arith.addi %parallel_loop3A_191, %parallel_loop3A_16 : i32
      %parallel_loop3A_193 = arith.index_cast %parallel_loop3A_192 : i32 to index
      %parallel_loop3A_194 = tpu.vector_load %arg8[%parallel_loop3A_193] {strides = array<i32>} : memref<65536xf32, #tpu.memory_space<vmem>>, vector<16xf32>,
      tpu.vector_store %arg8[%parallel_loop3A_193], %parallel_loop3A_190 {strides = array<i32>} : memref<65536xf32, #tpu.memory_space<vmem>>, vector<16xf32>,
      %parallel_loop3A_195 = arith.constant 1408 : i32
      %parallel_loop3A_196 = vector.broadcast %parallel_loop3A_195 : i32 to vector<16xi32>
      %parallel_loop3A_197 = arith.addi %parallel_loop3A_18, %parallel_loop3A_196 : vector<16xi32>
      %parallel_loop3A_198 = tpu.vector_load_idx %arg6[%parallel_loop3A_197] : memref<4096xf32, #tpu.memory_space<vmem>>[vector<16xi32>], vector<16xf32>,
      %parallel_loop3A_199 = arith.constant 22528 : i32
      %parallel_loop3A_200 = arith.addi %parallel_loop3A_199, %parallel_loop3A_16 : i32
      %parallel_loop3A_201 = arith.index_cast %parallel_loop3A_200 : i32 to index
      %parallel_loop3A_202 = tpu.vector_load %arg8[%parallel_loop3A_201] {strides = array<i32>} : memref<65536xf32, #tpu.memory_space<vmem>>, vector<16xf32>,
      tpu.vector_store %arg8[%parallel_loop3A_201], %parallel_loop3A_198 {strides = array<i32>} : memref<65536xf32, #tpu.memory_space<vmem>>, vector<16xf32>,
      %parallel_loop3A_203 = arith.constant 1472 : i32
      %parallel_loop3A_204 = vector.broadcast %parallel_loop3A_203 : i32 to vector<16xi32>
      %parallel_loop3A_205 = arith.addi %parallel_loop3A_18, %parallel_loop3A_204 : vector<16xi32>
      %parallel_loop3A_206 = tpu.vector_load_idx %arg6[%parallel_loop3A_205] : memref<4096xf32, #tpu.memory_space<vmem>>[vector<16xi32>], vector<16xf32>,
      %parallel_loop3A_207 = arith.constant 23552 : i32
      %parallel_loop3A_208 = arith.addi %parallel_loop3A_207, %parallel_loop3A_16 : i32
      %parallel_loop3A_209 = arith.index_cast %parallel_loop3A_208 : i32 to index
      %parallel_loop3A_210 = tpu.vector_load %arg8[%parallel_loop3A_209] {strides = array<i32>} : memref<65536xf32, #tpu.memory_space<vmem>>, vector<16xf32>,
      tpu.vector_store %arg8[%parallel_loop3A_209], %parallel_loop3A_206 {strides = array<i32>} : memref<65536xf32, #tpu.memory_space<vmem>>, vector<16xf32>,
      %parallel_loop3A_211 = arith.constant 1536 : i32
      %parallel_loop3A_212 = vector.broadcast %parallel_loop3A_211 : i32 to vector<16xi32>
      %parallel_loop3A_213 = arith.addi %parallel_loop3A_18, %parallel_loop3A_212 : vector<16xi32>
      %parallel_loop3A_214 = tpu.vector_load_idx %arg6[%parallel_loop3A_213] : memref<4096xf32, #tpu.memory_space<vmem>>[vector<16xi32>], vector<16xf32>,
      %parallel_loop3A_215 = arith.constant 24576 : i32
      %parallel_loop3A_216 = arith.addi %parallel_loop3A_215, %parallel_loop3A_16 : i32
      %parallel_loop3A_217 = arith.index_cast %parallel_loop3A_216 : i32 to index
      %parallel_loop3A_218 = tpu.vector_load %arg8[%parallel_loop3A_217] {strides = array<i32>} : memref<65536xf32, #tpu.memory_space<vmem>>, vector<16xf32>,
      tpu.vector_store %arg8[%parallel_loop3A_217], %parallel_loop3A_214 {strides = array<i32>} : memref<65536xf32, #tpu.memory_space<vmem>>, vector<16xf32>,
      %parallel_loop3A_219 = arith.constant 1600 : i32
      %parallel_loop3A_220 = vector.broadcast %parallel_loop3A_219 : i32 to vector<16xi32>
      %parallel_loop3A_221 = arith.addi %parallel_loop3A_18, %parallel_loop3A_220 : vector<16xi32>
      %parallel_loop3A_222 = tpu.vector_load_idx %arg6[%parallel_loop3A_221] : memref<4096xf32, #tpu.memory_space<vmem>>[vector<16xi32>], vector<16xf32>,
      %parallel_loop3A_223 = arith.constant 25600 : i32
      %parallel_loop3A_224 = arith.addi %parallel_loop3A_223, %parallel_loop3A_16 : i32
      %parallel_loop3A_225 = arith.index_cast %parallel_loop3A_224 : i32 to index
      %parallel_loop3A_226 = tpu.vector_load %arg8[%parallel_loop3A_225] {strides = array<i32>} : memref<65536xf32, #tpu.memory_space<vmem>>, vector<16xf32>,
      tpu.vector_store %arg8[%parallel_loop3A_225], %parallel_loop3A_222 {strides = array<i32>} : memref<65536xf32, #tpu.memory_space<vmem>>, vector<16xf32>,
      %parallel_loop3A_227 = arith.constant 1664 : i32
      %parallel_loop3A_228 = vector.broadcast %parallel_loop3A_227 : i32 to vector<16xi32>
      %parallel_loop3A_229 = arith.addi %parallel_loop3A_18, %parallel_loop3A_228 : vector<16xi32>
      %parallel_loop3A_230 = tpu.vector_load_idx %arg6[%parallel_loop3A_229] : memref<4096xf32, #tpu.memory_space<vmem>>[vector<16xi32>], vector<16xf32>,
      %parallel_loop3A_231 = arith.constant 26624 : i32
      %parallel_loop3A_232 = arith.addi %parallel_loop3A_231, %parallel_loop3A_16 : i32
      %parallel_loop3A_233 = arith.index_cast %parallel_loop3A_232 : i32 to index
      %parallel_loop3A_234 = tpu.vector_load %arg8[%parallel_loop3A_233] {strides = array<i32>} : memref<65536xf32, #tpu.memory_space<vmem>>, vector<16xf32>,
      tpu.vector_store %arg8[%parallel_loop3A_233], %parallel_loop3A_230 {strides = array<i32>} : memref<65536xf32, #tpu.memory_space<vmem>>, vector<16xf32>,
      %parallel_loop3A_235 = arith.constant 1728 : i32
      %parallel_loop3A_236 = vector.broadcast %parallel_loop3A_235 : i32 to vector<16xi32>
      %parallel_loop3A_237 = arith.addi %parallel_loop3A_18, %parallel_loop3A_236 : vector<16xi32>
      %parallel_loop3A_238 = tpu.vector_load_idx %arg6[%parallel_loop3A_237] : memref<4096xf32, #tpu.memory_space<vmem>>[vector<16xi32>], vector<16xf32>,
      %parallel_loop3A_239 = arith.constant 27648 : i32
      %parallel_loop3A_240 = arith.addi %parallel_loop3A_239, %parallel_loop3A_16 : i32
      %parallel_loop3A_241 = arith.index_cast %parallel_loop3A_240 : i32 to index
      %parallel_loop3A_242 = tpu.vector_load %arg8[%parallel_loop3A_241] {strides = array<i32>} : memref<65536xf32, #tpu.memory_space<vmem>>, vector<16xf32>,
      tpu.vector_store %arg8[%parallel_loop3A_241], %parallel_loop3A_238 {strides = array<i32>} : memref<65536xf32, #tpu.memory_space<vmem>>, vector<16xf32>,
      %parallel_loop3A_243 = arith.constant 1792 : i32
      %parallel_loop3A_244 = vector.broadcast %parallel_loop3A_243 : i32 to vector<16xi32>
      %parallel_loop3A_245 = arith.addi %parallel_loop3A_18, %parallel_loop3A_244 : vector<16xi32>
      %parallel_loop3A_246 = tpu.vector_load_idx %arg6[%parallel_loop3A_245] : memref<4096xf32, #tpu.memory_space<vmem>>[vector<16xi32>], vector<16xf32>,
      %parallel_loop3A_247 = arith.constant 28672 : i32
      %parallel_loop3A_248 = arith.addi %parallel_loop3A_247, %parallel_loop3A_16 : i32
      %parallel_loop3A_249 = arith.index_cast %parallel_loop3A_248 : i32 to index
      %parallel_loop3A_250 = tpu.vector_load %arg8[%parallel_loop3A_249] {strides = array<i32>} : memref<65536xf32, #tpu.memory_space<vmem>>, vector<16xf32>,
      tpu.vector_store %arg8[%parallel_loop3A_249], %parallel_loop3A_246 {strides = array<i32>} : memref<65536xf32, #tpu.memory_space<vmem>>, vector<16xf32>,
      %parallel_loop3A_251 = arith.constant 1856 : i32
      %parallel_loop3A_252 = vector.broadcast %parallel_loop3A_251 : i32 to vector<16xi32>
      %parallel_loop3A_253 = arith.addi %parallel_loop3A_18, %parallel_loop3A_252 : vector<16xi32>
      %parallel_loop3A_254 = tpu.vector_load_idx %arg6[%parallel_loop3A_253] : memref<4096xf32, #tpu.memory_space<vmem>>[vector<16xi32>], vector<16xf32>,
      %parallel_loop3A_255 = arith.constant 29696 : i32
      %parallel_loop3A_256 = arith.addi %parallel_loop3A_255, %parallel_loop3A_16 : i32
      %parallel_loop3A_257 = arith.index_cast %parallel_loop3A_256 : i32 to index
      %parallel_loop3A_258 = tpu.vector_load %arg8[%parallel_loop3A_257] {strides = array<i32>} : memref<65536xf32, #tpu.memory_space<vmem>>, vector<16xf32>,
      tpu.vector_store %arg8[%parallel_loop3A_257], %parallel_loop3A_254 {strides = array<i32>} : memref<65536xf32, #tpu.memory_space<vmem>>, vector<16xf32>,
      %parallel_loop3A_259 = arith.constant 1920 : i32
      %parallel_loop3A_260 = vector.broadcast %parallel_loop3A_259 : i32 to vector<16xi32>
      %parallel_loop3A_261 = arith.addi %parallel_loop3A_18, %parallel_loop3A_260 : vector<16xi32>
      %parallel_loop3A_262 = tpu.vector_load_idx %arg6[%parallel_loop3A_261] : memref<4096xf32, #tpu.memory_space<vmem>>[vector<16xi32>], vector<16xf32>,
      %parallel_loop3A_263 = arith.constant 30720 : i32
      %parallel_loop3A_264 = arith.addi %parallel_loop3A_263, %parallel_loop3A_16 : i32
      %parallel_loop3A_265 = arith.index_cast %parallel_loop3A_264 : i32 to index
      %parallel_loop3A_266 = tpu.vector_load %arg8[%parallel_loop3A_265] {strides = array<i32>} : memref<65536xf32, #tpu.memory_space<vmem>>, vector<16xf32>,
      tpu.vector_store %arg8[%parallel_loop3A_265], %parallel_loop3A_262 {strides = array<i32>} : memref<65536xf32, #tpu.memory_space<vmem>>, vector<16xf32>,
      %parallel_loop3A_267 = arith.constant 1984 : i32
      %parallel_loop3A_268 = vector.broadcast %parallel_loop3A_267 : i32 to vector<16xi32>
      %parallel_loop3A_269 = arith.addi %parallel_loop3A_18, %parallel_loop3A_268 : vector<16xi32>
      %parallel_loop3A_270 = tpu.vector_load_idx %arg6[%parallel_loop3A_269] : memref<4096xf32, #tpu.memory_space<vmem>>[vector<16xi32>], vector<16xf32>,
      %parallel_loop3A_271 = arith.constant 31744 : i32
      %parallel_loop3A_272 = arith.addi %parallel_loop3A_271, %parallel_loop3A_16 : i32
      %parallel_loop3A_273 = arith.index_cast %parallel_loop3A_272 : i32 to index
      %parallel_loop3A_274 = tpu.vector_load %arg8[%parallel_loop3A_273] {strides = array<i32>} : memref<65536xf32, #tpu.memory_space<vmem>>, vector<16xf32>,
      tpu.vector_store %arg8[%parallel_loop3A_273], %parallel_loop3A_270 {strides = array<i32>} : memref<65536xf32, #tpu.memory_space<vmem>>, vector<16xf32>,
      %parallel_loop3A_275 = arith.constant 2048 : i32
      %parallel_loop3A_276 = vector.broadcast %parallel_loop3A_275 : i32 to vector<16xi32>
      %parallel_loop3A_277 = arith.addi %parallel_loop3A_18, %parallel_loop3A_276 : vector<16xi32>
      %parallel_loop3A_278 = tpu.vector_load_idx %arg6[%parallel_loop3A_277] : memref<4096xf32, #tpu.memory_space<vmem>>[vector<16xi32>], vector<16xf32>,
      %parallel_loop3A_279 = arith.constant 32768 : i32
      %parallel_loop3A_280 = arith.addi %parallel_loop3A_279, %parallel_loop3A_16 : i32
      %parallel_loop3A_281 = arith.index_cast %parallel_loop3A_280 : i32 to index
      %parallel_loop3A_282 = tpu.vector_load %arg8[%parallel_loop3A_281] {strides = array<i32>} : memref<65536xf32, #tpu.memory_space<vmem>>, vector<16xf32>,
      tpu.vector_store %arg8[%parallel_loop3A_281], %parallel_loop3A_278 {strides = array<i32>} : memref<65536xf32, #tpu.memory_space<vmem>>, vector<16xf32>,
      %parallel_loop3A_283 = arith.constant 2112 : i32
      %parallel_loop3A_284 = vector.broadcast %parallel_loop3A_283 : i32 to vector<16xi32>
      %parallel_loop3A_285 = arith.addi %parallel_loop3A_18, %parallel_loop3A_284 : vector<16xi32>
      %parallel_loop3A_286 = tpu.vector_load_idx %arg6[%parallel_loop3A_285] : memref<4096xf32, #tpu.memory_space<vmem>>[vector<16xi32>], vector<16xf32>,
      %parallel_loop3A_287 = arith.constant 33792 : i32
      %parallel_loop3A_288 = arith.addi %parallel_loop3A_287, %parallel_loop3A_16 : i32
      %parallel_loop3A_289 = arith.index_cast %parallel_loop3A_288 : i32 to index
      %parallel_loop3A_290 = tpu.vector_load %arg8[%parallel_loop3A_289] {strides = array<i32>} : memref<65536xf32, #tpu.memory_space<vmem>>, vector<16xf32>,
      tpu.vector_store %arg8[%parallel_loop3A_289], %parallel_loop3A_286 {strides = array<i32>} : memref<65536xf32, #tpu.memory_space<vmem>>, vector<16xf32>,
      %parallel_loop3A_291 = arith.constant 2176 : i32
      %parallel_loop3A_292 = vector.broadcast %parallel_loop3A_291 : i32 to vector<16xi32>
      %parallel_loop3A_293 = arith.addi %parallel_loop3A_18, %parallel_loop3A_292 : vector<16xi32>
      %parallel_loop3A_294 = tpu.vector_load_idx %arg6[%parallel_loop3A_293] : memref<4096xf32, #tpu.memory_space<vmem>>[vector<16xi32>], vector<16xf32>,
      %parallel_loop3A_295 = arith.constant 34816 : i32
      %parallel_loop3A_296 = arith.addi %parallel_loop3A_295, %parallel_loop3A_16 : i32
      %parallel_loop3A_297 = arith.index_cast %parallel_loop3A_296 : i32 to index
      %parallel_loop3A_298 = tpu.vector_load %arg8[%parallel_loop3A_297] {strides = array<i32>} : memref<65536xf32, #tpu.memory_space<vmem>>, vector<16xf32>,
      tpu.vector_store %arg8[%parallel_loop3A_297], %parallel_loop3A_294 {strides = array<i32>} : memref<65536xf32, #tpu.memory_space<vmem>>, vector<16xf32>,
      %parallel_loop3A_299 = arith.constant 2240 : i32
      %parallel_loop3A_300 = vector.broadcast %parallel_loop3A_299 : i32 to vector<16xi32>
      %parallel_loop3A_301 = arith.addi %parallel_loop3A_18, %parallel_loop3A_300 : vector<16xi32>
      %parallel_loop3A_302 = tpu.vector_load_idx %arg6[%parallel_loop3A_301] : memref<4096xf32, #tpu.memory_space<vmem>>[vector<16xi32>], vector<16xf32>,
      %parallel_loop3A_303 = arith.constant 35840 : i32
      %parallel_loop3A_304 = arith.addi %parallel_loop3A_303, %parallel_loop3A_16 : i32
      %parallel_loop3A_305 = arith.index_cast %parallel_loop3A_304 : i32 to index
      %parallel_loop3A_306 = tpu.vector_load %arg8[%parallel_loop3A_305] {strides = array<i32>} : memref<65536xf32, #tpu.memory_space<vmem>>, vector<16xf32>,
      tpu.vector_store %arg8[%parallel_loop3A_305], %parallel_loop3A_302 {strides = array<i32>} : memref<65536xf32, #tpu.memory_space<vmem>>, vector<16xf32>,
      %parallel_loop3A_307 = arith.constant 2304 : i32
      %parallel_loop3A_308 = vector.broadcast %parallel_loop3A_307 : i32 to vector<16xi32>
      %parallel_loop3A_309 = arith.addi %parallel_loop3A_18, %parallel_loop3A_308 : vector<16xi32>
      %parallel_loop3A_310 = tpu.vector_load_idx %arg6[%parallel_loop3A_309] : memref<4096xf32, #tpu.memory_space<vmem>>[vector<16xi32>], vector<16xf32>,
      %parallel_loop3A_311 = arith.constant 36864 : i32
      %parallel_loop3A_312 = arith.addi %parallel_loop3A_311, %parallel_loop3A_16 : i32
      %parallel_loop3A_313 = arith.index_cast %parallel_loop3A_312 : i32 to index
      %parallel_loop3A_314 = tpu.vector_load %arg8[%parallel_loop3A_313] {strides = array<i32>} : memref<65536xf32, #tpu.memory_space<vmem>>, vector<16xf32>,
      tpu.vector_store %arg8[%parallel_loop3A_313], %parallel_loop3A_310 {strides = array<i32>} : memref<65536xf32, #tpu.memory_space<vmem>>, vector<16xf32>,
      %parallel_loop3A_315 = arith.constant 2368 : i32
      %parallel_loop3A_316 = vector.broadcast %parallel_loop3A_315 : i32 to vector<16xi32>
      %parallel_loop3A_317 = arith.addi %parallel_loop3A_18, %parallel_loop3A_316 : vector<16xi32>
      %parallel_loop3A_318 = tpu.vector_load_idx %arg6[%parallel_loop3A_317] : memref<4096xf32, #tpu.memory_space<vmem>>[vector<16xi32>], vector<16xf32>,
      %parallel_loop3A_319 = arith.constant 37888 : i32
      %parallel_loop3A_320 = arith.addi %parallel_loop3A_319, %parallel_loop3A_16 : i32
      %parallel_loop3A_321 = arith.index_cast %parallel_loop3A_320 : i32 to index
      %parallel_loop3A_322 = tpu.vector_load %arg8[%parallel_loop3A_321] {strides = array<i32>} : memref<65536xf32, #tpu.memory_space<vmem>>, vector<16xf32>,
      tpu.vector_store %arg8[%parallel_loop3A_321], %parallel_loop3A_318 {strides = array<i32>} : memref<65536xf32, #tpu.memory_space<vmem>>, vector<16xf32>,
      %parallel_loop3A_323 = arith.constant 2432 : i32
      %parallel_loop3A_324 = vector.broadcast %parallel_loop3A_323 : i32 to vector<16xi32>
      %parallel_loop3A_325 = arith.addi %parallel_loop3A_18, %parallel_loop3A_324 : vector<16xi32>
      %parallel_loop3A_326 = tpu.vector_load_idx %arg6[%parallel_loop3A_325] : memref<4096xf32, #tpu.memory_space<vmem>>[vector<16xi32>], vector<16xf32>,
      %parallel_loop3A_327 = arith.constant 38912 : i32
      %parallel_loop3A_328 = arith.addi %parallel_loop3A_327, %parallel_loop3A_16 : i32
      %parallel_loop3A_329 = arith.index_cast %parallel_loop3A_328 : i32 to index
      %parallel_loop3A_330 = tpu.vector_load %arg8[%parallel_loop3A_329] {strides = array<i32>} : memref<65536xf32, #tpu.memory_space<vmem>>, vector<16xf32>,
      tpu.vector_store %arg8[%parallel_loop3A_329], %parallel_loop3A_326 {strides = array<i32>} : memref<65536xf32, #tpu.memory_space<vmem>>, vector<16xf32>,
      %parallel_loop3A_331 = arith.constant 2496 : i32
      %parallel_loop3A_332 = vector.broadcast %parallel_loop3A_331 : i32 to vector<16xi32>
      %parallel_loop3A_333 = arith.addi %parallel_loop3A_18, %parallel_loop3A_332 : vector<16xi32>
      %parallel_loop3A_334 = tpu.vector_load_idx %arg6[%parallel_loop3A_333] : memref<4096xf32, #tpu.memory_space<vmem>>[vector<16xi32>], vector<16xf32>,
      %parallel_loop3A_335 = arith.constant 39936 : i32
      %parallel_loop3A_336 = arith.addi %parallel_loop3A_335, %parallel_loop3A_16 : i32
      %parallel_loop3A_337 = arith.index_cast %parallel_loop3A_336 : i32 to index
      %parallel_loop3A_338 = tpu.vector_load %arg8[%parallel_loop3A_337] {strides = array<i32>} : memref<65536xf32, #tpu.memory_space<vmem>>, vector<16xf32>,
      tpu.vector_store %arg8[%parallel_loop3A_337], %parallel_loop3A_334 {strides = array<i32>} : memref<65536xf32, #tpu.memory_space<vmem>>, vector<16xf32>,
      %parallel_loop3A_339 = arith.constant 2560 : i32
      %parallel_loop3A_340 = vector.broadcast %parallel_loop3A_339 : i32 to vector<16xi32>
      %parallel_loop3A_341 = arith.addi %parallel_loop3A_18, %parallel_loop3A_340 : vector<16xi32>
      %parallel_loop3A_342 = tpu.vector_load_idx %arg6[%parallel_loop3A_341] : memref<4096xf32, #tpu.memory_space<vmem>>[vector<16xi32>], vector<16xf32>,
      %parallel_loop3A_343 = arith.constant 40960 : i32
      %parallel_loop3A_344 = arith.addi %parallel_loop3A_343, %parallel_loop3A_16 : i32
      %parallel_loop3A_345 = arith.index_cast %parallel_loop3A_344 : i32 to index
      %parallel_loop3A_346 = tpu.vector_load %arg8[%parallel_loop3A_345] {strides = array<i32>} : memref<65536xf32, #tpu.memory_space<vmem>>, vector<16xf32>,
      tpu.vector_store %arg8[%parallel_loop3A_345], %parallel_loop3A_342 {strides = array<i32>} : memref<65536xf32, #tpu.memory_space<vmem>>, vector<16xf32>,
      %parallel_loop3A_347 = arith.constant 2624 : i32
      %parallel_loop3A_348 = vector.broadcast %parallel_loop3A_347 : i32 to vector<16xi32>
      %parallel_loop3A_349 = arith.addi %parallel_loop3A_18, %parallel_loop3A_348 : vector<16xi32>
      %parallel_loop3A_350 = tpu.vector_load_idx %arg6[%parallel_loop3A_349] : memref<4096xf32, #tpu.memory_space<vmem>>[vector<16xi32>], vector<16xf32>,
      %parallel_loop3A_351 = arith.constant 41984 : i32
      %parallel_loop3A_352 = arith.addi %parallel_loop3A_351, %parallel_loop3A_16 : i32
      %parallel_loop3A_353 = arith.index_cast %parallel_loop3A_352 : i32 to index
      %parallel_loop3A_354 = tpu.vector_load %arg8[%parallel_loop3A_353] {strides = array<i32>} : memref<65536xf32, #tpu.memory_space<vmem>>, vector<16xf32>,
      tpu.vector_store %arg8[%parallel_loop3A_353], %parallel_loop3A_350 {strides = array<i32>} : memref<65536xf32, #tpu.memory_space<vmem>>, vector<16xf32>,
      %parallel_loop3A_355 = arith.constant 2688 : i32
      %parallel_loop3A_356 = vector.broadcast %parallel_loop3A_355 : i32 to vector<16xi32>
      %parallel_loop3A_357 = arith.addi %parallel_loop3A_18, %parallel_loop3A_356 : vector<16xi32>
      %parallel_loop3A_358 = tpu.vector_load_idx %arg6[%parallel_loop3A_357] : memref<4096xf32, #tpu.memory_space<vmem>>[vector<16xi32>], vector<16xf32>,
      %parallel_loop3A_359 = arith.constant 43008 : i32
      %parallel_loop3A_360 = arith.addi %parallel_loop3A_359, %parallel_loop3A_16 : i32
      %parallel_loop3A_361 = arith.index_cast %parallel_loop3A_360 : i32 to index
      %parallel_loop3A_362 = tpu.vector_load %arg8[%parallel_loop3A_361] {strides = array<i32>} : memref<65536xf32, #tpu.memory_space<vmem>>, vector<16xf32>,
      tpu.vector_store %arg8[%parallel_loop3A_361], %parallel_loop3A_358 {strides = array<i32>} : memref<65536xf32, #tpu.memory_space<vmem>>, vector<16xf32>,
      %parallel_loop3A_363 = arith.constant 2752 : i32
      %parallel_loop3A_364 = vector.broadcast %parallel_loop3A_363 : i32 to vector<16xi32>
      %parallel_loop3A_365 = arith.addi %parallel_loop3A_18, %parallel_loop3A_364 : vector<16xi32>
      %parallel_loop3A_366 = tpu.vector_load_idx %arg6[%parallel_loop3A_365] : memref<4096xf32, #tpu.memory_space<vmem>>[vector<16xi32>], vector<16xf32>,
      %parallel_loop3A_367 = arith.constant 44032 : i32
      %parallel_loop3A_368 = arith.addi %parallel_loop3A_367, %parallel_loop3A_16 : i32
      %parallel_loop3A_369 = arith.index_cast %parallel_loop3A_368 : i32 to index
      %parallel_loop3A_370 = tpu.vector_load %arg8[%parallel_loop3A_369] {strides = array<i32>} : memref<65536xf32, #tpu.memory_space<vmem>>, vector<16xf32>,
      tpu.vector_store %arg8[%parallel_loop3A_369], %parallel_loop3A_366 {strides = array<i32>} : memref<65536xf32, #tpu.memory_space<vmem>>, vector<16xf32>,
      %parallel_loop3A_371 = arith.constant 2816 : i32
      %parallel_loop3A_372 = vector.broadcast %parallel_loop3A_371 : i32 to vector<16xi32>
      %parallel_loop3A_373 = arith.addi %parallel_loop3A_18, %parallel_loop3A_372 : vector<16xi32>
      %parallel_loop3A_374 = tpu.vector_load_idx %arg6[%parallel_loop3A_373] : memref<4096xf32, #tpu.memory_space<vmem>>[vector<16xi32>], vector<16xf32>,
      %parallel_loop3A_375 = arith.constant 45056 : i32
      %parallel_loop3A_376 = arith.addi %parallel_loop3A_375, %parallel_loop3A_16 : i32
      %parallel_loop3A_377 = arith.index_cast %parallel_loop3A_376 : i32 to index
      %parallel_loop3A_378 = tpu.vector_load %arg8[%parallel_loop3A_377] {strides = array<i32>} : memref<65536xf32, #tpu.memory_space<vmem>>, vector<16xf32>,
      tpu.vector_store %arg8[%parallel_loop3A_377], %parallel_loop3A_374 {strides = array<i32>} : memref<65536xf32, #tpu.memory_space<vmem>>, vector<16xf32>,
      %parallel_loop3A_379 = arith.constant 2880 : i32
      %parallel_loop3A_380 = vector.broadcast %parallel_loop3A_379 : i32 to vector<16xi32>
      %parallel_loop3A_381 = arith.addi %parallel_loop3A_18, %parallel_loop3A_380 : vector<16xi32>
      %parallel_loop3A_382 = tpu.vector_load_idx %arg6[%parallel_loop3A_381] : memref<4096xf32, #tpu.memory_space<vmem>>[vector<16xi32>], vector<16xf32>,
      %parallel_loop3A_383 = arith.constant 46080 : i32
      %parallel_loop3A_384 = arith.addi %parallel_loop3A_383, %parallel_loop3A_16 : i32
      %parallel_loop3A_385 = arith.index_cast %parallel_loop3A_384 : i32 to index
      %parallel_loop3A_386 = tpu.vector_load %arg8[%parallel_loop3A_385] {strides = array<i32>} : memref<65536xf32, #tpu.memory_space<vmem>>, vector<16xf32>,
      tpu.vector_store %arg8[%parallel_loop3A_385], %parallel_loop3A_382 {strides = array<i32>} : memref<65536xf32, #tpu.memory_space<vmem>>, vector<16xf32>,
      %parallel_loop3A_387 = arith.constant 2944 : i32
      %parallel_loop3A_388 = vector.broadcast %parallel_loop3A_387 : i32 to vector<16xi32>
      %parallel_loop3A_389 = arith.addi %parallel_loop3A_18, %parallel_loop3A_388 : vector<16xi32>
      %parallel_loop3A_390 = tpu.vector_load_idx %arg6[%parallel_loop3A_389] : memref<4096xf32, #tpu.memory_space<vmem>>[vector<16xi32>], vector<16xf32>,
      %parallel_loop3A_391 = arith.constant 47104 : i32
      %parallel_loop3A_392 = arith.addi %parallel_loop3A_391, %parallel_loop3A_16 : i32
      %parallel_loop3A_393 = arith.index_cast %parallel_loop3A_392 : i32 to index
      %parallel_loop3A_394 = tpu.vector_load %arg8[%parallel_loop3A_393] {strides = array<i32>} : memref<65536xf32, #tpu.memory_space<vmem>>, vector<16xf32>,
      tpu.vector_store %arg8[%parallel_loop3A_393], %parallel_loop3A_390 {strides = array<i32>} : memref<65536xf32, #tpu.memory_space<vmem>>, vector<16xf32>,
      %parallel_loop3A_395 = arith.constant 3008 : i32
      %parallel_loop3A_396 = vector.broadcast %parallel_loop3A_395 : i32 to vector<16xi32>
      %parallel_loop3A_397 = arith.addi %parallel_loop3A_18, %parallel_loop3A_396 : vector<16xi32>
      %parallel_loop3A_398 = tpu.vector_load_idx %arg6[%parallel_loop3A_397] : memref<4096xf32, #tpu.memory_space<vmem>>[vector<16xi32>], vector<16xf32>,
      %parallel_loop3A_399 = arith.constant 48128 : i32
      %parallel_loop3A_400 = arith.addi %parallel_loop3A_399, %parallel_loop3A_16 : i32
      %parallel_loop3A_401 = arith.index_cast %parallel_loop3A_400 : i32 to index
      %parallel_loop3A_402 = tpu.vector_load %arg8[%parallel_loop3A_401] {strides = array<i32>} : memref<65536xf32, #tpu.memory_space<vmem>>, vector<16xf32>,
      tpu.vector_store %arg8[%parallel_loop3A_401], %parallel_loop3A_398 {strides = array<i32>} : memref<65536xf32, #tpu.memory_space<vmem>>, vector<16xf32>,
      %parallel_loop3A_403 = arith.constant 3072 : i32
      %parallel_loop3A_404 = vector.broadcast %parallel_loop3A_403 : i32 to vector<16xi32>
      %parallel_loop3A_405 = arith.addi %parallel_loop3A_18, %parallel_loop3A_404 : vector<16xi32>
      %parallel_loop3A_406 = tpu.vector_load_idx %arg6[%parallel_loop3A_405] : memref<4096xf32, #tpu.memory_space<vmem>>[vector<16xi32>], vector<16xf32>,
      %parallel_loop3A_407 = arith.constant 49152 : i32
      %parallel_loop3A_408 = arith.addi %parallel_loop3A_407, %parallel_loop3A_16 : i32
      %parallel_loop3A_409 = arith.index_cast %parallel_loop3A_408 : i32 to index
      %parallel_loop3A_410 = tpu.vector_load %arg8[%parallel_loop3A_409] {strides = array<i32>} : memref<65536xf32, #tpu.memory_space<vmem>>, vector<16xf32>,
      tpu.vector_store %arg8[%parallel_loop3A_409], %parallel_loop3A_406 {strides = array<i32>} : memref<65536xf32, #tpu.memory_space<vmem>>, vector<16xf32>,
      %parallel_loop3A_411 = arith.constant 3136 : i32
      %parallel_loop3A_412 = vector.broadcast %parallel_loop3A_411 : i32 to vector<16xi32>
      %parallel_loop3A_413 = arith.addi %parallel_loop3A_18, %parallel_loop3A_412 : vector<16xi32>
      %parallel_loop3A_414 = tpu.vector_load_idx %arg6[%parallel_loop3A_413] : memref<4096xf32, #tpu.memory_space<vmem>>[vector<16xi32>], vector<16xf32>,
      %parallel_loop3A_415 = arith.constant 50176 : i32
      %parallel_loop3A_416 = arith.addi %parallel_loop3A_415, %parallel_loop3A_16 : i32
      %parallel_loop3A_417 = arith.index_cast %parallel_loop3A_416 : i32 to index
      %parallel_loop3A_418 = tpu.vector_load %arg8[%parallel_loop3A_417] {strides = array<i32>} : memref<65536xf32, #tpu.memory_space<vmem>>, vector<16xf32>,
      tpu.vector_store %arg8[%parallel_loop3A_417], %parallel_loop3A_414 {strides = array<i32>} : memref<65536xf32, #tpu.memory_space<vmem>>, vector<16xf32>,
      %parallel_loop3A_419 = arith.constant 3200 : i32
      %parallel_loop3A_420 = vector.broadcast %parallel_loop3A_419 : i32 to vector<16xi32>
      %parallel_loop3A_421 = arith.addi %parallel_loop3A_18, %parallel_loop3A_420 : vector<16xi32>
      %parallel_loop3A_422 = tpu.vector_load_idx %arg6[%parallel_loop3A_421] : memref<4096xf32, #tpu.memory_space<vmem>>[vector<16xi32>], vector<16xf32>,
      %parallel_loop3A_423 = arith.constant 51200 : i32
      %parallel_loop3A_424 = arith.addi %parallel_loop3A_423, %parallel_loop3A_16 : i32
      %parallel_loop3A_425 = arith.index_cast %parallel_loop3A_424 : i32 to index
      %parallel_loop3A_426 = tpu.vector_load %arg8[%parallel_loop3A_425] {strides = array<i32>} : memref<65536xf32, #tpu.memory_space<vmem>>, vector<16xf32>,
      tpu.vector_store %arg8[%parallel_loop3A_425], %parallel_loop3A_422 {strides = array<i32>} : memref<65536xf32, #tpu.memory_space<vmem>>, vector<16xf32>,
      %parallel_loop3A_427 = arith.constant 3264 : i32
      %parallel_loop3A_428 = vector.broadcast %parallel_loop3A_427 : i32 to vector<16xi32>
      %parallel_loop3A_429 = arith.addi %parallel_loop3A_18, %parallel_loop3A_428 : vector<16xi32>
      %parallel_loop3A_430 = tpu.vector_load_idx %arg6[%parallel_loop3A_429] : memref<4096xf32, #tpu.memory_space<vmem>>[vector<16xi32>], vector<16xf32>,
      %parallel_loop3A_431 = arith.constant 52224 : i32
      %parallel_loop3A_432 = arith.addi %parallel_loop3A_431, %parallel_loop3A_16 : i32
      %parallel_loop3A_433 = arith.index_cast %parallel_loop3A_432 : i32 to index
      %parallel_loop3A_434 = tpu.vector_load %arg8[%parallel_loop3A_433] {strides = array<i32>} : memref<65536xf32, #tpu.memory_space<vmem>>, vector<16xf32>,
      tpu.vector_store %arg8[%parallel_loop3A_433], %parallel_loop3A_430 {strides = array<i32>} : memref<65536xf32, #tpu.memory_space<vmem>>, vector<16xf32>,
      %parallel_loop3A_435 = arith.constant 3328 : i32
      %parallel_loop3A_436 = vector.broadcast %parallel_loop3A_435 : i32 to vector<16xi32>
      %parallel_loop3A_437 = arith.addi %parallel_loop3A_18, %parallel_loop3A_436 : vector<16xi32>
      %parallel_loop3A_438 = tpu.vector_load_idx %arg6[%parallel_loop3A_437] : memref<4096xf32, #tpu.memory_space<vmem>>[vector<16xi32>], vector<16xf32>,
      %parallel_loop3A_439 = arith.constant 53248 : i32
      %parallel_loop3A_440 = arith.addi %parallel_loop3A_439, %parallel_loop3A_16 : i32
      %parallel_loop3A_441 = arith.index_cast %parallel_loop3A_440 : i32 to index
      %parallel_loop3A_442 = tpu.vector_load %arg8[%parallel_loop3A_441] {strides = array<i32>} : memref<65536xf32, #tpu.memory_space<vmem>>, vector<16xf32>,
      tpu.vector_store %arg8[%parallel_loop3A_441], %parallel_loop3A_438 {strides = array<i32>} : memref<65536xf32, #tpu.memory_space<vmem>>, vector<16xf32>,
      %parallel_loop3A_443 = arith.constant 3392 : i32
      %parallel_loop3A_444 = vector.broadcast %parallel_loop3A_443 : i32 to vector<16xi32>
      %parallel_loop3A_445 = arith.addi %parallel_loop3A_18, %parallel_loop3A_444 : vector<16xi32>
      %parallel_loop3A_446 = tpu.vector_load_idx %arg6[%parallel_loop3A_445] : memref<4096xf32, #tpu.memory_space<vmem>>[vector<16xi32>], vector<16xf32>,
      %parallel_loop3A_447 = arith.constant 54272 : i32
      %parallel_loop3A_448 = arith.addi %parallel_loop3A_447, %parallel_loop3A_16 : i32
      %parallel_loop3A_449 = arith.index_cast %parallel_loop3A_448 : i32 to index
      %parallel_loop3A_450 = tpu.vector_load %arg8[%parallel_loop3A_449] {strides = array<i32>} : memref<65536xf32, #tpu.memory_space<vmem>>, vector<16xf32>,
      tpu.vector_store %arg8[%parallel_loop3A_449], %parallel_loop3A_446 {strides = array<i32>} : memref<65536xf32, #tpu.memory_space<vmem>>, vector<16xf32>,
      %parallel_loop3A_451 = arith.constant 3456 : i32
      %parallel_loop3A_452 = vector.broadcast %parallel_loop3A_451 : i32 to vector<16xi32>
      %parallel_loop3A_453 = arith.addi %parallel_loop3A_18, %parallel_loop3A_452 : vector<16xi32>
      %parallel_loop3A_454 = tpu.vector_load_idx %arg6[%parallel_loop3A_453] : memref<4096xf32, #tpu.memory_space<vmem>>[vector<16xi32>], vector<16xf32>,
      %parallel_loop3A_455 = arith.constant 55296 : i32
      %parallel_loop3A_456 = arith.addi %parallel_loop3A_455, %parallel_loop3A_16 : i32
      %parallel_loop3A_457 = arith.index_cast %parallel_loop3A_456 : i32 to index
      %parallel_loop3A_458 = tpu.vector_load %arg8[%parallel_loop3A_457] {strides = array<i32>} : memref<65536xf32, #tpu.memory_space<vmem>>, vector<16xf32>,
      tpu.vector_store %arg8[%parallel_loop3A_457], %parallel_loop3A_454 {strides = array<i32>} : memref<65536xf32, #tpu.memory_space<vmem>>, vector<16xf32>,
      %parallel_loop3A_459 = arith.constant 3520 : i32
      %parallel_loop3A_460 = vector.broadcast %parallel_loop3A_459 : i32 to vector<16xi32>
      %parallel_loop3A_461 = arith.addi %parallel_loop3A_18, %parallel_loop3A_460 : vector<16xi32>
      %parallel_loop3A_462 = tpu.vector_load_idx %arg6[%parallel_loop3A_461] : memref<4096xf32, #tpu.memory_space<vmem>>[vector<16xi32>], vector<16xf32>,
      %parallel_loop3A_463 = arith.constant 56320 : i32
      %parallel_loop3A_464 = arith.addi %parallel_loop3A_463, %parallel_loop3A_16 : i32
      %parallel_loop3A_465 = arith.index_cast %parallel_loop3A_464 : i32 to index
      %parallel_loop3A_466 = tpu.vector_load %arg8[%parallel_loop3A_465] {strides = array<i32>} : memref<65536xf32, #tpu.memory_space<vmem>>, vector<16xf32>,
      tpu.vector_store %arg8[%parallel_loop3A_465], %parallel_loop3A_462 {strides = array<i32>} : memref<65536xf32, #tpu.memory_space<vmem>>, vector<16xf32>,
      %parallel_loop3A_467 = arith.constant 3584 : i32
      %parallel_loop3A_468 = vector.broadcast %parallel_loop3A_467 : i32 to vector<16xi32>
      %parallel_loop3A_469 = arith.addi %parallel_loop3A_18, %parallel_loop3A_468 : vector<16xi32>
      %parallel_loop3A_470 = tpu.vector_load_idx %arg6[%parallel_loop3A_469] : memref<4096xf32, #tpu.memory_space<vmem>>[vector<16xi32>], vector<16xf32>,
      %parallel_loop3A_471 = arith.constant 57344 : i32
      %parallel_loop3A_472 = arith.addi %parallel_loop3A_471, %parallel_loop3A_16 : i32
      %parallel_loop3A_473 = arith.index_cast %parallel_loop3A_472 : i32 to index
      %parallel_loop3A_474 = tpu.vector_load %arg8[%parallel_loop3A_473] {strides = array<i32>} : memref<65536xf32, #tpu.memory_space<vmem>>, vector<16xf32>,
      tpu.vector_store %arg8[%parallel_loop3A_473], %parallel_loop3A_470 {strides = array<i32>} : memref<65536xf32, #tpu.memory_space<vmem>>, vector<16xf32>,
      %parallel_loop3A_475 = arith.constant 3648 : i32
      %parallel_loop3A_476 = vector.broadcast %parallel_loop3A_475 : i32 to vector<16xi32>
      %parallel_loop3A_477 = arith.addi %parallel_loop3A_18, %parallel_loop3A_476 : vector<16xi32>
      %parallel_loop3A_478 = tpu.vector_load_idx %arg6[%parallel_loop3A_477] : memref<4096xf32, #tpu.memory_space<vmem>>[vector<16xi32>], vector<16xf32>,
      %parallel_loop3A_479 = arith.constant 58368 : i32
      %parallel_loop3A_480 = arith.addi %parallel_loop3A_479, %parallel_loop3A_16 : i32
      %parallel_loop3A_481 = arith.index_cast %parallel_loop3A_480 : i32 to index
      %parallel_loop3A_482 = tpu.vector_load %arg8[%parallel_loop3A_481] {strides = array<i32>} : memref<65536xf32, #tpu.memory_space<vmem>>, vector<16xf32>,
      tpu.vector_store %arg8[%parallel_loop3A_481], %parallel_loop3A_478 {strides = array<i32>} : memref<65536xf32, #tpu.memory_space<vmem>>, vector<16xf32>,
      %parallel_loop3A_483 = arith.constant 3712 : i32
      %parallel_loop3A_484 = vector.broadcast %parallel_loop3A_483 : i32 to vector<16xi32>
      %parallel_loop3A_485 = arith.addi %parallel_loop3A_18, %parallel_loop3A_484 : vector<16xi32>
      %parallel_loop3A_486 = tpu.vector_load_idx %arg6[%parallel_loop3A_485] : memref<4096xf32, #tpu.memory_space<vmem>>[vector<16xi32>], vector<16xf32>,
      %parallel_loop3A_487 = arith.constant 59392 : i32
      %parallel_loop3A_488 = arith.addi %parallel_loop3A_487, %parallel_loop3A_16 : i32
      %parallel_loop3A_489 = arith.index_cast %parallel_loop3A_488 : i32 to index
      %parallel_loop3A_490 = tpu.vector_load %arg8[%parallel_loop3A_489] {strides = array<i32>} : memref<65536xf32, #tpu.memory_space<vmem>>, vector<16xf32>,
      tpu.vector_store %arg8[%parallel_loop3A_489], %parallel_loop3A_486 {strides = array<i32>} : memref<65536xf32, #tpu.memory_space<vmem>>, vector<16xf32>,
      %parallel_loop3A_491 = arith.constant 3776 : i32
      %parallel_loop3A_492 = vector.broadcast %parallel_loop3A_491 : i32 to vector<16xi32>
      %parallel_loop3A_493 = arith.addi %parallel_loop3A_18, %parallel_loop3A_492 : vector<16xi32>
      %parallel_loop3A_494 = tpu.vector_load_idx %arg6[%parallel_loop3A_493] : memref<4096xf32, #tpu.memory_space<vmem>>[vector<16xi32>], vector<16xf32>,
      %parallel_loop3A_495 = arith.constant 60416 : i32
      %parallel_loop3A_496 = arith.addi %parallel_loop3A_495, %parallel_loop3A_16 : i32
      %parallel_loop3A_497 = arith.index_cast %parallel_loop3A_496 : i32 to index
      %parallel_loop3A_498 = tpu.vector_load %arg8[%parallel_loop3A_497] {strides = array<i32>} : memref<65536xf32, #tpu.memory_space<vmem>>, vector<16xf32>,
      tpu.vector_store %arg8[%parallel_loop3A_497], %parallel_loop3A_494 {strides = array<i32>} : memref<65536xf32, #tpu.memory_space<vmem>>, vector<16xf32>,
      %parallel_loop3A_499 = arith.constant 3840 : i32
      %parallel_loop3A_500 = vector.broadcast %parallel_loop3A_499 : i32 to vector<16xi32>
      %parallel_loop3A_501 = arith.addi %parallel_loop3A_18, %parallel_loop3A_500 : vector<16xi32>
      %parallel_loop3A_502 = tpu.vector_load_idx %arg6[%parallel_loop3A_501] : memref<4096xf32, #tpu.memory_space<vmem>>[vector<16xi32>], vector<16xf32>,
      %parallel_loop3A_503 = arith.constant 61440 : i32
      %parallel_loop3A_504 = arith.addi %parallel_loop3A_503, %parallel_loop3A_16 : i32
      %parallel_loop3A_505 = arith.index_cast %parallel_loop3A_504 : i32 to index
      %parallel_loop3A_506 = tpu.vector_load %arg8[%parallel_loop3A_505] {strides = array<i32>} : memref<65536xf32, #tpu.memory_space<vmem>>, vector<16xf32>,
      tpu.vector_store %arg8[%parallel_loop3A_505], %parallel_loop3A_502 {strides = array<i32>} : memref<65536xf32, #tpu.memory_space<vmem>>, vector<16xf32>,
      %parallel_loop3A_507 = arith.constant 3904 : i32
      %parallel_loop3A_508 = vector.broadcast %parallel_loop3A_507 : i32 to vector<16xi32>
      %parallel_loop3A_509 = arith.addi %parallel_loop3A_18, %parallel_loop3A_508 : vector<16xi32>
      %parallel_loop3A_510 = tpu.vector_load_idx %arg6[%parallel_loop3A_509] : memref<4096xf32, #tpu.memory_space<vmem>>[vector<16xi32>], vector<16xf32>,
      %parallel_loop3A_511 = arith.constant 62464 : i32
      %parallel_loop3A_512 = arith.addi %parallel_loop3A_511, %parallel_loop3A_16 : i32
      %parallel_loop3A_513 = arith.index_cast %parallel_loop3A_512 : i32 to index
      %parallel_loop3A_514 = tpu.vector_load %arg8[%parallel_loop3A_513] {strides = array<i32>} : memref<65536xf32, #tpu.memory_space<vmem>>, vector<16xf32>,
      tpu.vector_store %arg8[%parallel_loop3A_513], %parallel_loop3A_510 {strides = array<i32>} : memref<65536xf32, #tpu.memory_space<vmem>>, vector<16xf32>,
      %parallel_loop3A_515 = arith.constant 3968 : i32
      %parallel_loop3A_516 = vector.broadcast %parallel_loop3A_515 : i32 to vector<16xi32>
      %parallel_loop3A_517 = arith.addi %parallel_loop3A_18, %parallel_loop3A_516 : vector<16xi32>
      %parallel_loop3A_518 = tpu.vector_load_idx %arg6[%parallel_loop3A_517] : memref<4096xf32, #tpu.memory_space<vmem>>[vector<16xi32>], vector<16xf32>,
      %parallel_loop3A_519 = arith.constant 63488 : i32
      %parallel_loop3A_520 = arith.addi %parallel_loop3A_519, %parallel_loop3A_16 : i32
      %parallel_loop3A_521 = arith.index_cast %parallel_loop3A_520 : i32 to index
      %parallel_loop3A_522 = tpu.vector_load %arg8[%parallel_loop3A_521] {strides = array<i32>} : memref<65536xf32, #tpu.memory_space<vmem>>, vector<16xf32>,
      tpu.vector_store %arg8[%parallel_loop3A_521], %parallel_loop3A_518 {strides = array<i32>} : memref<65536xf32, #tpu.memory_space<vmem>>, vector<16xf32>,
      %parallel_loop3A_523 = arith.constant 4032 : i32
      %parallel_loop3A_524 = vector.broadcast %parallel_loop3A_523 : i32 to vector<16xi32>
      %parallel_loop3A_525 = arith.addi %parallel_loop3A_18, %parallel_loop3A_524 : vector<16xi32>
      %parallel_loop3A_526 = tpu.vector_load_idx %arg6[%parallel_loop3A_525] : memref<4096xf32, #tpu.memory_space<vmem>>[vector<16xi32>], vector<16xf32>,
      %parallel_loop3A_527 = arith.constant 64512 : i32
      %parallel_loop3A_528 = arith.addi %parallel_loop3A_527, %parallel_loop3A_16 : i32
      %parallel_loop3A_529 = arith.index_cast %parallel_loop3A_528 : i32 to index
      %parallel_loop3A_530 = tpu.vector_load %arg8[%parallel_loop3A_529] {strides = array<i32>} : memref<65536xf32, #tpu.memory_space<vmem>>, vector<16xf32>,
      tpu.vector_store %arg8[%parallel_loop3A_529], %parallel_loop3A_526 {strides = array<i32>} : memref<65536xf32, #tpu.memory_space<vmem>>, vector<16xf32>,
    } {sc.loop_unroll_factor = 4 : i64, sc.parallel_access}
    "tpu.region"() ({
      %run_scoped3A = tpu.sem_alloc : memref<!tpu.dma_semaphore, #tpu.memory_space<semaphore_mem>>
      %dma_start3A = arith.constant 0 : i32
      %dma_start3A_14 = tpu.memref_slice %arg4[%add3A_4, %dma_start3A] : memref<64x65536xf32, #tpu.memory_space<hbm>> -> memref<1x65536xf32, #tpu.memory_space<hbm>>
      %dma_start3A_15 = tpu.memref_squeeze %dma_start3A_14 : memref<1x65536xf32, #tpu.memory_space<hbm>> -> memref<65536xf32, #tpu.memory_space<hbm>>
      %dma_start3A_16 = arith.constant 0 : i32
      %dma_start3A_17 = tpu.memref_slice %arg4[%add3A_4, %dma_start3A_16] : memref<64x65536xf32, #tpu.memory_space<hbm>> -> memref<1x65536xf32, #tpu.memory_space<hbm>>
      %dma_start3A_18 = tpu.memref_squeeze %dma_start3A_17 : memref<1x65536xf32, #tpu.memory_space<hbm>> -> memref<65536xf32, #tpu.memory_space<hbm>>
      tpu.enqueue_dma source(%arg8 : memref<65536xf32, #tpu.memory_space<vmem>>) target(%dma_start3A_18 : memref<65536xf32, #tpu.memory_space<hbm>>) target_semaphore(%run_scoped3A : memref<!tpu.dma_semaphore, #tpu.memory_space<semaphore_mem>>)
      %dma_wait3A = arith.constant 0 : i32
      %dma_wait3A_19 = tpu.memref_slice %arg4[%add3A_4, %dma_wait3A] : memref<64x65536xf32, #tpu.memory_space<hbm>> -> memref<1x65536xf32, #tpu.memory_space<hbm>>
      %dma_wait3A_20 = tpu.memref_squeeze %dma_wait3A_19 : memref<1x65536xf32, #tpu.memory_space<hbm>> -> memref<65536xf32, #tpu.memory_space<hbm>>
      %dma_wait3A_21 = arith.constant 0 : i32
      %dma_wait3A_22 = tpu.memref_slice %arg4[%add3A_4, %dma_wait3A_21] : memref<64x65536xf32, #tpu.memory_space<hbm>> -> memref<1x65536xf32, #tpu.memory_space<hbm>>
      %dma_wait3A_23 = tpu.memref_squeeze %dma_wait3A_22 : memref<1x65536xf32, #tpu.memory_space<hbm>> -> memref<65536xf32, #tpu.memory_space<hbm>>
      tpu.wait_dma2 semaphore(%run_scoped3A : memref<!tpu.dma_semaphore, #tpu.memory_space<semaphore_mem>>) src(%arg8 : memref<65536xf32, #tpu.memory_space<vmem>>) dst(%dma_wait3A_23 : memref<65536xf32, #tpu.memory_space<hbm>>)
      tpu.yield
    }) : () -> ()
    "tpu.region"() ({
      %run_scoped3A = tpu.sem_alloc : memref<!tpu.dma_semaphore, #tpu.memory_space<semaphore_mem>>
      %dma_start3A = arith.constant 0 : i32
      %dma_start3A_14 = tpu.memref_slice %arg5[%add3A_4, %dma_start3A] : memref<64x65536xf32, #tpu.memory_space<hbm>> -> memref<1x65536xf32, #tpu.memory_space<hbm>>
      %dma_start3A_15 = tpu.memref_squeeze %dma_start3A_14 : memref<1x65536xf32, #tpu.memory_space<hbm>> -> memref<65536xf32, #tpu.memory_space<hbm>>
      %dma_start3A_16 = arith.constant 0 : i32
      %dma_start3A_17 = tpu.memref_slice %arg5[%add3A_4, %dma_start3A_16] : memref<64x65536xf32, #tpu.memory_space<hbm>> -> memref<1x65536xf32, #tpu.memory_space<hbm>>
      %dma_start3A_18 = tpu.memref_squeeze %dma_start3A_17 : memref<1x65536xf32, #tpu.memory_space<hbm>> -> memref<65536xf32, #tpu.memory_space<hbm>>
      tpu.enqueue_dma source(%arg8 : memref<65536xf32, #tpu.memory_space<vmem>>) target(%dma_start3A_18 : memref<65536xf32, #tpu.memory_space<hbm>>) target_semaphore(%run_scoped3A : memref<!tpu.dma_semaphore, #tpu.memory_space<semaphore_mem>>)
      %dma_wait3A = arith.constant 0 : i32
      %dma_wait3A_19 = tpu.memref_slice %arg5[%add3A_4, %dma_wait3A] : memref<64x65536xf32, #tpu.memory_space<hbm>> -> memref<1x65536xf32, #tpu.memory_space<hbm>>
      %dma_wait3A_20 = tpu.memref_squeeze %dma_wait3A_19 : memref<1x65536xf32, #tpu.memory_space<hbm>> -> memref<65536xf32, #tpu.memory_space<hbm>>
      %dma_wait3A_21 = arith.constant 0 : i32
      %dma_wait3A_22 = tpu.memref_slice %arg5[%add3A_4, %dma_wait3A_21] : memref<64x65536xf32, #tpu.memory_space<hbm>> -> memref<1x65536xf32, #tpu.memory_space<hbm>>
      %dma_wait3A_23 = tpu.memref_squeeze %dma_wait3A_22 : memref<1x65536xf32, #tpu.memory_space<hbm>> -> memref<65536xf32, #tpu.memory_space<hbm>>
      tpu.wait_dma2 semaphore(%run_scoped3A : memref<!tpu.dma_semaphore, #tpu.memory_space<semaphore_mem>>) src(%arg8 : memref<65536xf32, #tpu.memory_space<vmem>>) dst(%dma_wait3A_23 : memref<65536xf32, #tpu.memory_space<hbm>>)
      tpu.yield
    }) : () -> ()
    %mul3A_7 = arith.constant 2 : i32
    %mul3A_8 = arith.muli %add3A, %mul3A_7 : i32
    %add3A_9 = arith.constant 1 : i32
    %add3A_10 = arith.addi %mul3A_8, %add3A_9 : i32
    "tpu.region"() ({
      %run_scoped3A = tpu.sem_alloc : memref<!tpu.dma_semaphore, #tpu.memory_space<semaphore_mem>>
      %dma_start3A = arith.constant 0 : i32
      %dma_start3A_14 = tpu.memref_slice %arg3[%add3A_10, %dma_start3A] : memref<64x1024xi32, #tpu.memory_space<hbm>> -> memref<1x1024xi32, #tpu.memory_space<hbm>>
      %dma_start3A_15 = tpu.memref_squeeze %dma_start3A_14 : memref<1x1024xi32, #tpu.memory_space<hbm>> -> memref<1024xi32, #tpu.memory_space<hbm>>
      %dma_start3A_16 = arith.constant 0 : i32
      %dma_start3A_17 = tpu.memref_slice %arg3[%add3A_10, %dma_start3A_16] : memref<64x1024xi32, #tpu.memory_space<hbm>> -> memref<1x1024xi32, #tpu.memory_space<hbm>>
      %dma_start3A_18 = tpu.memref_squeeze %dma_start3A_17 : memref<1x1024xi32, #tpu.memory_space<hbm>> -> memref<1024xi32, #tpu.memory_space<hbm>>
      tpu.enqueue_dma source(%dma_start3A_18 : memref<1024xi32, #tpu.memory_space<hbm>>) target(%arg7 : memref<1024xi32, #tpu.memory_space<vmem>>) target_semaphore(%run_scoped3A : memref<!tpu.dma_semaphore, #tpu.memory_space<semaphore_mem>>)
      %dma_wait3A = arith.constant 0 : i32
      %dma_wait3A_19 = tpu.memref_slice %arg3[%add3A_10, %dma_wait3A] : memref<64x1024xi32, #tpu.memory_space<hbm>> -> memref<1x1024xi32, #tpu.memory_space<hbm>>
      %dma_wait3A_20 = tpu.memref_squeeze %dma_wait3A_19 : memref<1x1024xi32, #tpu.memory_space<hbm>> -> memref<1024xi32, #tpu.memory_space<hbm>>
      %dma_wait3A_21 = arith.constant 0 : i32
      %dma_wait3A_22 = tpu.memref_slice %arg3[%add3A_10, %dma_wait3A_21] : memref<64x1024xi32, #tpu.memory_space<hbm>> -> memref<1x1024xi32, #tpu.memory_space<hbm>>
      %dma_wait3A_23 = tpu.memref_squeeze %dma_wait3A_22 : memref<1x1024xi32, #tpu.memory_space<hbm>> -> memref<1024xi32, #tpu.memory_space<hbm>>
      tpu.wait_dma2 semaphore(%run_scoped3A : memref<!tpu.dma_semaphore, #tpu.memory_space<semaphore_mem>>) src(%dma_wait3A_23 : memref<1024xi32, #tpu.memory_space<hbm>>) dst(%arg7 : memref<1024xi32, #tpu.memory_space<vmem>>)
      tpu.yield
    }) : () -> ()
    %parallel_loop3A_11 = arith.constant 0 : i32
    %parallel_loop3A_12 = arith.constant 64 : i32
    %parallel_loop3A_13 = arith.constant 1 : i32
    scf.for %parallel_loop3A_14 = %parallel_loop3A_11 to %parallel_loop3A_12 step %parallel_loop3A_13  : i32 {
      %parallel_loop3A_15 = arith.constant 16 : i32
      %parallel_loop3A_16 = arith.muli %parallel_loop3A_14, %parallel_loop3A_15 : i32
      %parallel_loop3A_17 = arith.index_cast %parallel_loop3A_16 : i32 to index
      %parallel_loop3A_18 = tpu.vector_load %arg7[%parallel_loop3A_17] {strides = array<i32>} : memref<1024xi32, #tpu.memory_space<vmem>>, vector<16xi32>,
      %parallel_loop3A_19 = arith.constant 0 : i32
      %parallel_loop3A_20 = vector.broadcast %parallel_loop3A_19 : i32 to vector<16xi32>
      %parallel_loop3A_21 = arith.addi %parallel_loop3A_18, %parallel_loop3A_20 : vector<16xi32>
      %parallel_loop3A_22 = tpu.vector_load_idx %arg6[%parallel_loop3A_21] : memref<4096xf32, #tpu.memory_space<vmem>>[vector<16xi32>], vector<16xf32>,
      %parallel_loop3A_23 = arith.constant 0 : i32
      %parallel_loop3A_24 = arith.addi %parallel_loop3A_23, %parallel_loop3A_16 : i32
      %parallel_loop3A_25 = arith.index_cast %parallel_loop3A_24 : i32 to index
      %parallel_loop3A_26 = tpu.vector_load %arg8[%parallel_loop3A_25] {strides = array<i32>} : memref<65536xf32, #tpu.memory_space<vmem>>, vector<16xf32>,
      tpu.vector_store %arg8[%parallel_loop3A_25], %parallel_loop3A_22 {strides = array<i32>} : memref<65536xf32, #tpu.memory_space<vmem>>, vector<16xf32>,
      %parallel_loop3A_27 = arith.constant 64 : i32
      %parallel_loop3A_28 = vector.broadcast %parallel_loop3A_27 : i32 to vector<16xi32>
      %parallel_loop3A_29 = arith.addi %parallel_loop3A_18, %parallel_loop3A_28 : vector<16xi32>
      %parallel_loop3A_30 = tpu.vector_load_idx %arg6[%parallel_loop3A_29] : memref<4096xf32, #tpu.memory_space<vmem>>[vector<16xi32>], vector<16xf32>,
      %parallel_loop3A_31 = arith.constant 1024 : i32
      %parallel_loop3A_32 = arith.addi %parallel_loop3A_31, %parallel_loop3A_16 : i32
      %parallel_loop3A_33 = arith.index_cast %parallel_loop3A_32 : i32 to index
      %parallel_loop3A_34 = tpu.vector_load %arg8[%parallel_loop3A_33] {strides = array<i32>} : memref<65536xf32, #tpu.memory_space<vmem>>, vector<16xf32>,
      tpu.vector_store %arg8[%parallel_loop3A_33], %parallel_loop3A_30 {strides = array<i32>} : memref<65536xf32, #tpu.memory_space<vmem>>, vector<16xf32>,
      %parallel_loop3A_35 = arith.constant 128 : i32
      %parallel_loop3A_36 = vector.broadcast %parallel_loop3A_35 : i32 to vector<16xi32>
      %parallel_loop3A_37 = arith.addi %parallel_loop3A_18, %parallel_loop3A_36 : vector<16xi32>
      %parallel_loop3A_38 = tpu.vector_load_idx %arg6[%parallel_loop3A_37] : memref<4096xf32, #tpu.memory_space<vmem>>[vector<16xi32>], vector<16xf32>,
      %parallel_loop3A_39 = arith.constant 2048 : i32
      %parallel_loop3A_40 = arith.addi %parallel_loop3A_39, %parallel_loop3A_16 : i32
      %parallel_loop3A_41 = arith.index_cast %parallel_loop3A_40 : i32 to index
      %parallel_loop3A_42 = tpu.vector_load %arg8[%parallel_loop3A_41] {strides = array<i32>} : memref<65536xf32, #tpu.memory_space<vmem>>, vector<16xf32>,
      tpu.vector_store %arg8[%parallel_loop3A_41], %parallel_loop3A_38 {strides = array<i32>} : memref<65536xf32, #tpu.memory_space<vmem>>, vector<16xf32>,
      %parallel_loop3A_43 = arith.constant 192 : i32
      %parallel_loop3A_44 = vector.broadcast %parallel_loop3A_43 : i32 to vector<16xi32>
      %parallel_loop3A_45 = arith.addi %parallel_loop3A_18, %parallel_loop3A_44 : vector<16xi32>
      %parallel_loop3A_46 = tpu.vector_load_idx %arg6[%parallel_loop3A_45] : memref<4096xf32, #tpu.memory_space<vmem>>[vector<16xi32>], vector<16xf32>,
      %parallel_loop3A_47 = arith.constant 3072 : i32
      %parallel_loop3A_48 = arith.addi %parallel_loop3A_47, %parallel_loop3A_16 : i32
      %parallel_loop3A_49 = arith.index_cast %parallel_loop3A_48 : i32 to index
      %parallel_loop3A_50 = tpu.vector_load %arg8[%parallel_loop3A_49] {strides = array<i32>} : memref<65536xf32, #tpu.memory_space<vmem>>, vector<16xf32>,
      tpu.vector_store %arg8[%parallel_loop3A_49], %parallel_loop3A_46 {strides = array<i32>} : memref<65536xf32, #tpu.memory_space<vmem>>, vector<16xf32>,
      %parallel_loop3A_51 = arith.constant 256 : i32
      %parallel_loop3A_52 = vector.broadcast %parallel_loop3A_51 : i32 to vector<16xi32>
      %parallel_loop3A_53 = arith.addi %parallel_loop3A_18, %parallel_loop3A_52 : vector<16xi32>
      %parallel_loop3A_54 = tpu.vector_load_idx %arg6[%parallel_loop3A_53] : memref<4096xf32, #tpu.memory_space<vmem>>[vector<16xi32>], vector<16xf32>,
      %parallel_loop3A_55 = arith.constant 4096 : i32
      %parallel_loop3A_56 = arith.addi %parallel_loop3A_55, %parallel_loop3A_16 : i32
      %parallel_loop3A_57 = arith.index_cast %parallel_loop3A_56 : i32 to index
      %parallel_loop3A_58 = tpu.vector_load %arg8[%parallel_loop3A_57] {strides = array<i32>} : memref<65536xf32, #tpu.memory_space<vmem>>, vector<16xf32>,
      tpu.vector_store %arg8[%parallel_loop3A_57], %parallel_loop3A_54 {strides = array<i32>} : memref<65536xf32, #tpu.memory_space<vmem>>, vector<16xf32>,
      %parallel_loop3A_59 = arith.constant 320 : i32
      %parallel_loop3A_60 = vector.broadcast %parallel_loop3A_59 : i32 to vector<16xi32>
      %parallel_loop3A_61 = arith.addi %parallel_loop3A_18, %parallel_loop3A_60 : vector<16xi32>
      %parallel_loop3A_62 = tpu.vector_load_idx %arg6[%parallel_loop3A_61] : memref<4096xf32, #tpu.memory_space<vmem>>[vector<16xi32>], vector<16xf32>,
      %parallel_loop3A_63 = arith.constant 5120 : i32
      %parallel_loop3A_64 = arith.addi %parallel_loop3A_63, %parallel_loop3A_16 : i32
      %parallel_loop3A_65 = arith.index_cast %parallel_loop3A_64 : i32 to index
      %parallel_loop3A_66 = tpu.vector_load %arg8[%parallel_loop3A_65] {strides = array<i32>} : memref<65536xf32, #tpu.memory_space<vmem>>, vector<16xf32>,
      tpu.vector_store %arg8[%parallel_loop3A_65], %parallel_loop3A_62 {strides = array<i32>} : memref<65536xf32, #tpu.memory_space<vmem>>, vector<16xf32>,
      %parallel_loop3A_67 = arith.constant 384 : i32
      %parallel_loop3A_68 = vector.broadcast %parallel_loop3A_67 : i32 to vector<16xi32>
      %parallel_loop3A_69 = arith.addi %parallel_loop3A_18, %parallel_loop3A_68 : vector<16xi32>
      %parallel_loop3A_70 = tpu.vector_load_idx %arg6[%parallel_loop3A_69] : memref<4096xf32, #tpu.memory_space<vmem>>[vector<16xi32>], vector<16xf32>,
      %parallel_loop3A_71 = arith.constant 6144 : i32
      %parallel_loop3A_72 = arith.addi %parallel_loop3A_71, %parallel_loop3A_16 : i32
      %parallel_loop3A_73 = arith.index_cast %parallel_loop3A_72 : i32 to index
      %parallel_loop3A_74 = tpu.vector_load %arg8[%parallel_loop3A_73] {strides = array<i32>} : memref<65536xf32, #tpu.memory_space<vmem>>, vector<16xf32>,
      tpu.vector_store %arg8[%parallel_loop3A_73], %parallel_loop3A_70 {strides = array<i32>} : memref<65536xf32, #tpu.memory_space<vmem>>, vector<16xf32>,
      %parallel_loop3A_75 = arith.constant 448 : i32
      %parallel_loop3A_76 = vector.broadcast %parallel_loop3A_75 : i32 to vector<16xi32>
      %parallel_loop3A_77 = arith.addi %parallel_loop3A_18, %parallel_loop3A_76 : vector<16xi32>
      %parallel_loop3A_78 = tpu.vector_load_idx %arg6[%parallel_loop3A_77] : memref<4096xf32, #tpu.memory_space<vmem>>[vector<16xi32>], vector<16xf32>,
      %parallel_loop3A_79 = arith.constant 7168 : i32
      %parallel_loop3A_80 = arith.addi %parallel_loop3A_79, %parallel_loop3A_16 : i32
      %parallel_loop3A_81 = arith.index_cast %parallel_loop3A_80 : i32 to index
      %parallel_loop3A_82 = tpu.vector_load %arg8[%parallel_loop3A_81] {strides = array<i32>} : memref<65536xf32, #tpu.memory_space<vmem>>, vector<16xf32>,
      tpu.vector_store %arg8[%parallel_loop3A_81], %parallel_loop3A_78 {strides = array<i32>} : memref<65536xf32, #tpu.memory_space<vmem>>, vector<16xf32>,
      %parallel_loop3A_83 = arith.constant 512 : i32
      %parallel_loop3A_84 = vector.broadcast %parallel_loop3A_83 : i32 to vector<16xi32>
      %parallel_loop3A_85 = arith.addi %parallel_loop3A_18, %parallel_loop3A_84 : vector<16xi32>
      %parallel_loop3A_86 = tpu.vector_load_idx %arg6[%parallel_loop3A_85] : memref<4096xf32, #tpu.memory_space<vmem>>[vector<16xi32>], vector<16xf32>,
      %parallel_loop3A_87 = arith.constant 8192 : i32
      %parallel_loop3A_88 = arith.addi %parallel_loop3A_87, %parallel_loop3A_16 : i32
      %parallel_loop3A_89 = arith.index_cast %parallel_loop3A_88 : i32 to index
      %parallel_loop3A_90 = tpu.vector_load %arg8[%parallel_loop3A_89] {strides = array<i32>} : memref<65536xf32, #tpu.memory_space<vmem>>, vector<16xf32>,
      tpu.vector_store %arg8[%parallel_loop3A_89], %parallel_loop3A_86 {strides = array<i32>} : memref<65536xf32, #tpu.memory_space<vmem>>, vector<16xf32>,
      %parallel_loop3A_91 = arith.constant 576 : i32
      %parallel_loop3A_92 = vector.broadcast %parallel_loop3A_91 : i32 to vector<16xi32>
      %parallel_loop3A_93 = arith.addi %parallel_loop3A_18, %parallel_loop3A_92 : vector<16xi32>
      %parallel_loop3A_94 = tpu.vector_load_idx %arg6[%parallel_loop3A_93] : memref<4096xf32, #tpu.memory_space<vmem>>[vector<16xi32>], vector<16xf32>,
      %parallel_loop3A_95 = arith.constant 9216 : i32
      %parallel_loop3A_96 = arith.addi %parallel_loop3A_95, %parallel_loop3A_16 : i32
      %parallel_loop3A_97 = arith.index_cast %parallel_loop3A_96 : i32 to index
      %parallel_loop3A_98 = tpu.vector_load %arg8[%parallel_loop3A_97] {strides = array<i32>} : memref<65536xf32, #tpu.memory_space<vmem>>, vector<16xf32>,
      tpu.vector_store %arg8[%parallel_loop3A_97], %parallel_loop3A_94 {strides = array<i32>} : memref<65536xf32, #tpu.memory_space<vmem>>, vector<16xf32>,
      %parallel_loop3A_99 = arith.constant 640 : i32
      %parallel_loop3A_100 = vector.broadcast %parallel_loop3A_99 : i32 to vector<16xi32>
      %parallel_loop3A_101 = arith.addi %parallel_loop3A_18, %parallel_loop3A_100 : vector<16xi32>
      %parallel_loop3A_102 = tpu.vector_load_idx %arg6[%parallel_loop3A_101] : memref<4096xf32, #tpu.memory_space<vmem>>[vector<16xi32>], vector<16xf32>,
      %parallel_loop3A_103 = arith.constant 10240 : i32
      %parallel_loop3A_104 = arith.addi %parallel_loop3A_103, %parallel_loop3A_16 : i32
      %parallel_loop3A_105 = arith.index_cast %parallel_loop3A_104 : i32 to index
      %parallel_loop3A_106 = tpu.vector_load %arg8[%parallel_loop3A_105] {strides = array<i32>} : memref<65536xf32, #tpu.memory_space<vmem>>, vector<16xf32>,
      tpu.vector_store %arg8[%parallel_loop3A_105], %parallel_loop3A_102 {strides = array<i32>} : memref<65536xf32, #tpu.memory_space<vmem>>, vector<16xf32>,
      %parallel_loop3A_107 = arith.constant 704 : i32
      %parallel_loop3A_108 = vector.broadcast %parallel_loop3A_107 : i32 to vector<16xi32>
      %parallel_loop3A_109 = arith.addi %parallel_loop3A_18, %parallel_loop3A_108 : vector<16xi32>
      %parallel_loop3A_110 = tpu.vector_load_idx %arg6[%parallel_loop3A_109] : memref<4096xf32, #tpu.memory_space<vmem>>[vector<16xi32>], vector<16xf32>,
      %parallel_loop3A_111 = arith.constant 11264 : i32
      %parallel_loop3A_112 = arith.addi %parallel_loop3A_111, %parallel_loop3A_16 : i32
      %parallel_loop3A_113 = arith.index_cast %parallel_loop3A_112 : i32 to index
      %parallel_loop3A_114 = tpu.vector_load %arg8[%parallel_loop3A_113] {strides = array<i32>} : memref<65536xf32, #tpu.memory_space<vmem>>, vector<16xf32>,
      tpu.vector_store %arg8[%parallel_loop3A_113], %parallel_loop3A_110 {strides = array<i32>} : memref<65536xf32, #tpu.memory_space<vmem>>, vector<16xf32>,
      %parallel_loop3A_115 = arith.constant 768 : i32
      %parallel_loop3A_116 = vector.broadcast %parallel_loop3A_115 : i32 to vector<16xi32>
      %parallel_loop3A_117 = arith.addi %parallel_loop3A_18, %parallel_loop3A_116 : vector<16xi32>
      %parallel_loop3A_118 = tpu.vector_load_idx %arg6[%parallel_loop3A_117] : memref<4096xf32, #tpu.memory_space<vmem>>[vector<16xi32>], vector<16xf32>,
      %parallel_loop3A_119 = arith.constant 12288 : i32
      %parallel_loop3A_120 = arith.addi %parallel_loop3A_119, %parallel_loop3A_16 : i32
      %parallel_loop3A_121 = arith.index_cast %parallel_loop3A_120 : i32 to index
      %parallel_loop3A_122 = tpu.vector_load %arg8[%parallel_loop3A_121] {strides = array<i32>} : memref<65536xf32, #tpu.memory_space<vmem>>, vector<16xf32>,
      tpu.vector_store %arg8[%parallel_loop3A_121], %parallel_loop3A_118 {strides = array<i32>} : memref<65536xf32, #tpu.memory_space<vmem>>, vector<16xf32>,
      %parallel_loop3A_123 = arith.constant 832 : i32
      %parallel_loop3A_124 = vector.broadcast %parallel_loop3A_123 : i32 to vector<16xi32>
      %parallel_loop3A_125 = arith.addi %parallel_loop3A_18, %parallel_loop3A_124 : vector<16xi32>
      %parallel_loop3A_126 = tpu.vector_load_idx %arg6[%parallel_loop3A_125] : memref<4096xf32, #tpu.memory_space<vmem>>[vector<16xi32>], vector<16xf32>,
      %parallel_loop3A_127 = arith.constant 13312 : i32
      %parallel_loop3A_128 = arith.addi %parallel_loop3A_127, %parallel_loop3A_16 : i32
      %parallel_loop3A_129 = arith.index_cast %parallel_loop3A_128 : i32 to index
      %parallel_loop3A_130 = tpu.vector_load %arg8[%parallel_loop3A_129] {strides = array<i32>} : memref<65536xf32, #tpu.memory_space<vmem>>, vector<16xf32>,
      tpu.vector_store %arg8[%parallel_loop3A_129], %parallel_loop3A_126 {strides = array<i32>} : memref<65536xf32, #tpu.memory_space<vmem>>, vector<16xf32>,
      %parallel_loop3A_131 = arith.constant 896 : i32
      %parallel_loop3A_132 = vector.broadcast %parallel_loop3A_131 : i32 to vector<16xi32>
      %parallel_loop3A_133 = arith.addi %parallel_loop3A_18, %parallel_loop3A_132 : vector<16xi32>
      %parallel_loop3A_134 = tpu.vector_load_idx %arg6[%parallel_loop3A_133] : memref<4096xf32, #tpu.memory_space<vmem>>[vector<16xi32>], vector<16xf32>,
      %parallel_loop3A_135 = arith.constant 14336 : i32
      %parallel_loop3A_136 = arith.addi %parallel_loop3A_135, %parallel_loop3A_16 : i32
      %parallel_loop3A_137 = arith.index_cast %parallel_loop3A_136 : i32 to index
      %parallel_loop3A_138 = tpu.vector_load %arg8[%parallel_loop3A_137] {strides = array<i32>} : memref<65536xf32, #tpu.memory_space<vmem>>, vector<16xf32>,
      tpu.vector_store %arg8[%parallel_loop3A_137], %parallel_loop3A_134 {strides = array<i32>} : memref<65536xf32, #tpu.memory_space<vmem>>, vector<16xf32>,
      %parallel_loop3A_139 = arith.constant 960 : i32
      %parallel_loop3A_140 = vector.broadcast %parallel_loop3A_139 : i32 to vector<16xi32>
      %parallel_loop3A_141 = arith.addi %parallel_loop3A_18, %parallel_loop3A_140 : vector<16xi32>
      %parallel_loop3A_142 = tpu.vector_load_idx %arg6[%parallel_loop3A_141] : memref<4096xf32, #tpu.memory_space<vmem>>[vector<16xi32>], vector<16xf32>,
      %parallel_loop3A_143 = arith.constant 15360 : i32
      %parallel_loop3A_144 = arith.addi %parallel_loop3A_143, %parallel_loop3A_16 : i32
      %parallel_loop3A_145 = arith.index_cast %parallel_loop3A_144 : i32 to index
      %parallel_loop3A_146 = tpu.vector_load %arg8[%parallel_loop3A_145] {strides = array<i32>} : memref<65536xf32, #tpu.memory_space<vmem>>, vector<16xf32>,
      tpu.vector_store %arg8[%parallel_loop3A_145], %parallel_loop3A_142 {strides = array<i32>} : memref<65536xf32, #tpu.memory_space<vmem>>, vector<16xf32>,
      %parallel_loop3A_147 = arith.constant 1024 : i32
      %parallel_loop3A_148 = vector.broadcast %parallel_loop3A_147 : i32 to vector<16xi32>
      %parallel_loop3A_149 = arith.addi %parallel_loop3A_18, %parallel_loop3A_148 : vector<16xi32>
      %parallel_loop3A_150 = tpu.vector_load_idx %arg6[%parallel_loop3A_149] : memref<4096xf32, #tpu.memory_space<vmem>>[vector<16xi32>], vector<16xf32>,
      %parallel_loop3A_151 = arith.constant 16384 : i32
      %parallel_loop3A_152 = arith.addi %parallel_loop3A_151, %parallel_loop3A_16 : i32
      %parallel_loop3A_153 = arith.index_cast %parallel_loop3A_152 : i32 to index
      %parallel_loop3A_154 = tpu.vector_load %arg8[%parallel_loop3A_153] {strides = array<i32>} : memref<65536xf32, #tpu.memory_space<vmem>>, vector<16xf32>,
      tpu.vector_store %arg8[%parallel_loop3A_153], %parallel_loop3A_150 {strides = array<i32>} : memref<65536xf32, #tpu.memory_space<vmem>>, vector<16xf32>,
      %parallel_loop3A_155 = arith.constant 1088 : i32
      %parallel_loop3A_156 = vector.broadcast %parallel_loop3A_155 : i32 to vector<16xi32>
      %parallel_loop3A_157 = arith.addi %parallel_loop3A_18, %parallel_loop3A_156 : vector<16xi32>
      %parallel_loop3A_158 = tpu.vector_load_idx %arg6[%parallel_loop3A_157] : memref<4096xf32, #tpu.memory_space<vmem>>[vector<16xi32>], vector<16xf32>,
      %parallel_loop3A_159 = arith.constant 17408 : i32
      %parallel_loop3A_160 = arith.addi %parallel_loop3A_159, %parallel_loop3A_16 : i32
      %parallel_loop3A_161 = arith.index_cast %parallel_loop3A_160 : i32 to index
      %parallel_loop3A_162 = tpu.vector_load %arg8[%parallel_loop3A_161] {strides = array<i32>} : memref<65536xf32, #tpu.memory_space<vmem>>, vector<16xf32>,
      tpu.vector_store %arg8[%parallel_loop3A_161], %parallel_loop3A_158 {strides = array<i32>} : memref<65536xf32, #tpu.memory_space<vmem>>, vector<16xf32>,
      %parallel_loop3A_163 = arith.constant 1152 : i32
      %parallel_loop3A_164 = vector.broadcast %parallel_loop3A_163 : i32 to vector<16xi32>
      %parallel_loop3A_165 = arith.addi %parallel_loop3A_18, %parallel_loop3A_164 : vector<16xi32>
      %parallel_loop3A_166 = tpu.vector_load_idx %arg6[%parallel_loop3A_165] : memref<4096xf32, #tpu.memory_space<vmem>>[vector<16xi32>], vector<16xf32>,
      %parallel_loop3A_167 = arith.constant 18432 : i32
      %parallel_loop3A_168 = arith.addi %parallel_loop3A_167, %parallel_loop3A_16 : i32
      %parallel_loop3A_169 = arith.index_cast %parallel_loop3A_168 : i32 to index
      %parallel_loop3A_170 = tpu.vector_load %arg8[%parallel_loop3A_169] {strides = array<i32>} : memref<65536xf32, #tpu.memory_space<vmem>>, vector<16xf32>,
      tpu.vector_store %arg8[%parallel_loop3A_169], %parallel_loop3A_166 {strides = array<i32>} : memref<65536xf32, #tpu.memory_space<vmem>>, vector<16xf32>,
      %parallel_loop3A_171 = arith.constant 1216 : i32
      %parallel_loop3A_172 = vector.broadcast %parallel_loop3A_171 : i32 to vector<16xi32>
      %parallel_loop3A_173 = arith.addi %parallel_loop3A_18, %parallel_loop3A_172 : vector<16xi32>
      %parallel_loop3A_174 = tpu.vector_load_idx %arg6[%parallel_loop3A_173] : memref<4096xf32, #tpu.memory_space<vmem>>[vector<16xi32>], vector<16xf32>,
      %parallel_loop3A_175 = arith.constant 19456 : i32
      %parallel_loop3A_176 = arith.addi %parallel_loop3A_175, %parallel_loop3A_16 : i32
      %parallel_loop3A_177 = arith.index_cast %parallel_loop3A_176 : i32 to index
      %parallel_loop3A_178 = tpu.vector_load %arg8[%parallel_loop3A_177] {strides = array<i32>} : memref<65536xf32, #tpu.memory_space<vmem>>, vector<16xf32>,
      tpu.vector_store %arg8[%parallel_loop3A_177], %parallel_loop3A_174 {strides = array<i32>} : memref<65536xf32, #tpu.memory_space<vmem>>, vector<16xf32>,
      %parallel_loop3A_179 = arith.constant 1280 : i32
      %parallel_loop3A_180 = vector.broadcast %parallel_loop3A_179 : i32 to vector<16xi32>
      %parallel_loop3A_181 = arith.addi %parallel_loop3A_18, %parallel_loop3A_180 : vector<16xi32>
      %parallel_loop3A_182 = tpu.vector_load_idx %arg6[%parallel_loop3A_181] : memref<4096xf32, #tpu.memory_space<vmem>>[vector<16xi32>], vector<16xf32>,
      %parallel_loop3A_183 = arith.constant 20480 : i32
      %parallel_loop3A_184 = arith.addi %parallel_loop3A_183, %parallel_loop3A_16 : i32
      %parallel_loop3A_185 = arith.index_cast %parallel_loop3A_184 : i32 to index
      %parallel_loop3A_186 = tpu.vector_load %arg8[%parallel_loop3A_185] {strides = array<i32>} : memref<65536xf32, #tpu.memory_space<vmem>>, vector<16xf32>,
      tpu.vector_store %arg8[%parallel_loop3A_185], %parallel_loop3A_182 {strides = array<i32>} : memref<65536xf32, #tpu.memory_space<vmem>>, vector<16xf32>,
      %parallel_loop3A_187 = arith.constant 1344 : i32
      %parallel_loop3A_188 = vector.broadcast %parallel_loop3A_187 : i32 to vector<16xi32>
      %parallel_loop3A_189 = arith.addi %parallel_loop3A_18, %parallel_loop3A_188 : vector<16xi32>
      %parallel_loop3A_190 = tpu.vector_load_idx %arg6[%parallel_loop3A_189] : memref<4096xf32, #tpu.memory_space<vmem>>[vector<16xi32>], vector<16xf32>,
      %parallel_loop3A_191 = arith.constant 21504 : i32
      %parallel_loop3A_192 = arith.addi %parallel_loop3A_191, %parallel_loop3A_16 : i32
      %parallel_loop3A_193 = arith.index_cast %parallel_loop3A_192 : i32 to index
      %parallel_loop3A_194 = tpu.vector_load %arg8[%parallel_loop3A_193] {strides = array<i32>} : memref<65536xf32, #tpu.memory_space<vmem>>, vector<16xf32>,
      tpu.vector_store %arg8[%parallel_loop3A_193], %parallel_loop3A_190 {strides = array<i32>} : memref<65536xf32, #tpu.memory_space<vmem>>, vector<16xf32>,
      %parallel_loop3A_195 = arith.constant 1408 : i32
      %parallel_loop3A_196 = vector.broadcast %parallel_loop3A_195 : i32 to vector<16xi32>
      %parallel_loop3A_197 = arith.addi %parallel_loop3A_18, %parallel_loop3A_196 : vector<16xi32>
      %parallel_loop3A_198 = tpu.vector_load_idx %arg6[%parallel_loop3A_197] : memref<4096xf32, #tpu.memory_space<vmem>>[vector<16xi32>], vector<16xf32>,
      %parallel_loop3A_199 = arith.constant 22528 : i32
      %parallel_loop3A_200 = arith.addi %parallel_loop3A_199, %parallel_loop3A_16 : i32
      %parallel_loop3A_201 = arith.index_cast %parallel_loop3A_200 : i32 to index
      %parallel_loop3A_202 = tpu.vector_load %arg8[%parallel_loop3A_201] {strides = array<i32>} : memref<65536xf32, #tpu.memory_space<vmem>>, vector<16xf32>,
      tpu.vector_store %arg8[%parallel_loop3A_201], %parallel_loop3A_198 {strides = array<i32>} : memref<65536xf32, #tpu.memory_space<vmem>>, vector<16xf32>,
      %parallel_loop3A_203 = arith.constant 1472 : i32
      %parallel_loop3A_204 = vector.broadcast %parallel_loop3A_203 : i32 to vector<16xi32>
      %parallel_loop3A_205 = arith.addi %parallel_loop3A_18, %parallel_loop3A_204 : vector<16xi32>
      %parallel_loop3A_206 = tpu.vector_load_idx %arg6[%parallel_loop3A_205] : memref<4096xf32, #tpu.memory_space<vmem>>[vector<16xi32>], vector<16xf32>,
      %parallel_loop3A_207 = arith.constant 23552 : i32
      %parallel_loop3A_208 = arith.addi %parallel_loop3A_207, %parallel_loop3A_16 : i32
      %parallel_loop3A_209 = arith.index_cast %parallel_loop3A_208 : i32 to index
      %parallel_loop3A_210 = tpu.vector_load %arg8[%parallel_loop3A_209] {strides = array<i32>} : memref<65536xf32, #tpu.memory_space<vmem>>, vector<16xf32>,
      tpu.vector_store %arg8[%parallel_loop3A_209], %parallel_loop3A_206 {strides = array<i32>} : memref<65536xf32, #tpu.memory_space<vmem>>, vector<16xf32>,
      %parallel_loop3A_211 = arith.constant 1536 : i32
      %parallel_loop3A_212 = vector.broadcast %parallel_loop3A_211 : i32 to vector<16xi32>
      %parallel_loop3A_213 = arith.addi %parallel_loop3A_18, %parallel_loop3A_212 : vector<16xi32>
      %parallel_loop3A_214 = tpu.vector_load_idx %arg6[%parallel_loop3A_213] : memref<4096xf32, #tpu.memory_space<vmem>>[vector<16xi32>], vector<16xf32>,
      %parallel_loop3A_215 = arith.constant 24576 : i32
      %parallel_loop3A_216 = arith.addi %parallel_loop3A_215, %parallel_loop3A_16 : i32
      %parallel_loop3A_217 = arith.index_cast %parallel_loop3A_216 : i32 to index
      %parallel_loop3A_218 = tpu.vector_load %arg8[%parallel_loop3A_217] {strides = array<i32>} : memref<65536xf32, #tpu.memory_space<vmem>>, vector<16xf32>,
      tpu.vector_store %arg8[%parallel_loop3A_217], %parallel_loop3A_214 {strides = array<i32>} : memref<65536xf32, #tpu.memory_space<vmem>>, vector<16xf32>,
      %parallel_loop3A_219 = arith.constant 1600 : i32
      %parallel_loop3A_220 = vector.broadcast %parallel_loop3A_219 : i32 to vector<16xi32>
      %parallel_loop3A_221 = arith.addi %parallel_loop3A_18, %parallel_loop3A_220 : vector<16xi32>
      %parallel_loop3A_222 = tpu.vector_load_idx %arg6[%parallel_loop3A_221] : memref<4096xf32, #tpu.memory_space<vmem>>[vector<16xi32>], vector<16xf32>,
      %parallel_loop3A_223 = arith.constant 25600 : i32
      %parallel_loop3A_224 = arith.addi %parallel_loop3A_223, %parallel_loop3A_16 : i32
      %parallel_loop3A_225 = arith.index_cast %parallel_loop3A_224 : i32 to index
      %parallel_loop3A_226 = tpu.vector_load %arg8[%parallel_loop3A_225] {strides = array<i32>} : memref<65536xf32, #tpu.memory_space<vmem>>, vector<16xf32>,
      tpu.vector_store %arg8[%parallel_loop3A_225], %parallel_loop3A_222 {strides = array<i32>} : memref<65536xf32, #tpu.memory_space<vmem>>, vector<16xf32>,
      %parallel_loop3A_227 = arith.constant 1664 : i32
      %parallel_loop3A_228 = vector.broadcast %parallel_loop3A_227 : i32 to vector<16xi32>
      %parallel_loop3A_229 = arith.addi %parallel_loop3A_18, %parallel_loop3A_228 : vector<16xi32>
      %parallel_loop3A_230 = tpu.vector_load_idx %arg6[%parallel_loop3A_229] : memref<4096xf32, #tpu.memory_space<vmem>>[vector<16xi32>], vector<16xf32>,
      %parallel_loop3A_231 = arith.constant 26624 : i32
      %parallel_loop3A_232 = arith.addi %parallel_loop3A_231, %parallel_loop3A_16 : i32
      %parallel_loop3A_233 = arith.index_cast %parallel_loop3A_232 : i32 to index
      %parallel_loop3A_234 = tpu.vector_load %arg8[%parallel_loop3A_233] {strides = array<i32>} : memref<65536xf32, #tpu.memory_space<vmem>>, vector<16xf32>,
      tpu.vector_store %arg8[%parallel_loop3A_233], %parallel_loop3A_230 {strides = array<i32>} : memref<65536xf32, #tpu.memory_space<vmem>>, vector<16xf32>,
      %parallel_loop3A_235 = arith.constant 1728 : i32
      %parallel_loop3A_236 = vector.broadcast %parallel_loop3A_235 : i32 to vector<16xi32>
      %parallel_loop3A_237 = arith.addi %parallel_loop3A_18, %parallel_loop3A_236 : vector<16xi32>
      %parallel_loop3A_238 = tpu.vector_load_idx %arg6[%parallel_loop3A_237] : memref<4096xf32, #tpu.memory_space<vmem>>[vector<16xi32>], vector<16xf32>,
      %parallel_loop3A_239 = arith.constant 27648 : i32
      %parallel_loop3A_240 = arith.addi %parallel_loop3A_239, %parallel_loop3A_16 : i32
      %parallel_loop3A_241 = arith.index_cast %parallel_loop3A_240 : i32 to index
      %parallel_loop3A_242 = tpu.vector_load %arg8[%parallel_loop3A_241] {strides = array<i32>} : memref<65536xf32, #tpu.memory_space<vmem>>, vector<16xf32>,
      tpu.vector_store %arg8[%parallel_loop3A_241], %parallel_loop3A_238 {strides = array<i32>} : memref<65536xf32, #tpu.memory_space<vmem>>, vector<16xf32>,
      %parallel_loop3A_243 = arith.constant 1792 : i32
      %parallel_loop3A_244 = vector.broadcast %parallel_loop3A_243 : i32 to vector<16xi32>
      %parallel_loop3A_245 = arith.addi %parallel_loop3A_18, %parallel_loop3A_244 : vector<16xi32>
      %parallel_loop3A_246 = tpu.vector_load_idx %arg6[%parallel_loop3A_245] : memref<4096xf32, #tpu.memory_space<vmem>>[vector<16xi32>], vector<16xf32>,
      %parallel_loop3A_247 = arith.constant 28672 : i32
      %parallel_loop3A_248 = arith.addi %parallel_loop3A_247, %parallel_loop3A_16 : i32
      %parallel_loop3A_249 = arith.index_cast %parallel_loop3A_248 : i32 to index
      %parallel_loop3A_250 = tpu.vector_load %arg8[%parallel_loop3A_249] {strides = array<i32>} : memref<65536xf32, #tpu.memory_space<vmem>>, vector<16xf32>,
      tpu.vector_store %arg8[%parallel_loop3A_249], %parallel_loop3A_246 {strides = array<i32>} : memref<65536xf32, #tpu.memory_space<vmem>>, vector<16xf32>,
      %parallel_loop3A_251 = arith.constant 1856 : i32
      %parallel_loop3A_252 = vector.broadcast %parallel_loop3A_251 : i32 to vector<16xi32>
      %parallel_loop3A_253 = arith.addi %parallel_loop3A_18, %parallel_loop3A_252 : vector<16xi32>
      %parallel_loop3A_254 = tpu.vector_load_idx %arg6[%parallel_loop3A_253] : memref<4096xf32, #tpu.memory_space<vmem>>[vector<16xi32>], vector<16xf32>,
      %parallel_loop3A_255 = arith.constant 29696 : i32
      %parallel_loop3A_256 = arith.addi %parallel_loop3A_255, %parallel_loop3A_16 : i32
      %parallel_loop3A_257 = arith.index_cast %parallel_loop3A_256 : i32 to index
      %parallel_loop3A_258 = tpu.vector_load %arg8[%parallel_loop3A_257] {strides = array<i32>} : memref<65536xf32, #tpu.memory_space<vmem>>, vector<16xf32>,
      tpu.vector_store %arg8[%parallel_loop3A_257], %parallel_loop3A_254 {strides = array<i32>} : memref<65536xf32, #tpu.memory_space<vmem>>, vector<16xf32>,
      %parallel_loop3A_259 = arith.constant 1920 : i32
      %parallel_loop3A_260 = vector.broadcast %parallel_loop3A_259 : i32 to vector<16xi32>
      %parallel_loop3A_261 = arith.addi %parallel_loop3A_18, %parallel_loop3A_260 : vector<16xi32>
      %parallel_loop3A_262 = tpu.vector_load_idx %arg6[%parallel_loop3A_261] : memref<4096xf32, #tpu.memory_space<vmem>>[vector<16xi32>], vector<16xf32>,
      %parallel_loop3A_263 = arith.constant 30720 : i32
      %parallel_loop3A_264 = arith.addi %parallel_loop3A_263, %parallel_loop3A_16 : i32
      %parallel_loop3A_265 = arith.index_cast %parallel_loop3A_264 : i32 to index
      %parallel_loop3A_266 = tpu.vector_load %arg8[%parallel_loop3A_265] {strides = array<i32>} : memref<65536xf32, #tpu.memory_space<vmem>>, vector<16xf32>,
      tpu.vector_store %arg8[%parallel_loop3A_265], %parallel_loop3A_262 {strides = array<i32>} : memref<65536xf32, #tpu.memory_space<vmem>>, vector<16xf32>,
      %parallel_loop3A_267 = arith.constant 1984 : i32
      %parallel_loop3A_268 = vector.broadcast %parallel_loop3A_267 : i32 to vector<16xi32>
      %parallel_loop3A_269 = arith.addi %parallel_loop3A_18, %parallel_loop3A_268 : vector<16xi32>
      %parallel_loop3A_270 = tpu.vector_load_idx %arg6[%parallel_loop3A_269] : memref<4096xf32, #tpu.memory_space<vmem>>[vector<16xi32>], vector<16xf32>,
      %parallel_loop3A_271 = arith.constant 31744 : i32
      %parallel_loop3A_272 = arith.addi %parallel_loop3A_271, %parallel_loop3A_16 : i32
      %parallel_loop3A_273 = arith.index_cast %parallel_loop3A_272 : i32 to index
      %parallel_loop3A_274 = tpu.vector_load %arg8[%parallel_loop3A_273] {strides = array<i32>} : memref<65536xf32, #tpu.memory_space<vmem>>, vector<16xf32>,
      tpu.vector_store %arg8[%parallel_loop3A_273], %parallel_loop3A_270 {strides = array<i32>} : memref<65536xf32, #tpu.memory_space<vmem>>, vector<16xf32>,
      %parallel_loop3A_275 = arith.constant 2048 : i32
      %parallel_loop3A_276 = vector.broadcast %parallel_loop3A_275 : i32 to vector<16xi32>
      %parallel_loop3A_277 = arith.addi %parallel_loop3A_18, %parallel_loop3A_276 : vector<16xi32>
      %parallel_loop3A_278 = tpu.vector_load_idx %arg6[%parallel_loop3A_277] : memref<4096xf32, #tpu.memory_space<vmem>>[vector<16xi32>], vector<16xf32>,
      %parallel_loop3A_279 = arith.constant 32768 : i32
      %parallel_loop3A_280 = arith.addi %parallel_loop3A_279, %parallel_loop3A_16 : i32
      %parallel_loop3A_281 = arith.index_cast %parallel_loop3A_280 : i32 to index
      %parallel_loop3A_282 = tpu.vector_load %arg8[%parallel_loop3A_281] {strides = array<i32>} : memref<65536xf32, #tpu.memory_space<vmem>>, vector<16xf32>,
      tpu.vector_store %arg8[%parallel_loop3A_281], %parallel_loop3A_278 {strides = array<i32>} : memref<65536xf32, #tpu.memory_space<vmem>>, vector<16xf32>,
      %parallel_loop3A_283 = arith.constant 2112 : i32
      %parallel_loop3A_284 = vector.broadcast %parallel_loop3A_283 : i32 to vector<16xi32>
      %parallel_loop3A_285 = arith.addi %parallel_loop3A_18, %parallel_loop3A_284 : vector<16xi32>
      %parallel_loop3A_286 = tpu.vector_load_idx %arg6[%parallel_loop3A_285] : memref<4096xf32, #tpu.memory_space<vmem>>[vector<16xi32>], vector<16xf32>,
      %parallel_loop3A_287 = arith.constant 33792 : i32
      %parallel_loop3A_288 = arith.addi %parallel_loop3A_287, %parallel_loop3A_16 : i32
      %parallel_loop3A_289 = arith.index_cast %parallel_loop3A_288 : i32 to index
      %parallel_loop3A_290 = tpu.vector_load %arg8[%parallel_loop3A_289] {strides = array<i32>} : memref<65536xf32, #tpu.memory_space<vmem>>, vector<16xf32>,
      tpu.vector_store %arg8[%parallel_loop3A_289], %parallel_loop3A_286 {strides = array<i32>} : memref<65536xf32, #tpu.memory_space<vmem>>, vector<16xf32>,
      %parallel_loop3A_291 = arith.constant 2176 : i32
      %parallel_loop3A_292 = vector.broadcast %parallel_loop3A_291 : i32 to vector<16xi32>
      %parallel_loop3A_293 = arith.addi %parallel_loop3A_18, %parallel_loop3A_292 : vector<16xi32>
      %parallel_loop3A_294 = tpu.vector_load_idx %arg6[%parallel_loop3A_293] : memref<4096xf32, #tpu.memory_space<vmem>>[vector<16xi32>], vector<16xf32>,
      %parallel_loop3A_295 = arith.constant 34816 : i32
      %parallel_loop3A_296 = arith.addi %parallel_loop3A_295, %parallel_loop3A_16 : i32
      %parallel_loop3A_297 = arith.index_cast %parallel_loop3A_296 : i32 to index
      %parallel_loop3A_298 = tpu.vector_load %arg8[%parallel_loop3A_297] {strides = array<i32>} : memref<65536xf32, #tpu.memory_space<vmem>>, vector<16xf32>,
      tpu.vector_store %arg8[%parallel_loop3A_297], %parallel_loop3A_294 {strides = array<i32>} : memref<65536xf32, #tpu.memory_space<vmem>>, vector<16xf32>,
      %parallel_loop3A_299 = arith.constant 2240 : i32
      %parallel_loop3A_300 = vector.broadcast %parallel_loop3A_299 : i32 to vector<16xi32>
      %parallel_loop3A_301 = arith.addi %parallel_loop3A_18, %parallel_loop3A_300 : vector<16xi32>
      %parallel_loop3A_302 = tpu.vector_load_idx %arg6[%parallel_loop3A_301] : memref<4096xf32, #tpu.memory_space<vmem>>[vector<16xi32>], vector<16xf32>,
      %parallel_loop3A_303 = arith.constant 35840 : i32
      %parallel_loop3A_304 = arith.addi %parallel_loop3A_303, %parallel_loop3A_16 : i32
      %parallel_loop3A_305 = arith.index_cast %parallel_loop3A_304 : i32 to index
      %parallel_loop3A_306 = tpu.vector_load %arg8[%parallel_loop3A_305] {strides = array<i32>} : memref<65536xf32, #tpu.memory_space<vmem>>, vector<16xf32>,
      tpu.vector_store %arg8[%parallel_loop3A_305], %parallel_loop3A_302 {strides = array<i32>} : memref<65536xf32, #tpu.memory_space<vmem>>, vector<16xf32>,
      %parallel_loop3A_307 = arith.constant 2304 : i32
      %parallel_loop3A_308 = vector.broadcast %parallel_loop3A_307 : i32 to vector<16xi32>
      %parallel_loop3A_309 = arith.addi %parallel_loop3A_18, %parallel_loop3A_308 : vector<16xi32>
      %parallel_loop3A_310 = tpu.vector_load_idx %arg6[%parallel_loop3A_309] : memref<4096xf32, #tpu.memory_space<vmem>>[vector<16xi32>], vector<16xf32>,
      %parallel_loop3A_311 = arith.constant 36864 : i32
      %parallel_loop3A_312 = arith.addi %parallel_loop3A_311, %parallel_loop3A_16 : i32
      %parallel_loop3A_313 = arith.index_cast %parallel_loop3A_312 : i32 to index
      %parallel_loop3A_314 = tpu.vector_load %arg8[%parallel_loop3A_313] {strides = array<i32>} : memref<65536xf32, #tpu.memory_space<vmem>>, vector<16xf32>,
      tpu.vector_store %arg8[%parallel_loop3A_313], %parallel_loop3A_310 {strides = array<i32>} : memref<65536xf32, #tpu.memory_space<vmem>>, vector<16xf32>,
      %parallel_loop3A_315 = arith.constant 2368 : i32
      %parallel_loop3A_316 = vector.broadcast %parallel_loop3A_315 : i32 to vector<16xi32>
      %parallel_loop3A_317 = arith.addi %parallel_loop3A_18, %parallel_loop3A_316 : vector<16xi32>
      %parallel_loop3A_318 = tpu.vector_load_idx %arg6[%parallel_loop3A_317] : memref<4096xf32, #tpu.memory_space<vmem>>[vector<16xi32>], vector<16xf32>,
      %parallel_loop3A_319 = arith.constant 37888 : i32
      %parallel_loop3A_320 = arith.addi %parallel_loop3A_319, %parallel_loop3A_16 : i32
      %parallel_loop3A_321 = arith.index_cast %parallel_loop3A_320 : i32 to index
      %parallel_loop3A_322 = tpu.vector_load %arg8[%parallel_loop3A_321] {strides = array<i32>} : memref<65536xf32, #tpu.memory_space<vmem>>, vector<16xf32>,
      tpu.vector_store %arg8[%parallel_loop3A_321], %parallel_loop3A_318 {strides = array<i32>} : memref<65536xf32, #tpu.memory_space<vmem>>, vector<16xf32>,
      %parallel_loop3A_323 = arith.constant 2432 : i32
      %parallel_loop3A_324 = vector.broadcast %parallel_loop3A_323 : i32 to vector<16xi32>
      %parallel_loop3A_325 = arith.addi %parallel_loop3A_18, %parallel_loop3A_324 : vector<16xi32>
      %parallel_loop3A_326 = tpu.vector_load_idx %arg6[%parallel_loop3A_325] : memref<4096xf32, #tpu.memory_space<vmem>>[vector<16xi32>], vector<16xf32>,
      %parallel_loop3A_327 = arith.constant 38912 : i32
      %parallel_loop3A_328 = arith.addi %parallel_loop3A_327, %parallel_loop3A_16 : i32
      %parallel_loop3A_329 = arith.index_cast %parallel_loop3A_328 : i32 to index
      %parallel_loop3A_330 = tpu.vector_load %arg8[%parallel_loop3A_329] {strides = array<i32>} : memref<65536xf32, #tpu.memory_space<vmem>>, vector<16xf32>,
      tpu.vector_store %arg8[%parallel_loop3A_329], %parallel_loop3A_326 {strides = array<i32>} : memref<65536xf32, #tpu.memory_space<vmem>>, vector<16xf32>,
      %parallel_loop3A_331 = arith.constant 2496 : i32
      %parallel_loop3A_332 = vector.broadcast %parallel_loop3A_331 : i32 to vector<16xi32>
      %parallel_loop3A_333 = arith.addi %parallel_loop3A_18, %parallel_loop3A_332 : vector<16xi32>
      %parallel_loop3A_334 = tpu.vector_load_idx %arg6[%parallel_loop3A_333] : memref<4096xf32, #tpu.memory_space<vmem>>[vector<16xi32>], vector<16xf32>,
      %parallel_loop3A_335 = arith.constant 39936 : i32
      %parallel_loop3A_336 = arith.addi %parallel_loop3A_335, %parallel_loop3A_16 : i32
      %parallel_loop3A_337 = arith.index_cast %parallel_loop3A_336 : i32 to index
      %parallel_loop3A_338 = tpu.vector_load %arg8[%parallel_loop3A_337] {strides = array<i32>} : memref<65536xf32, #tpu.memory_space<vmem>>, vector<16xf32>,
      tpu.vector_store %arg8[%parallel_loop3A_337], %parallel_loop3A_334 {strides = array<i32>} : memref<65536xf32, #tpu.memory_space<vmem>>, vector<16xf32>,
      %parallel_loop3A_339 = arith.constant 2560 : i32
      %parallel_loop3A_340 = vector.broadcast %parallel_loop3A_339 : i32 to vector<16xi32>
      %parallel_loop3A_341 = arith.addi %parallel_loop3A_18, %parallel_loop3A_340 : vector<16xi32>
      %parallel_loop3A_342 = tpu.vector_load_idx %arg6[%parallel_loop3A_341] : memref<4096xf32, #tpu.memory_space<vmem>>[vector<16xi32>], vector<16xf32>,
      %parallel_loop3A_343 = arith.constant 40960 : i32
      %parallel_loop3A_344 = arith.addi %parallel_loop3A_343, %parallel_loop3A_16 : i32
      %parallel_loop3A_345 = arith.index_cast %parallel_loop3A_344 : i32 to index
      %parallel_loop3A_346 = tpu.vector_load %arg8[%parallel_loop3A_345] {strides = array<i32>} : memref<65536xf32, #tpu.memory_space<vmem>>, vector<16xf32>,
      tpu.vector_store %arg8[%parallel_loop3A_345], %parallel_loop3A_342 {strides = array<i32>} : memref<65536xf32, #tpu.memory_space<vmem>>, vector<16xf32>,
      %parallel_loop3A_347 = arith.constant 2624 : i32
      %parallel_loop3A_348 = vector.broadcast %parallel_loop3A_347 : i32 to vector<16xi32>
      %parallel_loop3A_349 = arith.addi %parallel_loop3A_18, %parallel_loop3A_348 : vector<16xi32>
      %parallel_loop3A_350 = tpu.vector_load_idx %arg6[%parallel_loop3A_349] : memref<4096xf32, #tpu.memory_space<vmem>>[vector<16xi32>], vector<16xf32>,
      %parallel_loop3A_351 = arith.constant 41984 : i32
      %parallel_loop3A_352 = arith.addi %parallel_loop3A_351, %parallel_loop3A_16 : i32
      %parallel_loop3A_353 = arith.index_cast %parallel_loop3A_352 : i32 to index
      %parallel_loop3A_354 = tpu.vector_load %arg8[%parallel_loop3A_353] {strides = array<i32>} : memref<65536xf32, #tpu.memory_space<vmem>>, vector<16xf32>,
      tpu.vector_store %arg8[%parallel_loop3A_353], %parallel_loop3A_350 {strides = array<i32>} : memref<65536xf32, #tpu.memory_space<vmem>>, vector<16xf32>,
      %parallel_loop3A_355 = arith.constant 2688 : i32
      %parallel_loop3A_356 = vector.broadcast %parallel_loop3A_355 : i32 to vector<16xi32>
      %parallel_loop3A_357 = arith.addi %parallel_loop3A_18, %parallel_loop3A_356 : vector<16xi32>
      %parallel_loop3A_358 = tpu.vector_load_idx %arg6[%parallel_loop3A_357] : memref<4096xf32, #tpu.memory_space<vmem>>[vector<16xi32>], vector<16xf32>,
      %parallel_loop3A_359 = arith.constant 43008 : i32
      %parallel_loop3A_360 = arith.addi %parallel_loop3A_359, %parallel_loop3A_16 : i32
      %parallel_loop3A_361 = arith.index_cast %parallel_loop3A_360 : i32 to index
      %parallel_loop3A_362 = tpu.vector_load %arg8[%parallel_loop3A_361] {strides = array<i32>} : memref<65536xf32, #tpu.memory_space<vmem>>, vector<16xf32>,
      tpu.vector_store %arg8[%parallel_loop3A_361], %parallel_loop3A_358 {strides = array<i32>} : memref<65536xf32, #tpu.memory_space<vmem>>, vector<16xf32>,
      %parallel_loop3A_363 = arith.constant 2752 : i32
      %parallel_loop3A_364 = vector.broadcast %parallel_loop3A_363 : i32 to vector<16xi32>
      %parallel_loop3A_365 = arith.addi %parallel_loop3A_18, %parallel_loop3A_364 : vector<16xi32>
      %parallel_loop3A_366 = tpu.vector_load_idx %arg6[%parallel_loop3A_365] : memref<4096xf32, #tpu.memory_space<vmem>>[vector<16xi32>], vector<16xf32>,
      %parallel_loop3A_367 = arith.constant 44032 : i32
      %parallel_loop3A_368 = arith.addi %parallel_loop3A_367, %parallel_loop3A_16 : i32
      %parallel_loop3A_369 = arith.index_cast %parallel_loop3A_368 : i32 to index
      %parallel_loop3A_370 = tpu.vector_load %arg8[%parallel_loop3A_369] {strides = array<i32>} : memref<65536xf32, #tpu.memory_space<vmem>>, vector<16xf32>,
      tpu.vector_store %arg8[%parallel_loop3A_369], %parallel_loop3A_366 {strides = array<i32>} : memref<65536xf32, #tpu.memory_space<vmem>>, vector<16xf32>,
      %parallel_loop3A_371 = arith.constant 2816 : i32
      %parallel_loop3A_372 = vector.broadcast %parallel_loop3A_371 : i32 to vector<16xi32>
      %parallel_loop3A_373 = arith.addi %parallel_loop3A_18, %parallel_loop3A_372 : vector<16xi32>
      %parallel_loop3A_374 = tpu.vector_load_idx %arg6[%parallel_loop3A_373] : memref<4096xf32, #tpu.memory_space<vmem>>[vector<16xi32>], vector<16xf32>,
      %parallel_loop3A_375 = arith.constant 45056 : i32
      %parallel_loop3A_376 = arith.addi %parallel_loop3A_375, %parallel_loop3A_16 : i32
      %parallel_loop3A_377 = arith.index_cast %parallel_loop3A_376 : i32 to index
      %parallel_loop3A_378 = tpu.vector_load %arg8[%parallel_loop3A_377] {strides = array<i32>} : memref<65536xf32, #tpu.memory_space<vmem>>, vector<16xf32>,
      tpu.vector_store %arg8[%parallel_loop3A_377], %parallel_loop3A_374 {strides = array<i32>} : memref<65536xf32, #tpu.memory_space<vmem>>, vector<16xf32>,
      %parallel_loop3A_379 = arith.constant 2880 : i32
      %parallel_loop3A_380 = vector.broadcast %parallel_loop3A_379 : i32 to vector<16xi32>
      %parallel_loop3A_381 = arith.addi %parallel_loop3A_18, %parallel_loop3A_380 : vector<16xi32>
      %parallel_loop3A_382 = tpu.vector_load_idx %arg6[%parallel_loop3A_381] : memref<4096xf32, #tpu.memory_space<vmem>>[vector<16xi32>], vector<16xf32>,
      %parallel_loop3A_383 = arith.constant 46080 : i32
      %parallel_loop3A_384 = arith.addi %parallel_loop3A_383, %parallel_loop3A_16 : i32
      %parallel_loop3A_385 = arith.index_cast %parallel_loop3A_384 : i32 to index
      %parallel_loop3A_386 = tpu.vector_load %arg8[%parallel_loop3A_385] {strides = array<i32>} : memref<65536xf32, #tpu.memory_space<vmem>>, vector<16xf32>,
      tpu.vector_store %arg8[%parallel_loop3A_385], %parallel_loop3A_382 {strides = array<i32>} : memref<65536xf32, #tpu.memory_space<vmem>>, vector<16xf32>,
      %parallel_loop3A_387 = arith.constant 2944 : i32
      %parallel_loop3A_388 = vector.broadcast %parallel_loop3A_387 : i32 to vector<16xi32>
      %parallel_loop3A_389 = arith.addi %parallel_loop3A_18, %parallel_loop3A_388 : vector<16xi32>
      %parallel_loop3A_390 = tpu.vector_load_idx %arg6[%parallel_loop3A_389] : memref<4096xf32, #tpu.memory_space<vmem>>[vector<16xi32>], vector<16xf32>,
      %parallel_loop3A_391 = arith.constant 47104 : i32
      %parallel_loop3A_392 = arith.addi %parallel_loop3A_391, %parallel_loop3A_16 : i32
      %parallel_loop3A_393 = arith.index_cast %parallel_loop3A_392 : i32 to index
      %parallel_loop3A_394 = tpu.vector_load %arg8[%parallel_loop3A_393] {strides = array<i32>} : memref<65536xf32, #tpu.memory_space<vmem>>, vector<16xf32>,
      tpu.vector_store %arg8[%parallel_loop3A_393], %parallel_loop3A_390 {strides = array<i32>} : memref<65536xf32, #tpu.memory_space<vmem>>, vector<16xf32>,
      %parallel_loop3A_395 = arith.constant 3008 : i32
      %parallel_loop3A_396 = vector.broadcast %parallel_loop3A_395 : i32 to vector<16xi32>
      %parallel_loop3A_397 = arith.addi %parallel_loop3A_18, %parallel_loop3A_396 : vector<16xi32>
      %parallel_loop3A_398 = tpu.vector_load_idx %arg6[%parallel_loop3A_397] : memref<4096xf32, #tpu.memory_space<vmem>>[vector<16xi32>], vector<16xf32>,
      %parallel_loop3A_399 = arith.constant 48128 : i32
      %parallel_loop3A_400 = arith.addi %parallel_loop3A_399, %parallel_loop3A_16 : i32
      %parallel_loop3A_401 = arith.index_cast %parallel_loop3A_400 : i32 to index
      %parallel_loop3A_402 = tpu.vector_load %arg8[%parallel_loop3A_401] {strides = array<i32>} : memref<65536xf32, #tpu.memory_space<vmem>>, vector<16xf32>,
      tpu.vector_store %arg8[%parallel_loop3A_401], %parallel_loop3A_398 {strides = array<i32>} : memref<65536xf32, #tpu.memory_space<vmem>>, vector<16xf32>,
      %parallel_loop3A_403 = arith.constant 3072 : i32
      %parallel_loop3A_404 = vector.broadcast %parallel_loop3A_403 : i32 to vector<16xi32>
      %parallel_loop3A_405 = arith.addi %parallel_loop3A_18, %parallel_loop3A_404 : vector<16xi32>
      %parallel_loop3A_406 = tpu.vector_load_idx %arg6[%parallel_loop3A_405] : memref<4096xf32, #tpu.memory_space<vmem>>[vector<16xi32>], vector<16xf32>,
      %parallel_loop3A_407 = arith.constant 49152 : i32
      %parallel_loop3A_408 = arith.addi %parallel_loop3A_407, %parallel_loop3A_16 : i32
      %parallel_loop3A_409 = arith.index_cast %parallel_loop3A_408 : i32 to index
      %parallel_loop3A_410 = tpu.vector_load %arg8[%parallel_loop3A_409] {strides = array<i32>} : memref<65536xf32, #tpu.memory_space<vmem>>, vector<16xf32>,
      tpu.vector_store %arg8[%parallel_loop3A_409], %parallel_loop3A_406 {strides = array<i32>} : memref<65536xf32, #tpu.memory_space<vmem>>, vector<16xf32>,
      %parallel_loop3A_411 = arith.constant 3136 : i32
      %parallel_loop3A_412 = vector.broadcast %parallel_loop3A_411 : i32 to vector<16xi32>
      %parallel_loop3A_413 = arith.addi %parallel_loop3A_18, %parallel_loop3A_412 : vector<16xi32>
      %parallel_loop3A_414 = tpu.vector_load_idx %arg6[%parallel_loop3A_413] : memref<4096xf32, #tpu.memory_space<vmem>>[vector<16xi32>], vector<16xf32>,
      %parallel_loop3A_415 = arith.constant 50176 : i32
      %parallel_loop3A_416 = arith.addi %parallel_loop3A_415, %parallel_loop3A_16 : i32
      %parallel_loop3A_417 = arith.index_cast %parallel_loop3A_416 : i32 to index
      %parallel_loop3A_418 = tpu.vector_load %arg8[%parallel_loop3A_417] {strides = array<i32>} : memref<65536xf32, #tpu.memory_space<vmem>>, vector<16xf32>,
      tpu.vector_store %arg8[%parallel_loop3A_417], %parallel_loop3A_414 {strides = array<i32>} : memref<65536xf32, #tpu.memory_space<vmem>>, vector<16xf32>,
      %parallel_loop3A_419 = arith.constant 3200 : i32
      %parallel_loop3A_420 = vector.broadcast %parallel_loop3A_419 : i32 to vector<16xi32>
      %parallel_loop3A_421 = arith.addi %parallel_loop3A_18, %parallel_loop3A_420 : vector<16xi32>
      %parallel_loop3A_422 = tpu.vector_load_idx %arg6[%parallel_loop3A_421] : memref<4096xf32, #tpu.memory_space<vmem>>[vector<16xi32>], vector<16xf32>,
      %parallel_loop3A_423 = arith.constant 51200 : i32
      %parallel_loop3A_424 = arith.addi %parallel_loop3A_423, %parallel_loop3A_16 : i32
      %parallel_loop3A_425 = arith.index_cast %parallel_loop3A_424 : i32 to index
      %parallel_loop3A_426 = tpu.vector_load %arg8[%parallel_loop3A_425] {strides = array<i32>} : memref<65536xf32, #tpu.memory_space<vmem>>, vector<16xf32>,
      tpu.vector_store %arg8[%parallel_loop3A_425], %parallel_loop3A_422 {strides = array<i32>} : memref<65536xf32, #tpu.memory_space<vmem>>, vector<16xf32>,
      %parallel_loop3A_427 = arith.constant 3264 : i32
      %parallel_loop3A_428 = vector.broadcast %parallel_loop3A_427 : i32 to vector<16xi32>
      %parallel_loop3A_429 = arith.addi %parallel_loop3A_18, %parallel_loop3A_428 : vector<16xi32>
      %parallel_loop3A_430 = tpu.vector_load_idx %arg6[%parallel_loop3A_429] : memref<4096xf32, #tpu.memory_space<vmem>>[vector<16xi32>], vector<16xf32>,
      %parallel_loop3A_431 = arith.constant 52224 : i32
      %parallel_loop3A_432 = arith.addi %parallel_loop3A_431, %parallel_loop3A_16 : i32
      %parallel_loop3A_433 = arith.index_cast %parallel_loop3A_432 : i32 to index
      %parallel_loop3A_434 = tpu.vector_load %arg8[%parallel_loop3A_433] {strides = array<i32>} : memref<65536xf32, #tpu.memory_space<vmem>>, vector<16xf32>,
      tpu.vector_store %arg8[%parallel_loop3A_433], %parallel_loop3A_430 {strides = array<i32>} : memref<65536xf32, #tpu.memory_space<vmem>>, vector<16xf32>,
      %parallel_loop3A_435 = arith.constant 3328 : i32
      %parallel_loop3A_436 = vector.broadcast %parallel_loop3A_435 : i32 to vector<16xi32>
      %parallel_loop3A_437 = arith.addi %parallel_loop3A_18, %parallel_loop3A_436 : vector<16xi32>
      %parallel_loop3A_438 = tpu.vector_load_idx %arg6[%parallel_loop3A_437] : memref<4096xf32, #tpu.memory_space<vmem>>[vector<16xi32>], vector<16xf32>,
      %parallel_loop3A_439 = arith.constant 53248 : i32
      %parallel_loop3A_440 = arith.addi %parallel_loop3A_439, %parallel_loop3A_16 : i32
      %parallel_loop3A_441 = arith.index_cast %parallel_loop3A_440 : i32 to index
      %parallel_loop3A_442 = tpu.vector_load %arg8[%parallel_loop3A_441] {strides = array<i32>} : memref<65536xf32, #tpu.memory_space<vmem>>, vector<16xf32>,
      tpu.vector_store %arg8[%parallel_loop3A_441], %parallel_loop3A_438 {strides = array<i32>} : memref<65536xf32, #tpu.memory_space<vmem>>, vector<16xf32>,
      %parallel_loop3A_443 = arith.constant 3392 : i32
      %parallel_loop3A_444 = vector.broadcast %parallel_loop3A_443 : i32 to vector<16xi32>
      %parallel_loop3A_445 = arith.addi %parallel_loop3A_18, %parallel_loop3A_444 : vector<16xi32>
      %parallel_loop3A_446 = tpu.vector_load_idx %arg6[%parallel_loop3A_445] : memref<4096xf32, #tpu.memory_space<vmem>>[vector<16xi32>], vector<16xf32>,
      %parallel_loop3A_447 = arith.constant 54272 : i32
      %parallel_loop3A_448 = arith.addi %parallel_loop3A_447, %parallel_loop3A_16 : i32
      %parallel_loop3A_449 = arith.index_cast %parallel_loop3A_448 : i32 to index
      %parallel_loop3A_450 = tpu.vector_load %arg8[%parallel_loop3A_449] {strides = array<i32>} : memref<65536xf32, #tpu.memory_space<vmem>>, vector<16xf32>,
      tpu.vector_store %arg8[%parallel_loop3A_449], %parallel_loop3A_446 {strides = array<i32>} : memref<65536xf32, #tpu.memory_space<vmem>>, vector<16xf32>,
      %parallel_loop3A_451 = arith.constant 3456 : i32
      %parallel_loop3A_452 = vector.broadcast %parallel_loop3A_451 : i32 to vector<16xi32>
      %parallel_loop3A_453 = arith.addi %parallel_loop3A_18, %parallel_loop3A_452 : vector<16xi32>
      %parallel_loop3A_454 = tpu.vector_load_idx %arg6[%parallel_loop3A_453] : memref<4096xf32, #tpu.memory_space<vmem>>[vector<16xi32>], vector<16xf32>,
      %parallel_loop3A_455 = arith.constant 55296 : i32
      %parallel_loop3A_456 = arith.addi %parallel_loop3A_455, %parallel_loop3A_16 : i32
      %parallel_loop3A_457 = arith.index_cast %parallel_loop3A_456 : i32 to index
      %parallel_loop3A_458 = tpu.vector_load %arg8[%parallel_loop3A_457] {strides = array<i32>} : memref<65536xf32, #tpu.memory_space<vmem>>, vector<16xf32>,
      tpu.vector_store %arg8[%parallel_loop3A_457], %parallel_loop3A_454 {strides = array<i32>} : memref<65536xf32, #tpu.memory_space<vmem>>, vector<16xf32>,
      %parallel_loop3A_459 = arith.constant 3520 : i32
      %parallel_loop3A_460 = vector.broadcast %parallel_loop3A_459 : i32 to vector<16xi32>
      %parallel_loop3A_461 = arith.addi %parallel_loop3A_18, %parallel_loop3A_460 : vector<16xi32>
      %parallel_loop3A_462 = tpu.vector_load_idx %arg6[%parallel_loop3A_461] : memref<4096xf32, #tpu.memory_space<vmem>>[vector<16xi32>], vector<16xf32>,
      %parallel_loop3A_463 = arith.constant 56320 : i32
      %parallel_loop3A_464 = arith.addi %parallel_loop3A_463, %parallel_loop3A_16 : i32
      %parallel_loop3A_465 = arith.index_cast %parallel_loop3A_464 : i32 to index
      %parallel_loop3A_466 = tpu.vector_load %arg8[%parallel_loop3A_465] {strides = array<i32>} : memref<65536xf32, #tpu.memory_space<vmem>>, vector<16xf32>,
      tpu.vector_store %arg8[%parallel_loop3A_465], %parallel_loop3A_462 {strides = array<i32>} : memref<65536xf32, #tpu.memory_space<vmem>>, vector<16xf32>,
      %parallel_loop3A_467 = arith.constant 3584 : i32
      %parallel_loop3A_468 = vector.broadcast %parallel_loop3A_467 : i32 to vector<16xi32>
      %parallel_loop3A_469 = arith.addi %parallel_loop3A_18, %parallel_loop3A_468 : vector<16xi32>
      %parallel_loop3A_470 = tpu.vector_load_idx %arg6[%parallel_loop3A_469] : memref<4096xf32, #tpu.memory_space<vmem>>[vector<16xi32>], vector<16xf32>,
      %parallel_loop3A_471 = arith.constant 57344 : i32
      %parallel_loop3A_472 = arith.addi %parallel_loop3A_471, %parallel_loop3A_16 : i32
      %parallel_loop3A_473 = arith.index_cast %parallel_loop3A_472 : i32 to index
      %parallel_loop3A_474 = tpu.vector_load %arg8[%parallel_loop3A_473] {strides = array<i32>} : memref<65536xf32, #tpu.memory_space<vmem>>, vector<16xf32>,
      tpu.vector_store %arg8[%parallel_loop3A_473], %parallel_loop3A_470 {strides = array<i32>} : memref<65536xf32, #tpu.memory_space<vmem>>, vector<16xf32>,
      %parallel_loop3A_475 = arith.constant 3648 : i32
      %parallel_loop3A_476 = vector.broadcast %parallel_loop3A_475 : i32 to vector<16xi32>
      %parallel_loop3A_477 = arith.addi %parallel_loop3A_18, %parallel_loop3A_476 : vector<16xi32>
      %parallel_loop3A_478 = tpu.vector_load_idx %arg6[%parallel_loop3A_477] : memref<4096xf32, #tpu.memory_space<vmem>>[vector<16xi32>], vector<16xf32>,
      %parallel_loop3A_479 = arith.constant 58368 : i32
      %parallel_loop3A_480 = arith.addi %parallel_loop3A_479, %parallel_loop3A_16 : i32
      %parallel_loop3A_481 = arith.index_cast %parallel_loop3A_480 : i32 to index
      %parallel_loop3A_482 = tpu.vector_load %arg8[%parallel_loop3A_481] {strides = array<i32>} : memref<65536xf32, #tpu.memory_space<vmem>>, vector<16xf32>,
      tpu.vector_store %arg8[%parallel_loop3A_481], %parallel_loop3A_478 {strides = array<i32>} : memref<65536xf32, #tpu.memory_space<vmem>>, vector<16xf32>,
      %parallel_loop3A_483 = arith.constant 3712 : i32
      %parallel_loop3A_484 = vector.broadcast %parallel_loop3A_483 : i32 to vector<16xi32>
      %parallel_loop3A_485 = arith.addi %parallel_loop3A_18, %parallel_loop3A_484 : vector<16xi32>
      %parallel_loop3A_486 = tpu.vector_load_idx %arg6[%parallel_loop3A_485] : memref<4096xf32, #tpu.memory_space<vmem>>[vector<16xi32>], vector<16xf32>,
      %parallel_loop3A_487 = arith.constant 59392 : i32
      %parallel_loop3A_488 = arith.addi %parallel_loop3A_487, %parallel_loop3A_16 : i32
      %parallel_loop3A_489 = arith.index_cast %parallel_loop3A_488 : i32 to index
      %parallel_loop3A_490 = tpu.vector_load %arg8[%parallel_loop3A_489] {strides = array<i32>} : memref<65536xf32, #tpu.memory_space<vmem>>, vector<16xf32>,
      tpu.vector_store %arg8[%parallel_loop3A_489], %parallel_loop3A_486 {strides = array<i32>} : memref<65536xf32, #tpu.memory_space<vmem>>, vector<16xf32>,
      %parallel_loop3A_491 = arith.constant 3776 : i32
      %parallel_loop3A_492 = vector.broadcast %parallel_loop3A_491 : i32 to vector<16xi32>
      %parallel_loop3A_493 = arith.addi %parallel_loop3A_18, %parallel_loop3A_492 : vector<16xi32>
      %parallel_loop3A_494 = tpu.vector_load_idx %arg6[%parallel_loop3A_493] : memref<4096xf32, #tpu.memory_space<vmem>>[vector<16xi32>], vector<16xf32>,
      %parallel_loop3A_495 = arith.constant 60416 : i32
      %parallel_loop3A_496 = arith.addi %parallel_loop3A_495, %parallel_loop3A_16 : i32
      %parallel_loop3A_497 = arith.index_cast %parallel_loop3A_496 : i32 to index
      %parallel_loop3A_498 = tpu.vector_load %arg8[%parallel_loop3A_497] {strides = array<i32>} : memref<65536xf32, #tpu.memory_space<vmem>>, vector<16xf32>,
      tpu.vector_store %arg8[%parallel_loop3A_497], %parallel_loop3A_494 {strides = array<i32>} : memref<65536xf32, #tpu.memory_space<vmem>>, vector<16xf32>,
      %parallel_loop3A_499 = arith.constant 3840 : i32
      %parallel_loop3A_500 = vector.broadcast %parallel_loop3A_499 : i32 to vector<16xi32>
      %parallel_loop3A_501 = arith.addi %parallel_loop3A_18, %parallel_loop3A_500 : vector<16xi32>
      %parallel_loop3A_502 = tpu.vector_load_idx %arg6[%parallel_loop3A_501] : memref<4096xf32, #tpu.memory_space<vmem>>[vector<16xi32>], vector<16xf32>,
      %parallel_loop3A_503 = arith.constant 61440 : i32
      %parallel_loop3A_504 = arith.addi %parallel_loop3A_503, %parallel_loop3A_16 : i32
      %parallel_loop3A_505 = arith.index_cast %parallel_loop3A_504 : i32 to index
      %parallel_loop3A_506 = tpu.vector_load %arg8[%parallel_loop3A_505] {strides = array<i32>} : memref<65536xf32, #tpu.memory_space<vmem>>, vector<16xf32>,
      tpu.vector_store %arg8[%parallel_loop3A_505], %parallel_loop3A_502 {strides = array<i32>} : memref<65536xf32, #tpu.memory_space<vmem>>, vector<16xf32>,
      %parallel_loop3A_507 = arith.constant 3904 : i32
      %parallel_loop3A_508 = vector.broadcast %parallel_loop3A_507 : i32 to vector<16xi32>
      %parallel_loop3A_509 = arith.addi %parallel_loop3A_18, %parallel_loop3A_508 : vector<16xi32>
      %parallel_loop3A_510 = tpu.vector_load_idx %arg6[%parallel_loop3A_509] : memref<4096xf32, #tpu.memory_space<vmem>>[vector<16xi32>], vector<16xf32>,
      %parallel_loop3A_511 = arith.constant 62464 : i32
      %parallel_loop3A_512 = arith.addi %parallel_loop3A_511, %parallel_loop3A_16 : i32
      %parallel_loop3A_513 = arith.index_cast %parallel_loop3A_512 : i32 to index
      %parallel_loop3A_514 = tpu.vector_load %arg8[%parallel_loop3A_513] {strides = array<i32>} : memref<65536xf32, #tpu.memory_space<vmem>>, vector<16xf32>,
      tpu.vector_store %arg8[%parallel_loop3A_513], %parallel_loop3A_510 {strides = array<i32>} : memref<65536xf32, #tpu.memory_space<vmem>>, vector<16xf32>,
      %parallel_loop3A_515 = arith.constant 3968 : i32
      %parallel_loop3A_516 = vector.broadcast %parallel_loop3A_515 : i32 to vector<16xi32>
      %parallel_loop3A_517 = arith.addi %parallel_loop3A_18, %parallel_loop3A_516 : vector<16xi32>
      %parallel_loop3A_518 = tpu.vector_load_idx %arg6[%parallel_loop3A_517] : memref<4096xf32, #tpu.memory_space<vmem>>[vector<16xi32>], vector<16xf32>,
      %parallel_loop3A_519 = arith.constant 63488 : i32
      %parallel_loop3A_520 = arith.addi %parallel_loop3A_519, %parallel_loop3A_16 : i32
      %parallel_loop3A_521 = arith.index_cast %parallel_loop3A_520 : i32 to index
      %parallel_loop3A_522 = tpu.vector_load %arg8[%parallel_loop3A_521] {strides = array<i32>} : memref<65536xf32, #tpu.memory_space<vmem>>, vector<16xf32>,
      tpu.vector_store %arg8[%parallel_loop3A_521], %parallel_loop3A_518 {strides = array<i32>} : memref<65536xf32, #tpu.memory_space<vmem>>, vector<16xf32>,
      %parallel_loop3A_523 = arith.constant 4032 : i32
      %parallel_loop3A_524 = vector.broadcast %parallel_loop3A_523 : i32 to vector<16xi32>
      %parallel_loop3A_525 = arith.addi %parallel_loop3A_18, %parallel_loop3A_524 : vector<16xi32>
      %parallel_loop3A_526 = tpu.vector_load_idx %arg6[%parallel_loop3A_525] : memref<4096xf32, #tpu.memory_space<vmem>>[vector<16xi32>], vector<16xf32>,
      %parallel_loop3A_527 = arith.constant 64512 : i32
      %parallel_loop3A_528 = arith.addi %parallel_loop3A_527, %parallel_loop3A_16 : i32
      %parallel_loop3A_529 = arith.index_cast %parallel_loop3A_528 : i32 to index
      %parallel_loop3A_530 = tpu.vector_load %arg8[%parallel_loop3A_529] {strides = array<i32>} : memref<65536xf32, #tpu.memory_space<vmem>>, vector<16xf32>,
      tpu.vector_store %arg8[%parallel_loop3A_529], %parallel_loop3A_526 {strides = array<i32>} : memref<65536xf32, #tpu.memory_space<vmem>>, vector<16xf32>,
    } {sc.loop_unroll_factor = 4 : i64, sc.parallel_access}
    "tpu.region"() ({
      %run_scoped3A = tpu.sem_alloc : memref<!tpu.dma_semaphore, #tpu.memory_space<semaphore_mem>>
      %dma_start3A = arith.constant 0 : i32
      %dma_start3A_14 = tpu.memref_slice %arg4[%add3A_10, %dma_start3A] : memref<64x65536xf32, #tpu.memory_space<hbm>> -> memref<1x65536xf32, #tpu.memory_space<hbm>>
      %dma_start3A_15 = tpu.memref_squeeze %dma_start3A_14 : memref<1x65536xf32, #tpu.memory_space<hbm>> -> memref<65536xf32, #tpu.memory_space<hbm>>
      %dma_start3A_16 = arith.constant 0 : i32
      %dma_start3A_17 = tpu.memref_slice %arg4[%add3A_10, %dma_start3A_16] : memref<64x65536xf32, #tpu.memory_space<hbm>> -> memref<1x65536xf32, #tpu.memory_space<hbm>>
      %dma_start3A_18 = tpu.memref_squeeze %dma_start3A_17 : memref<1x65536xf32, #tpu.memory_space<hbm>> -> memref<65536xf32, #tpu.memory_space<hbm>>
      tpu.enqueue_dma source(%arg8 : memref<65536xf32, #tpu.memory_space<vmem>>) target(%dma_start3A_18 : memref<65536xf32, #tpu.memory_space<hbm>>) target_semaphore(%run_scoped3A : memref<!tpu.dma_semaphore, #tpu.memory_space<semaphore_mem>>)
      %dma_wait3A = arith.constant 0 : i32
      %dma_wait3A_19 = tpu.memref_slice %arg4[%add3A_10, %dma_wait3A] : memref<64x65536xf32, #tpu.memory_space<hbm>> -> memref<1x65536xf32, #tpu.memory_space<hbm>>
      %dma_wait3A_20 = tpu.memref_squeeze %dma_wait3A_19 : memref<1x65536xf32, #tpu.memory_space<hbm>> -> memref<65536xf32, #tpu.memory_space<hbm>>
      %dma_wait3A_21 = arith.constant 0 : i32
      %dma_wait3A_22 = tpu.memref_slice %arg4[%add3A_10, %dma_wait3A_21] : memref<64x65536xf32, #tpu.memory_space<hbm>> -> memref<1x65536xf32, #tpu.memory_space<hbm>>
      %dma_wait3A_23 = tpu.memref_squeeze %dma_wait3A_22 : memref<1x65536xf32, #tpu.memory_space<hbm>> -> memref<65536xf32, #tpu.memory_space<hbm>>
      tpu.wait_dma2 semaphore(%run_scoped3A : memref<!tpu.dma_semaphore, #tpu.memory_space<semaphore_mem>>) src(%arg8 : memref<65536xf32, #tpu.memory_space<vmem>>) dst(%dma_wait3A_23 : memref<65536xf32, #tpu.memory_space<hbm>>)
      tpu.yield
    }) : () -> ()
    "tpu.region"() ({
      %run_scoped3A = tpu.sem_alloc : memref<!tpu.dma_semaphore, #tpu.memory_space<semaphore_mem>>
      %dma_start3A = arith.constant 0 : i32
      %dma_start3A_14 = tpu.memref_slice %arg5[%add3A_10, %dma_start3A] : memref<64x65536xf32, #tpu.memory_space<hbm>> -> memref<1x65536xf32, #tpu.memory_space<hbm>>
      %dma_start3A_15 = tpu.memref_squeeze %dma_start3A_14 : memref<1x65536xf32, #tpu.memory_space<hbm>> -> memref<65536xf32, #tpu.memory_space<hbm>>
      %dma_start3A_16 = arith.constant 0 : i32
      %dma_start3A_17 = tpu.memref_slice %arg5[%add3A_10, %dma_start3A_16] : memref<64x65536xf32, #tpu.memory_space<hbm>> -> memref<1x65536xf32, #tpu.memory_space<hbm>>
      %dma_start3A_18 = tpu.memref_squeeze %dma_start3A_17 : memref<1x65536xf32, #tpu.memory_space<hbm>> -> memref<65536xf32, #tpu.memory_space<hbm>>
      tpu.enqueue_dma source(%arg8 : memref<65536xf32, #tpu.memory_space<vmem>>) target(%dma_start3A_18 : memref<65536xf32, #tpu.memory_space<hbm>>) target_semaphore(%run_scoped3A : memref<!tpu.dma_semaphore, #tpu.memory_space<semaphore_mem>>)
      %dma_wait3A = arith.constant 0 : i32
      %dma_wait3A_19 = tpu.memref_slice %arg5[%add3A_10, %dma_wait3A] : memref<64x65536xf32, #tpu.memory_space<hbm>> -> memref<1x65536xf32, #tpu.memory_space<hbm>>
      %dma_wait3A_20 = tpu.memref_squeeze %dma_wait3A_19 : memref<1x65536xf32, #tpu.memory_space<hbm>> -> memref<65536xf32, #tpu.memory_space<hbm>>
      %dma_wait3A_21 = arith.constant 0 : i32
      %dma_wait3A_22 = tpu.memref_slice %arg5[%add3A_10, %dma_wait3A_21] : memref<64x65536xf32, #tpu.memory_space<hbm>> -> memref<1x65536xf32, #tpu.memory_space<hbm>>
      %dma_wait3A_23 = tpu.memref_squeeze %dma_wait3A_22 : memref<1x65536xf32, #tpu.memory_space<hbm>> -> memref<65536xf32, #tpu.memory_space<hbm>>
      tpu.wait_dma2 semaphore(%run_scoped3A : memref<!tpu.dma_semaphore, #tpu.memory_space<semaphore_mem>>) src(%arg8 : memref<65536xf32, #tpu.memory_space<vmem>>) dst(%dma_wait3A_23 : memref<65536xf32, #tpu.memory_space<hbm>>)
      tpu.yield
    }) : () -> ()
    return
  }
}

module attributes {stable_mosaic.version = 14 : i64} {
  func.func @_dist_body(%arg0: i32, %arg1: memref<1x64x1024xf32, #tpu.memory_space<vmem>>, %arg2: memref<64x64xf32, #tpu.memory_space<vmem>>, %arg3: memref<1x1x1024xi32, #tpu.memory_space<vmem>>) attributes {dimension_semantics = [#tpu.dimension_semantics<arbitrary>], iteration_bounds = array<i64: 64>, scalar_prefetch = 0 : i64, scratch_operands = 0 : i64, tpu.core_type = #tpu.core_type<tc>, window_params = [{transform_indices = @transform_0, window_bounds = array<i64: 1, 64, 1024>}, {pipeline_mode = #tpu.pipeline_mode<synchronous>, transform_indices = @transform_1, window_bounds = array<i64: 64, 64>}, {transform_indices = @transform_2, window_bounds = array<i64: 1, 1, 1024>}]} {
    %get3A = arith.constant 0 : index
    %get3A_0 = arith.constant 0 : index
    %get3A_1 = arith.constant 0 : index
    %get3A_2 = vector.load %arg1[%get3A, %get3A_0, %get3A_1] : memref<1x64x1024xf32, #tpu.memory_space<vmem>>, vector<1x64x1024xf32>
    %get3A_3 = vector.shape_cast %get3A_2 : vector<1x64x1024xf32> to vector<64x1024xf32>
    %get3A_4 = arith.constant 0 : index
    %get3A_5 = arith.constant 0 : index
    %get3A_6 = vector.load %arg2[%get3A_4, %get3A_5] : memref<64x64xf32, #tpu.memory_space<vmem>>, vector<64x64xf32>
    %mul3A = arith.mulf %get3A_6, %get3A_6 : vector<64x64xf32>
    %reduce_sum3A = arith.constant dense<0.000000e+00> : vector<64xf32>
    %reduce_sum3A_7 = vector.multi_reduction <add>, %mul3A, %reduce_sum3A [0] : vector<64x64xf32> to vector<64xf32>
    %broadcast_in_dim3A = vector.shape_cast %reduce_sum3A_7 : vector<64xf32> to vector<1x64xf32>
    %transpose3A = tpu.transpose %broadcast_in_dim3A, [1, 0] : vector<1x64xf32> -> vector<64x1xf32>
    %dot_general3A = arith.constant dense<0.000000e+00> : vector<64x1024xf32>
    %dot_general3A_8 = tpu.matmul %get3A_6, %get3A_3, %dot_general3A {dimension_numbers = #tpu.dot_dimension_numbers<[0], [0], [1], [1], [0, 1, 1, 1], [], []>, transpose_lhs_hint = false} : vector<64x64xf32>, vector<64x1024xf32>, vector<64x1024xf32> -> vector<64x1024xf32>
    %mul3A_9 = arith.mulf %get3A_3, %get3A_3 : vector<64x1024xf32>
    %reduce_sum3A_10 = arith.constant dense<0.000000e+00> : vector<1024xf32>
    %reduce_sum3A_11 = vector.multi_reduction <add>, %mul3A_9, %reduce_sum3A_10 [0] : vector<64x1024xf32> to vector<1024xf32>
    %broadcast_in_dim3A_12 = vector.shape_cast %reduce_sum3A_11 : vector<1024xf32> to vector<1x1024xf32>
    %mul3A_13 = arith.constant 2.000000e+00 : f32
    %mul3A_14 = vector.broadcast %mul3A_13 : f32 to vector<64x1024xf32>
    %mul3A_15 = arith.mulf %mul3A_14, %dot_general3A_8 : vector<64x1024xf32>
    %sub3A = vector.broadcast %broadcast_in_dim3A_12 : vector<1x1024xf32> to vector<64x1024xf32>
    %sub3A_16 = arith.subf %sub3A, %mul3A_15 : vector<64x1024xf32>
    %add3A = vector.broadcast %transpose3A : vector<64x1xf32> to vector<64x1024xf32>
    %add3A_17 = arith.addf %sub3A_16, %add3A : vector<64x1024xf32>
    %reduce_min3A = arith.constant dense<0x7F800000> : vector<1024xf32>
    %reduce_min3A_18 = vector.multi_reduction <minimumf>, %add3A_17, %reduce_min3A [0] : vector<64x1024xf32> to vector<1024xf32>
    %broadcast_in_dim3A_19 = vector.shape_cast %reduce_min3A_18 : vector<1024xf32> to vector<1x1024xf32>
    %iota3A = tpu.iota {dimensions = array<i32: 0>} : vector<64x1024xi32>
    %eq3A = vector.broadcast %broadcast_in_dim3A_19 : vector<1x1024xf32> to vector<64x1024xf32>
    %eq3A_20 = arith.cmpf oeq, %add3A_17, %eq3A : vector<64x1024xf32>
    %jit3A = arith.constant 64 : i32
    %broadcast_in_dim3A_21 = vector.broadcast %jit3A : i32 to vector<64x1024xi32>
    %select_n3A = arith.select %eq3A_20, %iota3A, %broadcast_in_dim3A_21 : vector<64x1024xi1>, vector<64x1024xi32>
    %reduce_min3A_22 = arith.constant dense<2147483647> : vector<1024xi32>
    %reduce_min3A_23 = vector.multi_reduction <minsi>, %select_n3A, %reduce_min3A_22 [0] : vector<64x1024xi32> to vector<1024xi32>
    %broadcast_in_dim3A_24 = vector.shape_cast %reduce_min3A_23 : vector<1024xi32> to vector<1x1024xi32>
    %squeeze3A = vector.shape_cast %broadcast_in_dim3A_24 : vector<1x1024xi32> to vector<1024xi32>
    %swap3A = arith.constant 0 : index
    %swap3A_25 = arith.constant 0 : index
    %swap3A_26 = arith.constant 0 : index
    %swap3A_27 = vector.load %arg3[%swap3A, %swap3A_25, %swap3A_26] : memref<1x1x1024xi32, #tpu.memory_space<vmem>>, vector<1x1x1024xi32>
    %swap3A_28 = vector.shape_cast %swap3A_27 : vector<1x1x1024xi32> to vector<1024xi32>
    %swap3A_29 = vector.shape_cast %squeeze3A : vector<1024xi32> to vector<1x1x1024xi32>
    tpu.vector_store %arg3[%swap3A, %swap3A_25, %swap3A_26], %swap3A_29 {strides = array<i32>} : memref<1x1x1024xi32, #tpu.memory_space<vmem>>, vector<1x1x1024xi32>,
    return
  }
  func.func @transform_0(%arg0: i32) -> (i32, i32, i32) {
    %c0_i32 = arith.constant 0 : i32
    %c0_i32_0 = arith.constant 0 : i32
    %c0_i32_1 = arith.constant 0 : i32
    return %arg0, %c0_i32, %c0_i32_0 : i32, i32, i32
  }
  func.func @transform_1(%arg0: i32) -> (i32, i32) {
    %c0_i32 = arith.constant 0 : i32
    %c0_i32_0 = arith.constant 0 : i32
    %c0_i32_1 = arith.constant 0 : i32
    return %c0_i32, %c0_i32_0 : i32, i32
  }
  func.func @transform_2(%arg0: i32) -> (i32, i32, i32) {
    %c0_i32 = arith.constant 0 : i32
    %c0_i32_0 = arith.constant 0 : i32
    %c0_i32_1 = arith.constant 0 : i32
    return %arg0, %c0_i32, %c0_i32_0 : i32, i32, i32
  }
}

</mosaic_0001>

<sc_bundles>
// kernel: kernel.4.cloned.1.call-start
scs
__scs_entry_jumppad:
0x0: {  	(pc) =	sbr.rel $0x88, $3  }
0x1: {  	(tag) =	ssettag $0x0;
	lr =	simm.s32 $0x1  }
0x2: {  	[smem:$0x3F9F] =	sst lr;
	_ =	strace $0xD0000000  }
0x3: {  	_ = 	snop  }
0x4: {  	_ = 	snop  }
0x5: {  	_ = 	snop  }
0x6: {  	_ = 	snop  }
0x7: {  	_ = 	snop  }
__scs_overlays_trampoline_lowered:
0x8: {  	[smem:$0x3FAE] =	sst s0  }
0x9: {  	[smem:$0x3FAF] =	sst s1  }
0xa: {  	[smem:$0x3FB0] =	sst s2  }
0xb: {  	[smem:$0x3FB1] =	sst s3  }
0xc: {  	[smem:$0x3FB2] =	sst s4  }
0xd: {  	[smem:$0x3FB3] =	sst s5  }
0xe: {  	[smem:$0x3FB4] =	sst s6  }
0xf: {  	[smem:$0x3FB5] =	sst s7  }
0x10: {  	[smem:$0x3FB6] =	sst s8  }
0x11: {  	[smem:$0x3FB7] =	sst s9;
	s0 =	simm.s32 @!p0 $0x0  }
0x12: {  	s1 =	sld [smem:$0x3F9D];
	s0 =	simm.s32 @p0 $0x1  }
0x13: {  	[smem:$0x3FB8] =	sst s0;
	s0 =	simm.s32 @!p1 $0x0  }
0x14: {  	s2 =	sld [smem:$0x3F9C];
	s0 =	simm.s32 @p1 $0x1  }
0x15: {  	[smem:$0x3FB9] =	sst s0;
	s0 =	simm.s32 @!p2 $0x0  }
0x16: {  	s3 =	sld [smem:$0x3FDB];
	s0 =	simm.s32 @p2 $0x1  }
0x17: {  	s4 =	simm.s32 $0x1BF5;
	[smem:$0x3FBB] =	sst s0  }
0x18: {  	s0 =	sld [smem:$0x3F9E];
	_ =	swait.ge [sflag:s4], $0x0  }
0x19: {  	s7 =	sld [smem:$0x3F9F]  }
0x1a: {  	s8 =	sadd.s32 $0xFFFFE003, lr  }
0x1b: {  	s9 =	sadd.s32 $0xFFFFFEF7, lr;
	s5 =	simm.s32 $0xFFFFFFFF;
	p2 =	slt.u32 s8, $0xFFFFF086  }
0x1c: {  	p1 =	slt.u32 s9, $0xF7A;
	s5 =	simm.s32 @!p2 $0x0  }
0x1d: {  	s5 =	simm.s32 @p1 $0x1;
	p0 =	seq.s32 s7, s2  }
0x1e: {  	s7 =	smul.u32 @!p0 $0xF7A, s2;
	p2 =	seq.s32 @!p0 s5, $0x0  }
0x1f: {  	s9 =	smul.u32 $0xF7A, s1;
	s8 =	simm.s32 @!p0 $0x1BF5;
	p2 =	por !p2, p0  }
0x20: {  	[sflag:s8] =	ssyncset.s32 @!p0 $0xFFFFF086;
	s6 =	sadd.s32 @!p0 s3, s7;
	s7 =	simm.s32 @!p0 $0x108  }
0x21: {  	s3 =	sadd.s32 s3, s9;
	s6 =	sadd.s32 @!p0 $0x88, s6;
	s7 =	simm.s32 @p2 $0x1082  }
0x22: {  	[simem:s7], [sflag:s8] =	dma.local @!p0 [hbm:s6], $0xF7A  }
0x23: {  	s9 =	sor.u32 $0xD0000000, s2;
	s6 =	simm.s32 $0x108;
	_ =	swait.ge @!p0 [sflag:s8], $0x0  }
0x24: {  	s3 =	sadd.s32 $0x88, s3;
	s6 =	simm.s32 @!p1 $0x1082;
	[sflag:s4] =	ssyncset.s32 $0xFFFFF086  }
0x25: {  	[simem:s6], [sflag:s4] =	dma.local [hbm:s3], $0xF7A  }
0x26: {  	[smem:$0x3F9F] =	sst s1;
	(tag) =	ssettag s2;
	_ =	strace s9  }
0x27: {  	s1 =	sld [smem:$0x3FAF]  }
0x28: {  	s2 =	sld [smem:$0x3FB0]  }
0x29: {  	s4 =	sld [smem:$0x3FB2]  }
0x2a: {  	p0 =	seq.s32 s5, $0x0;
	s5 =	sld [smem:$0x3FB3]  }
0x2b: {  	s6 =	sld [smem:$0x3FB4]  }
0x2c: {  	s7 =	sld [smem:$0x3FB5]  }
0x2d: {  	s3 =	simm.s32 $0x108;
	s8 =	sld [smem:$0x3FB6]  }
0x2e: {  	s3 =	simm.s32 @!p0 $0x1082;
	s9 =	sld [smem:$0x3FB7]  }
0x2f: {  	lr =	sadd.s32 s0, s3;
	s0 =	sld [smem:$0x3FAE]  }
0x30: {  	s3 =	sld [smem:$0x3FB1]  }
0x31: {  	[smem:$0x3FBA] =	sst s10  }
0x32: {  	s10 =	sld [smem:$0x3FB8];
	_ =	sdelay $0x3  }
0x33: {  	p0 =	seq.s32 s10, $0x1;
	s10 =	sld [smem:$0x3FBA];
	_ =	sdelay $0x3  }
0x34: {  	[smem:$0x3FBA] =	sst s10  }
0x35: {  	s10 =	sld [smem:$0x3FB9];
	_ =	sdelay $0x3  }
0x36: {  	p1 =	seq.s32 s10, $0x1;
	s10 =	sld [smem:$0x3FBA];
	_ =	sdelay $0x3  }
0x37: {  	[smem:$0x3FBA] =	sst s10  }
0x38: {  	s10 =	sld [smem:$0x3FBB]  }
0x39: {  	_ = 	snop;
	(pc) =	sbr.ind lr, $3  }
0x3a: {  	_ = 	snop  }
0x3b: {  	_ = 	snop  }
0x3c: {  	p2 =	seq.s32 s10, $0x1;
	s10 =	sld [smem:$0x3FBA]  }
0x3d: {  	_ =	shalt  }
0x3e: {  	_ =	shalt  }
0x3f: {  	_ =	shalt  }
0x40: {  	_ =	shalt  }
0x41: {  	_ =	shalt  }
0x42: {  	_ =	shalt  }
0x43: {  	_ =	shalt  }
0x44: {  	_ =	shalt  }
0x45: {  	_ =	shalt  }
0x46: {  	_ =	shalt  }
0x47: {  	_ =	shalt  }
0x48: {  	_ =	shalt  }
0x49: {  	_ =	shalt  }
0x4a: {  	_ =	shalt  }
0x4b: {  	_ =	shalt  }
0x4c: {  	_ =	shalt  }
0x4d: {  	_ =	shalt  }
0x4e: {  	_ =	shalt  }
0x4f: {  	_ =	shalt  }
0x50: {  	_ =	shalt  }
0x51: {  	_ =	shalt  }
0x52: {  	_ =	shalt  }
0x53: {  	_ =	shalt  }
0x54: {  	_ =	shalt  }
0x55: {  	_ =	shalt  }
0x56: {  	_ =	shalt  }
0x57: {  	_ =	shalt  }
0x58: {  	_ =	shalt  }
0x59: {  	_ =	shalt  }
0x5a: {  	_ =	shalt  }
0x5b: {  	_ =	shalt  }
0x5c: {  	_ =	shalt  }
0x5d: {  	_ =	shalt  }
0x5e: {  	_ =	shalt  }
0x5f: {  	_ =	shalt  }
0x60: {  	_ =	shalt  }
0x61: {  	_ =	shalt  }
0x62: {  	_ =	shalt  }
0x63: {  	_ =	shalt  }
0x64: {  	_ =	shalt  }
0x65: {  	_ =	shalt  }
0x66: {  	_ =	shalt  }
0x67: {  	_ =	shalt  }
0x68: {  	_ =	shalt  }
0x69: {  	_ =	shalt  }
0x6a: {  	_ =	shalt  }
0x6b: {  	_ =	shalt  }
0x6c: {  	_ =	shalt  }
0x6d: {  	_ =	shalt  }
0x6e: {  	_ =	shalt  }
0x6f: {  	_ =	shalt  }
0x70: {  	_ =	shalt  }
0x71: {  	_ =	shalt  }
0x72: {  	_ =	shalt  }
0x73: {  	_ =	shalt  }
0x74: {  	_ =	shalt  }
0x75: {  	_ =	shalt  }
0x76: {  	_ =	shalt  }
0x77: {  	_ =	shalt  }
0x78: {  	_ =	shalt  }
0x79: {  	_ =	shalt  }
0x7a: {  	_ =	shalt  }
0x7b: {  	_ =	shalt  }
0x7c: {  	_ =	shalt  }
0x7d: {  	_ =	shalt  }
0x7e: {  	_ =	shalt  }
0x7f: {  	_ =	shalt  }
0x80: {  	_ =	shalt  }
0x81: {  	_ =	shalt  }
0x82: {  	_ =	shalt  }
0x83: {  	_ =	shalt  }
0x84: {  	_ =	shalt  }
0x85: {  	_ =	shalt  }
0x86: {  	_ =	shalt  }
0x87: {  	_ =	shalt  }
.Lfunc_end0:
.L_simem_size_0:
called_computation_lowered:
.L_overlay_start_0:
0x88: {  	s2 =	sld [smem:$0x3FD9]  }
0x89: {  	s3 =	sld [smem:$0x3FFE];
	_ =	sdelay $0x1  }
0x8a: {  	s1 =	srdreg.scid  }
0x8b: {  	s0 =	sand.u32 $0x1, s1  }
0x8c: {  	s14 =	sshll.u32 s0, $0xA;
	s2 =	sadd.s32 s3, s2  }
0x8d: {  	s2 =	sadd.s32 s2, s14  }
0x8e: {  	[smem:$0x3FC6] =	sst s2  }
0x8f: {  	_ = 	snop  }
0x90: {  	s2 =	sld [smem:$0x3FD0];
	_ =	sdelay $0x2  }
0x91: {  	s15 =	simm.s32 $0xA;
	s4 =	simm.s32 $0x10  }
0x92: {  	[smem:s4], [sflag:s15] =	dma.local [hbm:s2], $0x1  }
0x93: {  	_ =	swait.eq [sflag:s15], $0x1  }
0x94: {  	[sflag:s15] =	ssyncset.done $0x0  }
0x95: {  	s16 =	sld [smem:$0x10];
	[sflag:s15] =	ssyncadd.s32 $0xFFFFFFFF  }
0x96: {  	s17 =	sld [smem:$0x11];
	(tm) =	ssettm $0x1  }
0x97: {  	s18 =	sld [smem:$0x3FFB];
	_ =	sdelay $0x3  }
0x98: {  	_ =	strace s18  }
0x99: {  	s4 =	sld [smem:$0x3FFC];
	_ =	sdelay $0x3  }
0x9a: {  	_ =	strace s4  }
0x9b: {  	s4 =	sld [smem:$0x3FFD];
	_ =	sdelay $0x3  }
0x9c: {  	_ =	strace s4  }
0x9d: {  	_ =	strace $0x8FFFFFFF  }
0x9e: {  	s19 =	sld [smem:$0x3FDB];
	_ =	sdelay $0x1  }
0x9f: {  	s5 =	simm.s32 $_scs_section_size  }
0xa0: {  	s6 =	simm.s32 $_size__tile_overlayer_lowered;
	s7 =	simm.s32 $_tile_overlayer_lowered  }
0xa1: {  	s22 =	simm.s32 $0x1BFF;
	s21 =	sshll.u32 s7, $0x1;
	s4 =	sadd.s32 s5, s19  }
0xa2: {  	s8 =	simm.s32 $0x0;
	s20 =	sshll.u32 s6, $0x1;
	s6 =	sadd.s32 s21, s4  }
0xa3: {  	[timem:s8], [sflag:s22] =	dma.local [hbm:s6], s20  }
0xa4: {  	_ =	swait.ge [sflag:s22], s20  }
0xa5: {  	s5 =	ssub.s32 $0x0, s20;
	[sflag:s22] =	ssyncset.done $0x0  }
0xa6: {  	[sflag:s22] =	ssyncadd.s32 s5;
	_ =	sdelay $0x1  }
0xa7: {  	s23 =	simm.s32 $0x1B8B  }
0xa8: {  	_ =	swait.ge [sflag:s23], $0x1  }
0xa9: {  	[sflag:s23] =	ssyncset.done $0x0  }
0xaa: {  	s25 =	simm.s32 $0x1B8E;
	s24 =	sld [smem:$0x3FFE];
	[sflag:s23] =	ssyncadd.s32 $0xFFFFFFFF  }
0xab: {  	s26 =	simm.s32 $execute0_lowered;
	[smem:$0x3FD2] =	sst s25  }
0xac: {  	s6 =	sshll.u32 s26, $0x1;
	_ =	strace $0x80000046;
	[dreg:$0x1] =	wrdreg $0xFFFFFFFF  }
0xad: {  	s28 =	simm.s32 $_size_execute0_lowered;
	s4 =	sadd.s32 s4, s6;
	[dreg:$0x0] =	wrdreg $0x0  }
0xae: {  	s6 =	sshll.u32 s28, $0x1;
	[dreg:$0x2] =	wrdreg s4  }
0xaf: {  	[dreg:$0x3] =	wrdreg s6  }
0xb0: {  	[dreg:$0x4] =	wrdreg $0xC0  }
0xb1: {  	_ =	task [dreg:s8], $0x5FFFF  }
0xb2: {  	[dreg:$0x1] =	wrdreg $0xFFFFFFFF  }
0xb3: {  	[dreg:$0x0] =	wrdreg $0x60  }
0xb4: {  	[dreg:$0x2] =	wrdreg s24  }
0xb5: {  	[dreg:$0x3] =	wrdreg s17  }
0xb6: {  	[dreg:$0x4] =	wrdreg s16  }
0xb7: {  	[dreg:$0x5] =	wrdreg $0x9  }
0xb8: {  	_ =	task.clear_ibuf [dreg:s8], $0x6FFFF;
	_ =	strace $0x90000046  }
0xb9: {  	s29 =	simm.s32 $0x9;
	_ =	strace $0x80000048  }
0xba: {  	_ =	swait.ge [sflag:s29], $0x1  }
0xbb: {  	[sflag:s29] =	ssyncadd.s32 $0xFFFFFFFF  }
0xbc: {  	_ =	strace $0x90000048  }
0xbd: {  	_ =	sfence  }
0xbe: {  	s30 =	sld [smem:$0x0];
	_ =	sdelay $0x2  }
0xbf: {  	s31 =	sshll.u32 s1, $0xD;
	s1 =	sshrl.u32 s1, $0x2  }
0xc0: {  	s3 =	sand.u32 $0x4000, s31;
	s1 =	sadd.s32 s1, s30  }
0xc1: {  	s0 =	sor.u32 s3, s0;
	s1 =	sshll.u32 s1, $0x11  }
0xc2: {  	s0 =	sor.u32 s1, s0  }
0xc3: {  	s0 =	sadd.s32 $0x8F2B, s0  }
0xc4: {  	[sflag:s0] =	ssyncadd.remote.s32 $0x1  }
0xc5: {  	_ =	sfence.sel $0xFFFF  }
0xc6: {  	[dreg:$0x0] =	wrdreg $0xFFFFFFFF;
	(pc) =	sbr.abs _section_cstart, $3  }
0xc7: {  	[dreg:$0x1] =	wrdreg $0xFFFFFFFF  }
0xc8: {  	_ =	task.clear_ibuf [dreg:s8], $0x2FFFF;
	_ =	strace $0x9FFFFFFF  }
0xc9: {  	(tm) =	ssettm $0x7FFFFFFF  }
tec
execute0_lowered:
.L_overlay_start_1:
0x0: {  	(tag) =	ssettag $0x1  }
0x1: {  	s4 =	rddreg [dreg:$0x0]  }
0x2: {  	s7 =	rddreg [dreg:$0x1]  }
0x3: {  	s8 =	rddreg [dreg:$0x2]  }
0x4: {  	s0 =	rddreg [dreg:$0x3];
	s1 =	simm.s32 $0x0  }
0x5: {  	s5 =	srdreg.scid;
	s2 =	stileid.u32;
	s15 =	simm.s32 $0x1400  }
0x6: {  	s16 =	simm.s32 $0x0;
	[smem:$0x7FF] =	sst s1;
	s3 =	sadd.s32 $0x1A00, s4  }
0x7: {  	s5 =	sand.u32 $0x1, s5;
	s9 =	sadd.s32 $0x1C00, s4;
	s6 =	sshll.u32 s2, $0x9  }
0x8: {  	s10 =	sshrl.u32 s2, $0x1;
	_ =	strace $0x80000047;
	s29 =	ssub.s32 $0x2, s5  }
0x9: {  	s5 =	sshll.u32 s5, $0x8;
	s6 =	sand.u32 $0x200, s6;
	s30 =	sshll.u32 s10, $0xD  }
0xa: {  	s10 =	sshll.u32 s10, $0x13;
	s11 =	sshrl.u32 s29, $0x1;
	s5 =	sor.u32 s5, s6  }
0xb: {  	s11 =	ssub.s32 s29, s11;
	s31 =	sor.u32 s30, s5;
	s12 =	sor.u32 s10, s5  }
0xc: {  	s13 =	sor.u32 $0x80, s5;
	s4 =	sshrl.u32 s31, $0x3;
	s12 =	sshrl.u32 s12, $0x3  }
0xd: {  	s6 =	sor.u32 s30, s13;
	s10 =	sor.u32 s10, s13;
	s13 =	simm.s32 $0x400  }
0xe: {  	s4 =	sadd.s32 s7, s4;
	s5 =	sadd.s32 s8, s12;
	s14 =	sshrl.u32 s6, $0x3  }
0xf: {  	s6 =	sadd.s32 s9, s12;
	s10 =	sshrl.u32 s10, $0x3;
	s12 =	simm.s32 $0x80  }
0x10: {  	s7 =	sadd.s32 s7, s14;
	s8 =	sadd.s32 s8, s10;
	s9 =	sadd.s32 s9, s10  }
0x11: {  	s10 =	smax.u32 s11, $0x1;
	s11 =	simm.s32 $0x1;
	s14 =	simm.s32 $0x1000  }
.LBB2_1:
0x12: {  	[tilespmem:s1], [sflag:$0x1] =	stream.linear.gather [hbm4b:s3+s1], $0x1000, $0x38;
	[tilespmem:$0x11400] =	vst v63  }
0x13: {  	_ =	swait.ge [sflag:s11], $0x1000  }
0x14: {  	[sflag:s11] =	ssyncset.done $0x0  }
0x15: {  	[sflag:s11] =	ssyncadd.s32 $0xFFFFF000  }
0x16: {  	[tilespmem:s14], [sflag:$0x1] =	stream.strided.gather [hbm4b:s4+s12], $0x400, s13, s12, $0x38;
	[tilespmem:$0x11400] =	vst v63  }
0x17: {  	_ =	swait.ge [sflag:s11], $0x400  }
0x18: {  	[sflag:s11] =	ssyncset.done $0x0  }
0x19: {  	s17 =	simm.s32 $0x0;
	[sflag:s11] =	ssyncadd.s32 $0xFFFFFC00  }
0x1a: {  	v1 =	vld [tilespmem:s17+$0x1000];
	_ =	sdelay $0x7  }
0x1b: {  	v0 =	vld.idx.msk [tilespmem:v1+s1+$0x0], $0xffff  }
0x1c: {  	v2 =	vadd.s32 $0x40, v1;
	_ =	sdelay $0x3  }
0x1d: {  	[tilespmem:s17+$0x1400] =	vst v0  }
0x1e: {  	v0 =	vld.idx.msk [tilespmem:v2+s1+$0x0], $0xffff  }
0x1f: {  	v2 =	vadd.s32 $0x80, v1;
	_ =	sdelay $0x2  }
0x20: {  	s18 =	sand.u32 $0x3C0, s1  }
0x21: {  	[tilespmem:s18+$0x1800] =	vst v0  }
0x22: {  	v0 =	vld.idx.msk [tilespmem:v2+s1+$0x0], $0xffff  }
0x23: {  	v2 =	vadd.s32 $0xC0, v1;
	_ =	sdelay $0x3  }
0x24: {  	[tilespmem:s18+$0x1C00] =	vst v0  }
0x25: {  	v0 =	vld.idx.msk [tilespmem:v2+s1+$0x0], $0xffff  }
0x26: {  	v2 =	vadd.s32 $0x100, v1;
	_ =	sdelay $0x3  }
0x27: {  	[tilespmem:s18+$0x2000] =	vst v0  }
0x28: {  	v0 =	vld.idx.msk [tilespmem:v2+s1+$0x0], $0xffff  }
0x29: {  	v2 =	vadd.s32 $0x140, v1;
	_ =	sdelay $0x3  }
0x2a: {  	[tilespmem:s18+$0x2400] =	vst v0  }
0x2b: {  	v0 =	vld.idx.msk [tilespmem:v2+s1+$0x0], $0xffff  }
0x2c: {  	v2 =	vadd.s32 $0x180, v1;
	_ =	sdelay $0x3  }
0x2d: {  	[tilespmem:s18+$0x2800] =	vst v0  }
0x2e: {  	v0 =	vld.idx.msk [tilespmem:v2+s1+$0x0], $0xffff  }
0x2f: {  	v2 =	vadd.s32 $0x1C0, v1;
	_ =	sdelay $0x3  }
0x30: {  	[tilespmem:s18+$0x2C00] =	vst v0  }
0x31: {  	v0 =	vld.idx.msk [tilespmem:v2+s1+$0x0], $0xffff  }
0x32: {  	v5 =	vadd.s32 $0x200, v1;
	v2 =	vld [tilespmem:s17+$0x1030]  }
0x33: {  	v4 =	vld [tilespmem:s17+$0x1010]  }
0x34: {  	v3 =	vld [tilespmem:s17+$0x1020];
	_ =	sdelay $0x1  }
0x35: {  	[tilespmem:s18+$0x3000] =	vst v0  }
0x36: {  	v0 =	vld.idx.msk [tilespmem:v5+s1+$0x0], $0xffff  }
0x37: {  	v5 =	vadd.s32 $0x240, v1;
	_ =	sdelay $0x1  }
0x38: {  	v6 =	vld.idx.msk [tilespmem:v2+s1+$0x0], $0xffff  }
0x39: {  	v7 =	vld.idx.msk [tilespmem:v4+s1+$0x0], $0xffff;
	v8 =	vadd.s32 $0x40, v2  }
0x3a: {  	v9 =	vadd.s32 $0x40, v4;
	[tilespmem:s18+$0x3400] =	vst v0;
	v0 =	vld.idx.msk [tilespmem:v3+s1+$0x0], $0xffff  }
0x3b: {  	v10 =	vadd.s32 $0x40, v3;
	v5 =	vld.idx.msk [tilespmem:v5+s1+$0x0], $0xffff;
	_ =	sdelay $0x1  }
0x3c: {  	v11 =	vadd.s32 $0x280, v1;
	[tilespmem:s17+$0x1430] =	vst v6  }
0x3d: {  	[tilespmem:s17+$0x1410] =	vst v7;
	v6 =	vld.idx.msk [tilespmem:v8+s1+$0x0], $0xffff  }
0x3e: {  	v7 =	vld.idx.msk [tilespmem:v9+s1+$0x0], $0xffff;
	[tilespmem:s17+$0x1420] =	vst v0;
	v0 =	vadd.s32 $0x80, v2  }
0x3f: {  	[tilespmem:s18+$0x3800] =	vst v5;
	v5 =	vld.idx.msk [tilespmem:v10+s1+$0x0], $0xffff  }
0x40: {  	v8 =	vadd.s32 $0x80, v4  }
0x41: {  	v9 =	vadd.s32 $0x80, v3;
	v10 =	vld.idx.msk [tilespmem:v11+s1+$0x0], $0xffff  }
0x42: {  	v11 =	vadd.s32 $0x2C0, v1;
	[tilespmem:s17+$0x1830] =	vst v6  }
0x43: {  	[tilespmem:s17+$0x1810] =	vst v7;
	v0 =	vld.idx.msk [tilespmem:v0+s1+$0x0], $0xffff  }
0x44: {  	[tilespmem:s17+$0x1820] =	vst v5;
	v5 =	vadd.s32 $0xC0, v2  }
0x45: {  	v6 =	vld.idx.msk [tilespmem:v8+s1+$0x0], $0xffff  }
0x46: {  	v7 =	vadd.s32 $0xC0, v4;
	[tilespmem:s18+$0x3C00] =	vst v10;
	v8 =	vld.idx.msk [tilespmem:v9+s1+$0x0], $0xffff  }
0x47: {  	v9 =	vadd.s32 $0xC0, v3;
	v10 =	vld.idx.msk [tilespmem:v11+s1+$0x0], $0xffff  }
0x48: {  	v11 =	vadd.s32 $0x300, v1;
	[tilespmem:s17+$0x1C30] =	vst v0  }
0x49: {  	v0 =	vld.idx.msk [tilespmem:v5+s1+$0x0], $0xffff  }
0x4a: {  	[tilespmem:s17+$0x1C10] =	vst v6;
	v6 =	vadd.s32 $0x100, v2  }
0x4b: {  	v5 =	vld.idx.msk [tilespmem:v7+s1+$0x0], $0xffff;
	[tilespmem:s17+$0x1C20] =	vst v8  }
0x4c: {  	v7 =	vadd.s32 $0x100, v4;
	[tilespmem:s18+$0x4000] =	vst v10;
	v8 =	vld.idx.msk [tilespmem:v9+s1+$0x0], $0xffff  }
0x4d: {  	v9 =	vadd.s32 $0x100, v3;
	v10 =	vld.idx.msk [tilespmem:v11+s1+$0x0], $0xffff  }
0x4e: {  	v11 =	vadd.s32 $0x340, v1;
	[tilespmem:s17+$0x2030] =	vst v0  }
0x4f: {  	v0 =	vld.idx.msk [tilespmem:v6+s1+$0x0], $0xffff  }
0x50: {  	[tilespmem:s17+$0x2010] =	vst v5;
	v6 =	vadd.s32 $0x140, v2  }
0x51: {  	v5 =	vld.idx.msk [tilespmem:v7+s1+$0x0], $0xffff;
	[tilespmem:s17+$0x2020] =	vst v8  }
0x52: {  	v7 =	vadd.s32 $0x140, v4;
	[tilespmem:s18+$0x4400] =	vst v10;
	v8 =	vld.idx.msk [tilespmem:v9+s1+$0x0], $0xffff  }
0x53: {  	v9 =	vadd.s32 $0x140, v3;
	v10 =	vld.idx.msk [tilespmem:v11+s1+$0x0], $0xffff  }
0x54: {  	v11 =	vadd.s32 $0x380, v1;
	[tilespmem:s17+$0x2430] =	vst v0  }
0x55: {  	v0 =	vld.idx.msk [tilespmem:v6+s1+$0x0], $0xffff  }
0x56: {  	[tilespmem:s17+$0x2410] =	vst v5;
	v6 =	vadd.s32 $0x180, v2  }
0x57: {  	v5 =	vld.idx.msk [tilespmem:v7+s1+$0x0], $0xffff;
	[tilespmem:s17+$0x2420] =	vst v8  }
0x58: {  	v7 =	vadd.s32 $0x180, v4;
	[tilespmem:s18+$0x4800] =	vst v10;
	v8 =	vld.idx.msk [tilespmem:v9+s1+$0x0], $0xffff  }
0x59: {  	v9 =	vadd.s32 $0x180, v3;
	v10 =	vld.idx.msk [tilespmem:v11+s1+$0x0], $0xffff  }
0x5a: {  	v11 =	vadd.s32 $0x3C0, v1;
	[tilespmem:s17+$0x2830] =	vst v0  }
0x5b: {  	v0 =	vld.idx.msk [tilespmem:v6+s1+$0x0], $0xffff  }
0x5c: {  	[tilespmem:s17+$0x2810] =	vst v5;
	v6 =	vadd.s32 $0x1C0, v2  }
0x5d: {  	v5 =	vld.idx.msk [tilespmem:v7+s1+$0x0], $0xffff;
	[tilespmem:s17+$0x2820] =	vst v8  }
0x5e: {  	v7 =	vadd.s32 $0x1C0, v4;
	[tilespmem:s18+$0x4C00] =	vst v10;
	v8 =	vld.idx.msk [tilespmem:v9+s1+$0x0], $0xffff  }
0x5f: {  	v9 =	vadd.s32 $0x1C0, v3;
	v10 =	vld.idx.msk [tilespmem:v11+s1+$0x0], $0xffff  }
0x60: {  	v11 =	vadd.s32 $0x400, v1;
	[tilespmem:s17+$0x2C30] =	vst v0  }
0x61: {  	v0 =	vld.idx.msk [tilespmem:v6+s1+$0x0], $0xffff  }
0x62: {  	[tilespmem:s17+$0x2C10] =	vst v5;
	v6 =	vadd.s32 $0x200, v2  }
0x63: {  	v5 =	vld.idx.msk [tilespmem:v7+s1+$0x0], $0xffff;
	[tilespmem:s17+$0x2C20] =	vst v8  }
0x64: {  	v7 =	vadd.s32 $0x200, v4;
	[tilespmem:s18+$0x5000] =	vst v10;
	v8 =	vld.idx.msk [tilespmem:v9+s1+$0x0], $0xffff  }
0x65: {  	v9 =	vadd.s32 $0x200, v3;
	v10 =	vld.idx.msk [tilespmem:v11+s1+$0x0], $0xffff  }
0x66: {  	v11 =	vadd.s32 $0x440, v1;
	[tilespmem:s17+$0x3030] =	vst v0  }
0x67: {  	v0 =	vld.idx.msk [tilespmem:v6+s1+$0x0], $0xffff  }
0x68: {  	[tilespmem:s17+$0x3010] =	vst v5;
	v6 =	vadd.s32 $0x240, v2  }
0x69: {  	v5 =	vld.idx.msk [tilespmem:v7+s1+$0x0], $0xffff;
	[tilespmem:s17+$0x3020] =	vst v8  }
0x6a: {  	v7 =	vadd.s32 $0x240, v4;
	[tilespmem:s18+$0x5400] =	vst v10;
	v8 =	vld.idx.msk [tilespmem:v9+s1+$0x0], $0xffff  }
0x6b: {  	v9 =	vadd.s32 $0x240, v3;
	v10 =	vld.idx.msk [tilespmem:v11+s1+$0x0], $0xffff  }
0x6c: {  	v11 =	vadd.s32 $0x480, v1;
	[tilespmem:s17+$0x3430] =	vst v0  }
0x6d: {  	v0 =	vld.idx.msk [tilespmem:v6+s1+$0x0], $0xffff  }
0x6e: {  	[tilespmem:s17+$0x3410] =	vst v5;
	v6 =	vadd.s32 $0x280, v2  }
0x6f: {  	v5 =	vld.idx.msk [tilespmem:v7+s1+$0x0], $0xffff;
	[tilespmem:s17+$0x3420] =	vst v8  }
0x70: {  	v7 =	vadd.s32 $0x280, v4;
	[tilespmem:s18+$0x5800] =	vst v10;
	v8 =	vld.idx.msk [tilespmem:v9+s1+$0x0], $0xffff  }
0x71: {  	v9 =	vadd.s32 $0x280, v3;
	v10 =	vld.idx.msk [tilespmem:v11+s1+$0x0], $0xffff  }
0x72: {  	v11 =	vadd.s32 $0x4C0, v1;
	[tilespmem:s17+$0x3830] =	vst v0  }
0x73: {  	v0 =	vld.idx.msk [tilespmem:v6+s1+$0x0], $0xffff  }
0x74: {  	[tilespmem:s17+$0x3810] =	vst v5;
	v6 =	vadd.s32 $0x2C0, v2  }
0x75: {  	v5 =	vld.idx.msk [tilespmem:v7+s1+$0x0], $0xffff;
	[tilespmem:s17+$0x3820] =	vst v8  }
0x76: {  	v7 =	vadd.s32 $0x2C0, v4;
	[tilespmem:s18+$0x5C00] =	vst v10;
	v8 =	vld.idx.msk [tilespmem:v9+s1+$0x0], $0xffff  }
0x77: {  	v9 =	vadd.s32 $0x2C0, v3;
	v10 =	vld.idx.msk [tilespmem:v11+s1+$0x0], $0xffff  }
0x78: {  	v11 =	vadd.s32 $0x500, v1;
	[tilespmem:s17+$0x3C30] =	vst v0  }
0x79: {  	v0 =	vld.idx.msk [tilespmem:v6+s1+$0x0], $0xffff  }
0x7a: {  	[tilespmem:s17+$0x3C10] =	vst v5;
	v6 =	vadd.s32 $0x300, v2  }
0x7b: {  	v5 =	vld.idx.msk [tilespmem:v7+s1+$0x0], $0xffff;
	[tilespmem:s17+$0x3C20] =	vst v8  }
0x7c: {  	v7 =	vadd.s32 $0x300, v4;
	[tilespmem:s18+$0x6000] =	vst v10;
	v8 =	vld.idx.msk [tilespmem:v9+s1+$0x0], $0xffff  }
0x7d: {  	v9 =	vadd.s32 $0x300, v3;
	v10 =	vld.idx.msk [tilespmem:v11+s1+$0x0], $0xffff  }
0x7e: {  	v11 =	vadd.s32 $0x540, v1;
	[tilespmem:s17+$0x4030] =	vst v0  }
0x7f: {  	v0 =	vld.idx.msk [tilespmem:v6+s1+$0x0], $0xffff  }
0x80: {  	[tilespmem:s17+$0x4010] =	vst v5;
	v6 =	vadd.s32 $0x340, v2  }
0x81: {  	v5 =	vld.idx.msk [tilespmem:v7+s1+$0x0], $0xffff;
	[tilespmem:s17+$0x4020] =	vst v8  }
0x82: {  	v7 =	vadd.s32 $0x340, v4;
	[tilespmem:s18+$0x6400] =	vst v10;
	v8 =	vld.idx.msk [tilespmem:v9+s1+$0x0], $0xffff  }
0x83: {  	v9 =	vadd.s32 $0x340, v3;
	v10 =	vld.idx.msk [tilespmem:v11+s1+$0x0], $0xffff  }
0x84: {  	v11 =	vadd.s32 $0x580, v1;
	[tilespmem:s17+$0x4430] =	vst v0  }
0x85: {  	v0 =	vld.idx.msk [tilespmem:v6+s1+$0x0], $0xffff  }
0x86: {  	[tilespmem:s17+$0x4410] =	vst v5;
	v6 =	vadd.s32 $0x380, v2  }
0x87: {  	v5 =	vld.idx.msk [tilespmem:v7+s1+$0x0], $0xffff;
	[tilespmem:s17+$0x4420] =	vst v8  }
0x88: {  	v7 =	vadd.s32 $0x380, v4;
	[tilespmem:s18+$0x6800] =	vst v10;
	v8 =	vld.idx.msk [tilespmem:v9+s1+$0x0], $0xffff  }
0x89: {  	v9 =	vadd.s32 $0x380, v3;
	v10 =	vld.idx.msk [tilespmem:v11+s1+$0x0], $0xffff  }
0x8a: {  	v11 =	vadd.s32 $0x5C0, v1;
	[tilespmem:s17+$0x4830] =	vst v0  }
0x8b: {  	v0 =	vld.idx.msk [tilespmem:v6+s1+$0x0], $0xffff  }
0x8c: {  	[tilespmem:s17+$0x4810] =	vst v5;
	v6 =	vadd.s32 $0x3C0, v2  }
0x8d: {  	v5 =	vld.idx.msk [tilespmem:v7+s1+$0x0], $0xffff;
	[tilespmem:s17+$0x4820] =	vst v8  }
0x8e: {  	v7 =	vadd.s32 $0x3C0, v4;
	[tilespmem:s18+$0x6C00] =	vst v10;
	v8 =	vld.idx.msk [tilespmem:v9+s1+$0x0], $0xffff  }
0x8f: {  	v9 =	vadd.s32 $0x3C0, v3;
	v10 =	vld.idx.msk [tilespmem:v11+s1+$0x0], $0xffff  }
0x90: {  	v11 =	vadd.s32 $0x600, v1;
	[tilespmem:s17+$0x4C30] =	vst v0  }
0x91: {  	v0 =	vld.idx.msk [tilespmem:v6+s1+$0x0], $0xffff  }
0x92: {  	[tilespmem:s17+$0x4C10] =	vst v5;
	v6 =	vadd.s32 $0x400, v2  }
0x93: {  	v5 =	vld.idx.msk [tilespmem:v7+s1+$0x0], $0xffff;
	[tilespmem:s17+$0x4C20] =	vst v8  }
0x94: {  	v7 =	vadd.s32 $0x400, v4;
	[tilespmem:s18+$0x7000] =	vst v10;
	v8 =	vld.idx.msk [tilespmem:v9+s1+$0x0], $0xffff  }
0x95: {  	v9 =	vadd.s32 $0x400, v3;
	v10 =	vld.idx.msk [tilespmem:v11+s1+$0x0], $0xffff  }
0x96: {  	v11 =	vadd.s32 $0x640, v1;
	[tilespmem:s17+$0x5030] =	vst v0  }
0x97: {  	v0 =	vld.idx.msk [tilespmem:v6+s1+$0x0], $0xffff  }
0x98: {  	[tilespmem:s17+$0x5010] =	vst v5;
	v6 =	vadd.s32 $0x440, v2  }
0x99: {  	v5 =	vld.idx.msk [tilespmem:v7+s1+$0x0], $0xffff;
	[tilespmem:s17+$0x5020] =	vst v8  }
0x9a: {  	v7 =	vadd.s32 $0x440, v4;
	[tilespmem:s18+$0x7400] =	vst v10;
	v8 =	vld.idx.msk [tilespmem:v9+s1+$0x0], $0xffff  }
0x9b: {  	v9 =	vadd.s32 $0x440, v3;
	v10 =	vld.idx.msk [tilespmem:v11+s1+$0x0], $0xffff  }
0x9c: {  	v11 =	vadd.s32 $0x680, v1;
	[tilespmem:s17+$0x5430] =	vst v0  }
0x9d: {  	v0 =	vld.idx.msk [tilespmem:v6+s1+$0x0], $0xffff  }
0x9e: {  	[tilespmem:s17+$0x5410] =	vst v5;
	v6 =	vadd.s32 $0x480, v2  }
0x9f: {  	v5 =	vld.idx.msk [tilespmem:v7+s1+$0x0], $0xffff;
	[tilespmem:s17+$0x5420] =	vst v8  }
0xa0: {  	v7 =	vadd.s32 $0x480, v4;
	[tilespmem:s18+$0x7800] =	vst v10;
	v8 =	vld.idx.msk [tilespmem:v9+s1+$0x0], $0xffff  }
0xa1: {  	v9 =	vadd.s32 $0x480, v3;
	v10 =	vld.idx.msk [tilespmem:v11+s1+$0x0], $0xffff  }
0xa2: {  	v11 =	vadd.s32 $0x6C0, v1;
	[tilespmem:s17+$0x5830] =	vst v0  }
0xa3: {  	v0 =	vld.idx.msk [tilespmem:v6+s1+$0x0], $0xffff  }
0xa4: {  	[tilespmem:s17+$0x5810] =	vst v5;
	v6 =	vadd.s32 $0x4C0, v2  }
0xa5: {  	v5 =	vld.idx.msk [tilespmem:v7+s1+$0x0], $0xffff;
	[tilespmem:s17+$0x5820] =	vst v8  }
0xa6: {  	v7 =	vadd.s32 $0x4C0, v4;
	[tilespmem:s18+$0x7C00] =	vst v10;
	v8 =	vld.idx.msk [tilespmem:v9+s1+$0x0], $0xffff  }
0xa7: {  	v9 =	vadd.s32 $0x4C0, v3;
	v10 =	vld.idx.msk [tilespmem:v11+s1+$0x0], $0xffff  }
0xa8: {  	v11 =	vadd.s32 $0x700, v1;
	[tilespmem:s17+$0x5C30] =	vst v0  }
0xa9: {  	v0 =	vld.idx.msk [tilespmem:v6+s1+$0x0], $0xffff  }
0xaa: {  	[tilespmem:s17+$0x5C10] =	vst v5;
	v6 =	vadd.s32 $0x500, v2  }
0xab: {  	v5 =	vld.idx.msk [tilespmem:v7+s1+$0x0], $0xffff;
	[tilespmem:s17+$0x5C20] =	vst v8  }
0xac: {  	v7 =	vadd.s32 $0x500, v4;
	[tilespmem:s18+$0x8000] =	vst v10;
	v8 =	vld.idx.msk [tilespmem:v9+s1+$0x0], $0xffff  }
0xad: {  	v9 =	vadd.s32 $0x500, v3;
	v10 =	vld.idx.msk [tilespmem:v11+s1+$0x0], $0xffff  }
0xae: {  	v11 =	vadd.s32 $0x740, v1;
	[tilespmem:s17+$0x6030] =	vst v0  }
0xaf: {  	v0 =	vld.idx.msk [tilespmem:v6+s1+$0x0], $0xffff  }
0xb0: {  	[tilespmem:s17+$0x6010] =	vst v5;
	v6 =	vadd.s32 $0x540, v2  }
0xb1: {  	v5 =	vld.idx.msk [tilespmem:v7+s1+$0x0], $0xffff;
	[tilespmem:s17+$0x6020] =	vst v8  }
0xb2: {  	v7 =	vadd.s32 $0x540, v4;
	[tilespmem:s18+$0x8400] =	vst v10;
	v8 =	vld.idx.msk [tilespmem:v9+s1+$0x0], $0xffff  }
0xb3: {  	v9 =	vadd.s32 $0x540, v3;
	v10 =	vld.idx.msk [tilespmem:v11+s1+$0x0], $0xffff  }
0xb4: {  	v11 =	vadd.s32 $0x780, v1;
	[tilespmem:s17+$0x6430] =	vst v0  }
0xb5: {  	v0 =	vld.idx.msk [tilespmem:v6+s1+$0x0], $0xffff  }
0xb6: {  	[tilespmem:s17+$0x6410] =	vst v5;
	v6 =	vadd.s32 $0x580, v2  }
0xb7: {  	v5 =	vld.idx.msk [tilespmem:v7+s1+$0x0], $0xffff;
	[tilespmem:s17+$0x6420] =	vst v8  }
0xb8: {  	v7 =	vadd.s32 $0x580, v4;
	[tilespmem:s18+$0x8800] =	vst v10;
	v8 =	vld.idx.msk [tilespmem:v9+s1+$0x0], $0xffff  }
0xb9: {  	v9 =	vadd.s32 $0x580, v3;
	v10 =	vld.idx.msk [tilespmem:v11+s1+$0x0], $0xffff  }
0xba: {  	v11 =	vadd.s32 $0x7C0, v1;
	[tilespmem:s17+$0x6830] =	vst v0  }
0xbb: {  	v0 =	vld.idx.msk [tilespmem:v6+s1+$0x0], $0xffff  }
0xbc: {  	[tilespmem:s17+$0x6810] =	vst v5;
	v6 =	vadd.s32 $0x5C0, v2  }
0xbd: {  	v5 =	vld.idx.msk [tilespmem:v7+s1+$0x0], $0xffff;
	[tilespmem:s17+$0x6820] =	vst v8  }
0xbe: {  	v8 =	vadd.s32 $0x5C0, v4;
	[tilespmem:s18+$0x8C00] =	vst v10;
	v7 =	vld.idx.msk [tilespmem:v9+s1+$0x0], $0xffff  }
0xbf: {  	v10 =	vadd.s32 $0x5C0, v3;
	v9 =	vld.idx.msk [tilespmem:v11+s1+$0x0], $0xffff  }
0xc0: {  	v11 =	vadd.s32 $0x800, v1;
	[tilespmem:s17+$0x6C30] =	vst v0  }
0xc1: {  	v0 =	vld.idx.msk [tilespmem:v6+s1+$0x0], $0xffff  }
0xc2: {  	[tilespmem:s17+$0x6C10] =	vst v5;
	v5 =	vadd.s32 $0x600, v2  }
0xc3: {  	v6 =	vld.idx.msk [tilespmem:v8+s1+$0x0], $0xffff;
	[tilespmem:s17+$0x6C20] =	vst v7  }
0xc4: {  	v7 =	vadd.s32 $0x600, v4;
	[tilespmem:s18+$0x9000] =	vst v9;
	v8 =	vld.idx.msk [tilespmem:v10+s1+$0x0], $0xffff  }
0xc5: {  	v9 =	vadd.s32 $0x600, v3;
	v10 =	vld.idx.msk [tilespmem:v11+s1+$0x0], $0xffff  }
0xc6: {  	v11 =	vadd.s32 $0x840, v1;
	[tilespmem:s17+$0x7030] =	vst v0  }
0xc7: {  	v0 =	vld.idx.msk [tilespmem:v5+s1+$0x0], $0xffff  }
0xc8: {  	[tilespmem:s17+$0x7010] =	vst v6;
	v5 =	vadd.s32 $0x640, v2  }
0xc9: {  	v6 =	vld.idx.msk [tilespmem:v7+s1+$0x0], $0xffff;
	[tilespmem:s17+$0x7020] =	vst v8  }
0xca: {  	v7 =	vadd.s32 $0x640, v4;
	[tilespmem:s18+$0x9400] =	vst v10;
	v8 =	vld.idx.msk [tilespmem:v9+s1+$0x0], $0xffff  }
0xcb: {  	v9 =	vadd.s32 $0x640, v3;
	v10 =	vld.idx.msk [tilespmem:v11+s1+$0x0], $0xffff  }
0xcc: {  	v11 =	vadd.s32 $0x880, v1;
	[tilespmem:s17+$0x7430] =	vst v0  }
0xcd: {  	v0 =	vld.idx.msk [tilespmem:v5+s1+$0x0], $0xffff  }
0xce: {  	[tilespmem:s17+$0x7410] =	vst v6;
	v5 =	vadd.s32 $0x680, v2  }
0xcf: {  	v6 =	vld.idx.msk [tilespmem:v7+s1+$0x0], $0xffff;
	[tilespmem:s17+$0x7420] =	vst v8  }
0xd0: {  	v7 =	vadd.s32 $0x680, v4;
	[tilespmem:s18+$0x9800] =	vst v10;
	v8 =	vld.idx.msk [tilespmem:v9+s1+$0x0], $0xffff  }
0xd1: {  	v9 =	vadd.s32 $0x680, v3;
	v10 =	vld.idx.msk [tilespmem:v11+s1+$0x0], $0xffff  }
0xd2: {  	v11 =	vadd.s32 $0x8C0, v1;
	[tilespmem:s17+$0x7830] =	vst v0  }
0xd3: {  	v0 =	vld.idx.msk [tilespmem:v5+s1+$0x0], $0xffff  }
0xd4: {  	[tilespmem:s17+$0x7810] =	vst v6;
	v5 =	vadd.s32 $0x6C0, v2  }
0xd5: {  	v7 =	vld.idx.msk [tilespmem:v7+s1+$0x0], $0xffff;
	[tilespmem:s17+$0x7820] =	vst v8  }
0xd6: {  	v8 =	vadd.s32 $0x6C0, v4;
	[tilespmem:s18+$0x9C00] =	vst v10;
	v9 =	vld.idx.msk [tilespmem:v9+s1+$0x0], $0xffff  }
0xd7: {  	s19 =	simm.s32 $0x40;
	v10 =	vadd.s32 $0x6C0, v3;
	v11 =	vld.idx.msk [tilespmem:v11+s1+$0x0], $0xffff  }
0xd8: {  	v12 =	vadd.s32 $0x900, v1;
	v6 =	vld [tilespmem:s19+$0x1000];
	[tilespmem:s17+$0x7C30] =	vst v0  }
0xd9: {  	v0 =	vld.idx.msk [tilespmem:v5+s1+$0x0], $0xffff  }
0xda: {  	[tilespmem:s17+$0x7C10] =	vst v7;
	v5 =	vadd.s32 $0x700, v2  }
0xdb: {  	v7 =	vld.idx.msk [tilespmem:v8+s1+$0x0], $0xffff;
	[tilespmem:s17+$0x7C20] =	vst v9  }
0xdc: {  	v8 =	vadd.s32 $0x700, v4;
	[tilespmem:s18+$0xA000] =	vst v11;
	v9 =	vld.idx.msk [tilespmem:v10+s1+$0x0], $0xffff  }
0xdd: {  	v10 =	vadd.s32 $0x700, v3;
	v11 =	vld.idx.msk [tilespmem:v12+s1+$0x0], $0xffff  }
0xde: {  	v12 =	vadd.s32 $0x940, v1;
	[tilespmem:s17+$0x8030] =	vst v0  }
0xdf: {  	v0 =	vld.idx.msk [tilespmem:v5+s1+$0x0], $0xffff  }
0xe0: {  	[tilespmem:s17+$0x8010] =	vst v7;
	v7 =	vadd.s32 $0x740, v2;
	v5 =	vld.idx.msk [tilespmem:v6+s1+$0x0], $0xffff  }
0xe1: {  	v13 =	vadd.s32 $0x40, v6;
	v8 =	vld.idx.msk [tilespmem:v8+s1+$0x0], $0xffff;
	[tilespmem:s17+$0x8020] =	vst v9  }
0xe2: {  	v9 =	vadd.s32 $0x740, v4;
	[tilespmem:s18+$0xA400] =	vst v11;
	v10 =	vld.idx.msk [tilespmem:v10+s1+$0x0], $0xffff  }
0xe3: {  	v11 =	vadd.s32 $0x740, v3;
	v12 =	vld.idx.msk [tilespmem:v12+s1+$0x0], $0xffff  }
0xe4: {  	v14 =	vadd.s32 $0x980, v1;
	[tilespmem:s17+$0x8430] =	vst v0  }
0xe5: {  	[tilespmem:s19+$0x1400] =	vst v5;
	v0 =	vld.idx.msk [tilespmem:v7+s1+$0x0], $0xffff  }
0xe6: {  	[tilespmem:s17+$0x8410] =	vst v8;
	v5 =	vld.idx.msk [tilespmem:v13+s1+$0x0], $0xffff;
	v7 =	vadd.s32 $0x780, v2  }
0xe7: {  	v8 =	vadd.s32 $0x80, v6;
	v9 =	vld.idx.msk [tilespmem:v9+s1+$0x0], $0xffff;
	[tilespmem:s17+$0x8420] =	vst v10  }
0xe8: {  	v10 =	vadd.s32 $0x780, v4;
	[tilespmem:s18+$0xA800] =	vst v12;
	v11 =	vld.idx.msk [tilespmem:v11+s1+$0x0], $0xffff  }
0xe9: {  	s21 =	simm.s32 $0x40;
	v12 =	vadd.s32 $0x780, v3;
	v13 =	vld.idx.msk [tilespmem:v14+s1+$0x0], $0xffff  }
0xea: {  	s20 =	sand.u32 $0x3C0, s21;
	v14 =	vadd.s32 $0x9C0, v1;
	[tilespmem:s17+$0x8830] =	vst v0  }
0xeb: {  	[tilespmem:s20+$0x1800] =	vst v5;
	v0 =	vld.idx.msk [tilespmem:v7+s1+$0x0], $0xffff  }
0xec: {  	[tilespmem:s17+$0x8810] =	vst v9;
	v5 =	vld.idx.msk [tilespmem:v8+s1+$0x0], $0xffff  }
0xed: {  	v7 =	vadd.s32 $0x7C0, v2;
	v9 =	vld.idx.msk [tilespmem:v10+s1+$0x0], $0xffff;
	[tilespmem:s17+$0x8820] =	vst v11  }
0xee: {  	v8 =	vadd.s32 $0xC0, v6;
	[tilespmem:s18+$0xAC00] =	vst v13;
	v11 =	vld.idx.msk [tilespmem:v12+s1+$0x0], $0xffff  }
0xef: {  	v10 =	vadd.s32 $0x7C0, v4;
	v13 =	vld.idx.msk [tilespmem:v14+s1+$0x0], $0xffff  }
0xf0: {  	v12 =	vadd.s32 $0x7C0, v3;
	[tilespmem:s17+$0x8C30] =	vst v0  }
0xf1: {  	v14 =	vadd.s32 $0xA00, v1;
	[tilespmem:s20+$0x1C00] =	vst v5  }
0xf2: {  	[tilespmem:s17+$0x8C10] =	vst v9;
	v0 =	vld.idx.msk [tilespmem:v7+s1+$0x0], $0xffff  }
0xf3: {  	v5 =	vld.idx.msk [tilespmem:v8+s1+$0x0], $0xffff;
	v7 =	vadd.s32 $0x800, v2;
	[tilespmem:s17+$0x8C20] =	vst v11  }
0xf4: {  	v8 =	vadd.s32 $0x100, v6;
	v9 =	vld.idx.msk [tilespmem:v10+s1+$0x0], $0xffff;
	[tilespmem:s18+$0xB000] =	vst v13  }
0xf5: {  	v10 =	vadd.s32 $0x800, v4;
	v11 =	vld.idx.msk [tilespmem:v12+s1+$0x0], $0xffff  }
0xf6: {  	v12 =	vadd.s32 $0x800, v3;
	v13 =	vld.idx.msk [tilespmem:v14+s1+$0x0], $0xffff  }
0xf7: {  	v14 =	vadd.s32 $0xA40, v1;
	[tilespmem:s17+$0x9030] =	vst v0  }
0xf8: {  	[tilespmem:s20+$0x2000] =	vst v5;
	v0 =	vld.idx.msk [tilespmem:v7+s1+$0x0], $0xffff  }
0xf9: {  	[tilespmem:s17+$0x9010] =	vst v9;
	v5 =	vld.idx.msk [tilespmem:v8+s1+$0x0], $0xffff;
	v7 =	vadd.s32 $0x840, v2  }
0xfa: {  	v8 =	vadd.s32 $0x140, v6;
	v9 =	vld.idx.msk [tilespmem:v10+s1+$0x0], $0xffff;
	[tilespmem:s17+$0x9020] =	vst v11  }
0xfb: {  	v10 =	vadd.s32 $0x840, v4;
	[tilespmem:s18+$0xB400] =	vst v13;
	v11 =	vld.idx.msk [tilespmem:v12+s1+$0x0], $0xffff  }
0xfc: {  	v12 =	vadd.s32 $0x840, v3;
	v13 =	vld.idx.msk [tilespmem:v14+s1+$0x0], $0xffff  }
0xfd: {  	v14 =	vadd.s32 $0xA80, v1;
	[tilespmem:s17+$0x9430] =	vst v0  }
0xfe: {  	[tilespmem:s20+$0x2400] =	vst v5;
	v0 =	vld.idx.msk [tilespmem:v7+s1+$0x0], $0xffff  }
0xff: {  	[tilespmem:s17+$0x9410] =	vst v9;
	v5 =	vld.idx.msk [tilespmem:v8+s1+$0x0], $0xffff;
	v7 =	vadd.s32 $0x880, v2  }
0x100: {  	v8 =	vadd.s32 $0x180, v6;
	v9 =	vld.idx.msk [tilespmem:v10+s1+$0x0], $0xffff;
	[tilespmem:s17+$0x9420] =	vst v11  }
0x101: {  	v10 =	vadd.s32 $0x880, v4;
	[tilespmem:s18+$0xB800] =	vst v13;
	v11 =	vld.idx.msk [tilespmem:v12+s1+$0x0], $0xffff  }
0x102: {  	v12 =	vadd.s32 $0x880, v3;
	v13 =	vld.idx.msk [tilespmem:v14+s1+$0x0], $0xffff  }
0x103: {  	v60 =	vld [tilespmem:s19+$0x1020];
	v14 =	vadd.s32 $0xAC0, v1;
	[tilespmem:s17+$0x9830] =	vst v0  }
0x104: {  	[tilespmem:s20+$0x2800] =	vst v5;
	v0 =	vld.idx.msk [tilespmem:v7+s1+$0x0], $0xffff  }
0x105: {  	[tilespmem:s17+$0x9810] =	vst v9;
	v5 =	vld.idx.msk [tilespmem:v8+s1+$0x0], $0xffff;
	v7 =	vadd.s32 $0x8C0, v2  }
0x106: {  	v8 =	vadd.s32 $0x1C0, v6;
	v9 =	vld.idx.msk [tilespmem:v10+s1+$0x0], $0xffff;
	[tilespmem:s17+$0x9820] =	vst v11  }
0x107: {  	v10 =	vadd.s32 $0x8C0, v4;
	[tilespmem:s18+$0xBC00] =	vst v13;
	v11 =	vld.idx.msk [tilespmem:v12+s1+$0x0], $0xffff  }
0x108: {  	v12 =	vadd.s32 $0x8C0, v3;
	v13 =	vld.idx.msk [tilespmem:v14+s1+$0x0], $0xffff  }
0x109: {  	v14 =	vadd.s32 $0xB00, v1;
	[tilespmem:s17+$0x9C30] =	vst v0;
	v0 =	vld [tilespmem:s19+$0x1030]  }
0x10a: {  	[tilespmem:s20+$0x2C00] =	vst v5;
	v5 =	vld.idx.msk [tilespmem:v7+s1+$0x0], $0xffff  }
0x10b: {  	[tilespmem:s17+$0x9C10] =	vst v9;
	v8 =	vld.idx.msk [tilespmem:v8+s1+$0x0], $0xffff;
	v7 =	vadd.s32 $0x900, v2  }
0x10c: {  	v9 =	vld.idx.msk [tilespmem:v10+s1+$0x0], $0xffff;
	[tilespmem:s17+$0x9C20] =	vst v11  }
0x10d: {  	[tilespmem:s18+$0xC000] =	vst v13;
	v11 =	vadd.s32 $0x200, v6;
	v10 =	vld.idx.msk [tilespmem:v12+s1+$0x0], $0xffff  }
0x10e: {  	v13 =	vadd.s32 $0x900, v4;
	v12 =	vld.idx.msk [tilespmem:v14+s1+$0x0], $0xffff  }
0x10f: {  	v15 =	vadd.s32 $0xB40, v1;
	v17 =	vld.idx.msk [tilespmem:v60+s1+$0x0], $0xffff;
	[tilespmem:s17+$0xA030] =	vst v5  }
0x110: {  	[tilespmem:s20+$0x3000] =	vst v8;
	v14 =	vld.idx.msk [tilespmem:v7+s1+$0x0], $0xffff  }
0x111: {  	v5 =	vadd.s32 $0x900, v3;
	[tilespmem:s17+$0xA010] =	vst v9;
	v7 =	vld [tilespmem:s19+$0x1010]  }
0x112: {  	v8 =	vadd.s32 $0x940, v2;
	v9 =	vld.idx.msk [tilespmem:v11+s1+$0x0], $0xffff;
	[tilespmem:s17+$0xA020] =	vst v10  }
0x113: {  	v11 =	vadd.s32 $0x240, v6;
	v10 =	vld.idx.msk [tilespmem:v13+s1+$0x0], $0xffff;
	[tilespmem:s18+$0xC400] =	vst v12  }
0x114: {  	v12 =	vld.idx.msk [tilespmem:v15+s1+$0x0], $0xffff  }
0x115: {  	v13 =	vadd.s32 $0x940, v4;
	v15 =	vld.idx.msk [tilespmem:v0+s1+$0x0], $0xffff  }
0x116: {  	v5 =	vld.idx.msk [tilespmem:v5+s1+$0x0], $0xffff;
	[tilespmem:s17+$0xA430] =	vst v14  }
0x117: {  	v14 =	vadd.s32 $0x940, v3;
	v8 =	vld.idx.msk [tilespmem:v8+s1+$0x0], $0xffff;
	[tilespmem:s20+$0x3400] =	vst v9  }
0x118: {  	v16 =	vadd.s32 $0x980, v2;
	[tilespmem:s17+$0xA410] =	vst v10;
	v11 =	vld.idx.msk [tilespmem:v11+s1+$0x0], $0xffff  }
0x119: {  	v18 =	vadd.s32 $0x40, v0;
	v9 =	vld.idx.msk [tilespmem:v7+s1+$0x0], $0xffff;
	[tilespmem:s18+$0xC800] =	vst v12  }
0x11a: {  	v12 =	vld.idx.msk [tilespmem:v13+s1+$0x0], $0xffff;
	v13 =	vadd.s32 $0x280, v6;
	[tilespmem:s19+$0x1430] =	vst v15  }
0x11b: {  	v10 =	vadd.s32 $0x40, v7;
	[tilespmem:s17+$0xA420] =	vst v5  }
0x11c: {  	v5 =	vadd.s32 $0x40, v60;
	v14 =	vld.idx.msk [tilespmem:v14+s1+$0x0], $0xffff;
	[tilespmem:s17+$0xA830] =	vst v8  }
0x11d: {  	v8 =	vadd.s32 $0x980, v4;
	v15 =	vld.idx.msk [tilespmem:v16+s1+$0x0], $0xffff;
	[tilespmem:s20+$0x3800] =	vst v11  }
0x11e: {  	v16 =	vadd.s32 $0x980, v3;
	[tilespmem:s19+$0x1410] =	vst v9;
	v9 =	vld.idx.msk [tilespmem:v18+s1+$0x0], $0xffff  }
0x11f: {  	[tilespmem:s19+$0x1420] =	vst v17;
	v17 =	vadd.s32 $0x9C0, v2;
	v13 =	vld.idx.msk [tilespmem:v13+s1+$0x0], $0xffff  }
0x120: {  	v11 =	vadd.s32 $0x80, v0;
	[tilespmem:s17+$0xA810] =	vst v12;
	v10 =	vld.idx.msk [tilespmem:v10+s1+$0x0], $0xffff  }
0x121: {  	v18 =	vadd.s32 $0x80, v7;
	v5 =	vld.idx.msk [tilespmem:v5+s1+$0x0], $0xffff;
	[tilespmem:s17+$0xA820] =	vst v14  }
0x122: {  	v12 =	vadd.s32 $0x80, v60;
	v8 =	vld.idx.msk [tilespmem:v8+s1+$0x0], $0xffff;
	[tilespmem:s17+$0xAC30] =	vst v15  }
0x123: {  	v14 =	vadd.s32 $0x2C0, v6;
	v16 =	vld.idx.msk [tilespmem:v16+s1+$0x0], $0xffff;
	[tilespmem:s19+$0x1830] =	vst v9  }
0x124: {  	v15 =	vadd.s32 $0x9C0, v4;
	v9 =	vld.idx.msk [tilespmem:v17+s1+$0x0], $0xffff;
	[tilespmem:s20+$0x3C00] =	vst v13  }
0x125: {  	v17 =	vadd.s32 $0x9C0, v3;
	[tilespmem:s19+$0x1810] =	vst v10;
	v10 =	vld.idx.msk [tilespmem:v11+s1+$0x0], $0xffff  }
0x126: {  	[tilespmem:s19+$0x1820] =	vst v5;
	v5 =	vadd.s32 $0xA00, v2;
	v11 =	vld.idx.msk [tilespmem:v18+s1+$0x0], $0xffff  }
0x127: {  	v13 =	vadd.s32 $0xC0, v0;
	v12 =	vld.idx.msk [tilespmem:v12+s1+$0x0], $0xffff;
	[tilespmem:s17+$0xAC10] =	vst v8  }
0x128: {  	v18 =	vadd.s32 $0xC0, v7;
	v14 =	vld.idx.msk [tilespmem:v14+s1+$0x0], $0xffff;
	[tilespmem:s17+$0xAC20] =	vst v16  }
0x129: {  	v8 =	vadd.s32 $0xC0, v60;
	v15 =	vld.idx.msk [tilespmem:v15+s1+$0x0], $0xffff;
	[tilespmem:s17+$0xB030] =	vst v9  }
0x12a: {  	v16 =	vadd.s32 $0x300, v6;
	v17 =	vld.idx.msk [tilespmem:v17+s1+$0x0], $0xffff;
	[tilespmem:s19+$0x1C30] =	vst v10  }
0x12b: {  	v9 =	vadd.s32 $0xA00, v4;
	v5 =	vld.idx.msk [tilespmem:v5+s1+$0x0], $0xffff;
	[tilespmem:s19+$0x1C10] =	vst v11  }
0x12c: {  	v10 =	vadd.s32 $0xA00, v3;
	v11 =	vld.idx.msk [tilespmem:v13+s1+$0x0], $0xffff;
	[tilespmem:s19+$0x1C20] =	vst v12  }
0x12d: {  	v12 =	vadd.s32 $0xA40, v2;
	[tilespmem:s20+$0x4000] =	vst v14;
	v13 =	vld.idx.msk [tilespmem:v18+s1+$0x0], $0xffff  }
0x12e: {  	v14 =	vadd.s32 $0x100, v0;
	v8 =	vld.idx.msk [tilespmem:v8+s1+$0x0], $0xffff;
	[tilespmem:s17+$0xB010] =	vst v15  }
0x12f: {  	v18 =	vadd.s32 $0x100, v7;
	v16 =	vld.idx.msk [tilespmem:v16+s1+$0x0], $0xffff;
	[tilespmem:s17+$0xB020] =	vst v17  }
0x130: {  	v15 =	vadd.s32 $0x100, v60;
	v9 =	vld.idx.msk [tilespmem:v9+s1+$0x0], $0xffff;
	[tilespmem:s17+$0xB430] =	vst v5  }
0x131: {  	v17 =	vadd.s32 $0x340, v6;
	v10 =	vld.idx.msk [tilespmem:v10+s1+$0x0], $0xffff;
	[tilespmem:s19+$0x2030] =	vst v11  }
0x132: {  	v5 =	vadd.s32 $0xA40, v4;
	v11 =	vld.idx.msk [tilespmem:v12+s1+$0x0], $0xffff;
	[tilespmem:s19+$0x2010] =	vst v13  }
0x133: {  	v12 =	vadd.s32 $0xA40, v3;
	v13 =	vld.idx.msk [tilespmem:v14+s1+$0x0], $0xffff;
	[tilespmem:s19+$0x2020] =	vst v8  }
0x134: {  	v8 =	vadd.s32 $0xA80, v2;
	v14 =	vld.idx.msk [tilespmem:v18+s1+$0x0], $0xffff;
	[tilespmem:s20+$0x4400] =	vst v16  }
0x135: {  	v15 =	vld.idx.msk [tilespmem:v15+s1+$0x0], $0xffff;
	v16 =	vadd.s32 $0x140, v0;
	[tilespmem:s17+$0xB410] =	vst v9  }
0x136: {  	v18 =	vadd.s32 $0x140, v7;
	v17 =	vld.idx.msk [tilespmem:v17+s1+$0x0], $0xffff;
	[tilespmem:s17+$0xB420] =	vst v10  }
0x137: {  	v9 =	vadd.s32 $0x140, v60;
	v5 =	vld.idx.msk [tilespmem:v5+s1+$0x0], $0xffff;
	[tilespmem:s17+$0xB830] =	vst v11  }
0x138: {  	v10 =	vadd.s32 $0x380, v6;
	v12 =	vld.idx.msk [tilespmem:v12+s1+$0x0], $0xffff;
	[tilespmem:s19+$0x2430] =	vst v13  }
0x139: {  	v11 =	vadd.s32 $0xA80, v4;
	v8 =	vld.idx.msk [tilespmem:v8+s1+$0x0], $0xffff;
	[tilespmem:s19+$0x2410] =	vst v14  }
0x13a: {  	v13 =	vadd.s32 $0xA80, v3;
	v14 =	vld.idx.msk [tilespmem:v16+s1+$0x0], $0xffff;
	[tilespmem:s19+$0x2420] =	vst v15  }
0x13b: {  	v15 =	vadd.s32 $0xAC0, v2;
	v16 =	vld.idx.msk [tilespmem:v18+s1+$0x0], $0xffff;
	[tilespmem:s20+$0x4800] =	vst v17  }
0x13c: {  	v9 =	vld.idx.msk [tilespmem:v9+s1+$0x0], $0xffff;
	v17 =	vadd.s32 $0x180, v0;
	[tilespmem:s17+$0xB810] =	vst v5  }
0x13d: {  	v18 =	vadd.s32 $0x180, v7;
	v10 =	vld.idx.msk [tilespmem:v10+s1+$0x0], $0xffff;
	[tilespmem:s17+$0xB820] =	vst v12  }
0x13e: {  	v5 =	vadd.s32 $0x180, v60;
	v11 =	vld.idx.msk [tilespmem:v11+s1+$0x0], $0xffff;
	[tilespmem:s17+$0xBC30] =	vst v8  }
0x13f: {  	v12 =	vadd.s32 $0x3C0, v6;
	v13 =	vld.idx.msk [tilespmem:v13+s1+$0x0], $0xffff;
	[tilespmem:s19+$0x2830] =	vst v14  }
0x140: {  	v8 =	vadd.s32 $0xAC0, v4;
	v14 =	vld.idx.msk [tilespmem:v15+s1+$0x0], $0xffff;
	[tilespmem:s19+$0x2810] =	vst v16  }
0x141: {  	v15 =	vadd.s32 $0xAC0, v3;
	v16 =	vld.idx.msk [tilespmem:v17+s1+$0x0], $0xffff;
	[tilespmem:s19+$0x2820] =	vst v9  }
0x142: {  	v9 =	vadd.s32 $0xB00, v2;
	v17 =	vld.idx.msk [tilespmem:v18+s1+$0x0], $0xffff;
	[tilespmem:s20+$0x4C00] =	vst v10  }
0x143: {  	v5 =	vld.idx.msk [tilespmem:v5+s1+$0x0], $0xffff;
	v10 =	vadd.s32 $0x1C0, v0;
	[tilespmem:s17+$0xBC10] =	vst v11  }
0x144: {  	v18 =	vadd.s32 $0x1C0, v7;
	v12 =	vld.idx.msk [tilespmem:v12+s1+$0x0], $0xffff;
	[tilespmem:s17+$0xBC20] =	vst v13  }
0x145: {  	v11 =	vadd.s32 $0x1C0, v60;
	v8 =	vld.idx.msk [tilespmem:v8+s1+$0x0], $0xffff;
	[tilespmem:s17+$0xC030] =	vst v14  }
0x146: {  	v13 =	vadd.s32 $0x400, v6;
	v15 =	vld.idx.msk [tilespmem:v15+s1+$0x0], $0xffff;
	[tilespmem:s19+$0x2C30] =	vst v16  }
0x147: {  	v14 =	vadd.s32 $0xB00, v4;
	v9 =	vld.idx.msk [tilespmem:v9+s1+$0x0], $0xffff;
	[tilespmem:s19+$0x2C10] =	vst v17  }
0x148: {  	v16 =	vadd.s32 $0xB00, v3;
	v10 =	vld.idx.msk [tilespmem:v10+s1+$0x0], $0xffff;
	[tilespmem:s19+$0x2C20] =	vst v5  }
0x149: {  	v5 =	vadd.s32 $0xB40, v2;
	v17 =	vld.idx.msk [tilespmem:v18+s1+$0x0], $0xffff;
	[tilespmem:s20+$0x5000] =	vst v12  }
0x14a: {  	v11 =	vld.idx.msk [tilespmem:v11+s1+$0x0], $0xffff;
	v12 =	vadd.s32 $0x200, v0;
	[tilespmem:s17+$0xC010] =	vst v8  }
0x14b: {  	v18 =	vadd.s32 $0x200, v7;
	v13 =	vld.idx.msk [tilespmem:v13+s1+$0x0], $0xffff;
	[tilespmem:s17+$0xC020] =	vst v15  }
0x14c: {  	v8 =	vadd.s32 $0x200, v60;
	v14 =	vld.idx.msk [tilespmem:v14+s1+$0x0], $0xffff;
	[tilespmem:s17+$0xC430] =	vst v9  }
0x14d: {  	v15 =	vadd.s32 $0x440, v6;
	v16 =	vld.idx.msk [tilespmem:v16+s1+$0x0], $0xffff;
	[tilespmem:s19+$0x3030] =	vst v10  }
0x14e: {  	v9 =	vadd.s32 $0xB40, v4;
	v5 =	vld.idx.msk [tilespmem:v5+s1+$0x0], $0xffff;
	[tilespmem:s19+$0x3010] =	vst v17  }
0x14f: {  	v10 =	vadd.s32 $0xB40, v3;
	v12 =	vld.idx.msk [tilespmem:v12+s1+$0x0], $0xffff;
	[tilespmem:s19+$0x3020] =	vst v11  }
0x150: {  	v11 =	vadd.s32 $0xB80, v2;
	v17 =	vld.idx.msk [tilespmem:v18+s1+$0x0], $0xffff;
	[tilespmem:s20+$0x5400] =	vst v13  }
0x151: {  	v8 =	vld.idx.msk [tilespmem:v8+s1+$0x0], $0xffff;
	v13 =	vadd.s32 $0x240, v0;
	[tilespmem:s17+$0xC410] =	vst v14  }
0x152: {  	v18 =	vadd.s32 $0x240, v7;
	v15 =	vld.idx.msk [tilespmem:v15+s1+$0x0], $0xffff;
	[tilespmem:s17+$0xC420] =	vst v16  }
0x153: {  	v14 =	vadd.s32 $0x240, v60;
	v9 =	vld.idx.msk [tilespmem:v9+s1+$0x0], $0xffff;
	[tilespmem:s17+$0xC830] =	vst v5  }
0x154: {  	v16 =	vadd.s32 $0x480, v6;
	v10 =	vld.idx.msk [tilespmem:v10+s1+$0x0], $0xffff;
	[tilespmem:s19+$0x3430] =	vst v12  }
0x155: {  	v5 =	vadd.s32 $0xB80, v4;
	v11 =	vld.idx.msk [tilespmem:v11+s1+$0x0], $0xffff;
	[tilespmem:s19+$0x3410] =	vst v17  }
0x156: {  	v12 =	vadd.s32 $0xB80, v3;
	v13 =	vld.idx.msk [tilespmem:v13+s1+$0x0], $0xffff;
	[tilespmem:s19+$0x3420] =	vst v8  }
0x157: {  	v8 =	vadd.s32 $0xBC0, v2;
	v17 =	vld.idx.msk [tilespmem:v18+s1+$0x0], $0xffff;
	[tilespmem:s20+$0x5800] =	vst v15  }
0x158: {  	v14 =	vld.idx.msk [tilespmem:v14+s1+$0x0], $0xffff;
	v15 =	vadd.s32 $0x280, v0;
	[tilespmem:s17+$0xC810] =	vst v9  }
0x159: {  	v18 =	vadd.s32 $0x280, v7;
	v16 =	vld.idx.msk [tilespmem:v16+s1+$0x0], $0xffff;
	[tilespmem:s17+$0xC820] =	vst v10  }
0x15a: {  	v9 =	vadd.s32 $0x280, v60;
	v5 =	vld.idx.msk [tilespmem:v5+s1+$0x0], $0xffff;
	[tilespmem:s17+$0xCC30] =	vst v11  }
0x15b: {  	v10 =	vadd.s32 $0x4C0, v6;
	v12 =	vld.idx.msk [tilespmem:v12+s1+$0x0], $0xffff;
	[tilespmem:s19+$0x3830] =	vst v13  }
0x15c: {  	v11 =	vadd.s32 $0xB80, v1;
	v8 =	vld.idx.msk [tilespmem:v8+s1+$0x0], $0xffff;
	[tilespmem:s19+$0x3810] =	vst v17  }
0x15d: {  	v13 =	vadd.s32 $0xBC0, v4;
	v15 =	vld.idx.msk [tilespmem:v15+s1+$0x0], $0xffff;
	[tilespmem:s19+$0x3820] =	vst v14  }
0x15e: {  	v14 =	vadd.s32 $0xC00, v2;
	v17 =	vld.idx.msk [tilespmem:v18+s1+$0x0], $0xffff;
	[tilespmem:s20+$0x5C00] =	vst v16  }
0x15f: {  	v9 =	vld.idx.msk [tilespmem:v9+s1+$0x0], $0xffff;
	v16 =	vadd.s32 $0x2C0, v0;
	[tilespmem:s17+$0xCC10] =	vst v5  }
0x160: {  	v18 =	vadd.s32 $0x2C0, v7;
	v10 =	vld.idx.msk [tilespmem:v10+s1+$0x0], $0xffff;
	[tilespmem:s17+$0xCC20] =	vst v12  }
0x161: {  	v5 =	vadd.s32 $0x2C0, v60;
	v11 =	vld.idx.msk [tilespmem:v11+s1+$0x0], $0xffff;
	[tilespmem:s17+$0xD030] =	vst v8  }
0x162: {  	v12 =	vadd.s32 $0x500, v6;
	v13 =	vld.idx.msk [tilespmem:v13+s1+$0x0], $0xffff;
	[tilespmem:s19+$0x3C30] =	vst v15  }
0x163: {  	v8 =	vadd.s32 $0xBC0, v3;
	v14 =	vld.idx.msk [tilespmem:v14+s1+$0x0], $0xffff;
	[tilespmem:s19+$0x3C10] =	vst v17  }
0x164: {  	v15 =	vadd.s32 $0xBC0, v1;
	v16 =	vld.idx.msk [tilespmem:v16+s1+$0x0], $0xffff;
	[tilespmem:s19+$0x3C20] =	vst v9  }
0x165: {  	v9 =	vadd.s32 $0xC40, v2;
	v17 =	vld.idx.msk [tilespmem:v18+s1+$0x0], $0xffff;
	[tilespmem:s20+$0x6000] =	vst v10  }
0x166: {  	v5 =	vld.idx.msk [tilespmem:v5+s1+$0x0], $0xffff;
	v10 =	vadd.s32 $0x300, v0;
	[tilespmem:s18+$0xCC00] =	vst v11  }
0x167: {  	v18 =	vadd.s32 $0x300, v7;
	v12 =	vld.idx.msk [tilespmem:v12+s1+$0x0], $0xffff;
	[tilespmem:s17+$0xD010] =	vst v13  }
0x168: {  	v11 =	vadd.s32 $0x300, v60;
	v8 =	vld.idx.msk [tilespmem:v8+s1+$0x0], $0xffff;
	[tilespmem:s17+$0xD430] =	vst v14  }
0x169: {  	v13 =	vadd.s32 $0x540, v6;
	v15 =	vld.idx.msk [tilespmem:v15+s1+$0x0], $0xffff;
	[tilespmem:s19+$0x4030] =	vst v16  }
0x16a: {  	v14 =	vadd.s32 $0xC00, v4;
	v9 =	vld.idx.msk [tilespmem:v9+s1+$0x0], $0xffff;
	[tilespmem:s19+$0x4010] =	vst v17  }
0x16b: {  	v16 =	vadd.s32 $0xC00, v3;
	v10 =	vld.idx.msk [tilespmem:v10+s1+$0x0], $0xffff;
	[tilespmem:s19+$0x4020] =	vst v5  }
0x16c: {  	v5 =	vadd.s32 $0xC80, v2;
	v17 =	vld.idx.msk [tilespmem:v18+s1+$0x0], $0xffff;
	[tilespmem:s20+$0x6400] =	vst v12  }
0x16d: {  	v11 =	vld.idx.msk [tilespmem:v11+s1+$0x0], $0xffff;
	v12 =	vadd.s32 $0x340, v0;
	[tilespmem:s17+$0xD020] =	vst v8  }
0x16e: {  	v18 =	vadd.s32 $0x340, v7;
	v13 =	vld.idx.msk [tilespmem:v13+s1+$0x0], $0xffff;
	[tilespmem:s18+$0xD000] =	vst v15  }
0x16f: {  	v8 =	vadd.s32 $0x340, v60;
	v14 =	vld.idx.msk [tilespmem:v14+s1+$0x0], $0xffff;
	[tilespmem:s17+$0xD830] =	vst v9  }
0x170: {  	v15 =	vadd.s32 $0x580, v6;
	v16 =	vld.idx.msk [tilespmem:v16+s1+$0x0], $0xffff;
	[tilespmem:s19+$0x4430] =	vst v10  }
0x171: {  	v9 =	vadd.s32 $0xC00, v1;
	v5 =	vld.idx.msk [tilespmem:v5+s1+$0x0], $0xffff;
	[tilespmem:s19+$0x4410] =	vst v17  }
0x172: {  	v10 =	vadd.s32 $0xC40, v4;
	v12 =	vld.idx.msk [tilespmem:v12+s1+$0x0], $0xffff;
	[tilespmem:s19+$0x4420] =	vst v11  }
0x173: {  	v11 =	vadd.s32 $0xCC0, v2;
	v17 =	vld.idx.msk [tilespmem:v18+s1+$0x0], $0xffff;
	[tilespmem:s20+$0x6800] =	vst v13  }
0x174: {  	v8 =	vld.idx.msk [tilespmem:v8+s1+$0x0], $0xffff;
	v13 =	vadd.s32 $0x380, v0;
	[tilespmem:s17+$0xD410] =	vst v14  }
0x175: {  	v18 =	vadd.s32 $0x380, v7;
	v15 =	vld.idx.msk [tilespmem:v15+s1+$0x0], $0xffff;
	[tilespmem:s17+$0xD420] =	vst v16  }
0x176: {  	v14 =	vadd.s32 $0x380, v60;
	v9 =	vld.idx.msk [tilespmem:v9+s1+$0x0], $0xffff;
	[tilespmem:s17+$0xDC30] =	vst v5  }
0x177: {  	v16 =	vadd.s32 $0x5C0, v6;
	v10 =	vld.idx.msk [tilespmem:v10+s1+$0x0], $0xffff;
	[tilespmem:s19+$0x4830] =	vst v12  }
0x178: {  	v5 =	vadd.s32 $0xC40, v3;
	v11 =	vld.idx.msk [tilespmem:v11+s1+$0x0], $0xffff;
	[tilespmem:s19+$0x4810] =	vst v17  }
0x179: {  	v12 =	vadd.s32 $0xC40, v1;
	v13 =	vld.idx.msk [tilespmem:v13+s1+$0x0], $0xffff;
	[tilespmem:s19+$0x4820] =	vst v8  }
0x17a: {  	v8 =	vadd.s32 $0xD00, v2;
	v17 =	vld.idx.msk [tilespmem:v18+s1+$0x0], $0xffff;
	[tilespmem:s20+$0x6C00] =	vst v15  }
0x17b: {  	v14 =	vld.idx.msk [tilespmem:v14+s1+$0x0], $0xffff;
	v15 =	vadd.s32 $0x3C0, v0;
	[tilespmem:s18+$0xD400] =	vst v9  }
0x17c: {  	v18 =	vadd.s32 $0x3C0, v7;
	v16 =	vld.idx.msk [tilespmem:v16+s1+$0x0], $0xffff;
	[tilespmem:s17+$0xD810] =	vst v10  }
0x17d: {  	v9 =	vadd.s32 $0x3C0, v60;
	v5 =	vld.idx.msk [tilespmem:v5+s1+$0x0], $0xffff;
	[tilespmem:s17+$0xE030] =	vst v11  }
0x17e: {  	v10 =	vadd.s32 $0x600, v6;
	v12 =	vld.idx.msk [tilespmem:v12+s1+$0x0], $0xffff;
	[tilespmem:s19+$0x4C30] =	vst v13  }
0x17f: {  	v11 =	vadd.s32 $0xC80, v4;
	v8 =	vld.idx.msk [tilespmem:v8+s1+$0x0], $0xffff;
	[tilespmem:s19+$0x4C10] =	vst v17  }
0x180: {  	v13 =	vadd.s32 $0xC80, v3;
	v15 =	vld.idx.msk [tilespmem:v15+s1+$0x0], $0xffff;
	[tilespmem:s19+$0x4C20] =	vst v14  }
0x181: {  	v14 =	vadd.s32 $0xD40, v2;
	v17 =	vld.idx.msk [tilespmem:v18+s1+$0x0], $0xffff;
	[tilespmem:s20+$0x7000] =	vst v16  }
0x182: {  	v9 =	vld.idx.msk [tilespmem:v9+s1+$0x0], $0xffff;
	v16 =	vadd.s32 $0x400, v0;
	[tilespmem:s17+$0xD820] =	vst v5  }
0x183: {  	v18 =	vadd.s32 $0x400, v7;
	v10 =	vld.idx.msk [tilespmem:v10+s1+$0x0], $0xffff;
	[tilespmem:s18+$0xD800] =	vst v12  }
0x184: {  	v5 =	vadd.s32 $0x400, v60;
	v11 =	vld.idx.msk [tilespmem:v11+s1+$0x0], $0xffff;
	[tilespmem:s17+$0xE430] =	vst v8  }
0x185: {  	v12 =	vadd.s32 $0x640, v6;
	v13 =	vld.idx.msk [tilespmem:v13+s1+$0x0], $0xffff;
	[tilespmem:s19+$0x5030] =	vst v15  }
0x186: {  	v8 =	vadd.s32 $0xC80, v1;
	v14 =	vld.idx.msk [tilespmem:v14+s1+$0x0], $0xffff;
	[tilespmem:s19+$0x5010] =	vst v17  }
0x187: {  	v15 =	vadd.s32 $0xCC0, v4;
	v16 =	vld.idx.msk [tilespmem:v16+s1+$0x0], $0xffff;
	[tilespmem:s19+$0x5020] =	vst v9  }
0x188: {  	v9 =	vadd.s32 $0xD80, v2;
	v17 =	vld.idx.msk [tilespmem:v18+s1+$0x0], $0xffff;
	[tilespmem:s20+$0x7400] =	vst v10  }
0x189: {  	v5 =	vld.idx.msk [tilespmem:v5+s1+$0x0], $0xffff;
	v10 =	vadd.s32 $0x440, v0;
	[tilespmem:s17+$0xDC10] =	vst v11  }
0x18a: {  	v18 =	vadd.s32 $0x440, v7;
	v12 =	vld.idx.msk [tilespmem:v12+s1+$0x0], $0xffff;
	[tilespmem:s17+$0xDC20] =	vst v13  }
0x18b: {  	v11 =	vadd.s32 $0x440, v60;
	v8 =	vld.idx.msk [tilespmem:v8+s1+$0x0], $0xffff;
	[tilespmem:s17+$0xE830] =	vst v14  }
0x18c: {  	v13 =	vadd.s32 $0x680, v6;
	v15 =	vld.idx.msk [tilespmem:v15+s1+$0x0], $0xffff;
	[tilespmem:s19+$0x5430] =	vst v16  }
0x18d: {  	v14 =	vadd.s32 $0xCC0, v3;
	v9 =	vld.idx.msk [tilespmem:v9+s1+$0x0], $0xffff;
	[tilespmem:s19+$0x5410] =	vst v17  }
0x18e: {  	v16 =	vadd.s32 $0xCC0, v1;
	v10 =	vld.idx.msk [tilespmem:v10+s1+$0x0], $0xffff;
	[tilespmem:s19+$0x5420] =	vst v5  }
0x18f: {  	v5 =	vadd.s32 $0xDC0, v2;
	v17 =	vld.idx.msk [tilespmem:v18+s1+$0x0], $0xffff;
	[tilespmem:s20+$0x7800] =	vst v12  }
0x190: {  	v11 =	vld.idx.msk [tilespmem:v11+s1+$0x0], $0xffff;
	v12 =	vadd.s32 $0x480, v0;
	[tilespmem:s18+$0xDC00] =	vst v8  }
0x191: {  	v18 =	vadd.s32 $0x480, v7;
	v13 =	vld.idx.msk [tilespmem:v13+s1+$0x0], $0xffff;
	[tilespmem:s17+$0xE010] =	vst v15  }
0x192: {  	v19 =	vadd.s32 $0x480, v60;
	v14 =	vld.idx.msk [tilespmem:v14+s1+$0x0], $0xffff;
	[tilespmem:s17+$0xEC30] =	vst v9  }
0x193: {  	v16 =	vld.idx.msk [tilespmem:v16+s1+$0x0], $0xffff;
	[tilespmem:s19+$0x5830] =	vst v10  }
0x194: {  	v15 =	vadd.s32 $0x6C0, v6;
	v10 =	vld.idx.msk [tilespmem:v5+s1+$0x0], $0xffff;
	[tilespmem:s19+$0x5810] =	vst v17  }
0x195: {  	v12 =	vld.idx.msk [tilespmem:v12+s1+$0x0], $0xffff;
	[tilespmem:s19+$0x5820] =	vst v11  }
0x196: {  	v23 =	vadd.s32 $0xE40, v1;
	v18 =	vld.idx.msk [tilespmem:v18+s1+$0x0], $0xffff;
	[tilespmem:s20+$0x7C00] =	vst v13  }
0x197: {  	v9 =	vadd.s32 $0xD00, v4;
	v13 =	vld.idx.msk [tilespmem:v19+s1+$0x0], $0xffff;
	[tilespmem:$0x1FB80] =	vst v23  }
0x198: {  	v20 =	vadd.s32 $0xD00, v3;
	[tilespmem:s17+$0xE020] =	vst v14;
	v14 =	vadd.s32 $0xE80, v1  }
0x199: {  	v22 =	vadd.s32 $0xE00, v2;
	v15 =	vld.idx.msk [tilespmem:v15+s1+$0x0], $0xffff;
	[tilespmem:$0x1FB90] =	vst v14;
	v14 =	vadd.s32 $0xEC0, v1  }
0x19a: {  	v19 =	vadd.s32 $0x4C0, v0;
	[tilespmem:$0x1FBA0] =	vst v14  }
0x19b: {  	v23 =	vadd.s32 $0x4C0, v7;
	[tilespmem:s18+$0xE000] =	vst v16  }
0x19c: {  	v14 =	vadd.s32 $0x4C0, v60;
	v16 =	vld.idx.msk [tilespmem:v9+s1+$0x0], $0xffff;
	[tilespmem:s17+$0xF030] =	vst v10  }
0x19d: {  	v20 =	vld.idx.msk [tilespmem:v20+s1+$0x0], $0xffff;
	[tilespmem:s19+$0x5C30] =	vst v12  }
0x19e: {  	v24 =	vadd.s32 $0x700, v6;
	[tilespmem:s19+$0x5C10] =	vst v18;
	v22 =	vld.idx.msk [tilespmem:v22+s1+$0x0], $0xffff  }
0x19f: {  	[tilespmem:s19+$0x5C20] =	vst v13;
	v18 =	vld.idx.msk [tilespmem:v19+s1+$0x0], $0xffff  }
0x1a0: {  	v30 =	vadd.s32 $0xE40, v3;
	v23 =	vld.idx.msk [tilespmem:v23+s1+$0x0], $0xffff;
	[tilespmem:s20+$0x8000] =	vst v15  }
0x1a1: {  	v17 =	vadd.s32 $0xD00, v1;
	v14 =	vld.idx.msk [tilespmem:v14+s1+$0x0], $0xffff;
	[tilespmem:$0x1FBB0] =	vst v30  }
0x1a2: {  	[tilespmem:s17+$0xE410] =	vst v16;
	v16 =	vadd.s32 $0xE80, v4  }
0x1a3: {  	v25 =	vadd.s32 $0xD40, v4;
	v24 =	vld.idx.msk [tilespmem:v24+s1+$0x0], $0xffff;
	[tilespmem:$0x1FBC0] =	vst v16;
	v16 =	vadd.s32 $0xEC0, v4  }
0x1a4: {  	[tilespmem:$0x1FBD0] =	vst v16  }
0x1a5: {  	v13 =	vadd.s32 $0xE40, v2;
	[tilespmem:s17+$0xE420] =	vst v20;
	v20 =	vadd.s32 $0xE80, v3  }
0x1a6: {  	v15 =	vadd.s32 $0x500, v0;
	v17 =	vld.idx.msk [tilespmem:v17+s1+$0x0], $0xffff;
	[tilespmem:$0x1FBE0] =	vst v20  }
0x1a7: {  	v30 =	vadd.s32 $0x500, v7;
	[tilespmem:s17+$0xF430] =	vst v22;
	v22 =	vadd.s32 $0xEC0, v3  }
0x1a8: {  	v16 =	vadd.s32 $0x500, v60;
	v25 =	vld.idx.msk [tilespmem:v25+s1+$0x0], $0xffff;
	[tilespmem:$0x1FBF0] =	vst v22  }
0x1a9: {  	v26 =	vadd.s32 $0xD40, v3;
	[tilespmem:s19+$0x6030] =	vst v18  }
0x1aa: {  	v20 =	vadd.s32 $0x740, v6;
	v18 =	vld.idx.msk [tilespmem:v13+s1+$0x0], $0xffff;
	[tilespmem:s19+$0x6010] =	vst v23  }
0x1ab: {  	[tilespmem:s19+$0x6020] =	vst v14;
	v15 =	vld.idx.msk [tilespmem:v15+s1+$0x0], $0xffff  }
0x1ac: {  	[tilespmem:s20+$0x8400] =	vst v24;
	v22 =	vld.idx.msk [tilespmem:v30+s1+$0x0], $0xffff  }
0x1ad: {  	v16 =	vld.idx.msk [tilespmem:v16+s1+$0x0], $0xffff;
	[tilespmem:s18+$0xE400] =	vst v17  }
0x1ae: {  	v21 =	vadd.s32 $0xD40, v1;
	[tilespmem:s17+$0xE810] =	vst v25;
	v25 =	vld.idx.msk [tilespmem:v26+s1+$0x0], $0xffff;
	v26 =	vadd.s32 $0x900, v6  }
0x1af: {  	v20 =	vld.idx.msk [tilespmem:v20+s1+$0x0], $0xffff;
	[tilespmem:$0x1FC00] =	vst v26;
	v26 =	vadd.s32 $0x940, v6  }
0x1b0: {  	[tilespmem:$0x1FC10] =	vst v26;
	v26 =	vadd.s32 $0x980, v6  }
0x1b1: {  	[tilespmem:$0x1FC20] =	vst v26  }
0x1b2: {  	v14 =	vadd.s32 $0xE80, v2;
	[tilespmem:s17+$0xF830] =	vst v18;
	v18 =	vadd.s32 $0x9C0, v6  }
0x1b3: {  	v37 =	vadd.s32 $0xF00, v1;
	v21 =	vld.idx.msk [tilespmem:v21+s1+$0x0], $0xffff;
	[tilespmem:$0x1FC30] =	vst v18;
	v18 =	vadd.s32 $0xA00, v6  }
0x1b4: {  	v35 =	vadd.s32 $0xF40, v1;
	v34 =	vadd.s32 $0xF80, v1;
	[tilespmem:$0x1FC40] =	vst v18;
	v18 =	vadd.s32 $0xA40, v6  }
0x1b5: {  	v33 =	vadd.s32 $0xFC0, v1;
	v27 =	vadd.s32 $0xD80, v4;
	v24 =	vadd.s32 $0x540, v0;
	[tilespmem:$0x1FC50] =	vst v18  }
0x1b6: {  	v28 =	vadd.s32 $0xD80, v3;
	v43 =	vadd.s32 $0xF00, v4;
	[tilespmem:s19+$0x6430] =	vst v15;
	v15 =	vadd.s32 $0xA80, v6  }
0x1b7: {  	v44 =	vadd.s32 $0xF00, v3;
	v42 =	vadd.s32 $0xF40, v4;
	v14 =	vld.idx.msk [tilespmem:v14+s1+$0x0], $0xffff;
	[tilespmem:$0x1FC60] =	vst v15;
	v15 =	vadd.s32 $0xAC0, v6  }
0x1b8: {  	v39 =	vadd.s32 $0xF80, v4;
	v41 =	vadd.s32 $0xF40, v3;
	v32 =	vadd.s32 $0x540, v7;
	[tilespmem:$0x1FC70] =	vst v15  }
0x1b9: {  	v38 =	vadd.s32 $0xFC0, v4;
	v40 =	vadd.s32 $0xF80, v3;
	v18 =	vadd.s32 $0xB40, v6;
	[tilespmem:s19+$0x6410] =	vst v22  }
0x1ba: {  	v36 =	vadd.s32 $0xFC0, v3;
	v17 =	vadd.s32 $0x540, v60;
	v15 =	vld.idx.msk [tilespmem:v24+s1+$0x0], $0xffff;
	[tilespmem:$0x1FC80] =	vst v18;
	v18 =	vadd.s32 $0xB80, v6  }
0x1bb: {  	v31 =	vadd.s32 $0x800, v6;
	v59 =	vadd.s32 $0xB00, v6;
	v23 =	vadd.s32 $0x780, v6;
	[tilespmem:$0x1FC90] =	vst v18  }
0x1bc: {  	v63 =	vadd.s32 $0xBC0, v6;
	v62 =	vadd.s32 $0xC00, v6;
	[tilespmem:s19+$0x6420] =	vst v16;
	v16 =	vadd.s32 $0xEC0, v2  }
0x1bd: {  	v61 =	vadd.s32 $0xC40, v6;
	v29 =	vadd.s32 $0xC80, v6;
	v56 =	vadd.s32 $0xCC0, v6;
	v18 =	vld.idx.msk [tilespmem:v32+s1+$0x0], $0xffff;
	[tilespmem:s20+$0x8800] =	vst v20  }
0x1be: {  	v55 =	vadd.s32 $0xD00, v6;
	v54 =	vadd.s32 $0xD40, v6;
	v53 =	vadd.s32 $0xD80, v6;
	[tilespmem:s18+$0xE800] =	vst v21;
	v21 =	vld.idx.msk [tilespmem:v27+s1+$0x0], $0xffff  }
0x1bf: {  	v52 =	vadd.s32 $0xDC0, v6;
	v50 =	vadd.s32 $0xE00, v6;
	v20 =	vadd.s32 $0x580, v0;
	[tilespmem:s17+$0xE820] =	vst v25;
	v17 =	vld.idx.msk [tilespmem:v17+s1+$0x0], $0xffff  }
0x1c0: {  	v57 =	vadd.s32 $0xE80, v6;
	v48 =	vadd.s32 $0xEC0, v6;
	v11 =	vadd.s32 $0xD80, v1;
	[tilespmem:s17+$0xFC30] =	vst v14;
	v23 =	vld.idx.msk [tilespmem:v23+s1+$0x0], $0xffff  }
0x1c1: {  	v47 =	vadd.s32 $0xF00, v6;
	v22 =	vadd.s32 $0x580, v7;
	[tilespmem:s19+$0x6830] =	vst v15;
	v15 =	vld.idx.msk [tilespmem:v16+s1+$0x0], $0xffff;
	v16 =	vadd.s32 $0xE40, v6  }
0x1c2: {  	v46 =	vadd.s32 $0xF40, v6;
	v45 =	vadd.s32 $0xF80, v6;
	v24 =	vadd.s32 $0x580, v60;
	v14 =	vld.idx.msk [tilespmem:v28+s1+$0x0], $0xffff;
	[tilespmem:$0x1FCA0] =	vst v16  }
0x1c3: {  	v8 =	vadd.s32 $0xDC0, v1;
	v5 =	vadd.s32 $0xE00, v1;
	v30 =	vadd.s32 $0x7C0, v6;
	[tilespmem:s19+$0x6810] =	vst v18  }
0x1c4: {  	v1 =	vadd.s32 $0xE40, v4;
	v9 =	vadd.s32 $0xE00, v4;
	v12 =	vadd.s32 $0xDC0, v3;
	v16 =	vld.idx.msk [tilespmem:v20+s1+$0x0], $0xffff;
	[tilespmem:s19+$0x6820] =	vst v17  }
0x1c5: {  	v10 =	vadd.s32 $0xE00, v3;
	v19 =	vadd.s32 $0xDC0, v4;
	v4 =	vadd.s32 $0x880, v6;
	[tilespmem:s20+$0x8C00] =	vst v23;
	v11 =	vld.idx.msk [tilespmem:v11+s1+$0x0], $0xffff  }
0x1c6: {  	v3 =	vadd.s32 $0x8C0, v6;
	v13 =	vadd.s32 $0x840, v6;
	v32 =	vadd.s32 $0xFC0, v6;
	[tilespmem:s17+$0xEC10] =	vst v21;
	v6 =	vld.idx.msk [tilespmem:v22+s1+$0x0], $0xffff  }
0x1c7: {  	[tilespmem:s17+$0xEC20] =	vst v14;
	v23 =	vadd.s32 $0x6C0, v7;
	v18 =	vld.idx.msk [tilespmem:v24+s1+$0x0], $0xffff  }
0x1c8: {  	v27 =	vld.idx.msk [tilespmem:v30+s1+$0x0], $0xffff;
	[tilespmem:$0x1FCB0] =	vst v23;
	v23 =	vadd.s32 $0x700, v7  }
0x1c9: {  	v17 =	vadd.s32 $0xF00, v2;
	[tilespmem:$0x1FCC0] =	vst v23  }
0x1ca: {  	[tilespmem:s17+$0x10030] =	vst v15;
	v15 =	vld.idx.msk [tilespmem:v19+s1+$0x0], $0xffff;
	v19 =	vadd.s32 $0x740, v7  }
0x1cb: {  	[tilespmem:$0x1FCD0] =	vst v19;
	v19 =	vadd.s32 $0x780, v7  }
0x1cc: {  	[tilespmem:$0x1FCE0] =	vst v19;
	v19 =	vadd.s32 $0x7C0, v7  }
0x1cd: {  	[tilespmem:$0x1FCF0] =	vst v19  }
0x1ce: {  	v28 =	vadd.s32 $0x5C0, v0;
	[tilespmem:s19+$0x6C30] =	vst v16;
	v16 =	vld.idx.msk [tilespmem:v17+s1+$0x0], $0xffff;
	v17 =	vadd.s32 $0x800, v7  }
0x1cf: {  	[tilespmem:$0x1FD00] =	vst v17;
	v17 =	vadd.s32 $0x840, v7  }
0x1d0: {  	[tilespmem:$0x1FD10] =	vst v17;
	v17 =	vadd.s32 $0x880, v7  }
0x1d1: {  	[tilespmem:$0x1FD20] =	vst v17  }
0x1d2: {  	v20 =	vadd.s32 $0x5C0, v7;
	v17 =	vadd.s32 $0x8C0, v7;
	[tilespmem:s19+$0x6C10] =	vst v6  }
0x1d3: {  	v6 =	vld.idx.msk [tilespmem:v28+s1+$0x0], $0xffff;
	[tilespmem:$0x1FD30] =	vst v17;
	v17 =	vadd.s32 $0x900, v7  }
0x1d4: {  	[tilespmem:$0x1FD40] =	vst v17;
	v17 =	vadd.s32 $0x940, v7  }
0x1d5: {  	v24 =	vadd.s32 $0x5C0, v60;
	[tilespmem:$0x1FD50] =	vst v17  }
0x1d6: {  	[tilespmem:s19+$0x6C20] =	vst v18;
	v18 =	vadd.s32 $0x980, v7  }
0x1d7: {  	v17 =	vld.idx.msk [tilespmem:v20+s1+$0x0], $0xffff;
	[tilespmem:$0x1FD60] =	vst v18;
	v18 =	vadd.s32 $0x9C0, v7  }
0x1d8: {  	[tilespmem:$0x1FD70] =	vst v18  }
0x1d9: {  	v20 =	vadd.s32 $0xA00, v7;
	[tilespmem:s20+$0x9000] =	vst v27  }
0x1da: {  	v19 =	vld.idx.msk [tilespmem:v24+s1+$0x0], $0xffff;
	[tilespmem:$0x1FD80] =	vst v20;
	v20 =	vadd.s32 $0xA40, v7  }
0x1db: {  	[tilespmem:$0x1FD90] =	vst v20  }
0x1dc: {  	v23 =	vadd.s32 $0xA80, v7;
	[tilespmem:s18+$0xEC00] =	vst v11  }
0x1dd: {  	v11 =	vld.idx.msk [tilespmem:v31+s1+$0x0], $0xffff;
	[tilespmem:$0x1FDA0] =	vst v23;
	v23 =	vadd.s32 $0xAC0, v7  }
0x1de: {  	[tilespmem:$0x1FDB0] =	vst v23;
	v23 =	vadd.s32 $0xB00, v7  }
0x1df: {  	[tilespmem:$0x1FDC0] =	vst v23  }
0x1e0: {  	[tilespmem:s17+$0xF010] =	vst v15;
	v15 =	vadd.s32 $0xB40, v7  }
0x1e1: {  	v12 =	vld.idx.msk [tilespmem:v12+s1+$0x0], $0xffff;
	[tilespmem:$0x1FDD0] =	vst v15;
	v15 =	vadd.s32 $0xB80, v7  }
0x1e2: {  	[tilespmem:$0x1FDE0] =	vst v15;
	v15 =	vadd.s32 $0xBC0, v7  }
0x1e3: {  	[tilespmem:$0x1FDF0] =	vst v15  }
0x1e4: {  	v18 =	vadd.s32 $0xF40, v2;
	v15 =	vadd.s32 $0xC00, v7;
	[tilespmem:s17+$0x10430] =	vst v16  }
0x1e5: {  	v8 =	vld.idx.msk [tilespmem:v8+s1+$0x0], $0xffff;
	[tilespmem:$0x1FE00] =	vst v15;
	v15 =	vadd.s32 $0xC40, v7  }
0x1e6: {  	v20 =	vadd.s32 $0x600, v0;
	[tilespmem:$0x1FE10] =	vst v15;
	v15 =	vadd.s32 $0xC80, v7  }
0x1e7: {  	v22 =	vadd.s32 $0x600, v7;
	[tilespmem:$0x1FE20] =	vst v15  }
0x1e8: {  	v15 =	vadd.s32 $0xCC0, v7;
	[tilespmem:s19+$0x7030] =	vst v6  }
0x1e9: {  	v26 =	vadd.s32 $0x600, v60;
	v6 =	vld.idx.msk [tilespmem:v18+s1+$0x0], $0xffff;
	[tilespmem:$0x1FE30] =	vst v15  }
0x1ea: {  	[tilespmem:s19+$0x7010] =	vst v17  }
0x1eb: {  	v15 =	vld.idx.msk [tilespmem:v20+s1+$0x0], $0xffff;
	[tilespmem:s19+$0x7020] =	vst v19;
	v17 =	vadd.s32 $0xE80, v7  }
0x1ec: {  	v16 =	vld.idx.msk [tilespmem:v22+s1+$0x0], $0xffff;
	[tilespmem:$0x1FE40] =	vst v17  }
0x1ed: {  	v25 =	vadd.s32 $0xD80, v7;
	v18 =	vadd.s32 $0xF00, v7;
	[tilespmem:s20+$0x9400] =	vst v11  }
0x1ee: {  	v21 =	vadd.s32 $0x640, v7;
	v14 =	vadd.s32 $0x680, v7;
	v30 =	vadd.s32 $0xD00, v7;
	v11 =	vld.idx.msk [tilespmem:v26+s1+$0x0], $0xffff;
	[tilespmem:$0x1FE50] =	vst v18  }
0x1ef: {  	v28 =	vadd.s32 $0xFC0, v7;
	v27 =	vadd.s32 $0xD40, v7;
	[tilespmem:s17+$0xF020] =	vst v12;
	v12 =	vadd.s32 $0xF40, v7  }
0x1f0: {  	v24 =	vadd.s32 $0xEC0, v7;
	v31 =	vadd.s32 $0xF80, v7;
	v23 =	vadd.s32 $0xDC0, v7;
	[tilespmem:$0x1FE60] =	vst v12  }
0x1f1: {  	v20 =	vadd.s32 $0xE00, v7;
	v19 =	vadd.s32 $0xE40, v7;
	v17 =	vadd.s32 $0xF80, v2;
	v7 =	vld.idx.msk [tilespmem:v13+s1+$0x0], $0xffff;
	[tilespmem:s18+$0xF000] =	vst v8  }
0x1f2: {  	[tilespmem:s17+$0x10830] =	vst v6;
	v6 =	vld.idx.msk [tilespmem:v10+s1+$0x0], $0xffff;
	v10 =	vadd.s32 $0x700, v60  }
0x1f3: {  	v8 =	vld.idx.msk [tilespmem:v9+s1+$0x0], $0xffff;
	[tilespmem:$0x1FE70] =	vst v10;
	v10 =	vadd.s32 $0x740, v60  }
0x1f4: {  	v18 =	vadd.s32 $0x640, v0;
	[tilespmem:$0x1FE80] =	vst v10  }
0x1f5: {  	v13 =	vadd.s32 $0x7C0, v60;
	[tilespmem:s19+$0x7430] =	vst v15  }
0x1f6: {  	v10 =	vld.idx.msk [tilespmem:v17+s1+$0x0], $0xffff;
	[tilespmem:$0x1FE90] =	vst v13;
	v13 =	vadd.s32 $0x800, v60  }
0x1f7: {  	[tilespmem:$0x1FEA0] =	vst v13  }
0x1f8: {  	v15 =	vadd.s32 $0x840, v60;
	[tilespmem:s19+$0x7410] =	vst v16  }
0x1f9: {  	v13 =	vld.idx.msk [tilespmem:v18+s1+$0x0], $0xffff;
	[tilespmem:$0x1FEB0] =	vst v15;
	v15 =	vadd.s32 $0x880, v60  }
0x1fa: {  	[tilespmem:$0x1FEC0] =	vst v15;
	v15 =	vadd.s32 $0x8C0, v60  }
0x1fb: {  	v9 =	vadd.s32 $0x640, v60;
	[tilespmem:$0x1FED0] =	vst v15  }
0x1fc: {  	v15 =	vadd.s32 $0x900, v60;
	[tilespmem:s19+$0x7420] =	vst v11  }
0x1fd: {  	v11 =	vld.idx.msk [tilespmem:v21+s1+$0x0], $0xffff;
	[tilespmem:$0x1FEE0] =	vst v15;
	v15 =	vadd.s32 $0x940, v60  }
0x1fe: {  	[tilespmem:$0x1FEF0] =	vst v15;
	v15 =	vadd.s32 $0x980, v60  }
0x1ff: {  	[tilespmem:$0x1FF00] =	vst v15  }
0x200: {  	[tilespmem:s20+$0x9800] =	vst v7;
	v7 =	vld.idx.msk [tilespmem:v9+s1+$0x0], $0xffff;
	v9 =	vadd.s32 $0x9C0, v60  }
0x201: {  	[tilespmem:$0x1FF10] =	vst v9;
	v9 =	vadd.s32 $0xA00, v60  }
0x202: {  	[tilespmem:$0x1FF20] =	vst v9  }
0x203: {  	[tilespmem:s17+$0xF410] =	vst v8;
	v8 =	vadd.s32 $0xA40, v60  }
0x204: {  	v4 =	vld.idx.msk [tilespmem:v4+s1+$0x0], $0xffff;
	[tilespmem:$0x1FF30] =	vst v8;
	v8 =	vadd.s32 $0xA80, v60  }
0x205: {  	[tilespmem:$0x1FF40] =	vst v8;
	v8 =	vadd.s32 $0xAC0, v60  }
0x206: {  	[tilespmem:$0x1FF50] =	vst v8  }
0x207: {  	[tilespmem:s17+$0xF420] =	vst v6;
	v8 =	vld.idx.msk [tilespmem:v5+s1+$0x0], $0xffff;
	v5 =	vadd.s32 $0xB00, v60  }
0x208: {  	[tilespmem:$0x1FF60] =	vst v5;
	v5 =	vadd.s32 $0xB40, v60  }
0x209: {  	[tilespmem:$0x1FF70] =	vst v5;
	v5 =	vadd.s32 $0xB80, v60  }
0x20a: {  	[tilespmem:$0x1FF80] =	vst v5  }
0x20b: {  	v2 =	vadd.s32 $0xFC0, v2;
	v5 =	vadd.s32 $0xBC0, v60;
	[tilespmem:s17+$0x10C30] =	vst v10  }
0x20c: {  	v1 =	vld.idx.msk [tilespmem:v1+s1+$0x0], $0xffff;
	[tilespmem:$0x1FF90] =	vst v5;
	v5 =	vadd.s32 $0xC00, v60  }
0x20d: {  	v9 =	vadd.s32 $0x680, v0;
	[tilespmem:$0x1FFA0] =	vst v5;
	v5 =	vadd.s32 $0xC40, v60  }
0x20e: {  	[tilespmem:$0x1FFB0] =	vst v5  }
0x20f: {  	v12 =	vadd.s32 $0x680, v60;
	v5 =	vadd.s32 $0xC80, v60;
	[tilespmem:s19+$0x7830] =	vst v13  }
0x210: {  	v2 =	vld.idx.msk [tilespmem:v2+s1+$0x0], $0xffff;
	[tilespmem:$0x1FFC0] =	vst v5  }
0x211: {  	[tilespmem:s19+$0x7810] =	vst v11  }
0x212: {  	v5 =	vld.idx.msk [tilespmem:v9+s1+$0x0], $0xffff;
	[tilespmem:s19+$0x7820] =	vst v7  }
0x213: {  	[tilespmem:s20+$0x9C00] =	vst v4;
	v4 =	vadd.s32 $0xF00, v60;
	v6 =	vld.idx.msk [tilespmem:v14+s1+$0x0], $0xffff  }
0x214: {  	v58 =	vadd.s32 $0x6C0, v60;
	v51 =	vadd.s32 $0xE80, v60;
	v7 =	vld.idx.msk [tilespmem:v12+s1+$0x0], $0xffff;
	[tilespmem:$0x1FFD0] =	vst v4;
	v4 =	vadd.s32 $0xF40, v60  }
0x215: {  	v49 =	vadd.s32 $0xEC0, v60;
	v22 =	vadd.s32 $0xE40, v60;
	v26 =	vadd.s32 $0x780, v60;
	[tilespmem:$0x1FFE0] =	vst v4  }
0x216: {  	v17 =	vadd.s32 $0xD40, v60;
	v18 =	vadd.s32 $0xD00, v60;
	v4 =	vadd.s32 $0xF80, v60;
	[tilespmem:s18+$0xF400] =	vst v8  }
0x217: {  	v16 =	vadd.s32 $0xD80, v60;
	v21 =	vadd.s32 $0xCC0, v60;
	v15 =	vadd.s32 $0xDC0, v60;
	[tilespmem:$0x1FFF0] =	vst v4  }
0x218: {  	s22 =	simm.s32 $0x4;
	s23 =	simm.s32 $0x200;
	v13 =	vadd.s32 $0xE00, v60;
	v60 =	vadd.s32 $0xFC0, v60;
	v8 =	vadd.s32 $0x6C0, v0;
	v3 =	vld.idx.msk [tilespmem:v3+s1+$0x0], $0xffff  }
.LBB2_2:
0x219: {  	[tilespmem:s17+$0xF810] =	vst v1;
	v1 =	vld [tilespmem:$0x1FBB0];
	_ =	sdelay $0x7  }
0x21a: {  	v9 =	vld.idx.msk [tilespmem:v1+s1+$0x0], $0xffff;
	v1 =	vmov v22  }
0x21b: {  	[tilespmem:$0x1FBB0] =	vst v1;
	v1 =	vld [tilespmem:$0x1FB80];
	_ =	sdelay $0x1  }
0x21c: {  	[tilespmem:$0x1FA20] =	vst v15;
	s24 =	sshra.s32 s23, $0x2;
	v15 =	vld [tilespmem:$0x1FE40]  }
0x21d: {  	[tilespmem:$0x1FB30] =	vst v19;
	v4 =	vld [tilespmem:s24+$0x1000]  }
0x21e: {  	[tilespmem:s17+$0x11030] =	vst v2  }
0x21f: {  	[tilespmem:s19+$0x7C20] =	vst v7;
	v7 =	vld [tilespmem:$0x1FC00]  }
0x220: {  	[tilespmem:s19+$0x7C30] =	vst v5  }
0x221: {  	[tilespmem:s19+$0x7C10] =	vst v6;
	v6 =	vld.idx.msk [tilespmem:v8+s1+$0x0], $0xffff  }
0x222: {  	[tilespmem:$0x1FAB0] =	vst v13;
	v19 =	vmov v15;
	v15 =	vadd.s32 $0x400, v4;
	v5 =	vld.idx.msk [tilespmem:v1+s1+$0x0], $0xffff  }
0x223: {  	[tilespmem:$0x1F550] =	vst v15;
	v15 =	vadd.s32 $0x440, v4;
	v1 =	vld [tilespmem:$0x1FCA0]  }
0x224: {  	[tilespmem:$0x1F570] =	vst v15;
	v15 =	vadd.s32 $0x480, v4  }
0x225: {  	[tilespmem:$0x1F5C0] =	vst v15  }
0x226: {  	v15 =	vadd.s32 $0x4C0, v4;
	[tilespmem:s20+$0xA000] =	vst v3  }
0x227: {  	[tilespmem:$0x1F5F0] =	vst v15;
	v12 =	vld.idx.msk [tilespmem:v7+s1+$0x0], $0xffff  }
0x228: {  	v11 =	vadd.s32 $0x700, v0;
	[tilespmem:s19+$0x8030] =	vst v6;
	v2 =	vmov v1;
	v1 =	vld [tilespmem:$0x1FCB0]  }
0x229: {  	v6 =	vadd.s32 $0x500, v4;
	[tilespmem:s18+$0xF800] =	vst v5;
	v5 =	vld [tilespmem:$0x1FBE0]  }
0x22a: {  	v13 =	vld [tilespmem:$0x1FBC0];
	v15 =	vadd.s32 $0x6C0, v4;
	[tilespmem:$0x1F630] =	vst v6  }
0x22b: {  	v6 =	vadd.s32 $0x540, v4;
	[tilespmem:$0x1F830] =	vst v15  }
0x22c: {  	v10 =	vld.idx.msk [tilespmem:v58+s1+$0x0], $0xffff;
	[tilespmem:$0x1F660] =	vst v6;
	v6 =	vadd.s32 $0x580, v4  }
0x22d: {  	[tilespmem:$0x1F690] =	vst v6;
	v6 =	vld.idx.msk [tilespmem:v11+s1+$0x0], $0xffff;
	v11 =	vadd.s32 $0x5C0, v4  }
0x22e: {  	[tilespmem:$0x1F6E0] =	vst v11;
	v11 =	vadd.s32 $0x600, v4  }
0x22f: {  	[tilespmem:$0x1F730] =	vst v11;
	v11 =	vld [tilespmem:$0x1FCC0]  }
0x230: {  	[tilespmem:s17+$0xF820] =	vst v9;
	v8 =	vld.idx.msk [tilespmem:v1+s1+$0x0], $0xffff  }
0x231: {  	v5 =	vld.idx.msk [tilespmem:v5+s1+$0x0], $0xffff;
	[tilespmem:s19+$0x8020] =	vst v10;
	v10 =	vadd.s32 $0x640, v4  }
0x232: {  	v13 =	vld.idx.msk [tilespmem:v13+s1+$0x0], $0xffff;
	[tilespmem:$0x1F770] =	vst v10;
	v10 =	vadd.s32 $0x680, v4  }
0x233: {  	v15 =	vadd.s32 $0x700, v4;
	[tilespmem:$0x1F7D0] =	vst v10;
	v10 =	vld [tilespmem:$0x1FE70]  }
0x234: {  	[tilespmem:$0x1F890] =	vst v15;
	v15 =	vadd.s32 $0x740, v4  }
0x235: {  	[tilespmem:$0x1F8E0] =	vst v15  }
0x236: {  	[tilespmem:s19+$0x8010] =	vst v8  }
0x237: {  	v11 =	vld.idx.msk [tilespmem:v11+s1+$0x0], $0xffff;
	[tilespmem:s17+$0xFC10] =	vst v13;
	v13 =	vadd.s32 $0x780, v4  }
0x238: {  	[tilespmem:$0x1F940] =	vst v13;
	v13 =	vadd.s32 $0x7C0, v4  }
0x239: {  	[tilespmem:$0x1F9A0] =	vst v13;
	v13 =	vadd.s32 $0x800, v4  }
0x23a: {  	[tilespmem:$0x1FA10] =	vst v13  }
0x23b: {  	v10 =	vld.idx.msk [tilespmem:v10+s1+$0x0], $0xffff;
	[tilespmem:s17+$0xFC20] =	vst v5;
	v5 =	vmov v57  }
0x23c: {  	v13 =	vld [tilespmem:$0x1FB90];
	[tilespmem:$0x1FB90] =	vst v5;
	v5 =	vadd.s32 $0x840, v4  }
0x23d: {  	v15 =	vld [tilespmem:$0x1FC10];
	[tilespmem:$0x1FA80] =	vst v5;
	v5 =	vadd.s32 $0x880, v4  }
0x23e: {  	[tilespmem:$0x1FB00] =	vst v5;
	v5 =	vadd.s32 $0x8C0, v4  }
0x23f: {  	[tilespmem:$0x1FB70] =	vst v5;
	v5 =	vld [tilespmem:$0x1FBD0];
	_ =	sdelay $0x1  }
0x240: {  	v14 =	vmov v51  }
0x241: {  	[tilespmem:$0x1FBE0] =	vst v14;
	v14 =	vld.idx.msk [tilespmem:v4+s1+$0x0], $0xffff  }
0x242: {  	[tilespmem:$0x1F8F0] =	vst v17  }
0x243: {  	[tilespmem:s20+$0xA400] =	vst v12  }
0x244: {  	[tilespmem:$0x1F960] =	vst v16;
	v15 =	vld.idx.msk [tilespmem:v15+s1+$0x0], $0xffff  }
0x245: {  	[tilespmem:$0x1F9D0] =	vst v23;
	v13 =	vld.idx.msk [tilespmem:v13+s1+$0x0], $0xffff  }
0x246: {  	[tilespmem:s24+$0x1400] =	vst v14;
	v14 =	vld.idx.msk [tilespmem:v5+s1+$0x0], $0xffff;
	v5 =	vmov v24  }
0x247: {  	v24 =	vadd.s32 $0xB80, v4;
	[tilespmem:$0x1FBD0] =	vst v5  }
0x248: {  	v5 =	vadd.s32 $0x900, v4;
	[tilespmem:$0x1F610] =	vst v24  }
0x249: {  	v24 =	vadd.s32 $0xBC0, v4;
	[tilespmem:$0x1FC00] =	vst v5  }
0x24a: {  	[tilespmem:$0x1F650] =	vst v24;
	v24 =	vadd.s32 $0xC00, v4  }
0x24b: {  	v5 =	vadd.s32 $0x940, v4;
	[tilespmem:$0x1F6A0] =	vst v24;
	v24 =	vld [tilespmem:$0x1FC20]  }
0x24c: {  	v17 =	vadd.s32 $0x380, v4;
	v8 =	vadd.s32 $0x40, v4;
	[tilespmem:$0x1FC10] =	vst v5;
	v5 =	vld [tilespmem:$0x1FCD0]  }
0x24d: {  	v16 =	vadd.s32 $0x3C0, v4;
	[tilespmem:$0x1F520] =	vst v17  }
0x24e: {  	[tilespmem:$0x1F530] =	vst v16  }
0x24f: {  	[tilespmem:s19+$0x8430] =	vst v6  }
0x250: {  	[tilespmem:s19+$0x8420] =	vst v10  }
0x251: {  	v16 =	vld.idx.msk [tilespmem:v8+s1+$0x0], $0xffff;
	[tilespmem:s20+$0xA800] =	vst v15  }
0x252: {  	v12 =	vadd.s32 $0x740, v0;
	[tilespmem:s19+$0x8410] =	vst v11  }
0x253: {  	v17 =	vadd.s32 $0x980, v4;
	v24 =	vld.idx.msk [tilespmem:v24+s1+$0x0], $0xffff;
	[tilespmem:s18+$0xFC00] =	vst v13  }
0x254: {  	v23 =	vld.idx.msk [tilespmem:v5+s1+$0x0], $0xffff;
	v13 =	vmov v17;
	[tilespmem:s17+$0x10010] =	vst v14  }
0x255: {  	[tilespmem:$0x1FC20] =	vst v13;
	v13 =	vadd.s32 $0xC40, v4  }
0x256: {  	[tilespmem:$0x1F700] =	vst v13;
	v13 =	vadd.s32 $0xC80, v4  }
0x257: {  	v12 =	vld.idx.msk [tilespmem:v12+s1+$0x0], $0xffff;
	[tilespmem:$0x1F790] =	vst v13;
	v13 =	vadd.s32 $0xCC0, v4  }
0x258: {  	v10 =	vld [tilespmem:$0x1FE80];
	v14 =	vmov v49;
	[tilespmem:$0x1F800] =	vst v13  }
0x259: {  	v13 =	vld [tilespmem:$0x1FBF0];
	[tilespmem:$0x1FBF0] =	vst v14;
	v14 =	vadd.s32 $0xD00, v4  }
0x25a: {  	v15 =	vadd.s32 $0x780, v0;
	[tilespmem:$0x1F8A0] =	vst v14;
	v14 =	vadd.s32 $0xD40, v4  }
0x25b: {  	[tilespmem:$0x1F910] =	vst v14;
	v14 =	vadd.s32 $0xD80, v4  }
0x25c: {  	[tilespmem:$0x1F9C0] =	vst v14;
	v14 =	vld [tilespmem:$0x1FBA0];
	_ =	sdelay $0x1  }
0x25d: {  	[tilespmem:s19+$0x8830] =	vst v12  }
0x25e: {  	[tilespmem:$0x1F780] =	vst v29;
	v15 =	vld.idx.msk [tilespmem:v15+s1+$0x0], $0xffff  }
0x25f: {  	[tilespmem:$0x1F8B0] =	vst v27;
	v27 =	vld [tilespmem:$0x1FC30];
	v22 =	vadd.s32 $0x80, v4  }
0x260: {  	[tilespmem:$0x1F950] =	vst v25;
	s21 =	sadd.s32 $0x40, s21;
	v10 =	vld.idx.msk [tilespmem:v10+s1+$0x0], $0xffff  }
0x261: {  	s25 =	sand.u32 $0x3C0, s21;
	[tilespmem:$0x1FBC0] =	vst v19  }
0x262: {  	v25 =	vld [tilespmem:$0x1FCE0];
	[tilespmem:s25+$0x1800] =	vst v16  }
0x263: {  	[tilespmem:s19+$0x8C30] =	vst v15;
	v16 =	vmov v48;
	v14 =	vld.idx.msk [tilespmem:v14+s1+$0x0], $0xffff  }
0x264: {  	[tilespmem:$0x1FBA0] =	vst v16;
	v16 =	vld.idx.msk [tilespmem:v22+s1+$0x0], $0xffff  }
0x265: {  	v13 =	vld.idx.msk [tilespmem:v13+s1+$0x0], $0xffff;
	[tilespmem:s19+$0x8820] =	vst v10  }
0x266: {  	v17 =	vadd.s32 $0xDC0, v4;
	[tilespmem:s20+$0xAC00] =	vst v24;
	v24 =	vld.idx.msk [tilespmem:v26+s1+$0x0], $0xffff;
	v26 =	vadd.s32 $0x7C0, v0  }
0x267: {  	[tilespmem:$0x1FA50] =	vst v17;
	v27 =	vld.idx.msk [tilespmem:v27+s1+$0x0], $0xffff  }
0x268: {  	[tilespmem:s18+$0x10000] =	vst v14;
	v14 =	vld [tilespmem:$0x1FE50]  }
0x269: {  	v17 =	vadd.s32 $0xE00, v4;
	[tilespmem:s25+$0x1C00] =	vst v16;
	v16 =	vld [tilespmem:$0x1FFD0]  }
0x26a: {  	[tilespmem:$0x1FB20] =	vst v17;
	v17 =	vadd.s32 $0xE40, v4  }
0x26b: {  	v19 =	vadd.s32 $0x9C0, v4;
	[tilespmem:$0x1FCA0] =	vst v17;
	v15 =	vld.idx.msk [tilespmem:v26+s1+$0x0], $0xffff  }
0x26c: {  	[tilespmem:s17+$0x10020] =	vst v13;
	v26 =	vld [tilespmem:$0x1FC40]  }
0x26d: {  	[tilespmem:s19+$0x8810] =	vst v23;
	v29 =	vmov v14;
	v14 =	vld.idx.msk [tilespmem:v44+s1+$0x0], $0xffff  }
0x26e: {  	v13 =	vmov v19;
	[tilespmem:s19+$0x8C20] =	vst v24;
	v24 =	vld [tilespmem:$0x1FE90];
	v19 =	vmov v16  }
0x26f: {  	v17 =	vadd.s32 $0xC0, v4;
	[tilespmem:$0x1F680] =	vst v19;
	v19 =	vld [tilespmem:$0x1FCF0]  }
0x270: {  	[tilespmem:$0x1FA90] =	vst v20;
	v12 =	vadd.s32 $0xE80, v4;
	v25 =	vld.idx.msk [tilespmem:v25+s1+$0x0], $0xffff  }
0x271: {  	[tilespmem:$0x1F7F0] =	vst v12;
	v12 =	vadd.s32 $0xEC0, v4  }
0x272: {  	[tilespmem:$0x1F540] =	vst v12  }
0x273: {  	[tilespmem:$0x1FC30] =	vst v13;
	v13 =	vld.idx.msk [tilespmem:v43+s1+$0x0], $0xffff  }
0x274: {  	v16 =	vld.idx.msk [tilespmem:v17+s1+$0x0], $0xffff;
	[tilespmem:s20+$0xB000] =	vst v27  }
0x275: {  	v12 =	vadd.s32 $0xF00, v4;
	[tilespmem:s19+$0x8C10] =	vst v25;
	v26 =	vld.idx.msk [tilespmem:v26+s1+$0x0], $0xffff  }
0x276: {  	v24 =	vld.idx.msk [tilespmem:v24+s1+$0x0], $0xffff;
	[tilespmem:s17+$0x10420] =	vst v14;
	v14 =	vmov v12  }
0x277: {  	v20 =	vadd.s32 $0xA00, v4;
	[tilespmem:$0x1F590] =	vst v14;
	v19 =	vld.idx.msk [tilespmem:v19+s1+$0x0], $0xffff  }
0x278: {  	v17 =	vadd.s32 $0x100, v4;
	v14 =	vld [tilespmem:$0x1FE60];
	[tilespmem:s17+$0x10410] =	vst v13;
	v13 =	vmov v20  }
0x279: {  	[tilespmem:$0x1FC40] =	vst v13;
	v13 =	vld.idx.msk [tilespmem:v37+s1+$0x0], $0xffff  }
0x27a: {  	[tilespmem:s25+$0x2000] =	vst v16;
	v12 =	vld.idx.msk [tilespmem:v42+s1+$0x0], $0xffff  }
0x27b: {  	[tilespmem:s19+$0x9020] =	vst v24;
	v24 =	vld [tilespmem:$0x1FC50]  }
0x27c: {  	[tilespmem:s19+$0x9010] =	vst v19;
	v19 =	vld [tilespmem:$0x1FEA0]  }
0x27d: {  	v25 =	vadd.s32 $0x800, v0;
	v16 =	vmov v14;
	v14 =	vld.idx.msk [tilespmem:v17+s1+$0x0], $0xffff  }
0x27e: {  	v17 =	vld [tilespmem:$0x1FD00];
	_ =	sdelay $0x1  }
0x27f: {  	[tilespmem:$0x1F7E0] =	vst v21  }
0x280: {  	[tilespmem:s19+$0x9030] =	vst v15  }
0x281: {  	v15 =	vld.idx.msk [tilespmem:v25+s1+$0x0], $0xffff;
	[tilespmem:s20+$0xB400] =	vst v26  }
0x282: {  	v21 =	vadd.s32 $0xA40, v4;
	[tilespmem:$0x1F580] =	vst v16;
	v24 =	vld.idx.msk [tilespmem:v24+s1+$0x0], $0xffff  }
0x283: {  	[tilespmem:s18+$0x10400] =	vst v13;
	v13 =	vmov v21;
	v19 =	vld.idx.msk [tilespmem:v19+s1+$0x0], $0xffff  }
0x284: {  	[tilespmem:$0x1FC50] =	vst v13;
	v13 =	vld [tilespmem:$0x1FFE0]  }
0x285: {  	v21 =	vmov v46;
	v17 =	vld.idx.msk [tilespmem:v17+s1+$0x0], $0xffff;
	[tilespmem:s17+$0x10810] =	vst v12  }
0x286: {  	[tilespmem:$0x1F740] =	vst v21;
	v21 =	vld [tilespmem:$0x1FC60]  }
0x287: {  	v16 =	vadd.s32 $0x140, v4;
	v12 =	vld.idx.msk [tilespmem:v41+s1+$0x0], $0xffff;
	[tilespmem:s25+$0x2400] =	vst v14  }
0x288: {  	[tilespmem:s19+$0x9420] =	vst v19;
	v19 =	vld [tilespmem:$0x1FEB0]  }
0x289: {  	v25 =	vmov v13;
	v13 =	vld.idx.msk [tilespmem:v35+s1+$0x0], $0xffff  }
0x28a: {  	v22 =	vadd.s32 $0xF40, v4;
	v20 =	vmov v47;
	[tilespmem:s19+$0x9410] =	vst v17;
	v17 =	vld [tilespmem:$0x1FD10]  }
0x28b: {  	[tilespmem:$0x1F5D0] =	vst v20;
	v14 =	vmov v22  }
0x28c: {  	v20 =	vadd.s32 $0x840, v0;
	[tilespmem:$0x1F5E0] =	vst v14;
	v14 =	vld.idx.msk [tilespmem:v16+s1+$0x0], $0xffff  }
0x28d: {  	[tilespmem:s20+$0xB800] =	vst v24  }
0x28e: {  	v21 =	vld.idx.msk [tilespmem:v21+s1+$0x0], $0xffff  }
0x28f: {  	v16 =	vadd.s32 $0x180, v4;
	[tilespmem:s18+$0x10800] =	vst v13;
	v13 =	vld [tilespmem:$0x1FFF0]  }
0x290: {  	[tilespmem:s19+$0x9430] =	vst v15;
	v19 =	vld.idx.msk [tilespmem:v19+s1+$0x0], $0xffff  }
0x291: {  	v15 =	vld.idx.msk [tilespmem:v20+s1+$0x0], $0xffff;
	[tilespmem:s25+$0x2800] =	vst v14  }
0x292: {  	v20 =	vadd.s32 $0x880, v0;
	v17 =	vld.idx.msk [tilespmem:v17+s1+$0x0], $0xffff;
	[tilespmem:s17+$0x10820] =	vst v12;
	v12 =	vmov v31  }
0x293: {  	[tilespmem:$0x1F6F0] =	vst v12;
	v12 =	vld.idx.msk [tilespmem:v40+s1+$0x0], $0xffff  }
0x294: {  	v14 =	vmov v13;
	v13 =	vld.idx.msk [tilespmem:v16+s1+$0x0], $0xffff  }
0x295: {  	[tilespmem:s19+$0x9820] =	vst v19;
	v19 =	vld [tilespmem:$0x1FC70]  }
0x296: {  	[tilespmem:s19+$0x9830] =	vst v15;
	v16 =	vld [tilespmem:$0x1FEC0]  }
0x297: {  	[tilespmem:$0x1F560] =	vst v14;
	v14 =	vld.idx.msk [tilespmem:v20+s1+$0x0], $0xffff  }
0x298: {  	[tilespmem:$0x1F850] =	vst v18  }
0x299: {  	v18 =	vadd.s32 $0x300, v4;
	v9 =	vadd.s32 $0x340, v4;
	[tilespmem:$0x1FB80] =	vst v2  }
0x29a: {  	v3 =	vadd.s32 $0x200, v4;
	v7 =	vadd.s32 $0x2C0, v4;
	v11 =	vadd.s32 $0xA80, v4;
	v15 =	vld [tilespmem:$0x1FD20];
	[tilespmem:s20+$0xBC00] =	vst v21  }
0x29b: {  	v6 =	vadd.s32 $0xB00, v4;
	v2 =	vadd.s32 $0x240, v4;
	v1 =	vadd.s32 $0x280, v4;
	v22 =	vmovc v11;
	v11 =	vld.idx.msk [tilespmem:v39+s1+$0x0], $0xffff;
	[tilespmem:s19+$0x9810] =	vst v17  }
0x29c: {  	v8 =	vadd.s32 $0xAC0, v4;
	v5 =	vadd.s32 $0xB40, v4;
	v17 =	vadd.s32 $0x8C0, v0;
	[tilespmem:s19+$0x9C30] =	vst v14;
	v14 =	vld [tilespmem:$0x1FED0]  }
0x29d: {  	v23 =	vadd.s32 $0xF80, v4;
	v10 =	vadd.s32 $0xFC0, v4;
	v4 =	vadd.s32 $0x1C0, v4;
	v19 =	vld.idx.msk [tilespmem:v19+s1+$0x0], $0xffff  }
0x29e: {  	v16 =	vld.idx.msk [tilespmem:v16+s1+$0x0], $0xffff  }
0x29f: {  	[tilespmem:s17+$0x10C20] =	vst v12;
	v12 =	vmov v45  }
0x2a0: {  	v20 =	vmov v8;
	v8 =	vld.idx.msk [tilespmem:v34+s1+$0x0], $0xffff;
	[tilespmem:$0x1F5A0] =	vst v12  }
0x2a1: {  	v12 =	vld.idx.msk [tilespmem:v17+s1+$0x0], $0xffff;
	[tilespmem:s25+$0x2C00] =	vst v13  }
0x2a2: {  	v4 =	vld.idx.msk [tilespmem:v4+s1+$0x0], $0xffff;
	[tilespmem:s20+$0xC000] =	vst v19  }
0x2a3: {  	[tilespmem:s19+$0x9C20] =	vst v16;
	v16 =	vld.idx.msk [tilespmem:v59+s1+$0x0], $0xffff  }
0x2a4: {  	v13 =	vld [tilespmem:$0x1FD30]  }
0x2a5: {  	v15 =	vld.idx.msk [tilespmem:v15+s1+$0x0], $0xffff;
	[tilespmem:s17+$0x10C10] =	vst v11  }
0x2a6: {  	v14 =	vld.idx.msk [tilespmem:v14+s1+$0x0], $0xffff;
	[tilespmem:s18+$0x10C00] =	vst v8  }
0x2a7: {  	v59 =	vld [tilespmem:s24+$0x1030];
	[tilespmem:s25+$0x3000] =	vst v4  }
0x2a8: {  	v4 =	vld.idx.msk [tilespmem:v33+s1+$0x0], $0xffff;
	[tilespmem:s20+$0xC400] =	vst v16  }
0x2a9: {  	v11 =	vmov v23;
	[tilespmem:s19+$0xA030] =	vst v12;
	v12 =	vld.idx.msk [tilespmem:v3+s1+$0x0], $0xffff  }
0x2aa: {  	[tilespmem:$0x1F620] =	vst v11;
	v3 =	vld [tilespmem:$0x1FD40]  }
0x2ab: {  	v11 =	vld.idx.msk [tilespmem:v38+s1+$0x0], $0xffff;
	[tilespmem:s19+$0x9C10] =	vst v15  }
0x2ac: {  	v13 =	vld.idx.msk [tilespmem:v13+s1+$0x0], $0xffff  }
0x2ad: {  	v19 =	vmov v6;
	v6 =	vld.idx.msk [tilespmem:v36+s1+$0x0], $0xffff;
	_ =	sdelay $0x1  }
0x2ae: {  	[tilespmem:s19+$0xA020] =	vst v14  }
0x2af: {  	[tilespmem:s17+$0x11010] =	vst v11  }
0x2b0: {  	v36 =	vld [tilespmem:s24+$0x1020];
	[tilespmem:s19+$0xA010] =	vst v13  }
0x2b1: {  	[tilespmem:s17+$0x11020] =	vst v6;
	v6 =	vld.idx.msk [tilespmem:v3+s1+$0x0], $0xffff  }
0x2b2: {  	v3 =	vld [tilespmem:$0x1FEE0];
	_ =	sdelay $0x7  }
0x2b3: {  	[tilespmem:s18+$0x11000] =	vst v4;
	v4 =	vld.idx.msk [tilespmem:v3+s1+$0x0], $0xffff  }
0x2b4: {  	v3 =	vld [tilespmem:$0x1FC80];
	_ =	sdelay $0x4  }
0x2b5: {  	[tilespmem:$0x1F900] =	vst v54  }
0x2b6: {  	[tilespmem:$0x1F9B0] =	vst v53  }
0x2b7: {  	[tilespmem:$0x1F640] =	vst v63;
	s18 =	smov.u32 s20;
	s20 =	smov.u32 s25;
	v38 =	vld [tilespmem:s24+$0x1010]  }
0x2b8: {  	v13 =	vld.idx.msk [tilespmem:v3+s1+$0x0], $0xffff;
	[tilespmem:s20+$0x3400] =	vst v12  }
0x2b9: {  	[tilespmem:$0x1FA40] =	vst v52;
	v2 =	vld.idx.msk [tilespmem:v2+s1+$0x0], $0xffff  }
0x2ba: {  	[tilespmem:$0x1F840] =	vst v30  }
0x2bb: {  	[tilespmem:$0x1FB10] =	vst v50;
	s17 =	smov.u32 s19  }
0x2bc: {  	v47 =	vld.idx.msk [tilespmem:v36+s1+$0x0], $0xffff;
	[tilespmem:s17+$0xA420] =	vst v4  }
0x2bd: {  	[tilespmem:s18+$0xC800] =	vst v13  }
0x2be: {  	[tilespmem:s20+$0x3800] =	vst v2;
	v2 =	vadd.s32 $0x400, v38  }
0x2bf: {  	[tilespmem:$0x1F750] =	vst v2;
	v2 =	vadd.s32 $0x400, v36  }
0x2c0: {  	v4 =	vld [tilespmem:$0x1FD50];
	[tilespmem:$0x1F760] =	vst v2;
	v2 =	vadd.s32 $0x440, v38  }
0x2c1: {  	[tilespmem:$0x1F7B0] =	vst v2;
	v2 =	vadd.s32 $0x480, v38  }
0x2c2: {  	[tilespmem:$0x1F810] =	vst v2;
	v2 =	vadd.s32 $0x440, v36  }
0x2c3: {  	[tilespmem:$0x1F7C0] =	vst v2;
	v2 =	vadd.s32 $0x4C0, v38  }
0x2c4: {  	v15 =	vadd.s32 $0x900, v0;
	[tilespmem:$0x1F870] =	vst v2;
	v2 =	vadd.s32 $0x480, v36  }
0x2c5: {  	[tilespmem:$0x1F820] =	vst v2;
	v2 =	vadd.s32 $0x4C0, v36  }
0x2c6: {  	[tilespmem:$0x1F880] =	vst v2;
	v2 =	vld [tilespmem:$0x1FD60]  }
0x2c7: {  	v26 =	vld.idx.msk [tilespmem:v38+s1+$0x0], $0xffff;
	[tilespmem:s17+$0xA410] =	vst v6  }
0x2c8: {  	[tilespmem:$0x1FC70] =	vst v20;
	v8 =	vmov v10;
	v20 =	vadd.s32 $0x40, v38;
	v49 =	vld.idx.msk [tilespmem:v4+s1+$0x0], $0xffff  }
0x2c9: {  	[tilespmem:$0x1F7A0] =	vst v8;
	v8 =	vld.idx.msk [tilespmem:v15+s1+$0x0], $0xffff  }
0x2ca: {  	[tilespmem:$0x1F670] =	vst v29  }
0x2cb: {  	[tilespmem:$0x1FC60] =	vst v22;
	v10 =	vadd.s32 $0x940, v0;
	s19 =	smov.u32 s24;
	v4 =	vld [tilespmem:$0x1FEF0]  }
0x2cc: {  	[tilespmem:s19+$0x1410] =	vst v26  }
0x2cd: {  	v20 =	vld.idx.msk [tilespmem:v20+s1+$0x0], $0xffff;
	[tilespmem:s17+$0xA810] =	vst v49  }
0x2ce: {  	[tilespmem:s17+$0xA430] =	vst v8;
	v39 =	vld.idx.msk [tilespmem:v2+s1+$0x0], $0xffff;
	v2 =	vadd.s32 $0x500, v38  }
0x2cf: {  	[tilespmem:$0x1F8C0] =	vst v2;
	v2 =	vadd.s32 $0x540, v38  }
0x2d0: {  	v3 =	vmov v5;
	v5 =	vld.idx.msk [tilespmem:v10+s1+$0x0], $0xffff;
	[tilespmem:$0x1F920] =	vst v2;
	v2 =	vadd.s32 $0x500, v36  }
0x2d1: {  	[tilespmem:$0x1F8D0] =	vst v2;
	v2 =	vld [tilespmem:$0x1FF00]  }
0x2d2: {  	[tilespmem:$0x1F6B0] =	vst v25;
	v17 =	vmov v60  }
0x2d3: {  	[tilespmem:$0x1F5B0] =	vst v17;
	v21 =	vadd.s32 $0x40, v36;
	v50 =	vld.idx.msk [tilespmem:v4+s1+$0x0], $0xffff  }
0x2d4: {  	[tilespmem:$0x1FAE0] =	vst v19;
	v11 =	vmov v32;
	v23 =	vld.idx.msk [tilespmem:v59+s1+$0x0], $0xffff  }
0x2d5: {  	[tilespmem:$0x1F600] =	vst v11  }
0x2d6: {  	[tilespmem:s17+$0xA830] =	vst v5  }
0x2d7: {  	[tilespmem:s19+$0x1420] =	vst v47  }
0x2d8: {  	v52 =	vld.idx.msk [tilespmem:v21+s1+$0x0], $0xffff;
	[tilespmem:s17+$0xA820] =	vst v50  }
0x2d9: {  	[tilespmem:s19+$0x1430] =	vst v23;
	v41 =	vld.idx.msk [tilespmem:v2+s1+$0x0], $0xffff;
	v2 =	vadd.s32 $0x580, v38  }
0x2da: {  	[tilespmem:$0x1F980] =	vst v2;
	v2 =	vadd.s32 $0x540, v36  }
0x2db: {  	[tilespmem:$0x1F930] =	vst v2;
	v2 =	vadd.s32 $0x580, v36  }
0x2dc: {  	[tilespmem:$0x1F990] =	vst v2;
	v2 =	vadd.s32 $0x5C0, v38  }
0x2dd: {  	[tilespmem:$0x1F9F0] =	vst v2;
	v2 =	vadd.s32 $0x600, v38  }
0x2de: {  	[tilespmem:$0x1FA60] =	vst v2;
	v2 =	vadd.s32 $0x5C0, v36  }
0x2df: {  	v31 =	vadd.s32 $0x980, v0;
	[tilespmem:$0x1FA00] =	vst v2;
	v2 =	vadd.s32 $0x640, v38  }
0x2e0: {  	[tilespmem:$0x1FAD0] =	vst v2;
	v2 =	vadd.s32 $0x600, v36  }
0x2e1: {  	v48 =	vadd.s32 $0x40, v59;
	[tilespmem:$0x1FA70] =	vst v2;
	v2 =	vadd.s32 $0x640, v36  }
0x2e2: {  	[tilespmem:$0x1FAF0] =	vst v2;
	v2 =	vadd.s32 $0x6C0, v38  }
0x2e3: {  	[tilespmem:$0x1FCB0] =	vst v2;
	v2 =	vadd.s32 $0x680, v36  }
0x2e4: {  	v31 =	vld.idx.msk [tilespmem:v31+s1+$0x0], $0xffff;
	[tilespmem:$0x1FB60] =	vst v2;
	v2 =	vadd.s32 $0x700, v38  }
0x2e5: {  	v1 =	vld.idx.msk [tilespmem:v1+s1+$0x0], $0xffff;
	[tilespmem:$0x1FCC0] =	vst v2;
	v2 =	vadd.s32 $0x740, v38  }
0x2e6: {  	v35 =	vld.idx.msk [tilespmem:v48+s1+$0x0], $0xffff;
	[tilespmem:$0x1FCD0] =	vst v2;
	v2 =	vadd.s32 $0x700, v36  }
0x2e7: {  	[tilespmem:$0x1FE70] =	vst v2;
	v2 =	vld [tilespmem:$0x1FD70]  }
0x2e8: {  	[tilespmem:$0x1FC80] =	vst v3  }
0x2e9: {  	v24 =	vadd.s32 $0x80, v38;
	[tilespmem:s17+$0xAC30] =	vst v31  }
0x2ea: {  	[tilespmem:s20+$0x3C00] =	vst v1  }
0x2eb: {  	v51 =	vadd.s32 $0x9C0, v0;
	v1 =	vadd.s32 $0x680, v38;
	[tilespmem:s19+$0x1830] =	vst v35  }
0x2ec: {  	v53 =	vadd.s32 $0x80, v59;
	[tilespmem:$0x1FB50] =	vst v1  }
0x2ed: {  	[tilespmem:s19+$0x1810] =	vst v20  }
0x2ee: {  	v4 =	vadd.s32 $0x380, v38;
	v24 =	vld.idx.msk [tilespmem:v24+s1+$0x0], $0xffff;
	[tilespmem:s17+$0xAC10] =	vst v39  }
0x2ef: {  	[tilespmem:$0x1F6C0] =	vst v4;
	v57 =	vld.idx.msk [tilespmem:v2+s1+$0x0], $0xffff;
	v2 =	vadd.s32 $0x780, v38  }
0x2f0: {  	v31 =	vld.idx.msk [tilespmem:v51+s1+$0x0], $0xffff;
	[tilespmem:$0x1FCE0] =	vst v2;
	v2 =	vadd.s32 $0x740, v36  }
0x2f1: {  	v20 =	vld.idx.msk [tilespmem:v53+s1+$0x0], $0xffff;
	[tilespmem:$0x1FE80] =	vst v2;
	v2 =	vadd.s32 $0x780, v36  }
0x2f2: {  	v4 =	vadd.s32 $0x380, v36;
	[tilespmem:$0x1F860] =	vst v2;
	v2 =	vld [tilespmem:$0x1FF10]  }
0x2f3: {  	[tilespmem:$0x1F6D0] =	vst v4;
	v4 =	vadd.s32 $0x3C0, v38  }
0x2f4: {  	v63 =	vmov v28;
	v28 =	vadd.s32 $0x80, v36;
	[tilespmem:$0x1F710] =	vst v4;
	v4 =	vadd.s32 $0x3C0, v36  }
0x2f5: {  	[tilespmem:$0x1F720] =	vst v4  }
0x2f6: {  	[tilespmem:s17+$0xB030] =	vst v31  }
0x2f7: {  	[tilespmem:s19+$0x1C30] =	vst v20  }
0x2f8: {  	[tilespmem:s19+$0x1820] =	vst v52  }
0x2f9: {  	v1 =	vld.idx.msk [tilespmem:v28+s1+$0x0], $0xffff;
	[tilespmem:s17+$0xAC20] =	vst v41  }
0x2fa: {  	[tilespmem:s19+$0x1C10] =	vst v24;
	v60 =	vld.idx.msk [tilespmem:v2+s1+$0x0], $0xffff;
	v2 =	vadd.s32 $0x7C0, v38  }
0x2fb: {  	v54 =	vadd.s32 $0xA00, v0;
	[tilespmem:$0x1FCF0] =	vst v2;
	v2 =	vadd.s32 $0x800, v38  }
0x2fc: {  	v28 =	vadd.s32 $0xC0, v59;
	[tilespmem:$0x1FD00] =	vst v2;
	v2 =	vadd.s32 $0x7C0, v36  }
0x2fd: {  	v19 =	vadd.s32 $0xC0, v38;
	[tilespmem:$0x1FE90] =	vst v2;
	v2 =	vadd.s32 $0x840, v38  }
0x2fe: {  	v7 =	vld.idx.msk [tilespmem:v7+s1+$0x0], $0xffff;
	[tilespmem:$0x1FD10] =	vst v2;
	v2 =	vadd.s32 $0x800, v36  }
0x2ff: {  	[tilespmem:$0x1FEA0] =	vst v2;
	v2 =	vadd.s32 $0x840, v36  }
0x300: {  	v20 =	vld.idx.msk [tilespmem:v54+s1+$0x0], $0xffff;
	[tilespmem:$0x1FEB0] =	vst v2;
	v2 =	vadd.s32 $0x880, v38  }
0x301: {  	v24 =	vld.idx.msk [tilespmem:v28+s1+$0x0], $0xffff;
	[tilespmem:$0x1FD20] =	vst v2  }
0x302: {  	v19 =	vld.idx.msk [tilespmem:v19+s1+$0x0], $0xffff;
	[tilespmem:s19+$0x1C20] =	vst v1  }
0x303: {  	[tilespmem:s20+$0x4000] =	vst v7;
	v2 =	vadd.s32 $0x8C0, v38  }
0x304: {  	[tilespmem:$0x1FD30] =	vst v2;
	v2 =	vadd.s32 $0x8C0, v36  }
0x305: {  	[tilespmem:$0x1FED0] =	vst v2;
	v2 =	vadd.s32 $0x900, v38  }
0x306: {  	[tilespmem:$0x1FD40] =	vst v2;
	v2 =	vadd.s32 $0x940, v38  }
0x307: {  	[tilespmem:$0x1FD50] =	vst v2;
	v2 =	vadd.s32 $0x900, v36  }
0x308: {  	[tilespmem:$0x1FEE0] =	vst v2;
	v2 =	vadd.s32 $0x980, v38  }
0x309: {  	[tilespmem:$0x1FD60] =	vst v2;
	v2 =	vadd.s32 $0x940, v36  }
0x30a: {  	v18 =	vld.idx.msk [tilespmem:v18+s1+$0x0], $0xffff;
	[tilespmem:$0x1FEF0] =	vst v2;
	v2 =	vadd.s32 $0x980, v36  }
0x30b: {  	[tilespmem:$0x1FF00] =	vst v2;
	v2 =	vld [tilespmem:$0x1FD80];
	_ =	sdelay $0x2  }
0x30c: {  	[tilespmem:s17+$0xB010] =	vst v57  }
0x30d: {  	[tilespmem:s17+$0xB430] =	vst v20  }
0x30e: {  	v16 =	vadd.s32 $0x100, v38;
	v1 =	vadd.s32 $0x880, v36;
	[tilespmem:s20+$0x4400] =	vst v18  }
0x30f: {  	[tilespmem:$0x1FEC0] =	vst v1;
	v57 =	vld.idx.msk [tilespmem:v9+s1+$0x0], $0xffff  }
0x310: {  	[tilespmem:s19+$0x2030] =	vst v24;
	v9 =	vld [tilespmem:$0x1FD90]  }
0x311: {  	v3 =	vadd.s32 $0xC0, v36;
	v28 =	vld.idx.msk [tilespmem:v2+s1+$0x0], $0xffff;
	v2 =	vadd.s32 $0x9C0, v38;
	[tilespmem:s19+$0x2010] =	vst v19  }
0x312: {  	v7 =	vadd.s32 $0x100, v59;
	[tilespmem:$0x1FD70] =	vst v2;
	v2 =	vadd.s32 $0xA00, v38  }
0x313: {  	v1 =	vadd.s32 $0xA40, v0;
	v24 =	vld.idx.msk [tilespmem:v16+s1+$0x0], $0xffff;
	[tilespmem:$0x1FD80] =	vst v2;
	v2 =	vadd.s32 $0x9C0, v36  }
0x314: {  	[tilespmem:$0x1FF10] =	vst v2;
	v2 =	vld [tilespmem:$0x1FF20];
	_ =	sdelay $0x1  }
0x315: {  	v8 =	vadd.s32 $0x140, v38;
	v3 =	vld.idx.msk [tilespmem:v3+s1+$0x0], $0xffff  }
0x316: {  	v7 =	vld.idx.msk [tilespmem:v7+s1+$0x0], $0xffff  }
0x317: {  	v11 =	vadd.s32 $0x100, v36;
	v39 =	vadd.s32 $0xA40, v38;
	v1 =	vld.idx.msk [tilespmem:v1+s1+$0x0], $0xffff;
	[tilespmem:s17+$0xB410] =	vst v28  }
0x318: {  	v52 =	vld.idx.msk [tilespmem:v9+s1+$0x0], $0xffff;
	v9 =	vmov v39;
	[tilespmem:s19+$0x2410] =	vst v24  }
0x319: {  	[tilespmem:$0x1FD90] =	vst v9;
	v9 =	vld [tilespmem:$0x1FF30]  }
0x31a: {  	[tilespmem:s17+$0xB020] =	vst v60;
	v23 =	vld.idx.msk [tilespmem:v8+s1+$0x0], $0xffff  }
0x31b: {  	v54 =	vadd.s32 $0x140, v59;
	v31 =	vld.idx.msk [tilespmem:v2+s1+$0x0], $0xffff;
	[tilespmem:s19+$0x2020] =	vst v3  }
0x31c: {  	v18 =	vld.idx.msk [tilespmem:v11+s1+$0x0], $0xffff  }
0x31d: {  	v3 =	vadd.s32 $0xA80, v0;
	[tilespmem:s17+$0xB810] =	vst v52;
	v52 =	vld [tilespmem:$0x1FDA0]  }
0x31e: {  	v22 =	vadd.s32 $0x140, v36;
	[tilespmem:s17+$0xB830] =	vst v1  }
0x31f: {  	[tilespmem:s19+$0x2430] =	vst v7  }
0x320: {  	v21 =	vld.idx.msk [tilespmem:v54+s1+$0x0], $0xffff;
	[tilespmem:s17+$0xB420] =	vst v31  }
0x321: {  	v51 =	vld.idx.msk [tilespmem:v9+s1+$0x0], $0xffff;
	[tilespmem:s19+$0x2420] =	vst v18;
	v18 =	vadd.s32 $0xD80, v36  }
0x322: {  	v53 =	vld.idx.msk [tilespmem:v3+s1+$0x0], $0xffff  }
0x323: {  	v3 =	vmov v55;
	v55 =	vld.idx.msk [tilespmem:v22+s1+$0x0], $0xffff  }
0x324: {  	[tilespmem:$0x1F970] =	vst v18;
	v22 =	vld [tilespmem:$0x1F520];
	v18 =	vmov v62;
	v62 =	vadd.s32 $0x180, v59  }
0x325: {  	v52 =	vld.idx.msk [tilespmem:v52+s1+$0x0], $0xffff;
	[tilespmem:s19+$0x2810] =	vst v23;
	v23 =	vadd.s32 $0xF40, v38  }
0x326: {  	[tilespmem:$0x1FE60] =	vst v23  }
0x327: {  	[tilespmem:s17+$0xBC30] =	vst v53  }
0x328: {  	v23 =	vadd.s32 $0xF40, v36;
	[tilespmem:s19+$0x2830] =	vst v21  }
0x329: {  	[tilespmem:$0x1FFE0] =	vst v23;
	v23 =	vld.idx.msk [tilespmem:v62+s1+$0x0], $0xffff  }
0x32a: {  	v62 =	vld [tilespmem:$0x1F530]  }
0x32b: {  	[tilespmem:s20+$0x4800] =	vst v57;
	v28 =	vadd.s32 $0xF00, v38  }
0x32c: {  	v48 =	vadd.s32 $0xA80, v38;
	v35 =	vadd.s32 $0xA40, v36;
	v57 =	vmovc v56;
	v54 =	vadd.s32 $0xAC0, v0;
	[tilespmem:$0x1FE50] =	vst v28;
	v56 =	vld.idx.msk [tilespmem:v22+s1+$0x0], $0xffff  }
0x32d: {  	v42 =	vadd.s32 $0x180, v36;
	v40 =	vadd.s32 $0x1C0, v36;
	v1 =	vmovc v35;
	[tilespmem:s17+$0xB820] =	vst v51;
	v51 =	vmov v48;
	v48 =	vld [tilespmem:$0x1FF40]  }
0x32e: {  	v34 =	vadd.s32 $0x200, v36;
	v33 =	vadd.s32 $0x240, v36;
	v24 =	vadd.s32 $0xE80, v38;
	[tilespmem:$0x1FF30] =	vst v1  }
0x32f: {  	v29 =	vadd.s32 $0x2C0, v36;
	v17 =	vadd.s32 $0x180, v38;
	[tilespmem:$0x1FE40] =	vst v24;
	v2 =	vadd.s32 $0xA00, v36  }
0x330: {  	v25 =	vmovc v61;
	v58 =	vadd.s32 $0x6C0, v36;
	v61 =	vadd.s32 $0xAC0, v36;
	v49 =	vadd.s32 $0xA80, v36;
	[tilespmem:$0x1FF20] =	vst v2  }
0x331: {  	v44 =	vadd.s32 $0xC00, v36;
	v15 =	vadd.s32 $0x1C0, v38;
	v37 =	vadd.s32 $0x200, v38;
	v53 =	vmovc v49;
	v21 =	vld.idx.msk [tilespmem:v54+s1+$0x0], $0xffff;
	[tilespmem:s20+$0x4C00] =	vst v56  }
0x332: {  	v14 =	vadd.s32 $0x240, v38;
	v28 =	vadd.s32 $0xF00, v36;
	v2 =	vadd.s32 $0xAC0, v38;
	[tilespmem:$0x1FF40] =	vst v53;
	v53 =	vld.idx.msk [tilespmem:v62+s1+$0x0], $0xffff  }
0x333: {  	v30 =	vadd.s32 $0x2C0, v38;
	v27 =	vadd.s32 $0x300, v38;
	v46 =	vadd.s32 $0xB80, v38;
	[tilespmem:$0x1FFD0] =	vst v28;
	v62 =	vmovc v2;
	v2 =	vld [tilespmem:$0x1FF50]  }
0x334: {  	v45 =	vadd.s32 $0xBC0, v38;
	v43 =	vadd.s32 $0xC00, v38;
	v32 =	vadd.s32 $0xCC0, v38;
	v17 =	vld.idx.msk [tilespmem:v17+s1+$0x0], $0xffff;
	[tilespmem:$0x1FDA0] =	vst v51  }
0x335: {  	v6 =	vadd.s32 $0x340, v38;
	v12 =	vadd.s32 $0x280, v38;
	[tilespmem:s17+$0xBC10] =	vst v52;
	v22 =	vadd.s32 $0xDC0, v38;
	v48 =	vld.idx.msk [tilespmem:v48+s1+$0x0], $0xffff  }
0x336: {  	v10 =	vadd.s32 $0x300, v36;
	v13 =	vadd.s32 $0x280, v36;
	[tilespmem:$0x1F9E0] =	vst v22;
	v22 =	vadd.s32 $0xE00, v38  }
0x337: {  	v5 =	vadd.s32 $0x340, v36;
	v26 =	vadd.s32 $0xD00, v36;
	v47 =	vadd.s32 $0xB40, v38;
	[tilespmem:$0x1FAA0] =	vst v22  }
0x338: {  	v4 =	vadd.s32 $0xB00, v38;
	v50 =	vadd.s32 $0xB00, v36;
	v41 =	vadd.s32 $0xC40, v38;
	[tilespmem:s17+$0xC030] =	vst v21  }
0x339: {  	v20 =	vadd.s32 $0xB40, v36;
	v60 =	vadd.s32 $0xCC0, v36;
	v35 =	vadd.s32 $0xC80, v38;
	[tilespmem:s19+$0x2820] =	vst v55  }
0x33a: {  	v7 =	vadd.s32 $0xD80, v38;
	v19 =	vadd.s32 $0xBC0, v36;
	v22 =	vadd.s32 $0xDC0, v36;
	v42 =	vld.idx.msk [tilespmem:v42+s1+$0x0], $0xffff;
	[tilespmem:s17+$0xBC20] =	vst v48  }
0x33b: {  	v16 =	vadd.s32 $0xB80, v36;
	v39 =	vadd.s32 $0xC40, v36;
	[tilespmem:$0x1FA30] =	vst v22;
	v22 =	vadd.s32 $0xE40, v38;
	v2 =	vld.idx.msk [tilespmem:v2+s1+$0x0], $0xffff  }
0x33c: {  	v1 =	vadd.s32 $0xC80, v36;
	v24 =	vadd.s32 $0xEC0, v38;
	[tilespmem:$0x1FB40] =	vst v22;
	v22 =	vadd.s32 $0xE00, v36;
	v56 =	vld [tilespmem:$0x1FDB0]  }
0x33d: {  	v28 =	vadd.s32 $0xFC0, v38;
	v11 =	vadd.s32 $0xD00, v38;
	v55 =	vadd.s32 $0xF80, v36;
	[tilespmem:$0x1FAC0] =	vst v22  }
0x33e: {  	v31 =	vadd.s32 $0xF80, v38;
	v9 =	vadd.s32 $0xD40, v38;
	v38 =	vadd.s32 $0xB00, v0;
	[tilespmem:$0x1FFF0] =	vst v55  }
0x33f: {  	v8 =	vadd.s32 $0xD40, v36;
	v49 =	vadd.s32 $0xEC0, v36;
	v51 =	vadd.s32 $0xE80, v36;
	v54 =	vld [tilespmem:$0x1FDC0];
	[tilespmem:s19+$0x2C20] =	vst v42  }
0x340: {  	v21 =	vmovc v61;
	v22 =	vadd.s32 $0xE40, v36;
	v55 =	vadd.s32 $0xFC0, v36;
	v36 =	vadd.s32 $0x1C0, v59;
	v61 =	vld.idx.msk [tilespmem:v40+s1+$0x0], $0xffff;
	[tilespmem:s17+$0xC020] =	vst v2;
	v2 =	vmovc v4  }
0x341: {  	[tilespmem:$0x1FDC0] =	vst v2;
	v2 =	vld [tilespmem:$0x1FF60]  }
0x342: {  	[tilespmem:s19+$0x2C30] =	vst v23  }
0x343: {  	[tilespmem:$0x1FF50] =	vst v21;
	v21 =	vld.idx.msk [tilespmem:v38+s1+$0x0], $0xffff  }
0x344: {  	v52 =	vld.idx.msk [tilespmem:v56+s1+$0x0], $0xffff  }
0x345: {  	[tilespmem:s19+$0x2C10] =	vst v17;
	v17 =	vld.idx.msk [tilespmem:v36+s1+$0x0], $0xffff  }
0x346: {  	[tilespmem:$0x1FDB0] =	vst v62;
	v62 =	vadd.s32 $0x200, v59;
	v15 =	vld.idx.msk [tilespmem:v15+s1+$0x0], $0xffff  }
0x347: {  	[tilespmem:s20+$0x5000] =	vst v53  }
0x348: {  	v23 =	vadd.s32 $0xB40, v0;
	v53 =	vld [tilespmem:$0x1F550];
	[tilespmem:s17+$0xC430] =	vst v21  }
0x349: {  	[tilespmem:s17+$0xC010] =	vst v52;
	v2 =	vld.idx.msk [tilespmem:v2+s1+$0x0], $0xffff  }
0x34a: {  	[tilespmem:s19+$0x3030] =	vst v17;
	v42 =	vld.idx.msk [tilespmem:v54+s1+$0x0], $0xffff  }
0x34b: {  	[tilespmem:s19+$0x3010] =	vst v15;
	v15 =	vld.idx.msk [tilespmem:v62+s1+$0x0], $0xffff;
	v4 =	vmov v50  }
0x34c: {  	v62 =	vld [tilespmem:$0x1FDD0];
	[tilespmem:$0x1FF60] =	vst v4  }
0x34d: {  	v4 =	vld.idx.msk [tilespmem:v23+s1+$0x0], $0xffff;
	[tilespmem:s19+$0x3020] =	vst v61  }
0x34e: {  	v23 =	vld.idx.msk [tilespmem:v34+s1+$0x0], $0xffff;
	[tilespmem:s17+$0xC420] =	vst v2;
	v2 =	vmov v47  }
0x34f: {  	[tilespmem:$0x1FDD0] =	vst v2;
	v2 =	vld [tilespmem:$0x1FF70];
	_ =	sdelay $0x1  }
0x350: {  	v40 =	vld.idx.msk [tilespmem:v53+s1+$0x0], $0xffff;
	_ =	sdelay $0x2  }
0x351: {  	v56 =	vadd.s32 $0x240, v59;
	v17 =	vld.idx.msk [tilespmem:v37+s1+$0x0], $0xffff  }
0x352: {  	v38 =	vmov v63;
	v63 =	vld [tilespmem:$0x1FDE0];
	v21 =	vadd.s32 $0xB80, v0;
	[tilespmem:s17+$0xC410] =	vst v42  }
0x353: {  	[tilespmem:s20+$0x5400] =	vst v40;
	v61 =	vld [tilespmem:$0x1F570]  }
0x354: {  	[tilespmem:s17+$0xC830] =	vst v4;
	v2 =	vld.idx.msk [tilespmem:v2+s1+$0x0], $0xffff  }
0x355: {  	v37 =	vld.idx.msk [tilespmem:v62+s1+$0x0], $0xffff;
	[tilespmem:s19+$0x3430] =	vst v15  }
0x356: {  	v4 =	vmov v20;
	[tilespmem:s19+$0x3410] =	vst v17;
	v15 =	vld.idx.msk [tilespmem:v56+s1+$0x0], $0xffff  }
0x357: {  	[tilespmem:$0x1FF70] =	vst v4;
	v4 =	vld.idx.msk [tilespmem:v21+s1+$0x0], $0xffff  }
0x358: {  	v14 =	vld.idx.msk [tilespmem:v14+s1+$0x0], $0xffff;
	[tilespmem:s19+$0x3420] =	vst v23  }
0x359: {  	v21 =	vadd.s32 $0x280, v59;
	v20 =	vld.idx.msk [tilespmem:v33+s1+$0x0], $0xffff;
	[tilespmem:s17+$0xC820] =	vst v2;
	v2 =	vmov v46  }
0x35a: {  	[tilespmem:$0x1FDE0] =	vst v2;
	v2 =	vld [tilespmem:$0x1FF80]  }
0x35b: {  	v17 =	vadd.s32 $0xBC0, v0;
	[tilespmem:s17+$0xC810] =	vst v37;
	v36 =	vld.idx.msk [tilespmem:v61+s1+$0x0], $0xffff  }
0x35c: {  	[tilespmem:s17+$0xCC30] =	vst v4;
	v23 =	vld [tilespmem:$0x1F5C0]  }
0x35d: {  	[tilespmem:s19+$0x3830] =	vst v15;
	v33 =	vld.idx.msk [tilespmem:v63+s1+$0x0], $0xffff  }
0x35e: {  	[tilespmem:s19+$0x3810] =	vst v14;
	v14 =	vld.idx.msk [tilespmem:v21+s1+$0x0], $0xffff  }
0x35f: {  	v4 =	vmov v16;
	v21 =	vld [tilespmem:$0x1F610]  }
0x360: {  	[tilespmem:$0x1FF80] =	vst v4;
	v4 =	vld.idx.msk [tilespmem:v17+s1+$0x0], $0xffff  }
0x361: {  	v17 =	vld [tilespmem:$0x1F5F0]  }
0x362: {  	v2 =	vld.idx.msk [tilespmem:v2+s1+$0x0], $0xffff  }
0x363: {  	[tilespmem:s20+$0x5800] =	vst v36  }
0x364: {  	v23 =	vld.idx.msk [tilespmem:v23+s1+$0x0], $0xffff;
	_ =	sdelay $0x1  }
0x365: {  	[tilespmem:s19+$0x3820] =	vst v20;
	v20 =	vld [tilespmem:$0x1FC90]  }
0x366: {  	v13 =	vld.idx.msk [tilespmem:v13+s1+$0x0], $0xffff;
	[tilespmem:s17+$0xCC20] =	vst v2;
	v2 =	vmov v21  }
0x367: {  	[tilespmem:$0x1FC90] =	vst v2;
	v2 =	vld [tilespmem:$0x1FDF0]  }
0x368: {  	[tilespmem:s20+$0x5C00] =	vst v23  }
0x369: {  	v17 =	vld.idx.msk [tilespmem:v17+s1+$0x0], $0xffff;
	_ =	sdelay $0x2  }
0x36a: {  	v12 =	vld.idx.msk [tilespmem:v12+s1+$0x0], $0xffff  }
0x36b: {  	v15 =	vadd.s32 $0xC00, v0;
	[tilespmem:s17+$0xCC10] =	vst v33;
	v20 =	vld.idx.msk [tilespmem:v20+s1+$0x0], $0xffff  }
0x36c: {  	[tilespmem:s20+$0x6000] =	vst v17;
	v17 =	vld [tilespmem:$0x1F630]  }
0x36d: {  	[tilespmem:s17+$0xD030] =	vst v4;
	v2 =	vld.idx.msk [tilespmem:v2+s1+$0x0], $0xffff  }
0x36e: {  	v4 =	vmov v45;
	[tilespmem:s19+$0x3C30] =	vst v14  }
0x36f: {  	[tilespmem:$0x1FDF0] =	vst v4  }
0x370: {  	v4 =	vld.idx.msk [tilespmem:v15+s1+$0x0], $0xffff;
	[tilespmem:s19+$0x3C10] =	vst v12  }
0x371: {  	v16 =	vadd.s32 $0x2C0, v59;
	v14 =	vld.idx.msk [tilespmem:v30+s1+$0x0], $0xffff  }
0x372: {  	[tilespmem:s17+$0xD010] =	vst v2;
	v2 =	vld [tilespmem:$0x1FF90];
	_ =	sdelay $0x1  }
0x373: {  	v17 =	vld.idx.msk [tilespmem:v17+s1+$0x0], $0xffff  }
0x374: {  	[tilespmem:s18+$0xCC00] =	vst v20;
	v20 =	vmov v19;
	v19 =	vld [tilespmem:$0x1F640]  }
0x375: {  	[tilespmem:s19+$0x3C20] =	vst v13;
	v12 =	vld.idx.msk [tilespmem:v16+s1+$0x0], $0xffff  }
0x376: {  	v13 =	vadd.s32 $0xC40, v0;
	[tilespmem:s17+$0xD430] =	vst v4;
	v4 =	vld [tilespmem:$0x1F650]  }
0x377: {  	v15 =	vld.idx.msk [tilespmem:v29+s1+$0x0], $0xffff;
	_ =	sdelay $0x1  }
0x378: {  	v2 =	vld.idx.msk [tilespmem:v2+s1+$0x0], $0xffff  }
0x379: {  	[tilespmem:s19+$0x4030] =	vst v12  }
0x37a: {  	v16 =	vadd.s32 $0x300, v59;
	v63 =	vmov v4;
	v4 =	vld.idx.msk [tilespmem:v13+s1+$0x0], $0xffff  }
0x37b: {  	v19 =	vld.idx.msk [tilespmem:v19+s1+$0x0], $0xffff;
	[tilespmem:s19+$0x4020] =	vst v15  }
0x37c: {  	[tilespmem:s20+$0x6400] =	vst v17;
	v10 =	vld.idx.msk [tilespmem:v10+s1+$0x0], $0xffff  }
0x37d: {  	v17 =	vmov v43;
	[tilespmem:s17+$0xD020] =	vst v2;
	v2 =	vld [tilespmem:$0x1FE00]  }
0x37e: {  	[tilespmem:$0x1FE00] =	vst v17;
	v17 =	vld [tilespmem:$0x1FFA0]  }
0x37f: {  	v12 =	vld.idx.msk [tilespmem:v16+s1+$0x0], $0xffff  }
0x380: {  	[tilespmem:s19+$0x4010] =	vst v14;
	v14 =	vadd.s32 $0xC80, v0;
	_ =	sdelay $0x1  }
0x381: {  	v16 =	vld [tilespmem:$0x1F660]  }
0x382: {  	[tilespmem:s17+$0xD830] =	vst v4  }
0x383: {  	v4 =	vmov v44;
	[tilespmem:s19+$0x4430] =	vst v12  }
0x384: {  	[tilespmem:$0x1FFA0] =	vst v4;
	v4 =	vld.idx.msk [tilespmem:v14+s1+$0x0], $0xffff  }
0x385: {  	v17 =	vld.idx.msk [tilespmem:v17+s1+$0x0], $0xffff;
	[tilespmem:s19+$0x4420] =	vst v10  }
0x386: {  	v14 =	vld.idx.msk [tilespmem:v5+s1+$0x0], $0xffff  }
0x387: {  	v5 =	vld [tilespmem:$0x1F690];
	_ =	sdelay $0x1  }
0x388: {  	v15 =	vadd.s32 $0x340, v59;
	v16 =	vld.idx.msk [tilespmem:v16+s1+$0x0], $0xffff;
	_ =	sdelay $0x3  }
0x389: {  	v13 =	vld.idx.msk [tilespmem:v27+s1+$0x0], $0xffff;
	[tilespmem:s18+$0xD000] =	vst v19  }
0x38a: {  	v12 =	vld.idx.msk [tilespmem:v15+s1+$0x0], $0xffff;
	[tilespmem:s20+$0x6800] =	vst v16  }
0x38b: {  	v16 =	vld.idx.msk [tilespmem:v5+s1+$0x0], $0xffff  }
0x38c: {  	v5 =	vld [tilespmem:$0x1F6A0]  }
0x38d: {  	v2 =	vld.idx.msk [tilespmem:v2+s1+$0x0], $0xffff;
	v10 =	vadd.s32 $0xCC0, v0;
	[tilespmem:s17+$0xD420] =	vst v17  }
0x38e: {  	[tilespmem:s19+$0x4820] =	vst v14;
	v14 =	vld [tilespmem:$0x1F6E0]  }
0x38f: {  	[tilespmem:s19+$0x4410] =	vst v13  }
0x390: {  	v15 =	vadd.s32 $0x380, v59;
	[tilespmem:s17+$0xDC30] =	vst v4;
	v13 =	vld.idx.msk [tilespmem:v6+s1+$0x0], $0xffff  }
0x391: {  	v4 =	vmov v41;
	[tilespmem:s19+$0x4830] =	vst v12;
	v62 =	vmov v5;
	v5 =	vld [tilespmem:$0x1FE10]  }
0x392: {  	[tilespmem:$0x1FE10] =	vst v4;
	v4 =	vld.idx.msk [tilespmem:v10+s1+$0x0], $0xffff  }
0x393: {  	[tilespmem:s17+$0xD410] =	vst v2;
	v2 =	vld.idx.msk [tilespmem:v18+s1+$0x0], $0xffff  }
0x394: {  	v6 =	vld [tilespmem:$0x1F6D0]  }
0x395: {  	v10 =	vld.idx.msk [tilespmem:v15+s1+$0x0], $0xffff;
	[tilespmem:s20+$0x6C00] =	vst v16  }
0x396: {  	v14 =	vld.idx.msk [tilespmem:v14+s1+$0x0], $0xffff  }
0x397: {  	v12 =	vadd.s32 $0xD00, v0;
	[tilespmem:s17+$0xE030] =	vst v4;
	v4 =	vld [tilespmem:$0x1F700]  }
0x398: {  	[tilespmem:s18+$0xD400] =	vst v2;
	v2 =	vld [tilespmem:$0x1FFB0]  }
0x399: {  	v17 =	vld.idx.msk [tilespmem:v5+s1+$0x0], $0xffff  }
0x39a: {  	v5 =	vld [tilespmem:$0x1F6C0]  }
0x39b: {  	[tilespmem:s19+$0x4C30] =	vst v10  }
0x39c: {  	v61 =	vmov v4;
	v4 =	vld.idx.msk [tilespmem:v12+s1+$0x0], $0xffff  }
0x39d: {  	v12 =	vld [tilespmem:$0x1F720]  }
0x39e: {  	v6 =	vld.idx.msk [tilespmem:v6+s1+$0x0], $0xffff;
	v15 =	vmov v39  }
0x39f: {  	[tilespmem:$0x1FFB0] =	vst v15;
	v15 =	vld.idx.msk [tilespmem:v25+s1+$0x0], $0xffff  }
0x3a0: {  	[tilespmem:s20+$0x7000] =	vst v14;
	v14 =	vld [tilespmem:$0x1F730]  }
0x3a1: {  	[tilespmem:s19+$0x4810] =	vst v13;
	v2 =	vld.idx.msk [tilespmem:v2+s1+$0x0], $0xffff  }
0x3a2: {  	v13 =	vadd.s32 $0x3C0, v59;
	v5 =	vld.idx.msk [tilespmem:v5+s1+$0x0], $0xffff;
	_ =	sdelay $0x1  }
0x3a3: {  	v10 =	vld [tilespmem:$0x1F710];
	[tilespmem:s19+$0x4C20] =	vst v6  }
0x3a4: {  	[tilespmem:s17+$0xD810] =	vst v17;
	v12 =	vld.idx.msk [tilespmem:v12+s1+$0x0], $0xffff  }
0x3a5: {  	[tilespmem:s17+$0xD820] =	vst v2;
	v2 =	vld [tilespmem:$0x1FE20]  }
0x3a6: {  	[tilespmem:s19+$0x4C10] =	vst v5;
	v5 =	vld.idx.msk [tilespmem:v13+s1+$0x0], $0xffff;
	_ =	sdelay $0x2  }
0x3a7: {  	v14 =	vld.idx.msk [tilespmem:v14+s1+$0x0], $0xffff;
	[tilespmem:s18+$0xD800] =	vst v15  }
0x3a8: {  	v13 =	vadd.s32 $0x400, v59;
	[tilespmem:s17+$0xE430] =	vst v4  }
0x3a9: {  	v15 =	vmov v35;
	[tilespmem:s19+$0x5030] =	vst v5;
	v5 =	vld [tilespmem:$0x1F750]  }
0x3aa: {  	[tilespmem:$0x1FE20] =	vst v15;
	v15 =	vld [tilespmem:$0x1FFC0]  }
0x3ab: {  	v10 =	vld.idx.msk [tilespmem:v10+s1+$0x0], $0xffff  }
0x3ac: {  	v4 =	vmov v1;
	v2 =	vld.idx.msk [tilespmem:v2+s1+$0x0], $0xffff  }
0x3ad: {  	[tilespmem:$0x1FFC0] =	vst v4;
	v4 =	vld.idx.msk [tilespmem:v13+s1+$0x0], $0xffff  }
0x3ae: {  	v13 =	vld [tilespmem:$0x1F770]  }
0x3af: {  	[tilespmem:s20+$0x7400] =	vst v14;
	v14 =	vld [tilespmem:$0x1F790]  }
0x3b0: {  	[tilespmem:s19+$0x5010] =	vst v10;
	v10 =	vld [tilespmem:$0x1F760]  }
0x3b1: {  	v5 =	vld.idx.msk [tilespmem:v5+s1+$0x0], $0xffff  }
0x3b2: {  	[tilespmem:s17+$0xDC10] =	vst v2;
	v2 =	vld [tilespmem:$0x1F780];
	_ =	sdelay $0x3  }
0x3b3: {  	v13 =	vld.idx.msk [tilespmem:v13+s1+$0x0], $0xffff  }
0x3b4: {  	v29 =	vmov v14;
	v14 =	vld [tilespmem:$0x1FE30]  }
0x3b5: {  	v15 =	vld.idx.msk [tilespmem:v15+s1+$0x0], $0xffff;
	[tilespmem:s19+$0x5020] =	vst v12  }
0x3b6: {  	v10 =	vld.idx.msk [tilespmem:v10+s1+$0x0], $0xffff  }
0x3b7: {  	v2 =	vld.idx.msk [tilespmem:v2+s1+$0x0], $0xffff  }
0x3b8: {  	[tilespmem:s20+$0x7800] =	vst v13;
	v13 =	vld [tilespmem:$0x1F7D0];
	_ =	sdelay $0x3  }
0x3b9: {  	[tilespmem:s17+$0xDC20] =	vst v15  }
0x3ba: {  	[tilespmem:s19+$0x5420] =	vst v10;
	v10 =	vld [tilespmem:$0x1F7C0]  }
0x3bb: {  	v14 =	vld.idx.msk [tilespmem:v14+s1+$0x0], $0xffff  }
0x3bc: {  	[tilespmem:s19+$0x5410] =	vst v5;
	v5 =	vld [tilespmem:$0x1F7B0]  }
0x3bd: {  	v13 =	vld.idx.msk [tilespmem:v13+s1+$0x0], $0xffff  }
0x3be: {  	[tilespmem:s18+$0xDC00] =	vst v2;
	v2 =	vld [tilespmem:$0x1F7E0];
	_ =	sdelay $0x3  }
0x3bf: {  	v10 =	vld.idx.msk [tilespmem:v10+s1+$0x0], $0xffff;
	_ =	sdelay $0x2  }
0x3c0: {  	v5 =	vld.idx.msk [tilespmem:v5+s1+$0x0], $0xffff  }
0x3c1: {  	v2 =	vld.idx.msk [tilespmem:v2+s1+$0x0], $0xffff  }
0x3c2: {  	[tilespmem:s19+$0x5820] =	vst v10;
	v10 =	vld [tilespmem:$0x1F820];
	_ =	sdelay $0x3  }
0x3c3: {  	[tilespmem:s17+$0xE010] =	vst v14  }
0x3c4: {  	[tilespmem:s19+$0x5810] =	vst v5;
	v5 =	vld [tilespmem:$0x1F810];
	_ =	sdelay $0x2  }
0x3c5: {  	v10 =	vld.idx.msk [tilespmem:v10+s1+$0x0], $0xffff  }
0x3c6: {  	[tilespmem:s17+$0xE020] =	vst v2;
	v2 =	vld [tilespmem:$0x1F840];
	_ =	sdelay $0x1  }
0x3c7: {  	v14 =	vld.idx.msk [tilespmem:v57+s1+$0x0], $0xffff  }
0x3c8: {  	[tilespmem:s20+$0x7C00] =	vst v13;
	v13 =	vld [tilespmem:$0x1F830]  }
0x3c9: {  	v5 =	vld.idx.msk [tilespmem:v5+s1+$0x0], $0xffff;
	_ =	sdelay $0x3  }
0x3ca: {  	v2 =	vld.idx.msk [tilespmem:v2+s1+$0x0], $0xffff  }
0x3cb: {  	[tilespmem:s19+$0x5C10] =	vst v5;
	v5 =	vld [tilespmem:$0x1F870];
	_ =	sdelay $0x2  }
0x3cc: {  	v13 =	vld.idx.msk [tilespmem:v13+s1+$0x0], $0xffff;
	_ =	sdelay $0x1  }
0x3cd: {  	v30 =	vmov v11;
	v11 =	vld [tilespmem:$0x1F850];
	_ =	sdelay $0x1  }
0x3ce: {  	v6 =	vadd.s32 $0xD40, v0;
	[tilespmem:s18+$0xE000] =	vst v14  }
0x3cf: {  	[tilespmem:s20+$0x8000] =	vst v13;
	v5 =	vld.idx.msk [tilespmem:v5+s1+$0x0], $0xffff  }
0x3d0: {  	[tilespmem:s17+$0xE410] =	vst v2;
	v2 =	vld.idx.msk [tilespmem:v3+s1+$0x0], $0xffff  }
0x3d1: {  	v3 =	vld [tilespmem:$0x1F8A0];
	_ =	sdelay $0x1  }
0x3d2: {  	v1 =	vld.idx.msk [tilespmem:v6+s1+$0x0], $0xffff  }
0x3d3: {  	v11 =	vld.idx.msk [tilespmem:v11+s1+$0x0], $0xffff  }
0x3d4: {  	[tilespmem:s19+$0x5C20] =	vst v10;
	v10 =	vld [tilespmem:$0x1F880]  }
0x3d5: {  	v21 =	vmov v60;
	v60 =	vmov v55;
	v55 =	vmov v3;
	v3 =	vld [tilespmem:$0x1F8B0]  }
0x3d6: {  	v6 =	vadd.s32 $0xD80, v0;
	_ =	sdelay $0x2  }
0x3d7: {  	[tilespmem:s17+$0xE830] =	vst v1  }
0x3d8: {  	v12 =	vadd.s32 $0x440, v59;
	v1 =	vmov v32;
	[tilespmem:s19+$0x5430] =	vst v4  }
0x3d9: {  	[tilespmem:$0x1FE30] =	vst v1;
	v1 =	vld.idx.msk [tilespmem:v6+s1+$0x0], $0xffff  }
0x3da: {  	v10 =	vld.idx.msk [tilespmem:v10+s1+$0x0], $0xffff  }
0x3db: {  	[tilespmem:s17+$0xE420] =	vst v11;
	v11 =	vld.idx.msk [tilespmem:v3+s1+$0x0], $0xffff  }
0x3dc: {  	v3 =	vld [tilespmem:$0x1F8C0]  }
0x3dd: {  	v4 =	vld.idx.msk [tilespmem:v12+s1+$0x0], $0xffff  }
0x3de: {  	v6 =	vadd.s32 $0xDC0, v0;
	[tilespmem:s17+$0xEC30] =	vst v1;
	v1 =	vld [tilespmem:$0x1F800];
	_ =	sdelay $0x2  }
0x3df: {  	v12 =	vadd.s32 $0x480, v59  }
0x3e0: {  	[tilespmem:s19+$0x5830] =	vst v4  }
0x3e1: {  	v56 =	vmov v1;
	v1 =	vld.idx.msk [tilespmem:v6+s1+$0x0], $0xffff;
	[tilespmem:s19+$0x6010] =	vst v5  }
0x3e2: {  	v5 =	vld.idx.msk [tilespmem:v3+s1+$0x0], $0xffff  }
0x3e3: {  	v3 =	vld [tilespmem:$0x1F8D0]  }
0x3e4: {  	v4 =	vld.idx.msk [tilespmem:v12+s1+$0x0], $0xffff  }
0x3e5: {  	v6 =	vadd.s32 $0xE00, v0  }
0x3e6: {  	v13 =	vld [tilespmem:$0x1F890];
	_ =	sdelay $0x1  }
0x3e7: {  	v12 =	vadd.s32 $0x4C0, v59;
	[tilespmem:s17+$0xF030] =	vst v1  }
0x3e8: {  	[tilespmem:s19+$0x5C30] =	vst v4  }
0x3e9: {  	v1 =	vld.idx.msk [tilespmem:v6+s1+$0x0], $0xffff;
	[tilespmem:s19+$0x6020] =	vst v10  }
0x3ea: {  	v27 =	vmov v9;
	v9 =	vld.idx.msk [tilespmem:v3+s1+$0x0], $0xffff  }
0x3eb: {  	v3 =	vld [tilespmem:$0x1F8E0]  }
0x3ec: {  	v4 =	vld.idx.msk [tilespmem:v12+s1+$0x0], $0xffff  }
0x3ed: {  	v12 =	vadd.s32 $0x500, v59;
	v13 =	vld.idx.msk [tilespmem:v13+s1+$0x0], $0xffff;
	_ =	sdelay $0x2  }
0x3ee: {  	[tilespmem:s17+$0xF430] =	vst v1  }
0x3ef: {  	[tilespmem:s19+$0x6030] =	vst v4  }
0x3f0: {  	v4 =	vld.idx.msk [tilespmem:v12+s1+$0x0], $0xffff;
	[tilespmem:s20+$0x8400] =	vst v13  }
0x3f1: {  	v12 =	vld.idx.msk [tilespmem:v3+s1+$0x0], $0xffff  }
0x3f2: {  	v3 =	vld [tilespmem:$0x1F900];
	_ =	sdelay $0x6  }
0x3f3: {  	[tilespmem:s18+$0xE400] =	vst v2  }
0x3f4: {  	v17 =	vmov v8;
	v8 =	vld.idx.msk [tilespmem:v3+s1+$0x0], $0xffff  }
0x3f5: {  	v3 =	vld [tilespmem:$0x1F920];
	_ =	sdelay $0x5  }
0x3f6: {  	[tilespmem:s17+$0xE810] =	vst v11  }
0x3f7: {  	[tilespmem:s19+$0x6410] =	vst v5;
	v2 =	vld [tilespmem:$0x1F8F0]  }
0x3f8: {  	v5 =	vld.idx.msk [tilespmem:v3+s1+$0x0], $0xffff  }
0x3f9: {  	v3 =	vld [tilespmem:$0x1F930];
	_ =	sdelay $0x6  }
0x3fa: {  	v2 =	vld.idx.msk [tilespmem:v2+s1+$0x0], $0xffff;
	[tilespmem:s19+$0x6420] =	vst v9  }
0x3fb: {  	v9 =	vld.idx.msk [tilespmem:v3+s1+$0x0], $0xffff  }
0x3fc: {  	v3 =	vld [tilespmem:$0x1F940];
	_ =	sdelay $0x6  }
0x3fd: {  	[tilespmem:s20+$0x8800] =	vst v12  }
0x3fe: {  	v11 =	vld.idx.msk [tilespmem:v3+s1+$0x0], $0xffff  }
0x3ff: {  	v3 =	vld [tilespmem:$0x1F960];
	_ =	sdelay $0x6  }
0x400: {  	[tilespmem:s17+$0xE820] =	vst v2;
	v2 =	vld [tilespmem:$0x1F950]  }
0x401: {  	[tilespmem:s18+$0xE800] =	vst v8;
	v8 =	vld.idx.msk [tilespmem:v3+s1+$0x0], $0xffff  }
0x402: {  	v3 =	vld [tilespmem:$0x1F980]  }
0x403: {  	v6 =	vadd.s32 $0xE40, v0;
	_ =	sdelay $0x4  }
0x404: {  	v1 =	vld.idx.msk [tilespmem:v6+s1+$0x0], $0xffff  }
0x405: {  	v2 =	vld.idx.msk [tilespmem:v2+s1+$0x0], $0xffff;
	[tilespmem:s19+$0x6810] =	vst v5  }
0x406: {  	v5 =	vld.idx.msk [tilespmem:v3+s1+$0x0], $0xffff  }
0x407: {  	v3 =	vld [tilespmem:$0x1F990];
	_ =	sdelay $0x1  }
0x408: {  	v6 =	vadd.s32 $0xE80, v0;
	[tilespmem:s17+$0xF830] =	vst v1;
	v1 =	vld [tilespmem:$0x1F910];
	_ =	sdelay $0x2  }
0x409: {  	v10 =	vadd.s32 $0x540, v59  }
0x40a: {  	[tilespmem:s19+$0x6430] =	vst v4  }
0x40b: {  	v54 =	vmov v1;
	v1 =	vld.idx.msk [tilespmem:v6+s1+$0x0], $0xffff;
	[tilespmem:s19+$0x6820] =	vst v9  }
0x40c: {  	v25 =	vmov v7;
	v7 =	vld.idx.msk [tilespmem:v3+s1+$0x0], $0xffff  }
0x40d: {  	v3 =	vld [tilespmem:$0x1F9A0]  }
0x40e: {  	v4 =	vld.idx.msk [tilespmem:v10+s1+$0x0], $0xffff  }
0x40f: {  	v10 =	vadd.s32 $0x580, v59;
	_ =	sdelay $0x2  }
0x410: {  	[tilespmem:s17+$0xFC30] =	vst v1  }
0x411: {  	[tilespmem:s19+$0x6830] =	vst v4  }
0x412: {  	v4 =	vld.idx.msk [tilespmem:v10+s1+$0x0], $0xffff;
	[tilespmem:s20+$0x8C00] =	vst v11  }
0x413: {  	v10 =	vld.idx.msk [tilespmem:v3+s1+$0x0], $0xffff  }
0x414: {  	v3 =	vld [tilespmem:$0x1F9C0];
	_ =	sdelay $0x4  }
0x415: {  	v53 =	vmov v3;
	v3 =	vld [tilespmem:$0x1F9D0];
	_ =	sdelay $0x6  }
0x416: {  	[tilespmem:s17+$0xEC10] =	vst v2  }
0x417: {  	[tilespmem:s17+$0xEC20] =	vst v8;
	v8 =	vld.idx.msk [tilespmem:v3+s1+$0x0], $0xffff  }
0x418: {  	v3 =	vld [tilespmem:$0x1F9F0];
	_ =	sdelay $0x1  }
0x419: {  	v6 =	vadd.s32 $0xEC0, v0;
	v1 =	vld [tilespmem:$0x1F970];
	_ =	sdelay $0x4  }
0x41a: {  	v16 =	vmov v1;
	v1 =	vld.idx.msk [tilespmem:v6+s1+$0x0], $0xffff;
	[tilespmem:s19+$0x6C10] =	vst v5  }
0x41b: {  	v5 =	vld.idx.msk [tilespmem:v3+s1+$0x0], $0xffff  }
0x41c: {  	v3 =	vld [tilespmem:$0x1FA00];
	_ =	sdelay $0x3  }
0x41d: {  	[tilespmem:s17+$0x10030] =	vst v1;
	v1 =	vld [tilespmem:$0x1F9E0]  }
0x41e: {  	v6 =	vadd.s32 $0xF00, v0;
	v2 =	vld [tilespmem:$0x1F9B0];
	_ =	sdelay $0x1  }
0x41f: {  	[tilespmem:s19+$0x6C20] =	vst v7  }
0x420: {  	v7 =	vld.idx.msk [tilespmem:v3+s1+$0x0], $0xffff  }
0x421: {  	[tilespmem:s19+$0x6C30] =	vst v4;
	v3 =	vld [tilespmem:$0x1FA10]  }
0x422: {  	v23 =	vmov v1;
	v1 =	vld.idx.msk [tilespmem:v6+s1+$0x0], $0xffff;
	v9 =	vadd.s32 $0x5C0, v59;
	_ =	sdelay $0x2  }
0x423: {  	v2 =	vld.idx.msk [tilespmem:v2+s1+$0x0], $0xffff;
	_ =	sdelay $0x1  }
0x424: {  	v4 =	vld.idx.msk [tilespmem:v9+s1+$0x0], $0xffff;
	[tilespmem:s17+$0x10430] =	vst v1  }
0x425: {  	v1 =	vld [tilespmem:$0x1FA50];
	[tilespmem:s20+$0x9000] =	vst v10  }
0x426: {  	v10 =	vld.idx.msk [tilespmem:v3+s1+$0x0], $0xffff  }
0x427: {  	v6 =	vadd.s32 $0xF40, v0;
	[tilespmem:s18+$0xEC00] =	vst v2;
	v2 =	vld [tilespmem:$0x1FA20]  }
0x428: {  	v9 =	vadd.s32 $0x600, v59  }
0x429: {  	v3 =	vld [tilespmem:$0x1FA30];
	_ =	sdelay $0x1  }
0x42a: {  	[tilespmem:s19+$0x7030] =	vst v4  }
0x42b: {  	v52 =	vmov v1;
	v1 =	vld.idx.msk [tilespmem:v6+s1+$0x0], $0xffff  }
0x42c: {  	v4 =	vld.idx.msk [tilespmem:v9+s1+$0x0], $0xffff  }
0x42d: {  	v15 =	vmov v3;
	v3 =	vld [tilespmem:$0x1FA40]  }
0x42e: {  	v2 =	vld.idx.msk [tilespmem:v2+s1+$0x0], $0xffff  }
0x42f: {  	[tilespmem:s19+$0x7020] =	vst v7;
	v7 =	vld [tilespmem:$0x1FA70]  }
0x430: {  	v9 =	vld [tilespmem:$0x1FA80]  }
0x431: {  	[tilespmem:s17+$0x10830] =	vst v1;
	v1 =	vld [tilespmem:$0x1FAC0]  }
0x432: {  	[tilespmem:s17+$0xF010] =	vst v8  }
0x433: {  	[tilespmem:s19+$0x7010] =	vst v5;
	v5 =	vld [tilespmem:$0x1FA60];
	_ =	sdelay $0x1  }
0x434: {  	v3 =	vld.idx.msk [tilespmem:v3+s1+$0x0], $0xffff  }
0x435: {  	v13 =	vmov v1;
	v1 =	vld [tilespmem:$0x1FAD0]  }
0x436: {  	[tilespmem:s20+$0x9400] =	vst v10;
	v7 =	vld.idx.msk [tilespmem:v7+s1+$0x0], $0xffff  }
0x437: {  	[tilespmem:s17+$0xF020] =	vst v2;
	v2 =	vld [tilespmem:$0x1FA90]  }
0x438: {  	v6 =	vadd.s32 $0xF80, v0;
	v9 =	vld.idx.msk [tilespmem:v9+s1+$0x0], $0xffff  }
0x439: {  	[tilespmem:s18+$0xF000] =	vst v3;
	v3 =	vld [tilespmem:$0x1FAA0]  }
0x43a: {  	v5 =	vld.idx.msk [tilespmem:v5+s1+$0x0], $0xffff;
	_ =	sdelay $0x1  }
0x43b: {  	[tilespmem:s19+$0x7430] =	vst v4  }
0x43c: {  	v4 =	vld.idx.msk [tilespmem:v6+s1+$0x0], $0xffff  }
0x43d: {  	[tilespmem:$0x1FF90] =	vst v20;
	v20 =	vmov v3;
	v3 =	vld [tilespmem:$0x1FAB0]  }
0x43e: {  	v2 =	vld.idx.msk [tilespmem:v2+s1+$0x0], $0xffff;
	[tilespmem:s19+$0x7410] =	vst v5  }
0x43f: {  	v6 =	vld.idx.msk [tilespmem:v1+s1+$0x0], $0xffff  }
0x440: {  	v1 =	vld [tilespmem:$0x1FAF0]  }
0x441: {  	v8 =	vadd.s32 $0x640, v59;
	_ =	sdelay $0x4  }
0x442: {  	v5 =	vld.idx.msk [tilespmem:v8+s1+$0x0], $0xffff  }
0x443: {  	v3 =	vld.idx.msk [tilespmem:v3+s1+$0x0], $0xffff;
	[tilespmem:s19+$0x7420] =	vst v7  }
0x444: {  	v8 =	vld.idx.msk [tilespmem:v1+s1+$0x0], $0xffff  }
0x445: {  	v1 =	vld [tilespmem:$0x1FB00];
	_ =	sdelay $0x6  }
0x446: {  	[tilespmem:s20+$0x9800] =	vst v9  }
0x447: {  	v10 =	vld.idx.msk [tilespmem:v1+s1+$0x0], $0xffff  }
0x448: {  	v1 =	vld [tilespmem:$0x1FB10];
	_ =	sdelay $0x7  }
0x449: {  	v11 =	vld.idx.msk [tilespmem:v1+s1+$0x0], $0xffff  }
0x44a: {  	v1 =	vld [tilespmem:$0x1FB20];
	_ =	sdelay $0x2  }
0x44b: {  	v48 =	vld [tilespmem:$0x1F540]  }
0x44c: {  	v42 =	vld [tilespmem:$0x1F580]  }
0x44d: {  	v50 =	vmov v1;
	v1 =	vld [tilespmem:$0x1FB30]  }
0x44e: {  	[tilespmem:s17+$0xF420] =	vst v3;
	v3 =	vld [tilespmem:$0x1FB50]  }
0x44f: {  	v40 =	vld [tilespmem:$0x1F560]  }
0x450: {  	v34 =	vld [tilespmem:$0x1F5A0]  }
0x451: {  	v37 =	vld [tilespmem:$0x1F5D0]  }
0x452: {  	v47 =	vld [tilespmem:$0x1F590]  }
0x453: {  	v36 =	vld [tilespmem:$0x1F5B0]  }
0x454: {  	v46 =	vld [tilespmem:$0x1F5E0];
	[tilespmem:s17+$0xF410] =	vst v2  }
0x455: {  	v1 =	vld.idx.msk [tilespmem:v1+s1+$0x0], $0xffff;
	[tilespmem:s19+$0x7810] =	vst v6  }
0x456: {  	v6 =	vld.idx.msk [tilespmem:v3+s1+$0x0], $0xffff  }
0x457: {  	v3 =	vld [tilespmem:$0x1FB60]  }
0x458: {  	v33 =	vld [tilespmem:$0x1F600]  }
0x459: {  	v2 =	vld [tilespmem:$0x1FB40];
	v7 =	vadd.s32 $0xFC0, v0  }
0x45a: {  	v45 =	vld [tilespmem:$0x1F620]  }
0x45b: {  	v43 =	vld [tilespmem:$0x1F670]  }
0x45c: {  	v44 =	vld [tilespmem:$0x1F680];
	[tilespmem:s17+$0x10C30] =	vst v4  }
0x45d: {  	v41 =	vld [tilespmem:$0x1F6B0];
	[tilespmem:s19+$0x7830] =	vst v5  }
0x45e: {  	v19 =	vmov v2;
	v2 =	vld.idx.msk [tilespmem:v7+s1+$0x0], $0xffff;
	[tilespmem:s19+$0x7820] =	vst v8  }
0x45f: {  	v7 =	vld.idx.msk [tilespmem:v3+s1+$0x0], $0xffff  }
0x460: {  	v3 =	vld [tilespmem:$0x1FB70]  }
0x461: {  	v18 =	vmov v26;
	v26 =	vld [tilespmem:$0x1F860];
	v0 =	vmov v59  }
0x462: {  	s22 =	sadd.s32 $0x4, s22;
	v39 =	vld [tilespmem:$0x1F6F0];
	v9 =	vadd.s32 $0x680, v0  }
0x463: {  	p0 =	slt.u32 s22, $0x3C;
	v35 =	vld [tilespmem:$0x1F740]  }
.Ltmp0:
0x464: {  	v32 =	vld [tilespmem:$0x1F7A0];
	(pc) =	sbr.rel @p0 .LBB2_2-.Ltmp0, $4  }
0x465: {  	v57 =	vld [tilespmem:$0x1F7F0]  }
0x466: {  	v59 =	vld [tilespmem:$0x1FAE0]  }
0x467: {  	v5 =	vld.idx.msk [tilespmem:v9+s1+$0x0], $0xffff;
	[tilespmem:s20+$0x9C00] =	vst v10  }
0x468: {  	s23 =	sadd.s32 $0x100, s23;
	v8 =	vadd.s32 $0x6C0, v0;
	v3 =	vld.idx.msk [tilespmem:v3+s1+$0x0], $0xffff;
	[tilespmem:s18+$0xF400] =	vst v11  }
0x469: {  	[tilespmem:s17+$0xF810] =	vst v1  }
0x46a: {  	[tilespmem:s17+$0x11030] =	vst v2  }
0x46b: {  	v1 =	vld [tilespmem:$0x1FBB0];
	_ =	sdelay $0x7  }
0x46c: {  	[tilespmem:s19+$0x7C30] =	vst v5;
	v1 =	vld.idx.msk [tilespmem:v1+s1+$0x0], $0xffff  }
0x46d: {  	v2 =	vld [tilespmem:$0x1FB80]  }
0x46e: {  	[tilespmem:s19+$0x7C10] =	vst v6  }
0x46f: {  	[tilespmem:s19+$0x7C20] =	vst v7  }
0x470: {  	v5 =	vld [tilespmem:$0x1FCB0];
	[tilespmem:s20+$0xA000] =	vst v3  }
0x471: {  	[tilespmem:s17+$0xF820] =	vst v1  }
0x472: {  	v1 =	vld [tilespmem:$0x1FC00];
	_ =	sdelay $0x2  }
0x473: {  	v2 =	vld.idx.msk [tilespmem:v2+s1+$0x0], $0xffff;
	_ =	sdelay $0x1  }
0x474: {  	v4 =	vld.idx.msk [tilespmem:v8+s1+$0x0], $0xffff  }
0x475: {  	v5 =	vld.idx.msk [tilespmem:v5+s1+$0x0], $0xffff  }
0x476: {  	v3 =	vld.idx.msk [tilespmem:v58+s1+$0x0], $0xffff  }
0x477: {  	[tilespmem:s18+$0xF800] =	vst v2;
	v1 =	vld.idx.msk [tilespmem:v1+s1+$0x0], $0xffff  }
0x478: {  	v2 =	vld [tilespmem:$0x1FBC0]  }
0x479: {  	[tilespmem:s19+$0x8030] =	vst v4  }
0x47a: {  	v4 =	vld [tilespmem:$0x1FBE0];
	[tilespmem:s19+$0x8010] =	vst v5  }
0x47b: {  	[tilespmem:s19+$0x8020] =	vst v3  }
0x47c: {  	v3 =	vld [tilespmem:$0x1FCC0];
	[tilespmem:s20+$0xA400] =	vst v1  }
0x47d: {  	v1 =	vld [tilespmem:$0x1FE70]  }
0x47e: {  	v6 =	vadd.s32 $0x700, v0;
	_ =	sdelay $0x1  }
0x47f: {  	v2 =	vld.idx.msk [tilespmem:v2+s1+$0x0], $0xffff;
	_ =	sdelay $0x1  }
0x480: {  	v4 =	vld.idx.msk [tilespmem:v4+s1+$0x0], $0xffff  }
0x481: {  	v5 =	vld.idx.msk [tilespmem:v6+s1+$0x0], $0xffff  }
0x482: {  	v3 =	vld.idx.msk [tilespmem:v3+s1+$0x0], $0xffff  }
0x483: {  	[tilespmem:s17+$0xFC10] =	vst v2;
	v1 =	vld.idx.msk [tilespmem:v1+s1+$0x0], $0xffff  }
0x484: {  	v2 =	vld [tilespmem:$0x1FC10]  }
0x485: {  	[tilespmem:s17+$0xFC20] =	vst v4  }
0x486: {  	v4 =	vld [tilespmem:$0x1FB90];
	[tilespmem:s19+$0x8430] =	vst v5  }
0x487: {  	v5 =	vld [tilespmem:$0x1FBD0];
	[tilespmem:s19+$0x8410] =	vst v3  }
0x488: {  	[tilespmem:s19+$0x8420] =	vst v1  }
0x489: {  	v1 =	vld [tilespmem:$0x1FCD0];
	_ =	sdelay $0x1  }
0x48a: {  	v6 =	vadd.s32 $0x740, v0  }
0x48b: {  	v2 =	vld.idx.msk [tilespmem:v2+s1+$0x0], $0xffff;
	_ =	sdelay $0x3  }
0x48c: {  	v3 =	vld.idx.msk [tilespmem:v6+s1+$0x0], $0xffff  }
0x48d: {  	[tilespmem:s20+$0xA800] =	vst v2;
	v6 =	vld.idx.msk [tilespmem:v1+s1+$0x0], $0xffff  }
0x48e: {  	v1 =	vld [tilespmem:$0x1FE80];
	_ =	sdelay $0x2  }
0x48f: {  	v4 =	vld.idx.msk [tilespmem:v4+s1+$0x0], $0xffff;
	_ =	sdelay $0x4  }
0x490: {  	[tilespmem:s18+$0xFC00] =	vst v4;
	v7 =	vld.idx.msk [tilespmem:v1+s1+$0x0], $0xffff  }
0x491: {  	v1 =	vld [tilespmem:$0x1FC20];
	_ =	sdelay $0x2  }
0x492: {  	v5 =	vld.idx.msk [tilespmem:v5+s1+$0x0], $0xffff;
	_ =	sdelay $0x4  }
0x493: {  	[tilespmem:s17+$0x10010] =	vst v5;
	v4 =	vld.idx.msk [tilespmem:v1+s1+$0x0], $0xffff  }
0x494: {  	v1 =	vld [tilespmem:$0x1FBF0];
	[tilespmem:s19+$0x8830] =	vst v3  }
0x495: {  	v2 =	vld [tilespmem:$0x1FBA0];
	[tilespmem:s19+$0x8810] =	vst v6  }
0x496: {  	[tilespmem:s19+$0x8820] =	vst v7  }
0x497: {  	v5 =	vld [tilespmem:$0x1FCE0]  }
0x498: {  	v8 =	vadd.s32 $0x780, v0;
	_ =	sdelay $0x4  }
0x499: {  	v3 =	vld.idx.msk [tilespmem:v8+s1+$0x0], $0xffff  }
0x49a: {  	v7 =	vld.idx.msk [tilespmem:v26+s1+$0x0], $0xffff  }
0x49b: {  	v5 =	vld.idx.msk [tilespmem:v5+s1+$0x0], $0xffff;
	_ =	sdelay $0x2  }
0x49c: {  	[tilespmem:s19+$0x8C30] =	vst v3  }
0x49d: {  	[tilespmem:s19+$0x8C20] =	vst v7  }
0x49e: {  	[tilespmem:s19+$0x8C10] =	vst v5  }
0x49f: {  	v5 =	vld [tilespmem:$0x1FCF0]  }
0x4a0: {  	v7 =	vld [tilespmem:$0x1FE90]  }
0x4a1: {  	v6 =	vadd.s32 $0x7C0, v0;
	_ =	sdelay $0x4  }
0x4a2: {  	v3 =	vld.idx.msk [tilespmem:v6+s1+$0x0], $0xffff  }
0x4a3: {  	v5 =	vld.idx.msk [tilespmem:v5+s1+$0x0], $0xffff  }
0x4a4: {  	v7 =	vld.idx.msk [tilespmem:v7+s1+$0x0], $0xffff;
	_ =	sdelay $0x2  }
0x4a5: {  	[tilespmem:s19+$0x9030] =	vst v3  }
0x4a6: {  	[tilespmem:s19+$0x9010] =	vst v5  }
0x4a7: {  	[tilespmem:s19+$0x9020] =	vst v7  }
0x4a8: {  	v5 =	vld [tilespmem:$0x1FD00]  }
0x4a9: {  	v7 =	vld [tilespmem:$0x1FEA0]  }
0x4aa: {  	v6 =	vadd.s32 $0x800, v0;
	_ =	sdelay $0x4  }
0x4ab: {  	v3 =	vld.idx.msk [tilespmem:v6+s1+$0x0], $0xffff  }
0x4ac: {  	v5 =	vld.idx.msk [tilespmem:v5+s1+$0x0], $0xffff  }
0x4ad: {  	v7 =	vld.idx.msk [tilespmem:v7+s1+$0x0], $0xffff;
	_ =	sdelay $0x2  }
0x4ae: {  	[tilespmem:s19+$0x9430] =	vst v3  }
0x4af: {  	[tilespmem:s19+$0x9410] =	vst v5  }
0x4b0: {  	[tilespmem:s19+$0x9420] =	vst v7  }
0x4b1: {  	v5 =	vld [tilespmem:$0x1FD10]  }
0x4b2: {  	v7 =	vld [tilespmem:$0x1FEB0]  }
0x4b3: {  	v6 =	vadd.s32 $0x840, v0;
	_ =	sdelay $0x4  }
0x4b4: {  	v3 =	vld.idx.msk [tilespmem:v6+s1+$0x0], $0xffff  }
0x4b5: {  	v5 =	vld.idx.msk [tilespmem:v5+s1+$0x0], $0xffff  }
0x4b6: {  	v7 =	vld.idx.msk [tilespmem:v7+s1+$0x0], $0xffff;
	_ =	sdelay $0x2  }
0x4b7: {  	[tilespmem:s19+$0x9830] =	vst v3  }
0x4b8: {  	[tilespmem:s19+$0x9810] =	vst v5  }
0x4b9: {  	[tilespmem:s19+$0x9820] =	vst v7  }
0x4ba: {  	v5 =	vld [tilespmem:$0x1FD20]  }
0x4bb: {  	v7 =	vld [tilespmem:$0x1FEC0]  }
0x4bc: {  	v6 =	vadd.s32 $0x880, v0;
	_ =	sdelay $0x4  }
0x4bd: {  	v3 =	vld.idx.msk [tilespmem:v6+s1+$0x0], $0xffff  }
0x4be: {  	v5 =	vld.idx.msk [tilespmem:v5+s1+$0x0], $0xffff  }
0x4bf: {  	v7 =	vld.idx.msk [tilespmem:v7+s1+$0x0], $0xffff;
	_ =	sdelay $0x2  }
0x4c0: {  	[tilespmem:s19+$0x9C30] =	vst v3  }
0x4c1: {  	[tilespmem:s19+$0x9C10] =	vst v5  }
0x4c2: {  	[tilespmem:s19+$0x9C20] =	vst v7  }
0x4c3: {  	v5 =	vld [tilespmem:$0x1FD30]  }
0x4c4: {  	v7 =	vld [tilespmem:$0x1FED0]  }
0x4c5: {  	v6 =	vadd.s32 $0x8C0, v0;
	_ =	sdelay $0x4  }
0x4c6: {  	v3 =	vld.idx.msk [tilespmem:v6+s1+$0x0], $0xffff  }
0x4c7: {  	v5 =	vld.idx.msk [tilespmem:v5+s1+$0x0], $0xffff  }
0x4c8: {  	v7 =	vld.idx.msk [tilespmem:v7+s1+$0x0], $0xffff;
	_ =	sdelay $0x2  }
0x4c9: {  	[tilespmem:s19+$0xA030] =	vst v3  }
0x4ca: {  	[tilespmem:s19+$0xA010] =	vst v5  }
0x4cb: {  	[tilespmem:s19+$0xA020] =	vst v7  }
0x4cc: {  	v5 =	vld [tilespmem:$0x1FD40]  }
0x4cd: {  	v7 =	vld [tilespmem:$0x1FEE0]  }
0x4ce: {  	v6 =	vadd.s32 $0x900, v0;
	_ =	sdelay $0x4  }
0x4cf: {  	v3 =	vld.idx.msk [tilespmem:v6+s1+$0x0], $0xffff  }
0x4d0: {  	v5 =	vld.idx.msk [tilespmem:v5+s1+$0x0], $0xffff  }
0x4d1: {  	v7 =	vld.idx.msk [tilespmem:v7+s1+$0x0], $0xffff;
	_ =	sdelay $0x2  }
0x4d2: {  	[tilespmem:s19+$0xA430] =	vst v3  }
0x4d3: {  	[tilespmem:s19+$0xA410] =	vst v5  }
0x4d4: {  	[tilespmem:s19+$0xA420] =	vst v7  }
0x4d5: {  	v5 =	vld [tilespmem:$0x1FD50]  }
0x4d6: {  	v7 =	vld [tilespmem:$0x1FEF0]  }
0x4d7: {  	v6 =	vadd.s32 $0x940, v0;
	_ =	sdelay $0x4  }
0x4d8: {  	v3 =	vld.idx.msk [tilespmem:v6+s1+$0x0], $0xffff  }
0x4d9: {  	v5 =	vld.idx.msk [tilespmem:v5+s1+$0x0], $0xffff  }
0x4da: {  	v7 =	vld.idx.msk [tilespmem:v7+s1+$0x0], $0xffff;
	_ =	sdelay $0x2  }
0x4db: {  	[tilespmem:s19+$0xA830] =	vst v3  }
0x4dc: {  	[tilespmem:s19+$0xA810] =	vst v5  }
0x4dd: {  	[tilespmem:s19+$0xA820] =	vst v7  }
0x4de: {  	v5 =	vld [tilespmem:$0x1FD60]  }
0x4df: {  	v7 =	vld [tilespmem:$0x1FF00]  }
0x4e0: {  	v6 =	vadd.s32 $0x980, v0;
	_ =	sdelay $0x4  }
0x4e1: {  	v3 =	vld.idx.msk [tilespmem:v6+s1+$0x0], $0xffff  }
0x4e2: {  	v5 =	vld.idx.msk [tilespmem:v5+s1+$0x0], $0xffff  }
0x4e3: {  	v7 =	vld.idx.msk [tilespmem:v7+s1+$0x0], $0xffff;
	_ =	sdelay $0x2  }
0x4e4: {  	[tilespmem:s19+$0xAC30] =	vst v3  }
0x4e5: {  	[tilespmem:s19+$0xAC10] =	vst v5  }
0x4e6: {  	[tilespmem:s19+$0xAC20] =	vst v7  }
0x4e7: {  	v5 =	vld [tilespmem:$0x1FD70];
	[tilespmem:s20+$0xAC00] =	vst v4  }
0x4e8: {  	v4 =	vld [tilespmem:$0x1FF10]  }
0x4e9: {  	v6 =	vadd.s32 $0x9C0, v0;
	v7 =	vld [tilespmem:$0x1FC30];
	_ =	sdelay $0x4  }
0x4ea: {  	v3 =	vld.idx.msk [tilespmem:v6+s1+$0x0], $0xffff  }
0x4eb: {  	v5 =	vld.idx.msk [tilespmem:v5+s1+$0x0], $0xffff  }
0x4ec: {  	v6 =	vadd.s32 $0xA00, v0;
	v4 =	vld.idx.msk [tilespmem:v4+s1+$0x0], $0xffff  }
0x4ed: {  	v7 =	vld.idx.msk [tilespmem:v7+s1+$0x0], $0xffff;
	_ =	sdelay $0x1  }
0x4ee: {  	[tilespmem:s19+$0xB030] =	vst v3  }
0x4ef: {  	[tilespmem:s19+$0xB010] =	vst v5  }
0x4f0: {  	v3 =	vld.idx.msk [tilespmem:v6+s1+$0x0], $0xffff;
	[tilespmem:s19+$0xB020] =	vst v4  }
0x4f1: {  	v4 =	vld [tilespmem:$0x1FD80];
	[tilespmem:s20+$0xB000] =	vst v7  }
0x4f2: {  	v6 =	vld [tilespmem:$0x1FF20]  }
0x4f3: {  	v7 =	vld [tilespmem:$0x1FC40];
	_ =	sdelay $0x5  }
0x4f4: {  	v4 =	vld.idx.msk [tilespmem:v4+s1+$0x0], $0xffff  }
0x4f5: {  	v6 =	vld.idx.msk [tilespmem:v6+s1+$0x0], $0xffff  }
0x4f6: {  	v7 =	vld.idx.msk [tilespmem:v7+s1+$0x0], $0xffff;
	_ =	sdelay $0x1  }
0x4f7: {  	[tilespmem:s19+$0xB430] =	vst v3  }
0x4f8: {  	[tilespmem:s19+$0xB410] =	vst v4  }
0x4f9: {  	[tilespmem:s19+$0xB420] =	vst v6  }
0x4fa: {  	v4 =	vld [tilespmem:$0x1FD90];
	[tilespmem:s20+$0xB400] =	vst v7  }
0x4fb: {  	v6 =	vld [tilespmem:$0x1FF30]  }
0x4fc: {  	v5 =	vadd.s32 $0xA40, v0;
	v7 =	vld [tilespmem:$0x1FC50];
	_ =	sdelay $0x4  }
0x4fd: {  	v3 =	vld.idx.msk [tilespmem:v5+s1+$0x0], $0xffff  }
0x4fe: {  	v4 =	vld.idx.msk [tilespmem:v4+s1+$0x0], $0xffff  }
0x4ff: {  	v6 =	vld.idx.msk [tilespmem:v6+s1+$0x0], $0xffff  }
0x500: {  	v7 =	vld.idx.msk [tilespmem:v7+s1+$0x0], $0xffff;
	_ =	sdelay $0x1  }
0x501: {  	[tilespmem:s19+$0xB830] =	vst v3  }
0x502: {  	[tilespmem:s19+$0xB810] =	vst v4  }
0x503: {  	[tilespmem:s19+$0xB820] =	vst v6  }
0x504: {  	v4 =	vld [tilespmem:$0x1FDA0];
	[tilespmem:s20+$0xB800] =	vst v7  }
0x505: {  	v6 =	vld [tilespmem:$0x1FF40]  }
0x506: {  	v5 =	vadd.s32 $0xA80, v0;
	v7 =	vld [tilespmem:$0x1FC60];
	_ =	sdelay $0x4  }
0x507: {  	v3 =	vld.idx.msk [tilespmem:v5+s1+$0x0], $0xffff  }
0x508: {  	v4 =	vld.idx.msk [tilespmem:v4+s1+$0x0], $0xffff  }
0x509: {  	v6 =	vld.idx.msk [tilespmem:v6+s1+$0x0], $0xffff  }
0x50a: {  	v7 =	vld.idx.msk [tilespmem:v7+s1+$0x0], $0xffff;
	_ =	sdelay $0x1  }
0x50b: {  	[tilespmem:s19+$0xBC30] =	vst v3  }
0x50c: {  	[tilespmem:s19+$0xBC10] =	vst v4  }
0x50d: {  	[tilespmem:s19+$0xBC20] =	vst v6  }
0x50e: {  	v4 =	vld [tilespmem:$0x1FDB0];
	[tilespmem:s20+$0xBC00] =	vst v7  }
0x50f: {  	v6 =	vld [tilespmem:$0x1FF50]  }
0x510: {  	v5 =	vadd.s32 $0xAC0, v0;
	v7 =	vld [tilespmem:$0x1FC70];
	_ =	sdelay $0x4  }
0x511: {  	v3 =	vld.idx.msk [tilespmem:v5+s1+$0x0], $0xffff  }
0x512: {  	v4 =	vld.idx.msk [tilespmem:v4+s1+$0x0], $0xffff  }
0x513: {  	v5 =	vadd.s32 $0xB00, v0;
	v6 =	vld.idx.msk [tilespmem:v6+s1+$0x0], $0xffff  }
0x514: {  	v7 =	vld.idx.msk [tilespmem:v7+s1+$0x0], $0xffff;
	_ =	sdelay $0x1  }
0x515: {  	v1 =	vld.idx.msk [tilespmem:v1+s1+$0x0], $0xffff;
	[tilespmem:s19+$0xC030] =	vst v3  }
0x516: {  	v2 =	vld.idx.msk [tilespmem:v2+s1+$0x0], $0xffff;
	[tilespmem:s19+$0xC010] =	vst v4  }
0x517: {  	v3 =	vld.idx.msk [tilespmem:v5+s1+$0x0], $0xffff;
	[tilespmem:s19+$0xC020] =	vst v6  }
0x518: {  	v4 =	vld [tilespmem:$0x1FDC0];
	[tilespmem:s20+$0xC000] =	vst v7  }
0x519: {  	v6 =	vld [tilespmem:$0x1FF60];
	_ =	sdelay $0x6  }
0x51a: {  	v4 =	vld.idx.msk [tilespmem:v4+s1+$0x0], $0xffff  }
0x51b: {  	v6 =	vld.idx.msk [tilespmem:v6+s1+$0x0], $0xffff  }
0x51c: {  	v7 =	vld.idx.msk [tilespmem:v59+s1+$0x0], $0xffff;
	_ =	sdelay $0x1  }
0x51d: {  	[tilespmem:s19+$0xC430] =	vst v3  }
0x51e: {  	[tilespmem:s19+$0xC410] =	vst v4  }
0x51f: {  	[tilespmem:s19+$0xC420] =	vst v6  }
0x520: {  	v4 =	vld [tilespmem:$0x1FDD0];
	[tilespmem:s20+$0xC400] =	vst v7  }
0x521: {  	v6 =	vld [tilespmem:$0x1FF70]  }
0x522: {  	v5 =	vadd.s32 $0xB40, v0;
	v7 =	vld [tilespmem:$0x1FC80];
	_ =	sdelay $0x4  }
0x523: {  	v3 =	vld.idx.msk [tilespmem:v5+s1+$0x0], $0xffff  }
0x524: {  	v4 =	vld.idx.msk [tilespmem:v4+s1+$0x0], $0xffff  }
0x525: {  	v6 =	vld.idx.msk [tilespmem:v6+s1+$0x0], $0xffff  }
0x526: {  	v7 =	vld.idx.msk [tilespmem:v7+s1+$0x0], $0xffff;
	_ =	sdelay $0x1  }
0x527: {  	[tilespmem:s19+$0xC830] =	vst v3  }
0x528: {  	[tilespmem:s19+$0xC810] =	vst v4  }
0x529: {  	[tilespmem:s19+$0xC820] =	vst v6  }
0x52a: {  	v4 =	vld [tilespmem:$0x1FDE0];
	[tilespmem:s20+$0xC800] =	vst v7  }
0x52b: {  	v6 =	vld [tilespmem:$0x1FF80]  }
0x52c: {  	v5 =	vadd.s32 $0xB80, v0;
	v7 =	vld [tilespmem:$0x1FC90];
	_ =	sdelay $0x4  }
0x52d: {  	v3 =	vld.idx.msk [tilespmem:v5+s1+$0x0], $0xffff  }
0x52e: {  	v4 =	vld.idx.msk [tilespmem:v4+s1+$0x0], $0xffff  }
0x52f: {  	v6 =	vld.idx.msk [tilespmem:v6+s1+$0x0], $0xffff  }
0x530: {  	v7 =	vld.idx.msk [tilespmem:v7+s1+$0x0], $0xffff;
	_ =	sdelay $0x1  }
0x531: {  	[tilespmem:s19+$0xCC30] =	vst v3  }
0x532: {  	[tilespmem:s19+$0xCC10] =	vst v4  }
0x533: {  	[tilespmem:s19+$0xCC20] =	vst v6  }
0x534: {  	v4 =	vld [tilespmem:$0x1FDF0];
	[tilespmem:s20+$0xCC00] =	vst v7  }
0x535: {  	v6 =	vld [tilespmem:$0x1FF90]  }
0x536: {  	v5 =	vadd.s32 $0xBC0, v0;
	_ =	sdelay $0x4  }
0x537: {  	v3 =	vld.idx.msk [tilespmem:v5+s1+$0x0], $0xffff  }
0x538: {  	v4 =	vld.idx.msk [tilespmem:v4+s1+$0x0], $0xffff  }
0x539: {  	v6 =	vld.idx.msk [tilespmem:v6+s1+$0x0], $0xffff  }
0x53a: {  	v7 =	vld.idx.msk [tilespmem:v63+s1+$0x0], $0xffff;
	_ =	sdelay $0x1  }
0x53b: {  	[tilespmem:s19+$0xD030] =	vst v3  }
0x53c: {  	[tilespmem:s19+$0xD010] =	vst v4  }
0x53d: {  	[tilespmem:s19+$0xD020] =	vst v6  }
0x53e: {  	v4 =	vld [tilespmem:$0x1FE00];
	[tilespmem:s20+$0xD000] =	vst v7  }
0x53f: {  	v6 =	vld [tilespmem:$0x1FFA0]  }
0x540: {  	v5 =	vadd.s32 $0xC00, v0;
	_ =	sdelay $0x4  }
0x541: {  	v3 =	vld.idx.msk [tilespmem:v5+s1+$0x0], $0xffff  }
0x542: {  	v4 =	vld.idx.msk [tilespmem:v4+s1+$0x0], $0xffff  }
0x543: {  	v5 =	vadd.s32 $0xC40, v0;
	v6 =	vld.idx.msk [tilespmem:v6+s1+$0x0], $0xffff  }
0x544: {  	v7 =	vld.idx.msk [tilespmem:v62+s1+$0x0], $0xffff;
	_ =	sdelay $0x1  }
0x545: {  	[tilespmem:s19+$0xD430] =	vst v3  }
0x546: {  	[tilespmem:s19+$0xD410] =	vst v4  }
0x547: {  	v3 =	vld.idx.msk [tilespmem:v5+s1+$0x0], $0xffff;
	[tilespmem:s19+$0xD420] =	vst v6  }
0x548: {  	v5 =	vld [tilespmem:$0x1FE10];
	[tilespmem:s20+$0xD400] =	vst v7  }
0x549: {  	v6 =	vld [tilespmem:$0x1FFB0];
	_ =	sdelay $0x6  }
0x54a: {  	v5 =	vld.idx.msk [tilespmem:v5+s1+$0x0], $0xffff  }
0x54b: {  	v6 =	vld.idx.msk [tilespmem:v6+s1+$0x0], $0xffff  }
0x54c: {  	v7 =	vld.idx.msk [tilespmem:v61+s1+$0x0], $0xffff;
	_ =	sdelay $0x1  }
0x54d: {  	[tilespmem:s19+$0xD830] =	vst v3  }
0x54e: {  	[tilespmem:s19+$0xD810] =	vst v5  }
0x54f: {  	[tilespmem:s19+$0xD820] =	vst v6  }
0x550: {  	v5 =	vld [tilespmem:$0x1FE20];
	[tilespmem:s20+$0xD800] =	vst v7  }
0x551: {  	v6 =	vld [tilespmem:$0x1FFC0]  }
0x552: {  	v4 =	vadd.s32 $0xC80, v0;
	_ =	sdelay $0x4  }
0x553: {  	v3 =	vld.idx.msk [tilespmem:v4+s1+$0x0], $0xffff  }
0x554: {  	v5 =	vld.idx.msk [tilespmem:v5+s1+$0x0], $0xffff  }
0x555: {  	v6 =	vld.idx.msk [tilespmem:v6+s1+$0x0], $0xffff;
	_ =	sdelay $0x2  }
0x556: {  	[tilespmem:s19+$0xDC30] =	vst v3  }
0x557: {  	[tilespmem:s19+$0xDC10] =	vst v5  }
0x558: {  	[tilespmem:s19+$0xDC20] =	vst v6  }
0x559: {  	v5 =	vld [tilespmem:$0x1FE30]  }
0x55a: {  	v4 =	vadd.s32 $0xCC0, v0;
	_ =	sdelay $0x1  }
0x55b: {  	v7 =	vld.idx.msk [tilespmem:v29+s1+$0x0], $0xffff;
	_ =	sdelay $0x2  }
0x55c: {  	v3 =	vld.idx.msk [tilespmem:v4+s1+$0x0], $0xffff  }
0x55d: {  	v4 =	vadd.s32 $0xD00, v0;
	v6 =	vld.idx.msk [tilespmem:v21+s1+$0x0], $0xffff  }
0x55e: {  	[tilespmem:s20+$0xDC00] =	vst v7;
	v5 =	vld.idx.msk [tilespmem:v5+s1+$0x0], $0xffff  }
0x55f: {  	v7 =	vld.idx.msk [tilespmem:v56+s1+$0x0], $0xffff;
	_ =	sdelay $0x1  }
0x560: {  	[tilespmem:s19+$0xE030] =	vst v3  }
0x561: {  	v3 =	vld.idx.msk [tilespmem:v4+s1+$0x0], $0xffff;
	[tilespmem:s19+$0xE020] =	vst v6  }
0x562: {  	v4 =	vadd.s32 $0xD40, v0;
	v6 =	vld.idx.msk [tilespmem:v18+s1+$0x0], $0xffff;
	[tilespmem:s19+$0xE010] =	vst v5  }
0x563: {  	[tilespmem:s20+$0xE000] =	vst v7;
	v5 =	vld.idx.msk [tilespmem:v30+s1+$0x0], $0xffff  }
0x564: {  	v7 =	vld.idx.msk [tilespmem:v55+s1+$0x0], $0xffff;
	_ =	sdelay $0x1  }
0x565: {  	[tilespmem:s19+$0xE430] =	vst v3  }
0x566: {  	v3 =	vld.idx.msk [tilespmem:v4+s1+$0x0], $0xffff;
	[tilespmem:s19+$0xE420] =	vst v6  }
0x567: {  	v4 =	vadd.s32 $0xD80, v0;
	v6 =	vld.idx.msk [tilespmem:v17+s1+$0x0], $0xffff;
	[tilespmem:s19+$0xE410] =	vst v5  }
0x568: {  	[tilespmem:s20+$0xE400] =	vst v7;
	v5 =	vld.idx.msk [tilespmem:v27+s1+$0x0], $0xffff  }
0x569: {  	v7 =	vld.idx.msk [tilespmem:v54+s1+$0x0], $0xffff;
	_ =	sdelay $0x1  }
0x56a: {  	[tilespmem:s19+$0xE830] =	vst v3  }
0x56b: {  	v3 =	vld.idx.msk [tilespmem:v4+s1+$0x0], $0xffff;
	[tilespmem:s19+$0xE820] =	vst v6  }
0x56c: {  	v4 =	vadd.s32 $0xDC0, v0;
	v6 =	vld.idx.msk [tilespmem:v16+s1+$0x0], $0xffff;
	[tilespmem:s19+$0xE810] =	vst v5  }
0x56d: {  	[tilespmem:s20+$0xE800] =	vst v7;
	v5 =	vld.idx.msk [tilespmem:v25+s1+$0x0], $0xffff  }
0x56e: {  	v7 =	vld.idx.msk [tilespmem:v53+s1+$0x0], $0xffff;
	_ =	sdelay $0x1  }
0x56f: {  	[tilespmem:s19+$0xEC30] =	vst v3  }
0x570: {  	v3 =	vld.idx.msk [tilespmem:v4+s1+$0x0], $0xffff;
	[tilespmem:s19+$0xEC20] =	vst v6  }
0x571: {  	v4 =	vadd.s32 $0xE00, v0;
	v6 =	vld.idx.msk [tilespmem:v15+s1+$0x0], $0xffff;
	[tilespmem:s19+$0xEC10] =	vst v5  }
0x572: {  	[tilespmem:s20+$0xEC00] =	vst v7;
	v5 =	vld.idx.msk [tilespmem:v23+s1+$0x0], $0xffff  }
0x573: {  	v7 =	vld.idx.msk [tilespmem:v52+s1+$0x0], $0xffff;
	_ =	sdelay $0x1  }
0x574: {  	[tilespmem:s19+$0xF030] =	vst v3  }
0x575: {  	v3 =	vld.idx.msk [tilespmem:v4+s1+$0x0], $0xffff;
	[tilespmem:s19+$0xF020] =	vst v6  }
0x576: {  	v4 =	vadd.s32 $0xE40, v0;
	v6 =	vld.idx.msk [tilespmem:v13+s1+$0x0], $0xffff;
	[tilespmem:s19+$0xF010] =	vst v5  }
0x577: {  	[tilespmem:s20+$0xF000] =	vst v7;
	v5 =	vld.idx.msk [tilespmem:v20+s1+$0x0], $0xffff  }
0x578: {  	v7 =	vld.idx.msk [tilespmem:v50+s1+$0x0], $0xffff  }
0x579: {  	[tilespmem:s17+$0x10020] =	vst v1  }
0x57a: {  	[tilespmem:s19+$0xF430] =	vst v3  }
0x57b: {  	v3 =	vld.idx.msk [tilespmem:v4+s1+$0x0], $0xffff;
	[tilespmem:s19+$0xF420] =	vst v6  }
0x57c: {  	v6 =	vld.idx.msk [tilespmem:v22+s1+$0x0], $0xffff;
	[tilespmem:s19+$0xF410] =	vst v5  }
0x57d: {  	[tilespmem:s20+$0xF400] =	vst v7;
	v5 =	vld.idx.msk [tilespmem:v19+s1+$0x0], $0xffff  }
0x57e: {  	v1 =	vld [tilespmem:$0x1FCA0];
	_ =	sdelay $0x1  }
0x57f: {  	[tilespmem:s18+$0x10000] =	vst v2  }
0x580: {  	[tilespmem:s19+$0xF830] =	vst v3  }
0x581: {  	[tilespmem:s19+$0xF820] =	vst v6  }
0x582: {  	[tilespmem:s19+$0xF810] =	vst v5  }
0x583: {  	v5 =	vld [tilespmem:$0x1FE40]  }
0x584: {  	v4 =	vadd.s32 $0xE80, v0  }
0x585: {  	v1 =	vld.idx.msk [tilespmem:v1+s1+$0x0], $0xffff;
	_ =	sdelay $0x1  }
0x586: {  	v2 =	vld.idx.msk [tilespmem:v43+s1+$0x0], $0xffff  }
0x587: {  	v7 =	vld.idx.msk [tilespmem:v44+s1+$0x0], $0xffff  }
0x588: {  	v3 =	vld.idx.msk [tilespmem:v4+s1+$0x0], $0xffff  }
0x589: {  	[tilespmem:s20+$0xF800] =	vst v1;
	v1 =	vld.idx.msk [tilespmem:v51+s1+$0x0], $0xffff  }
0x58a: {  	v4 =	vadd.s32 $0xEC0, v0;
	v5 =	vld.idx.msk [tilespmem:v5+s1+$0x0], $0xffff  }
0x58b: {  	[tilespmem:s17+$0x10410] =	vst v2;
	v2 =	vld.idx.msk [tilespmem:v57+s1+$0x0], $0xffff  }
0x58c: {  	[tilespmem:s17+$0x10420] =	vst v7  }
0x58d: {  	v6 =	vld.idx.msk [tilespmem:v37+s1+$0x0], $0xffff;
	[tilespmem:s19+$0xFC30] =	vst v3  }
0x58e: {  	v7 =	vld.idx.msk [tilespmem:v42+s1+$0x0], $0xffff;
	[tilespmem:s19+$0xFC20] =	vst v1  }
0x58f: {  	v3 =	vld.idx.msk [tilespmem:v4+s1+$0x0], $0xffff;
	[tilespmem:s19+$0xFC10] =	vst v5  }
0x590: {  	[tilespmem:s20+$0xFC00] =	vst v2;
	v2 =	vld.idx.msk [tilespmem:v49+s1+$0x0], $0xffff  }
0x591: {  	v4 =	vadd.s32 $0xF00, v0;
	v1 =	vld.idx.msk [tilespmem:v24+s1+$0x0], $0xffff  }
0x592: {  	[tilespmem:s18+$0x10400] =	vst v6;
	v5 =	vld.idx.msk [tilespmem:v48+s1+$0x0], $0xffff  }
0x593: {  	[tilespmem:s17+$0x10810] =	vst v7  }
0x594: {  	[tilespmem:s19+$0x10030] =	vst v3  }
0x595: {  	[tilespmem:s19+$0x10020] =	vst v2  }
0x596: {  	v3 =	vld.idx.msk [tilespmem:v4+s1+$0x0], $0xffff;
	[tilespmem:s19+$0x10010] =	vst v1  }
0x597: {  	v2 =	vld [tilespmem:$0x1FE50];
	[tilespmem:s20+$0x10000] =	vst v5  }
0x598: {  	v4 =	vld [tilespmem:$0x1FFD0];
	_ =	sdelay $0x3  }
0x599: {  	v6 =	vld.idx.msk [tilespmem:v41+s1+$0x0], $0xffff  }
0x59a: {  	v7 =	vld.idx.msk [tilespmem:v35+s1+$0x0], $0xffff;
	_ =	sdelay $0x1  }
0x59b: {  	v2 =	vld.idx.msk [tilespmem:v2+s1+$0x0], $0xffff  }
0x59c: {  	v4 =	vld.idx.msk [tilespmem:v4+s1+$0x0], $0xffff  }
0x59d: {  	[tilespmem:s17+$0x10820] =	vst v6;
	v5 =	vld.idx.msk [tilespmem:v47+s1+$0x0], $0xffff  }
0x59e: {  	[tilespmem:s18+$0x10800] =	vst v7  }
0x59f: {  	[tilespmem:s19+$0x10430] =	vst v3  }
0x5a0: {  	[tilespmem:s19+$0x10410] =	vst v2  }
0x5a1: {  	[tilespmem:s19+$0x10420] =	vst v4  }
0x5a2: {  	v3 =	vld [tilespmem:$0x1FE60];
	[tilespmem:s20+$0x10400] =	vst v5  }
0x5a3: {  	v1 =	vadd.s32 $0xF40, v0;
	v4 =	vld [tilespmem:$0x1FFE0];
	_ =	sdelay $0x2  }
0x5a4: {  	v6 =	vld.idx.msk [tilespmem:v39+s1+$0x0], $0xffff  }
0x5a5: {  	v7 =	vld.idx.msk [tilespmem:v40+s1+$0x0], $0xffff  }
0x5a6: {  	v1 =	vld.idx.msk [tilespmem:v1+s1+$0x0], $0xffff  }
0x5a7: {  	v5 =	vld.idx.msk [tilespmem:v46+s1+$0x0], $0xffff  }
0x5a8: {  	v3 =	vld.idx.msk [tilespmem:v3+s1+$0x0], $0xffff  }
0x5a9: {  	[tilespmem:s17+$0x10C10] =	vst v6;
	v4 =	vld.idx.msk [tilespmem:v4+s1+$0x0], $0xffff  }
0x5aa: {  	[tilespmem:s17+$0x10C20] =	vst v7  }
0x5ab: {  	[tilespmem:s19+$0x10830] =	vst v1  }
0x5ac: {  	[tilespmem:s20+$0x10800] =	vst v5  }
0x5ad: {  	[tilespmem:s19+$0x10810] =	vst v3  }
0x5ae: {  	[tilespmem:s19+$0x10820] =	vst v4  }
0x5af: {  	v2 =	vadd.s32 $0xF80, v0;
	v3 =	vld [tilespmem:$0x1FFF0];
	_ =	sdelay $0x2  }
0x5b0: {  	v6 =	vld.idx.msk [tilespmem:v34+s1+$0x0], $0xffff  }
0x5b1: {  	v7 =	vld.idx.msk [tilespmem:v38+s1+$0x0], $0xffff  }
0x5b2: {  	v1 =	vld.idx.msk [tilespmem:v2+s1+$0x0], $0xffff  }
0x5b3: {  	v0 =	vadd.s32 $0xFC0, v0;
	v2 =	vld.idx.msk [tilespmem:v31+s1+$0x0], $0xffff  }
0x5b4: {  	v4 =	vld.idx.msk [tilespmem:v45+s1+$0x0], $0xffff  }
0x5b5: {  	[tilespmem:s18+$0x10C00] =	vst v6;
	v3 =	vld.idx.msk [tilespmem:v3+s1+$0x0], $0xffff  }
0x5b6: {  	v5 =	vld.idx.msk [tilespmem:v36+s1+$0x0], $0xffff;
	[tilespmem:s17+$0x11010] =	vst v7  }
0x5b7: {  	[tilespmem:s19+$0x10C30] =	vst v1;
	v6 =	vld.idx.msk [tilespmem:v33+s1+$0x0], $0xffff  }
0x5b8: {  	v0 =	vld.idx.msk [tilespmem:v0+s1+$0x0], $0xffff;
	[tilespmem:s19+$0x10C10] =	vst v2  }
0x5b9: {  	[tilespmem:s20+$0x10C00] =	vst v4;
	v1 =	vld.idx.msk [tilespmem:v28+s1+$0x0], $0xffff  }
0x5ba: {  	[tilespmem:s19+$0x10C20] =	vst v3;
	v3 =	vld.idx.msk [tilespmem:v32+s1+$0x0], $0xffff  }
0x5bb: {  	[tilespmem:s17+$0x11020] =	vst v5;
	v2 =	vld.idx.msk [tilespmem:v60+s1+$0x0], $0xffff  }
0x5bc: {  	[tilespmem:s18+$0x11000] =	vst v6  }
0x5bd: {  	[tilespmem:s19+$0x11030] =	vst v0  }
0x5be: {  	[tilespmem:s19+$0x11010] =	vst v1  }
0x5bf: {  	[tilespmem:s20+$0x11000] =	vst v3  }
0x5c0: {  	[tilespmem:s19+$0x11020] =	vst v2  }
0x5c1: {  	[hbm4b:s5+s12] =	stream.strided.scatter [tilespmem:s15], [sflag:$0x1], $0x10000, s13, s12, $0x38;
	[tilespmem:$0x11400] =	vst v63  }
0x5c2: {  	_ =	swait.ge [sflag:s11], $0x10000  }
0x5c3: {  	[sflag:s11] =	ssyncset.done $0x0  }
0x5c4: {  	[sflag:s11] =	ssyncadd.s32 $0xFFFF0000  }
0x5c5: {  	[hbm4b:s6+s12] =	stream.strided.scatter [tilespmem:s15], [sflag:$0x1], $0x10000, s13, s12, $0x38;
	[tilespmem:$0x11400] =	vst v63  }
0x5c6: {  	_ =	swait.ge [sflag:s11], $0x10000  }
0x5c7: {  	[sflag:s11] =	ssyncset.done $0x0  }
0x5c8: {  	[sflag:s11] =	ssyncadd.s32 $0xFFFF0000  }
0x5c9: {  	[tilespmem:s14], [sflag:$0x1] =	stream.strided.gather [hbm4b:s7+s12], $0x400, s13, s12, $0x38;
	[tilespmem:$0x11400] =	vst v63  }
0x5ca: {  	_ =	swait.ge [sflag:s11], $0x400  }
0x5cb: {  	[sflag:s11] =	ssyncset.done $0x0  }
0x5cc: {  	s17 =	simm.s32 $0x0;
	[sflag:s11] =	ssyncadd.s32 $0xFFFFFC00  }
0x5cd: {  	v4 =	vld [tilespmem:s17+$0x1000];
	_ =	sdelay $0x7  }
0x5ce: {  	v0 =	vld.idx.msk [tilespmem:v4+s1+$0x0], $0xffff  }
0x5cf: {  	v1 =	vadd.s32 $0x40, v4;
	_ =	sdelay $0x3  }
0x5d0: {  	[tilespmem:s17+$0x1400] =	vst v0  }
0x5d1: {  	v0 =	vld.idx.msk [tilespmem:v1+s1+$0x0], $0xffff  }
0x5d2: {  	v1 =	vadd.s32 $0x80, v4;
	_ =	sdelay $0x1  }
0x5d3: {  	s31 =	simm.s32 $0x0  }
0x5d4: {  	s18 =	sand.u32 $0x3C0, s31  }
0x5d5: {  	[tilespmem:s18+$0x1800] =	vst v0  }
0x5d6: {  	v0 =	vld.idx.msk [tilespmem:v1+s1+$0x0], $0xffff  }
0x5d7: {  	v1 =	vadd.s32 $0xC0, v4;
	_ =	sdelay $0x3  }
0x5d8: {  	[tilespmem:s18+$0x1C00] =	vst v0  }
0x5d9: {  	v0 =	vld.idx.msk [tilespmem:v1+s1+$0x0], $0xffff  }
0x5da: {  	v1 =	vadd.s32 $0x100, v4;
	_ =	sdelay $0x3  }
0x5db: {  	[tilespmem:s18+$0x2000] =	vst v0  }
0x5dc: {  	v0 =	vld.idx.msk [tilespmem:v1+s1+$0x0], $0xffff  }
0x5dd: {  	v1 =	vadd.s32 $0x140, v4;
	_ =	sdelay $0x3  }
0x5de: {  	[tilespmem:s18+$0x2400] =	vst v0  }
0x5df: {  	v0 =	vld.idx.msk [tilespmem:v1+s1+$0x0], $0xffff  }
0x5e0: {  	v1 =	vadd.s32 $0x180, v4;
	_ =	sdelay $0x3  }
0x5e1: {  	[tilespmem:s18+$0x2800] =	vst v0  }
0x5e2: {  	v0 =	vld.idx.msk [tilespmem:v1+s1+$0x0], $0xffff  }
0x5e3: {  	v1 =	vadd.s32 $0x1C0, v4;
	_ =	sdelay $0x3  }
0x5e4: {  	[tilespmem:s18+$0x2C00] =	vst v0  }
0x5e5: {  	v0 =	vld.idx.msk [tilespmem:v1+s1+$0x0], $0xffff  }
0x5e6: {  	v2 =	vld [tilespmem:s17+$0x1030];
	v5 =	vadd.s32 $0x200, v4  }
0x5e7: {  	v3 =	vld [tilespmem:s17+$0x1010]  }
0x5e8: {  	v1 =	vld [tilespmem:s17+$0x1020];
	_ =	sdelay $0x1  }
0x5e9: {  	[tilespmem:s18+$0x3000] =	vst v0  }
0x5ea: {  	v0 =	vld.idx.msk [tilespmem:v5+s1+$0x0], $0xffff  }
0x5eb: {  	v5 =	vadd.s32 $0x240, v4;
	_ =	sdelay $0x1  }
0x5ec: {  	v6 =	vld.idx.msk [tilespmem:v2+s1+$0x0], $0xffff  }
0x5ed: {  	v8 =	vadd.s32 $0x40, v2;
	v7 =	vld.idx.msk [tilespmem:v3+s1+$0x0], $0xffff  }
0x5ee: {  	v9 =	vadd.s32 $0x40, v3;
	[tilespmem:s18+$0x3400] =	vst v0;
	v0 =	vld.idx.msk [tilespmem:v1+s1+$0x0], $0xffff  }
0x5ef: {  	v10 =	vadd.s32 $0x40, v1;
	v5 =	vld.idx.msk [tilespmem:v5+s1+$0x0], $0xffff;
	_ =	sdelay $0x1  }
0x5f0: {  	v11 =	vadd.s32 $0x280, v4;
	[tilespmem:s17+$0x1430] =	vst v6  }
0x5f1: {  	[tilespmem:s17+$0x1410] =	vst v7;
	v6 =	vld.idx.msk [tilespmem:v8+s1+$0x0], $0xffff  }
0x5f2: {  	v7 =	vld.idx.msk [tilespmem:v9+s1+$0x0], $0xffff;
	[tilespmem:s17+$0x1420] =	vst v0;
	v0 =	vadd.s32 $0x80, v2  }
0x5f3: {  	[tilespmem:s18+$0x3800] =	vst v5;
	v5 =	vld.idx.msk [tilespmem:v10+s1+$0x0], $0xffff  }
0x5f4: {  	v8 =	vadd.s32 $0x80, v3  }
0x5f5: {  	v9 =	vadd.s32 $0x80, v1;
	v10 =	vld.idx.msk [tilespmem:v11+s1+$0x0], $0xffff  }
0x5f6: {  	[tilespmem:s17+$0x1830] =	vst v6;
	v11 =	vadd.s32 $0x2C0, v4  }
0x5f7: {  	[tilespmem:s17+$0x1810] =	vst v7;
	v0 =	vld.idx.msk [tilespmem:v0+s1+$0x0], $0xffff  }
0x5f8: {  	[tilespmem:s17+$0x1820] =	vst v5;
	v5 =	vadd.s32 $0xC0, v2  }
0x5f9: {  	v6 =	vld.idx.msk [tilespmem:v8+s1+$0x0], $0xffff  }
0x5fa: {  	v7 =	vadd.s32 $0xC0, v3;
	[tilespmem:s18+$0x3C00] =	vst v10;
	v8 =	vld.idx.msk [tilespmem:v9+s1+$0x0], $0xffff  }
0x5fb: {  	v9 =	vadd.s32 $0xC0, v1;
	v10 =	vld.idx.msk [tilespmem:v11+s1+$0x0], $0xffff  }
0x5fc: {  	v11 =	vadd.s32 $0x300, v4;
	[tilespmem:s17+$0x1C30] =	vst v0  }
0x5fd: {  	v0 =	vld.idx.msk [tilespmem:v5+s1+$0x0], $0xffff  }
0x5fe: {  	[tilespmem:s17+$0x1C10] =	vst v6;
	v6 =	vadd.s32 $0x100, v2  }
0x5ff: {  	v5 =	vld.idx.msk [tilespmem:v7+s1+$0x0], $0xffff;
	[tilespmem:s17+$0x1C20] =	vst v8  }
0x600: {  	v7 =	vadd.s32 $0x100, v3;
	[tilespmem:s18+$0x4000] =	vst v10;
	v8 =	vld.idx.msk [tilespmem:v9+s1+$0x0], $0xffff  }
0x601: {  	v9 =	vadd.s32 $0x100, v1;
	v10 =	vld.idx.msk [tilespmem:v11+s1+$0x0], $0xffff  }
0x602: {  	v11 =	vadd.s32 $0x340, v4;
	[tilespmem:s17+$0x2030] =	vst v0  }
0x603: {  	v0 =	vld.idx.msk [tilespmem:v6+s1+$0x0], $0xffff  }
0x604: {  	[tilespmem:s17+$0x2010] =	vst v5;
	v6 =	vadd.s32 $0x140, v2  }
0x605: {  	v5 =	vld.idx.msk [tilespmem:v7+s1+$0x0], $0xffff;
	[tilespmem:s17+$0x2020] =	vst v8  }
0x606: {  	v7 =	vadd.s32 $0x140, v3;
	[tilespmem:s18+$0x4400] =	vst v10;
	v8 =	vld.idx.msk [tilespmem:v9+s1+$0x0], $0xffff  }
0x607: {  	v9 =	vadd.s32 $0x140, v1;
	v10 =	vld.idx.msk [tilespmem:v11+s1+$0x0], $0xffff  }
0x608: {  	v11 =	vadd.s32 $0x380, v4;
	[tilespmem:s17+$0x2430] =	vst v0  }
0x609: {  	v0 =	vld.idx.msk [tilespmem:v6+s1+$0x0], $0xffff  }
0x60a: {  	[tilespmem:s17+$0x2410] =	vst v5;
	v6 =	vadd.s32 $0x180, v2  }
0x60b: {  	v5 =	vld.idx.msk [tilespmem:v7+s1+$0x0], $0xffff;
	[tilespmem:s17+$0x2420] =	vst v8  }
0x60c: {  	v7 =	vadd.s32 $0x180, v3;
	[tilespmem:s18+$0x4800] =	vst v10;
	v8 =	vld.idx.msk [tilespmem:v9+s1+$0x0], $0xffff  }
0x60d: {  	v9 =	vadd.s32 $0x180, v1;
	v10 =	vld.idx.msk [tilespmem:v11+s1+$0x0], $0xffff  }
0x60e: {  	v11 =	vadd.s32 $0x3C0, v4;
	[tilespmem:s17+$0x2830] =	vst v0  }
0x60f: {  	v0 =	vld.idx.msk [tilespmem:v6+s1+$0x0], $0xffff  }
0x610: {  	[tilespmem:s17+$0x2810] =	vst v5;
	v6 =	vadd.s32 $0x1C0, v2  }
0x611: {  	v5 =	vld.idx.msk [tilespmem:v7+s1+$0x0], $0xffff;
	[tilespmem:s17+$0x2820] =	vst v8  }
0x612: {  	v7 =	vadd.s32 $0x1C0, v3;
	[tilespmem:s18+$0x4C00] =	vst v10;
	v8 =	vld.idx.msk [tilespmem:v9+s1+$0x0], $0xffff  }
0x613: {  	v9 =	vadd.s32 $0x1C0, v1;
	v10 =	vld.idx.msk [tilespmem:v11+s1+$0x0], $0xffff  }
0x614: {  	v11 =	vadd.s32 $0x400, v4;
	[tilespmem:s17+$0x2C30] =	vst v0  }
0x615: {  	v0 =	vld.idx.msk [tilespmem:v6+s1+$0x0], $0xffff  }
0x616: {  	[tilespmem:s17+$0x2C10] =	vst v5;
	v6 =	vadd.s32 $0x200, v2  }
0x617: {  	v5 =	vld.idx.msk [tilespmem:v7+s1+$0x0], $0xffff;
	[tilespmem:s17+$0x2C20] =	vst v8  }
0x618: {  	v7 =	vadd.s32 $0x200, v3;
	[tilespmem:s18+$0x5000] =	vst v10;
	v8 =	vld.idx.msk [tilespmem:v9+s1+$0x0], $0xffff  }
0x619: {  	v9 =	vadd.s32 $0x200, v1;
	v10 =	vld.idx.msk [tilespmem:v11+s1+$0x0], $0xffff  }
0x61a: {  	v11 =	vadd.s32 $0x440, v4;
	[tilespmem:s17+$0x3030] =	vst v0  }
0x61b: {  	v0 =	vld.idx.msk [tilespmem:v6+s1+$0x0], $0xffff  }
0x61c: {  	[tilespmem:s17+$0x3010] =	vst v5;
	v6 =	vadd.s32 $0x240, v2  }
0x61d: {  	v5 =	vld.idx.msk [tilespmem:v7+s1+$0x0], $0xffff;
	[tilespmem:s17+$0x3020] =	vst v8  }
0x61e: {  	v7 =	vadd.s32 $0x240, v3;
	[tilespmem:s18+$0x5400] =	vst v10;
	v8 =	vld.idx.msk [tilespmem:v9+s1+$0x0], $0xffff  }
0x61f: {  	v9 =	vadd.s32 $0x240, v1;
	v10 =	vld.idx.msk [tilespmem:v11+s1+$0x0], $0xffff  }
0x620: {  	v11 =	vadd.s32 $0x480, v4;
	[tilespmem:s17+$0x3430] =	vst v0  }
0x621: {  	v0 =	vld.idx.msk [tilespmem:v6+s1+$0x0], $0xffff  }
0x622: {  	[tilespmem:s17+$0x3410] =	vst v5;
	v6 =	vadd.s32 $0x280, v2  }
0x623: {  	v5 =	vld.idx.msk [tilespmem:v7+s1+$0x0], $0xffff;
	[tilespmem:s17+$0x3420] =	vst v8  }
0x624: {  	v7 =	vadd.s32 $0x280, v3;
	[tilespmem:s18+$0x5800] =	vst v10;
	v8 =	vld.idx.msk [tilespmem:v9+s1+$0x0], $0xffff  }
0x625: {  	v9 =	vadd.s32 $0x280, v1;
	v10 =	vld.idx.msk [tilespmem:v11+s1+$0x0], $0xffff  }
0x626: {  	v11 =	vadd.s32 $0x4C0, v4;
	[tilespmem:s17+$0x3830] =	vst v0  }
0x627: {  	v0 =	vld.idx.msk [tilespmem:v6+s1+$0x0], $0xffff  }
0x628: {  	[tilespmem:s17+$0x3810] =	vst v5;
	v6 =	vadd.s32 $0x2C0, v2  }
0x629: {  	v5 =	vld.idx.msk [tilespmem:v7+s1+$0x0], $0xffff;
	[tilespmem:s17+$0x3820] =	vst v8  }
0x62a: {  	v7 =	vadd.s32 $0x2C0, v3;
	[tilespmem:s18+$0x5C00] =	vst v10;
	v8 =	vld.idx.msk [tilespmem:v9+s1+$0x0], $0xffff  }
0x62b: {  	v9 =	vadd.s32 $0x2C0, v1;
	v10 =	vld.idx.msk [tilespmem:v11+s1+$0x0], $0xffff  }
0x62c: {  	v11 =	vadd.s32 $0x500, v4;
	[tilespmem:s17+$0x3C30] =	vst v0  }
0x62d: {  	v0 =	vld.idx.msk [tilespmem:v6+s1+$0x0], $0xffff  }
0x62e: {  	[tilespmem:s17+$0x3C10] =	vst v5;
	v6 =	vadd.s32 $0x300, v2  }
0x62f: {  	v5 =	vld.idx.msk [tilespmem:v7+s1+$0x0], $0xffff;
	[tilespmem:s17+$0x3C20] =	vst v8  }
0x630: {  	v7 =	vadd.s32 $0x300, v3;
	[tilespmem:s18+$0x6000] =	vst v10;
	v8 =	vld.idx.msk [tilespmem:v9+s1+$0x0], $0xffff  }
0x631: {  	v9 =	vadd.s32 $0x300, v1;
	v10 =	vld.idx.msk [tilespmem:v11+s1+$0x0], $0xffff  }
0x632: {  	v11 =	vadd.s32 $0x540, v4;
	[tilespmem:s17+$0x4030] =	vst v0  }
0x633: {  	v0 =	vld.idx.msk [tilespmem:v6+s1+$0x0], $0xffff  }
0x634: {  	[tilespmem:s17+$0x4010] =	vst v5;
	v6 =	vadd.s32 $0x340, v2  }
0x635: {  	v5 =	vld.idx.msk [tilespmem:v7+s1+$0x0], $0xffff;
	[tilespmem:s17+$0x4020] =	vst v8  }
0x636: {  	v7 =	vadd.s32 $0x340, v3;
	[tilespmem:s18+$0x6400] =	vst v10;
	v8 =	vld.idx.msk [tilespmem:v9+s1+$0x0], $0xffff  }
0x637: {  	v9 =	vadd.s32 $0x340, v1;
	v10 =	vld.idx.msk [tilespmem:v11+s1+$0x0], $0xffff  }
0x638: {  	v11 =	vadd.s32 $0x580, v4;
	[tilespmem:s17+$0x4430] =	vst v0  }
0x639: {  	v0 =	vld.idx.msk [tilespmem:v6+s1+$0x0], $0xffff  }
0x63a: {  	[tilespmem:s17+$0x4410] =	vst v5;
	v6 =	vadd.s32 $0x380, v2  }
0x63b: {  	v5 =	vld.idx.msk [tilespmem:v7+s1+$0x0], $0xffff;
	[tilespmem:s17+$0x4420] =	vst v8  }
0x63c: {  	v7 =	vadd.s32 $0x380, v3;
	[tilespmem:s18+$0x6800] =	vst v10;
	v8 =	vld.idx.msk [tilespmem:v9+s1+$0x0], $0xffff  }
0x63d: {  	v9 =	vadd.s32 $0x380, v1;
	v10 =	vld.idx.msk [tilespmem:v11+s1+$0x0], $0xffff  }
0x63e: {  	v11 =	vadd.s32 $0x5C0, v4;
	[tilespmem:s17+$0x4830] =	vst v0  }
0x63f: {  	v0 =	vld.idx.msk [tilespmem:v6+s1+$0x0], $0xffff  }
0x640: {  	[tilespmem:s17+$0x4810] =	vst v5;
	v6 =	vadd.s32 $0x3C0, v2  }
0x641: {  	v5 =	vld.idx.msk [tilespmem:v7+s1+$0x0], $0xffff;
	[tilespmem:s17+$0x4820] =	vst v8  }
0x642: {  	v7 =	vadd.s32 $0x3C0, v3;
	[tilespmem:s18+$0x6C00] =	vst v10;
	v8 =	vld.idx.msk [tilespmem:v9+s1+$0x0], $0xffff  }
0x643: {  	v9 =	vadd.s32 $0x3C0, v1;
	v10 =	vld.idx.msk [tilespmem:v11+s1+$0x0], $0xffff  }
0x644: {  	v11 =	vadd.s32 $0x600, v4;
	[tilespmem:s17+$0x4C30] =	vst v0  }
0x645: {  	v0 =	vld.idx.msk [tilespmem:v6+s1+$0x0], $0xffff  }
0x646: {  	[tilespmem:s17+$0x4C10] =	vst v5;
	v6 =	vadd.s32 $0x400, v2  }
0x647: {  	v5 =	vld.idx.msk [tilespmem:v7+s1+$0x0], $0xffff;
	[tilespmem:s17+$0x4C20] =	vst v8  }
0x648: {  	v7 =	vadd.s32 $0x400, v3;
	[tilespmem:s18+$0x7000] =	vst v10;
	v8 =	vld.idx.msk [tilespmem:v9+s1+$0x0], $0xffff  }
0x649: {  	v9 =	vadd.s32 $0x400, v1;
	v10 =	vld.idx.msk [tilespmem:v11+s1+$0x0], $0xffff  }
0x64a: {  	v11 =	vadd.s32 $0x640, v4;
	[tilespmem:s17+$0x5030] =	vst v0  }
0x64b: {  	v0 =	vld.idx.msk [tilespmem:v6+s1+$0x0], $0xffff  }
0x64c: {  	[tilespmem:s17+$0x5010] =	vst v5;
	v6 =	vadd.s32 $0x440, v2  }
0x64d: {  	v5 =	vld.idx.msk [tilespmem:v7+s1+$0x0], $0xffff;
	[tilespmem:s17+$0x5020] =	vst v8  }
0x64e: {  	v7 =	vadd.s32 $0x440, v3;
	[tilespmem:s18+$0x7400] =	vst v10;
	v8 =	vld.idx.msk [tilespmem:v9+s1+$0x0], $0xffff  }
0x64f: {  	v9 =	vadd.s32 $0x440, v1;
	v10 =	vld.idx.msk [tilespmem:v11+s1+$0x0], $0xffff  }
0x650: {  	v11 =	vadd.s32 $0x680, v4;
	[tilespmem:s17+$0x5430] =	vst v0  }
0x651: {  	v0 =	vld.idx.msk [tilespmem:v6+s1+$0x0], $0xffff  }
0x652: {  	[tilespmem:s17+$0x5410] =	vst v5;
	v6 =	vadd.s32 $0x480, v2  }
0x653: {  	v5 =	vld.idx.msk [tilespmem:v7+s1+$0x0], $0xffff;
	[tilespmem:s17+$0x5420] =	vst v8  }
0x654: {  	v7 =	vadd.s32 $0x480, v3;
	[tilespmem:s18+$0x7800] =	vst v10;
	v8 =	vld.idx.msk [tilespmem:v9+s1+$0x0], $0xffff  }
0x655: {  	v9 =	vadd.s32 $0x480, v1;
	v10 =	vld.idx.msk [tilespmem:v11+s1+$0x0], $0xffff  }
0x656: {  	v11 =	vadd.s32 $0x6C0, v4;
	[tilespmem:s17+$0x5830] =	vst v0  }
0x657: {  	v0 =	vld.idx.msk [tilespmem:v6+s1+$0x0], $0xffff  }
0x658: {  	[tilespmem:s17+$0x5810] =	vst v5;
	v6 =	vadd.s32 $0x4C0, v2  }
0x659: {  	v5 =	vld.idx.msk [tilespmem:v7+s1+$0x0], $0xffff;
	[tilespmem:s17+$0x5820] =	vst v8  }
0x65a: {  	v7 =	vadd.s32 $0x4C0, v3;
	[tilespmem:s18+$0x7C00] =	vst v10;
	v8 =	vld.idx.msk [tilespmem:v9+s1+$0x0], $0xffff  }
0x65b: {  	v9 =	vadd.s32 $0x4C0, v1;
	v10 =	vld.idx.msk [tilespmem:v11+s1+$0x0], $0xffff  }
0x65c: {  	v11 =	vadd.s32 $0x700, v4;
	[tilespmem:s17+$0x5C30] =	vst v0  }
0x65d: {  	v0 =	vld.idx.msk [tilespmem:v6+s1+$0x0], $0xffff  }
0x65e: {  	[tilespmem:s17+$0x5C10] =	vst v5;
	v6 =	vadd.s32 $0x500, v2  }
0x65f: {  	v5 =	vld.idx.msk [tilespmem:v7+s1+$0x0], $0xffff;
	[tilespmem:s17+$0x5C20] =	vst v8  }
0x660: {  	v7 =	vadd.s32 $0x500, v3;
	[tilespmem:s18+$0x8000] =	vst v10;
	v8 =	vld.idx.msk [tilespmem:v9+s1+$0x0], $0xffff  }
0x661: {  	v9 =	vadd.s32 $0x500, v1;
	v10 =	vld.idx.msk [tilespmem:v11+s1+$0x0], $0xffff  }
0x662: {  	v11 =	vadd.s32 $0x740, v4;
	[tilespmem:s17+$0x6030] =	vst v0  }
0x663: {  	v0 =	vld.idx.msk [tilespmem:v6+s1+$0x0], $0xffff  }
0x664: {  	[tilespmem:s17+$0x6010] =	vst v5;
	v6 =	vadd.s32 $0x540, v2  }
0x665: {  	v5 =	vld.idx.msk [tilespmem:v7+s1+$0x0], $0xffff;
	[tilespmem:s17+$0x6020] =	vst v8  }
0x666: {  	v7 =	vadd.s32 $0x540, v3;
	[tilespmem:s18+$0x8400] =	vst v10;
	v8 =	vld.idx.msk [tilespmem:v9+s1+$0x0], $0xffff  }
0x667: {  	v9 =	vadd.s32 $0x540, v1;
	v10 =	vld.idx.msk [tilespmem:v11+s1+$0x0], $0xffff  }
0x668: {  	v11 =	vadd.s32 $0x780, v4;
	[tilespmem:s17+$0x6430] =	vst v0  }
0x669: {  	v0 =	vld.idx.msk [tilespmem:v6+s1+$0x0], $0xffff  }
0x66a: {  	[tilespmem:s17+$0x6410] =	vst v5;
	v6 =	vadd.s32 $0x580, v2  }
0x66b: {  	v5 =	vld.idx.msk [tilespmem:v7+s1+$0x0], $0xffff;
	[tilespmem:s17+$0x6420] =	vst v8  }
0x66c: {  	v7 =	vadd.s32 $0x580, v3;
	[tilespmem:s18+$0x8800] =	vst v10;
	v8 =	vld.idx.msk [tilespmem:v9+s1+$0x0], $0xffff  }
0x66d: {  	v9 =	vadd.s32 $0x580, v1;
	v10 =	vld.idx.msk [tilespmem:v11+s1+$0x0], $0xffff  }
0x66e: {  	v11 =	vadd.s32 $0x7C0, v4;
	[tilespmem:s17+$0x6830] =	vst v0  }
0x66f: {  	v0 =	vld.idx.msk [tilespmem:v6+s1+$0x0], $0xffff  }
0x670: {  	[tilespmem:s17+$0x6810] =	vst v5;
	v6 =	vadd.s32 $0x5C0, v2  }
0x671: {  	v5 =	vld.idx.msk [tilespmem:v7+s1+$0x0], $0xffff;
	[tilespmem:s17+$0x6820] =	vst v8  }
0x672: {  	v8 =	vadd.s32 $0x5C0, v3;
	[tilespmem:s18+$0x8C00] =	vst v10;
	v7 =	vld.idx.msk [tilespmem:v9+s1+$0x0], $0xffff  }
0x673: {  	v10 =	vadd.s32 $0x5C0, v1;
	v9 =	vld.idx.msk [tilespmem:v11+s1+$0x0], $0xffff  }
0x674: {  	v11 =	vadd.s32 $0x800, v4;
	[tilespmem:s17+$0x6C30] =	vst v0  }
0x675: {  	v0 =	vld.idx.msk [tilespmem:v6+s1+$0x0], $0xffff  }
0x676: {  	[tilespmem:s17+$0x6C10] =	vst v5;
	v5 =	vadd.s32 $0x600, v2  }
0x677: {  	v6 =	vld.idx.msk [tilespmem:v8+s1+$0x0], $0xffff;
	[tilespmem:s17+$0x6C20] =	vst v7  }
0x678: {  	v7 =	vadd.s32 $0x600, v3;
	[tilespmem:s18+$0x9000] =	vst v9;
	v8 =	vld.idx.msk [tilespmem:v10+s1+$0x0], $0xffff  }
0x679: {  	v9 =	vadd.s32 $0x600, v1;
	v10 =	vld.idx.msk [tilespmem:v11+s1+$0x0], $0xffff  }
0x67a: {  	v11 =	vadd.s32 $0x840, v4;
	[tilespmem:s17+$0x7030] =	vst v0  }
0x67b: {  	v0 =	vld.idx.msk [tilespmem:v5+s1+$0x0], $0xffff  }
0x67c: {  	[tilespmem:s17+$0x7010] =	vst v6;
	v5 =	vadd.s32 $0x640, v2  }
0x67d: {  	v6 =	vld.idx.msk [tilespmem:v7+s1+$0x0], $0xffff;
	[tilespmem:s17+$0x7020] =	vst v8  }
0x67e: {  	v7 =	vadd.s32 $0x640, v3;
	[tilespmem:s18+$0x9400] =	vst v10;
	v8 =	vld.idx.msk [tilespmem:v9+s1+$0x0], $0xffff  }
0x67f: {  	v9 =	vadd.s32 $0x640, v1;
	v10 =	vld.idx.msk [tilespmem:v11+s1+$0x0], $0xffff  }
0x680: {  	v11 =	vadd.s32 $0x880, v4;
	[tilespmem:s17+$0x7430] =	vst v0  }
0x681: {  	v0 =	vld.idx.msk [tilespmem:v5+s1+$0x0], $0xffff  }
0x682: {  	[tilespmem:s17+$0x7410] =	vst v6;
	v5 =	vadd.s32 $0x680, v2  }
0x683: {  	v6 =	vld.idx.msk [tilespmem:v7+s1+$0x0], $0xffff;
	[tilespmem:s17+$0x7420] =	vst v8  }
0x684: {  	v7 =	vadd.s32 $0x680, v3;
	[tilespmem:s18+$0x9800] =	vst v10;
	v8 =	vld.idx.msk [tilespmem:v9+s1+$0x0], $0xffff  }
0x685: {  	v9 =	vadd.s32 $0x680, v1;
	v10 =	vld.idx.msk [tilespmem:v11+s1+$0x0], $0xffff  }
0x686: {  	v11 =	vadd.s32 $0x8C0, v4;
	[tilespmem:s17+$0x7830] =	vst v0  }
0x687: {  	v0 =	vld.idx.msk [tilespmem:v5+s1+$0x0], $0xffff  }
0x688: {  	[tilespmem:s17+$0x7810] =	vst v6;
	v6 =	vadd.s32 $0x6C0, v2  }
0x689: {  	v7 =	vld.idx.msk [tilespmem:v7+s1+$0x0], $0xffff;
	[tilespmem:s17+$0x7820] =	vst v8  }
0x68a: {  	v8 =	vadd.s32 $0x6C0, v3;
	[tilespmem:s18+$0x9C00] =	vst v10;
	v9 =	vld.idx.msk [tilespmem:v9+s1+$0x0], $0xffff  }
0x68b: {  	s19 =	simm.s32 $0x40;
	v10 =	vadd.s32 $0x6C0, v1;
	v11 =	vld.idx.msk [tilespmem:v11+s1+$0x0], $0xffff  }
0x68c: {  	v12 =	vadd.s32 $0x900, v4;
	v5 =	vld [tilespmem:s19+$0x1000];
	[tilespmem:s17+$0x7C30] =	vst v0  }
0x68d: {  	v0 =	vld.idx.msk [tilespmem:v6+s1+$0x0], $0xffff  }
0x68e: {  	[tilespmem:s17+$0x7C10] =	vst v7;
	v6 =	vadd.s32 $0x700, v2  }
0x68f: {  	v7 =	vld.idx.msk [tilespmem:v8+s1+$0x0], $0xffff;
	[tilespmem:s17+$0x7C20] =	vst v9  }
0x690: {  	v8 =	vadd.s32 $0x700, v3;
	[tilespmem:s18+$0xA000] =	vst v11;
	v9 =	vld.idx.msk [tilespmem:v10+s1+$0x0], $0xffff  }
0x691: {  	v10 =	vadd.s32 $0x700, v1;
	v11 =	vld.idx.msk [tilespmem:v12+s1+$0x0], $0xffff  }
0x692: {  	v12 =	vadd.s32 $0x940, v4;
	[tilespmem:s17+$0x8030] =	vst v0  }
0x693: {  	v0 =	vld.idx.msk [tilespmem:v6+s1+$0x0], $0xffff  }
0x694: {  	[tilespmem:s17+$0x8010] =	vst v7;
	v7 =	vadd.s32 $0x740, v2;
	v6 =	vld.idx.msk [tilespmem:v5+s1+$0x0], $0xffff  }
0x695: {  	v13 =	vadd.s32 $0x40, v5;
	v8 =	vld.idx.msk [tilespmem:v8+s1+$0x0], $0xffff;
	[tilespmem:s17+$0x8020] =	vst v9  }
0x696: {  	v9 =	vadd.s32 $0x740, v3;
	[tilespmem:s18+$0xA400] =	vst v11;
	v10 =	vld.idx.msk [tilespmem:v10+s1+$0x0], $0xffff  }
0x697: {  	v11 =	vadd.s32 $0x740, v1;
	v12 =	vld.idx.msk [tilespmem:v12+s1+$0x0], $0xffff  }
0x698: {  	v14 =	vadd.s32 $0x980, v4;
	[tilespmem:s17+$0x8430] =	vst v0  }
0x699: {  	[tilespmem:s19+$0x1400] =	vst v6;
	v0 =	vld.idx.msk [tilespmem:v7+s1+$0x0], $0xffff  }
0x69a: {  	[tilespmem:s17+$0x8410] =	vst v8;
	v6 =	vld.idx.msk [tilespmem:v13+s1+$0x0], $0xffff;
	v7 =	vadd.s32 $0x780, v2  }
0x69b: {  	v8 =	vadd.s32 $0x80, v5;
	v9 =	vld.idx.msk [tilespmem:v9+s1+$0x0], $0xffff;
	[tilespmem:s17+$0x8420] =	vst v10  }
0x69c: {  	v10 =	vadd.s32 $0x780, v3;
	[tilespmem:s18+$0xA800] =	vst v12;
	v11 =	vld.idx.msk [tilespmem:v11+s1+$0x0], $0xffff  }
0x69d: {  	s21 =	simm.s32 $0x40;
	v12 =	vadd.s32 $0x780, v1;
	v13 =	vld.idx.msk [tilespmem:v14+s1+$0x0], $0xffff  }
0x69e: {  	s20 =	sand.u32 $0x3C0, s21;
	v14 =	vadd.s32 $0x9C0, v4;
	[tilespmem:s17+$0x8830] =	vst v0  }
0x69f: {  	[tilespmem:s20+$0x1800] =	vst v6;
	v0 =	vld.idx.msk [tilespmem:v7+s1+$0x0], $0xffff  }
0x6a0: {  	[tilespmem:s17+$0x8810] =	vst v9;
	v6 =	vld.idx.msk [tilespmem:v8+s1+$0x0], $0xffff  }
0x6a1: {  	v7 =	vadd.s32 $0x7C0, v2;
	v9 =	vld.idx.msk [tilespmem:v10+s1+$0x0], $0xffff;
	[tilespmem:s17+$0x8820] =	vst v11  }
0x6a2: {  	v8 =	vadd.s32 $0xC0, v5;
	[tilespmem:s18+$0xAC00] =	vst v13;
	v11 =	vld.idx.msk [tilespmem:v12+s1+$0x0], $0xffff  }
0x6a3: {  	v10 =	vadd.s32 $0x7C0, v3;
	v13 =	vld.idx.msk [tilespmem:v14+s1+$0x0], $0xffff  }
0x6a4: {  	v12 =	vadd.s32 $0x7C0, v1;
	[tilespmem:s17+$0x8C30] =	vst v0  }
0x6a5: {  	v14 =	vadd.s32 $0xA00, v4;
	[tilespmem:s20+$0x1C00] =	vst v6  }
0x6a6: {  	[tilespmem:s17+$0x8C10] =	vst v9;
	v0 =	vld.idx.msk [tilespmem:v7+s1+$0x0], $0xffff  }
0x6a7: {  	v6 =	vld.idx.msk [tilespmem:v8+s1+$0x0], $0xffff;
	v7 =	vadd.s32 $0x800, v2;
	[tilespmem:s17+$0x8C20] =	vst v11  }
0x6a8: {  	v8 =	vadd.s32 $0x100, v5;
	v9 =	vld.idx.msk [tilespmem:v10+s1+$0x0], $0xffff;
	[tilespmem:s18+$0xB000] =	vst v13  }
0x6a9: {  	v10 =	vadd.s32 $0x800, v3;
	v11 =	vld.idx.msk [tilespmem:v12+s1+$0x0], $0xffff  }
0x6aa: {  	v12 =	vadd.s32 $0x800, v1;
	v13 =	vld.idx.msk [tilespmem:v14+s1+$0x0], $0xffff  }
0x6ab: {  	v14 =	vadd.s32 $0xA40, v4;
	[tilespmem:s17+$0x9030] =	vst v0  }
0x6ac: {  	[tilespmem:s20+$0x2000] =	vst v6;
	v0 =	vld.idx.msk [tilespmem:v7+s1+$0x0], $0xffff  }
0x6ad: {  	[tilespmem:s17+$0x9010] =	vst v9;
	v6 =	vld.idx.msk [tilespmem:v8+s1+$0x0], $0xffff;
	v7 =	vadd.s32 $0x840, v2  }
0x6ae: {  	v8 =	vadd.s32 $0x140, v5;
	v9 =	vld.idx.msk [tilespmem:v10+s1+$0x0], $0xffff;
	[tilespmem:s17+$0x9020] =	vst v11  }
0x6af: {  	v10 =	vadd.s32 $0x840, v3;
	[tilespmem:s18+$0xB400] =	vst v13;
	v11 =	vld.idx.msk [tilespmem:v12+s1+$0x0], $0xffff  }
0x6b0: {  	v12 =	vadd.s32 $0x840, v1;
	v13 =	vld.idx.msk [tilespmem:v14+s1+$0x0], $0xffff  }
0x6b1: {  	v14 =	vadd.s32 $0xA80, v4;
	[tilespmem:s17+$0x9430] =	vst v0  }
0x6b2: {  	[tilespmem:s20+$0x2400] =	vst v6;
	v0 =	vld.idx.msk [tilespmem:v7+s1+$0x0], $0xffff  }
0x6b3: {  	[tilespmem:s17+$0x9410] =	vst v9;
	v6 =	vld.idx.msk [tilespmem:v8+s1+$0x0], $0xffff;
	v7 =	vadd.s32 $0x880, v2  }
0x6b4: {  	v8 =	vadd.s32 $0x180, v5;
	v9 =	vld.idx.msk [tilespmem:v10+s1+$0x0], $0xffff;
	[tilespmem:s17+$0x9420] =	vst v11  }
0x6b5: {  	v10 =	vadd.s32 $0x880, v3;
	[tilespmem:s18+$0xB800] =	vst v13;
	v11 =	vld.idx.msk [tilespmem:v12+s1+$0x0], $0xffff  }
0x6b6: {  	v12 =	vadd.s32 $0x880, v1;
	v13 =	vld.idx.msk [tilespmem:v14+s1+$0x0], $0xffff  }
0x6b7: {  	v28 =	vld [tilespmem:s19+$0x1020];
	v14 =	vadd.s32 $0xAC0, v4;
	[tilespmem:s17+$0x9830] =	vst v0  }
0x6b8: {  	[tilespmem:s20+$0x2800] =	vst v6;
	v0 =	vld.idx.msk [tilespmem:v7+s1+$0x0], $0xffff  }
0x6b9: {  	[tilespmem:s17+$0x9810] =	vst v9;
	v6 =	vld.idx.msk [tilespmem:v8+s1+$0x0], $0xffff;
	v7 =	vadd.s32 $0x8C0, v2  }
0x6ba: {  	v8 =	vadd.s32 $0x1C0, v5;
	v9 =	vld.idx.msk [tilespmem:v10+s1+$0x0], $0xffff;
	[tilespmem:s17+$0x9820] =	vst v11  }
0x6bb: {  	v10 =	vadd.s32 $0x8C0, v3;
	[tilespmem:s18+$0xBC00] =	vst v13;
	v11 =	vld.idx.msk [tilespmem:v12+s1+$0x0], $0xffff  }
0x6bc: {  	v12 =	vadd.s32 $0x8C0, v1;
	v13 =	vld.idx.msk [tilespmem:v14+s1+$0x0], $0xffff  }
0x6bd: {  	v14 =	vadd.s32 $0xB00, v4;
	[tilespmem:s17+$0x9C30] =	vst v0;
	v0 =	vld [tilespmem:s19+$0x1030]  }
0x6be: {  	[tilespmem:s20+$0x2C00] =	vst v6;
	v6 =	vld.idx.msk [tilespmem:v7+s1+$0x0], $0xffff  }
0x6bf: {  	[tilespmem:s17+$0x9C10] =	vst v9;
	v7 =	vld.idx.msk [tilespmem:v8+s1+$0x0], $0xffff;
	v8 =	vadd.s32 $0x900, v2  }
0x6c0: {  	v9 =	vld.idx.msk [tilespmem:v10+s1+$0x0], $0xffff;
	[tilespmem:s17+$0x9C20] =	vst v11  }
0x6c1: {  	[tilespmem:s18+$0xC000] =	vst v13;
	v11 =	vadd.s32 $0x200, v5;
	v10 =	vld.idx.msk [tilespmem:v12+s1+$0x0], $0xffff  }
0x6c2: {  	v13 =	vadd.s32 $0x900, v3;
	v12 =	vld.idx.msk [tilespmem:v14+s1+$0x0], $0xffff  }
0x6c3: {  	v14 =	vadd.s32 $0x900, v1;
	[tilespmem:s17+$0xA030] =	vst v6;
	v6 =	vld [tilespmem:s19+$0x1010]  }
0x6c4: {  	v15 =	vadd.s32 $0xB40, v4;
	v8 =	vld.idx.msk [tilespmem:v8+s1+$0x0], $0xffff  }
0x6c5: {  	v17 =	vld.idx.msk [tilespmem:v28+s1+$0x0], $0xffff;
	[tilespmem:s20+$0x3000] =	vst v7;
	v7 =	vadd.s32 $0x940, v2  }
0x6c6: {  	[tilespmem:s17+$0xA010] =	vst v9;
	v9 =	vld.idx.msk [tilespmem:v11+s1+$0x0], $0xffff  }
0x6c7: {  	[tilespmem:s17+$0xA020] =	vst v10;
	v10 =	vld.idx.msk [tilespmem:v13+s1+$0x0], $0xffff  }
0x6c8: {  	[tilespmem:s18+$0xC400] =	vst v12;
	v12 =	vadd.s32 $0x240, v5;
	v11 =	vld.idx.msk [tilespmem:v14+s1+$0x0], $0xffff  }
0x6c9: {  	v13 =	vld.idx.msk [tilespmem:v15+s1+$0x0], $0xffff;
	v14 =	vadd.s32 $0x940, v1;
	[tilespmem:s17+$0xA430] =	vst v8  }
0x6ca: {  	[tilespmem:s19+$0x1420] =	vst v17;
	v8 =	vadd.s32 $0x940, v3;
	v7 =	vld.idx.msk [tilespmem:v7+s1+$0x0], $0xffff  }
0x6cb: {  	v16 =	vadd.s32 $0x980, v2;
	v15 =	vld.idx.msk [tilespmem:v0+s1+$0x0], $0xffff;
	[tilespmem:s20+$0x3400] =	vst v9  }
0x6cc: {  	v18 =	vadd.s32 $0x40, v0;
	v9 =	vld.idx.msk [tilespmem:v6+s1+$0x0], $0xffff;
	[tilespmem:s17+$0xA410] =	vst v10  }
0x6cd: {  	v10 =	vadd.s32 $0x40, v6;
	v12 =	vld.idx.msk [tilespmem:v12+s1+$0x0], $0xffff;
	[tilespmem:s17+$0xA420] =	vst v11  }
0x6ce: {  	v11 =	vadd.s32 $0x40, v28;
	[tilespmem:s18+$0xC800] =	vst v13;
	v14 =	vld.idx.msk [tilespmem:v14+s1+$0x0], $0xffff  }
0x6cf: {  	v13 =	vadd.s32 $0x280, v5;
	v8 =	vld.idx.msk [tilespmem:v8+s1+$0x0], $0xffff;
	[tilespmem:s17+$0xA830] =	vst v7  }
0x6d0: {  	[tilespmem:s19+$0x1430] =	vst v15;
	v7 =	vadd.s32 $0x980, v3;
	v15 =	vld.idx.msk [tilespmem:v16+s1+$0x0], $0xffff  }
0x6d1: {  	v16 =	vadd.s32 $0x980, v1;
	[tilespmem:s19+$0x1410] =	vst v9;
	v9 =	vld.idx.msk [tilespmem:v18+s1+$0x0], $0xffff  }
0x6d2: {  	v17 =	vadd.s32 $0x9C0, v2;
	[tilespmem:s20+$0x3800] =	vst v12;
	v10 =	vld.idx.msk [tilespmem:v10+s1+$0x0], $0xffff  }
0x6d3: {  	v12 =	vadd.s32 $0x80, v0;
	v11 =	vld.idx.msk [tilespmem:v11+s1+$0x0], $0xffff;
	[tilespmem:s17+$0xA820] =	vst v14  }
0x6d4: {  	v18 =	vadd.s32 $0x80, v6;
	v13 =	vld.idx.msk [tilespmem:v13+s1+$0x0], $0xffff;
	[tilespmem:s17+$0xA810] =	vst v8  }
0x6d5: {  	v14 =	vadd.s32 $0x2C0, v5;
	v7 =	vld.idx.msk [tilespmem:v7+s1+$0x0], $0xffff;
	[tilespmem:s17+$0xAC30] =	vst v15  }
0x6d6: {  	v8 =	vadd.s32 $0x80, v28;
	v16 =	vld.idx.msk [tilespmem:v16+s1+$0x0], $0xffff;
	[tilespmem:s19+$0x1830] =	vst v9  }
0x6d7: {  	v15 =	vadd.s32 $0x9C0, v3;
	v9 =	vld.idx.msk [tilespmem:v17+s1+$0x0], $0xffff;
	[tilespmem:s19+$0x1810] =	vst v10  }
0x6d8: {  	v17 =	vadd.s32 $0x9C0, v1;
	v10 =	vld.idx.msk [tilespmem:v12+s1+$0x0], $0xffff;
	[tilespmem:s19+$0x1820] =	vst v11  }
0x6d9: {  	v11 =	vadd.s32 $0xA00, v2;
	[tilespmem:s20+$0x3C00] =	vst v13;
	v12 =	vld.idx.msk [tilespmem:v18+s1+$0x0], $0xffff  }
0x6da: {  	v13 =	vadd.s32 $0xC0, v0;
	v14 =	vld.idx.msk [tilespmem:v14+s1+$0x0], $0xffff;
	[tilespmem:s17+$0xAC10] =	vst v7  }
0x6db: {  	v18 =	vadd.s32 $0xC0, v6;
	v8 =	vld.idx.msk [tilespmem:v8+s1+$0x0], $0xffff;
	[tilespmem:s17+$0xAC20] =	vst v16  }
0x6dc: {  	v7 =	vadd.s32 $0xC0, v28;
	v15 =	vld.idx.msk [tilespmem:v15+s1+$0x0], $0xffff;
	[tilespmem:s17+$0xB030] =	vst v9  }
0x6dd: {  	v16 =	vadd.s32 $0x300, v5;
	v17 =	vld.idx.msk [tilespmem:v17+s1+$0x0], $0xffff;
	[tilespmem:s19+$0x1C30] =	vst v10  }
0x6de: {  	v9 =	vadd.s32 $0xA00, v3;
	v10 =	vld.idx.msk [tilespmem:v11+s1+$0x0], $0xffff;
	[tilespmem:s19+$0x1C10] =	vst v12  }
0x6df: {  	v11 =	vadd.s32 $0xA00, v1;
	v12 =	vld.idx.msk [tilespmem:v13+s1+$0x0], $0xffff;
	[tilespmem:s20+$0x4000] =	vst v14  }
0x6e0: {  	v13 =	vld.idx.msk [tilespmem:v18+s1+$0x0], $0xffff;
	[tilespmem:s19+$0x1C20] =	vst v8;
	v8 =	vadd.s32 $0xA40, v2  }
0x6e1: {  	v14 =	vadd.s32 $0x100, v0;
	v7 =	vld.idx.msk [tilespmem:v7+s1+$0x0], $0xffff;
	[tilespmem:s17+$0xB010] =	vst v15  }
0x6e2: {  	v18 =	vadd.s32 $0x100, v6;
	v16 =	vld.idx.msk [tilespmem:v16+s1+$0x0], $0xffff;
	[tilespmem:s17+$0xB020] =	vst v17  }
0x6e3: {  	v15 =	vadd.s32 $0x100, v28;
	v9 =	vld.idx.msk [tilespmem:v9+s1+$0x0], $0xffff;
	[tilespmem:s17+$0xB430] =	vst v10  }
0x6e4: {  	v17 =	vadd.s32 $0x340, v5;
	v11 =	vld.idx.msk [tilespmem:v11+s1+$0x0], $0xffff;
	[tilespmem:s19+$0x2030] =	vst v12  }
0x6e5: {  	v10 =	vadd.s32 $0xA40, v3;
	v8 =	vld.idx.msk [tilespmem:v8+s1+$0x0], $0xffff;
	[tilespmem:s19+$0x2010] =	vst v13  }
0x6e6: {  	v12 =	vadd.s32 $0xA40, v1;
	v13 =	vld.idx.msk [tilespmem:v14+s1+$0x0], $0xffff;
	[tilespmem:s19+$0x2020] =	vst v7  }
0x6e7: {  	v14 =	vld.idx.msk [tilespmem:v18+s1+$0x0], $0xffff;
	v7 =	vadd.s32 $0xA80, v2;
	[tilespmem:s20+$0x4400] =	vst v16  }
0x6e8: {  	v15 =	vld.idx.msk [tilespmem:v15+s1+$0x0], $0xffff;
	v16 =	vadd.s32 $0x140, v0;
	[tilespmem:s17+$0xB410] =	vst v9  }
0x6e9: {  	v18 =	vadd.s32 $0x140, v6;
	v17 =	vld.idx.msk [tilespmem:v17+s1+$0x0], $0xffff;
	[tilespmem:s17+$0xB420] =	vst v11  }
0x6ea: {  	v9 =	vadd.s32 $0x140, v28;
	v10 =	vld.idx.msk [tilespmem:v10+s1+$0x0], $0xffff;
	[tilespmem:s17+$0xB830] =	vst v8  }
0x6eb: {  	v11 =	vadd.s32 $0x380, v5;
	v12 =	vld.idx.msk [tilespmem:v12+s1+$0x0], $0xffff;
	[tilespmem:s19+$0x2430] =	vst v13  }
0x6ec: {  	v8 =	vadd.s32 $0xA80, v3;
	v7 =	vld.idx.msk [tilespmem:v7+s1+$0x0], $0xffff;
	[tilespmem:s19+$0x2410] =	vst v14  }
0x6ed: {  	v13 =	vadd.s32 $0xA80, v1;
	v14 =	vld.idx.msk [tilespmem:v16+s1+$0x0], $0xffff;
	[tilespmem:s19+$0x2420] =	vst v15  }
0x6ee: {  	v16 =	vld.idx.msk [tilespmem:v18+s1+$0x0], $0xffff;
	v15 =	vadd.s32 $0xAC0, v2;
	[tilespmem:s20+$0x4800] =	vst v17  }
0x6ef: {  	v9 =	vld.idx.msk [tilespmem:v9+s1+$0x0], $0xffff;
	v17 =	vadd.s32 $0x180, v0;
	[tilespmem:s17+$0xB810] =	vst v10  }
0x6f0: {  	v18 =	vadd.s32 $0x180, v6;
	v11 =	vld.idx.msk [tilespmem:v11+s1+$0x0], $0xffff;
	[tilespmem:s17+$0xB820] =	vst v12  }
0x6f1: {  	v10 =	vadd.s32 $0x180, v28;
	v8 =	vld.idx.msk [tilespmem:v8+s1+$0x0], $0xffff;
	[tilespmem:s17+$0xBC30] =	vst v7  }
0x6f2: {  	v12 =	vadd.s32 $0x3C0, v5;
	v13 =	vld.idx.msk [tilespmem:v13+s1+$0x0], $0xffff;
	[tilespmem:s19+$0x2830] =	vst v14  }
0x6f3: {  	v7 =	vadd.s32 $0xAC0, v3;
	v14 =	vld.idx.msk [tilespmem:v15+s1+$0x0], $0xffff;
	[tilespmem:s19+$0x2810] =	vst v16  }
0x6f4: {  	v15 =	vadd.s32 $0xAC0, v1;
	v16 =	vld.idx.msk [tilespmem:v17+s1+$0x0], $0xffff;
	[tilespmem:s19+$0x2820] =	vst v9  }
0x6f5: {  	v17 =	vld.idx.msk [tilespmem:v18+s1+$0x0], $0xffff;
	v9 =	vadd.s32 $0xB00, v2;
	[tilespmem:s20+$0x4C00] =	vst v11  }
0x6f6: {  	v10 =	vld.idx.msk [tilespmem:v10+s1+$0x0], $0xffff;
	v11 =	vadd.s32 $0x1C0, v0;
	[tilespmem:s17+$0xBC10] =	vst v8  }
0x6f7: {  	v18 =	vadd.s32 $0x1C0, v6;
	v12 =	vld.idx.msk [tilespmem:v12+s1+$0x0], $0xffff;
	[tilespmem:s17+$0xBC20] =	vst v13  }
0x6f8: {  	v8 =	vadd.s32 $0x1C0, v28;
	v7 =	vld.idx.msk [tilespmem:v7+s1+$0x0], $0xffff;
	[tilespmem:s17+$0xC030] =	vst v14  }
0x6f9: {  	v13 =	vadd.s32 $0x400, v5;
	v15 =	vld.idx.msk [tilespmem:v15+s1+$0x0], $0xffff;
	[tilespmem:s19+$0x2C30] =	vst v16  }
0x6fa: {  	v14 =	vadd.s32 $0xB00, v3;
	v9 =	vld.idx.msk [tilespmem:v9+s1+$0x0], $0xffff;
	[tilespmem:s19+$0x2C10] =	vst v17  }
0x6fb: {  	v16 =	vadd.s32 $0xB00, v1;
	v11 =	vld.idx.msk [tilespmem:v11+s1+$0x0], $0xffff;
	[tilespmem:s19+$0x2C20] =	vst v10  }
0x6fc: {  	v17 =	vld.idx.msk [tilespmem:v18+s1+$0x0], $0xffff;
	v10 =	vadd.s32 $0xB40, v2;
	[tilespmem:s20+$0x5000] =	vst v12  }
0x6fd: {  	v8 =	vld.idx.msk [tilespmem:v8+s1+$0x0], $0xffff;
	v12 =	vadd.s32 $0x200, v0;
	[tilespmem:s17+$0xC010] =	vst v7  }
0x6fe: {  	v18 =	vadd.s32 $0x200, v6;
	v13 =	vld.idx.msk [tilespmem:v13+s1+$0x0], $0xffff;
	[tilespmem:s17+$0xC020] =	vst v15  }
0x6ff: {  	v7 =	vadd.s32 $0x200, v28;
	v14 =	vld.idx.msk [tilespmem:v14+s1+$0x0], $0xffff;
	[tilespmem:s17+$0xC430] =	vst v9  }
0x700: {  	v15 =	vadd.s32 $0x440, v5;
	v16 =	vld.idx.msk [tilespmem:v16+s1+$0x0], $0xffff;
	[tilespmem:s19+$0x3030] =	vst v11  }
0x701: {  	v9 =	vadd.s32 $0xB40, v3;
	v10 =	vld.idx.msk [tilespmem:v10+s1+$0x0], $0xffff;
	[tilespmem:s19+$0x3010] =	vst v17  }
0x702: {  	v11 =	vadd.s32 $0xB40, v1;
	v12 =	vld.idx.msk [tilespmem:v12+s1+$0x0], $0xffff;
	[tilespmem:s19+$0x3020] =	vst v8  }
0x703: {  	v17 =	vld.idx.msk [tilespmem:v18+s1+$0x0], $0xffff;
	v8 =	vadd.s32 $0xB80, v2;
	[tilespmem:s20+$0x5400] =	vst v13  }
0x704: {  	v7 =	vld.idx.msk [tilespmem:v7+s1+$0x0], $0xffff;
	v13 =	vadd.s32 $0x240, v0;
	[tilespmem:s17+$0xC410] =	vst v14  }
0x705: {  	v18 =	vadd.s32 $0x240, v6;
	v15 =	vld.idx.msk [tilespmem:v15+s1+$0x0], $0xffff;
	[tilespmem:s17+$0xC420] =	vst v16  }
0x706: {  	v14 =	vadd.s32 $0x240, v28;
	v9 =	vld.idx.msk [tilespmem:v9+s1+$0x0], $0xffff;
	[tilespmem:s17+$0xC830] =	vst v10  }
0x707: {  	v16 =	vadd.s32 $0x480, v5;
	v11 =	vld.idx.msk [tilespmem:v11+s1+$0x0], $0xffff;
	[tilespmem:s19+$0x3430] =	vst v12  }
0x708: {  	v10 =	vadd.s32 $0xB80, v3;
	v8 =	vld.idx.msk [tilespmem:v8+s1+$0x0], $0xffff;
	[tilespmem:s19+$0x3410] =	vst v17  }
0x709: {  	v12 =	vadd.s32 $0xB80, v1;
	v13 =	vld.idx.msk [tilespmem:v13+s1+$0x0], $0xffff;
	[tilespmem:s19+$0x3420] =	vst v7  }
0x70a: {  	v17 =	vld.idx.msk [tilespmem:v18+s1+$0x0], $0xffff;
	v7 =	vadd.s32 $0xBC0, v2;
	[tilespmem:s20+$0x5800] =	vst v15  }
0x70b: {  	v14 =	vld.idx.msk [tilespmem:v14+s1+$0x0], $0xffff;
	v15 =	vadd.s32 $0x280, v0;
	[tilespmem:s17+$0xC810] =	vst v9  }
0x70c: {  	v18 =	vadd.s32 $0x280, v6;
	v16 =	vld.idx.msk [tilespmem:v16+s1+$0x0], $0xffff;
	[tilespmem:s17+$0xC820] =	vst v11  }
0x70d: {  	v9 =	vadd.s32 $0x280, v28;
	v10 =	vld.idx.msk [tilespmem:v10+s1+$0x0], $0xffff;
	[tilespmem:s17+$0xCC30] =	vst v8  }
0x70e: {  	v11 =	vadd.s32 $0x4C0, v5;
	v12 =	vld.idx.msk [tilespmem:v12+s1+$0x0], $0xffff;
	[tilespmem:s19+$0x3830] =	vst v13  }
0x70f: {  	v8 =	vadd.s32 $0xB80, v4;
	v7 =	vld.idx.msk [tilespmem:v7+s1+$0x0], $0xffff;
	[tilespmem:s19+$0x3810] =	vst v17  }
0x710: {  	v13 =	vadd.s32 $0xBC0, v3;
	v15 =	vld.idx.msk [tilespmem:v15+s1+$0x0], $0xffff;
	[tilespmem:s19+$0x3820] =	vst v14  }
0x711: {  	v17 =	vld.idx.msk [tilespmem:v18+s1+$0x0], $0xffff;
	v14 =	vadd.s32 $0xC00, v2;
	[tilespmem:s20+$0x5C00] =	vst v16  }
0x712: {  	v9 =	vld.idx.msk [tilespmem:v9+s1+$0x0], $0xffff;
	v16 =	vadd.s32 $0x2C0, v0;
	[tilespmem:s17+$0xCC10] =	vst v10  }
0x713: {  	v18 =	vadd.s32 $0x2C0, v6;
	v11 =	vld.idx.msk [tilespmem:v11+s1+$0x0], $0xffff;
	[tilespmem:s17+$0xCC20] =	vst v12  }
0x714: {  	v10 =	vadd.s32 $0x2C0, v28;
	v8 =	vld.idx.msk [tilespmem:v8+s1+$0x0], $0xffff;
	[tilespmem:s17+$0xD030] =	vst v7  }
0x715: {  	v12 =	vadd.s32 $0x500, v5;
	v13 =	vld.idx.msk [tilespmem:v13+s1+$0x0], $0xffff;
	[tilespmem:s19+$0x3C30] =	vst v15  }
0x716: {  	v7 =	vadd.s32 $0xBC0, v1;
	v14 =	vld.idx.msk [tilespmem:v14+s1+$0x0], $0xffff;
	[tilespmem:s19+$0x3C10] =	vst v17  }
0x717: {  	v15 =	vadd.s32 $0xBC0, v4;
	v16 =	vld.idx.msk [tilespmem:v16+s1+$0x0], $0xffff;
	[tilespmem:s19+$0x3C20] =	vst v9  }
0x718: {  	v17 =	vld.idx.msk [tilespmem:v18+s1+$0x0], $0xffff;
	v9 =	vadd.s32 $0xC40, v2;
	[tilespmem:s20+$0x6000] =	vst v11  }
0x719: {  	v10 =	vld.idx.msk [tilespmem:v10+s1+$0x0], $0xffff;
	v11 =	vadd.s32 $0x300, v0;
	[tilespmem:s18+$0xCC00] =	vst v8  }
0x71a: {  	v18 =	vadd.s32 $0x300, v6;
	v12 =	vld.idx.msk [tilespmem:v12+s1+$0x0], $0xffff;
	[tilespmem:s17+$0xD010] =	vst v13  }
0x71b: {  	v8 =	vadd.s32 $0x300, v28;
	v7 =	vld.idx.msk [tilespmem:v7+s1+$0x0], $0xffff;
	[tilespmem:s17+$0xD430] =	vst v14  }
0x71c: {  	v13 =	vadd.s32 $0x540, v5;
	v15 =	vld.idx.msk [tilespmem:v15+s1+$0x0], $0xffff;
	[tilespmem:s19+$0x4030] =	vst v16  }
0x71d: {  	v14 =	vadd.s32 $0xC00, v3;
	v9 =	vld.idx.msk [tilespmem:v9+s1+$0x0], $0xffff;
	[tilespmem:s19+$0x4010] =	vst v17  }
0x71e: {  	v16 =	vadd.s32 $0xC00, v1;
	v11 =	vld.idx.msk [tilespmem:v11+s1+$0x0], $0xffff;
	[tilespmem:s19+$0x4020] =	vst v10  }
0x71f: {  	v17 =	vld.idx.msk [tilespmem:v18+s1+$0x0], $0xffff;
	v10 =	vadd.s32 $0xC80, v2;
	[tilespmem:s20+$0x6400] =	vst v12  }
0x720: {  	v8 =	vld.idx.msk [tilespmem:v8+s1+$0x0], $0xffff;
	v12 =	vadd.s32 $0x340, v0;
	[tilespmem:s17+$0xD020] =	vst v7  }
0x721: {  	v18 =	vadd.s32 $0x340, v6;
	v13 =	vld.idx.msk [tilespmem:v13+s1+$0x0], $0xffff;
	[tilespmem:s18+$0xD000] =	vst v15  }
0x722: {  	v7 =	vadd.s32 $0x340, v28;
	v14 =	vld.idx.msk [tilespmem:v14+s1+$0x0], $0xffff;
	[tilespmem:s17+$0xD830] =	vst v9  }
0x723: {  	v15 =	vadd.s32 $0x580, v5;
	v16 =	vld.idx.msk [tilespmem:v16+s1+$0x0], $0xffff;
	[tilespmem:s19+$0x4430] =	vst v11  }
0x724: {  	v9 =	vadd.s32 $0xC00, v4;
	v10 =	vld.idx.msk [tilespmem:v10+s1+$0x0], $0xffff;
	[tilespmem:s19+$0x4410] =	vst v17  }
0x725: {  	v11 =	vadd.s32 $0xC40, v3;
	v12 =	vld.idx.msk [tilespmem:v12+s1+$0x0], $0xffff;
	[tilespmem:s19+$0x4420] =	vst v8  }
0x726: {  	v17 =	vld.idx.msk [tilespmem:v18+s1+$0x0], $0xffff;
	v8 =	vadd.s32 $0xCC0, v2;
	[tilespmem:s20+$0x6800] =	vst v13  }
0x727: {  	v7 =	vld.idx.msk [tilespmem:v7+s1+$0x0], $0xffff;
	v13 =	vadd.s32 $0x380, v0;
	[tilespmem:s17+$0xD410] =	vst v14  }
0x728: {  	v18 =	vadd.s32 $0x380, v6;
	v15 =	vld.idx.msk [tilespmem:v15+s1+$0x0], $0xffff;
	[tilespmem:s17+$0xD420] =	vst v16  }
0x729: {  	v14 =	vadd.s32 $0x380, v28;
	v9 =	vld.idx.msk [tilespmem:v9+s1+$0x0], $0xffff;
	[tilespmem:s17+$0xDC30] =	vst v10  }
0x72a: {  	v16 =	vadd.s32 $0x5C0, v5;
	v11 =	vld.idx.msk [tilespmem:v11+s1+$0x0], $0xffff;
	[tilespmem:s19+$0x4830] =	vst v12  }
0x72b: {  	v10 =	vadd.s32 $0xC40, v1;
	v8 =	vld.idx.msk [tilespmem:v8+s1+$0x0], $0xffff;
	[tilespmem:s19+$0x4810] =	vst v17  }
0x72c: {  	v12 =	vadd.s32 $0xC40, v4;
	v13 =	vld.idx.msk [tilespmem:v13+s1+$0x0], $0xffff;
	[tilespmem:s19+$0x4820] =	vst v7  }
0x72d: {  	v17 =	vld.idx.msk [tilespmem:v18+s1+$0x0], $0xffff;
	v7 =	vadd.s32 $0xD00, v2;
	[tilespmem:s20+$0x6C00] =	vst v15  }
0x72e: {  	v14 =	vld.idx.msk [tilespmem:v14+s1+$0x0], $0xffff;
	v15 =	vadd.s32 $0x3C0, v0;
	[tilespmem:s18+$0xD400] =	vst v9  }
0x72f: {  	v18 =	vadd.s32 $0x3C0, v6;
	v16 =	vld.idx.msk [tilespmem:v16+s1+$0x0], $0xffff;
	[tilespmem:s17+$0xD810] =	vst v11  }
0x730: {  	v9 =	vadd.s32 $0x3C0, v28;
	v10 =	vld.idx.msk [tilespmem:v10+s1+$0x0], $0xffff;
	[tilespmem:s17+$0xE030] =	vst v8  }
0x731: {  	v11 =	vadd.s32 $0x600, v5;
	v12 =	vld.idx.msk [tilespmem:v12+s1+$0x0], $0xffff;
	[tilespmem:s19+$0x4C30] =	vst v13  }
0x732: {  	v8 =	vadd.s32 $0xC80, v3;
	v7 =	vld.idx.msk [tilespmem:v7+s1+$0x0], $0xffff;
	[tilespmem:s19+$0x4C10] =	vst v17  }
0x733: {  	v13 =	vadd.s32 $0xC80, v1;
	v15 =	vld.idx.msk [tilespmem:v15+s1+$0x0], $0xffff;
	[tilespmem:s19+$0x4C20] =	vst v14  }
0x734: {  	v17 =	vld.idx.msk [tilespmem:v18+s1+$0x0], $0xffff;
	v14 =	vadd.s32 $0xD40, v2;
	[tilespmem:s20+$0x7000] =	vst v16  }
0x735: {  	v9 =	vld.idx.msk [tilespmem:v9+s1+$0x0], $0xffff;
	v16 =	vadd.s32 $0x400, v0;
	[tilespmem:s17+$0xD820] =	vst v10  }
0x736: {  	v18 =	vadd.s32 $0x400, v6;
	v11 =	vld.idx.msk [tilespmem:v11+s1+$0x0], $0xffff;
	[tilespmem:s18+$0xD800] =	vst v12  }
0x737: {  	v10 =	vadd.s32 $0x400, v28;
	v8 =	vld.idx.msk [tilespmem:v8+s1+$0x0], $0xffff;
	[tilespmem:s17+$0xE430] =	vst v7  }
0x738: {  	v12 =	vadd.s32 $0x640, v5;
	v13 =	vld.idx.msk [tilespmem:v13+s1+$0x0], $0xffff;
	[tilespmem:s19+$0x5030] =	vst v15  }
0x739: {  	v7 =	vadd.s32 $0xC80, v4;
	v14 =	vld.idx.msk [tilespmem:v14+s1+$0x0], $0xffff;
	[tilespmem:s19+$0x5010] =	vst v17  }
0x73a: {  	v15 =	vadd.s32 $0xCC0, v3;
	v16 =	vld.idx.msk [tilespmem:v16+s1+$0x0], $0xffff;
	[tilespmem:s19+$0x5020] =	vst v9  }
0x73b: {  	v17 =	vld.idx.msk [tilespmem:v18+s1+$0x0], $0xffff;
	v9 =	vadd.s32 $0xD80, v2;
	[tilespmem:s20+$0x7400] =	vst v11  }
0x73c: {  	v10 =	vld.idx.msk [tilespmem:v10+s1+$0x0], $0xffff;
	v11 =	vadd.s32 $0x440, v0;
	[tilespmem:s17+$0xDC10] =	vst v8  }
0x73d: {  	v18 =	vadd.s32 $0x440, v6;
	v12 =	vld.idx.msk [tilespmem:v12+s1+$0x0], $0xffff;
	[tilespmem:s17+$0xDC20] =	vst v13  }
0x73e: {  	v8 =	vadd.s32 $0x440, v28;
	v7 =	vld.idx.msk [tilespmem:v7+s1+$0x0], $0xffff;
	[tilespmem:s17+$0xE830] =	vst v14  }
0x73f: {  	v13 =	vadd.s32 $0x680, v5;
	v15 =	vld.idx.msk [tilespmem:v15+s1+$0x0], $0xffff;
	[tilespmem:s19+$0x5430] =	vst v16  }
0x740: {  	v14 =	vadd.s32 $0xCC0, v1;
	v9 =	vld.idx.msk [tilespmem:v9+s1+$0x0], $0xffff;
	[tilespmem:s19+$0x5410] =	vst v17  }
0x741: {  	v16 =	vadd.s32 $0xCC0, v4;
	v11 =	vld.idx.msk [tilespmem:v11+s1+$0x0], $0xffff;
	[tilespmem:s19+$0x5420] =	vst v10  }
0x742: {  	v17 =	vld.idx.msk [tilespmem:v18+s1+$0x0], $0xffff;
	v10 =	vadd.s32 $0xDC0, v2;
	[tilespmem:s20+$0x7800] =	vst v12  }
0x743: {  	v8 =	vld.idx.msk [tilespmem:v8+s1+$0x0], $0xffff;
	v12 =	vadd.s32 $0x480, v0;
	[tilespmem:s18+$0xDC00] =	vst v7  }
0x744: {  	v18 =	vadd.s32 $0x480, v6;
	v13 =	vld.idx.msk [tilespmem:v13+s1+$0x0], $0xffff;
	[tilespmem:s17+$0xE010] =	vst v15  }
0x745: {  	v7 =	vadd.s32 $0x480, v28;
	v14 =	vld.idx.msk [tilespmem:v14+s1+$0x0], $0xffff;
	[tilespmem:s17+$0xEC30] =	vst v9  }
0x746: {  	v15 =	vadd.s32 $0x6C0, v5;
	v16 =	vld.idx.msk [tilespmem:v16+s1+$0x0], $0xffff;
	[tilespmem:s19+$0x5830] =	vst v11  }
0x747: {  	v19 =	vadd.s32 $0xD00, v3;
	v10 =	vld.idx.msk [tilespmem:v10+s1+$0x0], $0xffff;
	[tilespmem:s19+$0x5810] =	vst v17  }
0x748: {  	v11 =	vadd.s32 $0xD00, v1;
	v17 =	vld.idx.msk [tilespmem:v12+s1+$0x0], $0xffff;
	[tilespmem:s19+$0x5820] =	vst v8  }
0x749: {  	v20 =	vadd.s32 $0xD00, v4;
	v18 =	vld.idx.msk [tilespmem:v18+s1+$0x0], $0xffff;
	[tilespmem:s20+$0x7C00] =	vst v13  }
0x74a: {  	v8 =	vadd.s32 $0xE00, v2;
	v13 =	vld.idx.msk [tilespmem:v7+s1+$0x0], $0xffff;
	[tilespmem:s17+$0xE020] =	vst v14  }
0x74b: {  	v22 =	vadd.s32 $0x4C0, v0;
	v15 =	vld.idx.msk [tilespmem:v15+s1+$0x0], $0xffff;
	[tilespmem:s18+$0xE000] =	vst v16  }
0x74c: {  	v23 =	vadd.s32 $0x4C0, v6;
	v16 =	vld.idx.msk [tilespmem:v19+s1+$0x0], $0xffff;
	[tilespmem:s17+$0xF030] =	vst v10  }
0x74d: {  	v14 =	vadd.s32 $0x4C0, v28;
	v24 =	vld.idx.msk [tilespmem:v11+s1+$0x0], $0xffff;
	[tilespmem:s19+$0x5C30] =	vst v17  }
0x74e: {  	v19 =	vadd.s32 $0x700, v5;
	v20 =	vld.idx.msk [tilespmem:v20+s1+$0x0], $0xffff;
	[tilespmem:s19+$0x5C10] =	vst v18  }
0x74f: {  	v25 =	vadd.s32 $0xD40, v3;
	v8 =	vld.idx.msk [tilespmem:v8+s1+$0x0], $0xffff;
	[tilespmem:s19+$0x5C20] =	vst v13  }
0x750: {  	v17 =	vadd.s32 $0xD40, v1;
	v18 =	vld.idx.msk [tilespmem:v22+s1+$0x0], $0xffff;
	[tilespmem:s20+$0x8000] =	vst v15  }
0x751: {  	v29 =	vadd.s32 $0xE40, v2;
	v23 =	vld.idx.msk [tilespmem:v23+s1+$0x0], $0xffff;
	[tilespmem:s17+$0xE410] =	vst v16  }
0x752: {  	v14 =	vld.idx.msk [tilespmem:v14+s1+$0x0], $0xffff;
	v15 =	vadd.s32 $0x500, v0;
	[tilespmem:s17+$0xE420] =	vst v24  }
0x753: {  	v30 =	vadd.s32 $0x500, v6;
	v19 =	vld.idx.msk [tilespmem:v19+s1+$0x0], $0xffff;
	[tilespmem:s18+$0xE400] =	vst v20  }
0x754: {  	v16 =	vadd.s32 $0x500, v28;
	v25 =	vld.idx.msk [tilespmem:v25+s1+$0x0], $0xffff;
	[tilespmem:s17+$0xF430] =	vst v8  }
0x755: {  	v24 =	vadd.s32 $0x740, v5;
	v17 =	vld.idx.msk [tilespmem:v17+s1+$0x0], $0xffff;
	[tilespmem:s19+$0x6030] =	vst v18  }
0x756: {  	v18 =	vld.idx.msk [tilespmem:v29+s1+$0x0], $0xffff;
	[tilespmem:s19+$0x6010] =	vst v23  }
0x757: {  	v15 =	vld.idx.msk [tilespmem:v15+s1+$0x0], $0xffff;
	[tilespmem:s19+$0x6020] =	vst v14  }
0x758: {  	v23 =	vld.idx.msk [tilespmem:v30+s1+$0x0], $0xffff;
	[tilespmem:s20+$0x8400] =	vst v19  }
0x759: {  	v21 =	vadd.s32 $0xD40, v4;
	v16 =	vld.idx.msk [tilespmem:v16+s1+$0x0], $0xffff;
	[tilespmem:s17+$0xE810] =	vst v25;
	v25 =	vadd.s32 $0x900, v5  }
0x75a: {  	v24 =	vld.idx.msk [tilespmem:v24+s1+$0x0], $0xffff;
	[tilespmem:$0x1F0B0] =	vst v25;
	v25 =	vadd.s32 $0x940, v5  }
0x75b: {  	[tilespmem:$0x1F0C0] =	vst v25;
	v25 =	vadd.s32 $0x980, v5  }
0x75c: {  	[tilespmem:$0x1F0D0] =	vst v25  }
0x75d: {  	v14 =	vadd.s32 $0xE80, v2;
	[tilespmem:s17+$0xF830] =	vst v18;
	v18 =	vadd.s32 $0x9C0, v5  }
0x75e: {  	v21 =	vld.idx.msk [tilespmem:v21+s1+$0x0], $0xffff;
	[tilespmem:$0x1F0E0] =	vst v18;
	v18 =	vadd.s32 $0xA00, v5  }
0x75f: {  	[tilespmem:$0x1F0F0] =	vst v18;
	v18 =	vadd.s32 $0xA40, v5  }
0x760: {  	[tilespmem:$0x1F100] =	vst v18  }
0x761: {  	v19 =	vadd.s32 $0x540, v0;
	[tilespmem:s19+$0x6430] =	vst v15;
	v15 =	vadd.s32 $0xA80, v5  }
0x762: {  	v14 =	vld.idx.msk [tilespmem:v14+s1+$0x0], $0xffff;
	[tilespmem:$0x1F110] =	vst v15;
	v15 =	vadd.s32 $0xAC0, v5  }
0x763: {  	[tilespmem:$0x1F120] =	vst v15;
	v15 =	vadd.s32 $0xB00, v5  }
0x764: {  	v63 =	vadd.s32 $0x540, v6;
	[tilespmem:$0x1F130] =	vst v15  }
0x765: {  	v18 =	vadd.s32 $0xB40, v5;
	[tilespmem:s19+$0x6410] =	vst v23  }
0x766: {  	v15 =	vld.idx.msk [tilespmem:v19+s1+$0x0], $0xffff;
	[tilespmem:$0x1F140] =	vst v18;
	v18 =	vadd.s32 $0xB80, v5  }
0x767: {  	v20 =	vadd.s32 $0x540, v28;
	[tilespmem:$0x1F150] =	vst v18  }
0x768: {  	v47 =	vadd.s32 $0xE40, v4;
	v43 =	vadd.s32 $0xE80, v4;
	v19 =	vadd.s32 $0xBC0, v5;
	[tilespmem:s19+$0x6420] =	vst v16  }
0x769: {  	v40 =	vadd.s32 $0xEC0, v4;
	v37 =	vadd.s32 $0xF00, v4;
	v18 =	vld.idx.msk [tilespmem:v63+s1+$0x0], $0xffff;
	[tilespmem:$0x1F160] =	vst v19;
	v19 =	vadd.s32 $0xC00, v5  }
0x76a: {  	v35 =	vadd.s32 $0xF40, v4;
	v34 =	vadd.s32 $0xF80, v4;
	v33 =	vadd.s32 $0xFC0, v4;
	[tilespmem:$0x1F170] =	vst v19  }
0x76b: {  	v26 =	vadd.s32 $0xD80, v3;
	v29 =	vadd.s32 $0x780, v5;
	v23 =	vadd.s32 $0xC40, v5;
	[tilespmem:s20+$0x8800] =	vst v24  }
0x76c: {  	v51 =	vadd.s32 $0xE80, v3;
	v49 =	vadd.s32 $0xEC0, v3;
	v19 =	vld.idx.msk [tilespmem:v20+s1+$0x0], $0xffff;
	[tilespmem:$0x1F180] =	vst v23;
	v23 =	vadd.s32 $0xC80, v5  }
0x76d: {  	v45 =	vadd.s32 $0xF00, v3;
	v44 =	vadd.s32 $0xF40, v3;
	v39 =	vadd.s32 $0xF80, v3;
	[tilespmem:$0x1F190] =	vst v23  }
0x76e: {  	v38 =	vadd.s32 $0xFC0, v3;
	v27 =	vadd.s32 $0xD80, v1;
	v55 =	vadd.s32 $0xE40, v1;
	[tilespmem:s17+$0xE820] =	vst v17  }
0x76f: {  	v54 =	vadd.s32 $0xE80, v1;
	v48 =	vadd.s32 $0xEC0, v1;
	[tilespmem:s18+$0xE800] =	vst v21;
	v21 =	vadd.s32 $0xCC0, v5  }
0x770: {  	v46 =	vadd.s32 $0xF00, v1;
	v16 =	vadd.s32 $0xEC0, v2;
	v24 =	vadd.s32 $0xD00, v5;
	v23 =	vld.idx.msk [tilespmem:v29+s1+$0x0], $0xffff;
	[tilespmem:$0x1F1A0] =	vst v21  }
0x771: {  	v42 =	vadd.s32 $0xF40, v1;
	v41 =	vadd.s32 $0xF80, v1;
	v36 =	vadd.s32 $0xFC0, v1;
	v21 =	vld.idx.msk [tilespmem:v26+s1+$0x0], $0xffff;
	[tilespmem:$0x1F1B0] =	vst v24  }
0x772: {  	v31 =	vadd.s32 $0x800, v5;
	v61 =	vadd.s32 $0xDC0, v5;
	v25 =	vadd.s32 $0xD40, v5;
	[tilespmem:s17+$0xFC30] =	vst v14  }
0x773: {  	v58 =	vadd.s32 $0xE00, v5;
	v20 =	vadd.s32 $0x580, v0;
	v14 =	vld.idx.msk [tilespmem:v27+s1+$0x0], $0xffff;
	[tilespmem:$0x1F1C0] =	vst v25;
	v25 =	vadd.s32 $0xD80, v5  }
0x774: {  	v59 =	vadd.s32 $0xE80, v5;
	v57 =	vadd.s32 $0xEC0, v5;
	v12 =	vadd.s32 $0xD80, v4;
	[tilespmem:$0x1F1D0] =	vst v25  }
0x775: {  	v56 =	vadd.s32 $0xF00, v5;
	v17 =	vadd.s32 $0x580, v6;
	[tilespmem:s19+$0x6830] =	vst v15;
	v15 =	vld.idx.msk [tilespmem:v16+s1+$0x0], $0xffff;
	v16 =	vadd.s32 $0xE40, v5  }
0x776: {  	v53 =	vadd.s32 $0xF40, v5;
	v50 =	vadd.s32 $0xF80, v5;
	v24 =	vadd.s32 $0x580, v28;
	[tilespmem:$0x1F1E0] =	vst v16  }
0x777: {  	v32 =	vadd.s32 $0xFC0, v5;
	v9 =	vadd.s32 $0xDC0, v4;
	v30 =	vadd.s32 $0x7C0, v5;
	[tilespmem:s19+$0x6810] =	vst v18  }
0x778: {  	v7 =	vadd.s32 $0xE00, v4;
	v4 =	vadd.s32 $0xE40, v3;
	v10 =	vadd.s32 $0xE00, v3;
	v16 =	vld.idx.msk [tilespmem:v20+s1+$0x0], $0xffff;
	[tilespmem:s19+$0x6820] =	vst v19  }
0x779: {  	v11 =	vadd.s32 $0xE00, v1;
	v22 =	vadd.s32 $0xDC0, v3;
	v13 =	vadd.s32 $0xDC0, v1;
	[tilespmem:s20+$0x8C00] =	vst v23;
	v12 =	vld.idx.msk [tilespmem:v12+s1+$0x0], $0xffff  }
0x77a: {  	v3 =	vadd.s32 $0x840, v5;
	v1 =	vadd.s32 $0x880, v5;
	v8 =	vadd.s32 $0x8C0, v5;
	[tilespmem:s17+$0xEC10] =	vst v21;
	v5 =	vld.idx.msk [tilespmem:v17+s1+$0x0], $0xffff  }
0x77b: {  	[tilespmem:s17+$0xEC20] =	vst v14;
	v21 =	vadd.s32 $0x6C0, v6;
	v18 =	vld.idx.msk [tilespmem:v24+s1+$0x0], $0xffff  }
0x77c: {  	v27 =	vld.idx.msk [tilespmem:v30+s1+$0x0], $0xffff;
	[tilespmem:$0x1F1F0] =	vst v21;
	v21 =	vadd.s32 $0x700, v6  }
0x77d: {  	v17 =	vadd.s32 $0xF00, v2;
	[tilespmem:$0x1F200] =	vst v21  }
0x77e: {  	v21 =	vadd.s32 $0x740, v6;
	[tilespmem:s17+$0x10030] =	vst v15  }
0x77f: {  	v15 =	vld.idx.msk [tilespmem:v22+s1+$0x0], $0xffff;
	[tilespmem:$0x1F210] =	vst v21;
	v21 =	vadd.s32 $0x780, v6  }
0x780: {  	[tilespmem:$0x1F220] =	vst v21;
	v21 =	vadd.s32 $0x7C0, v6  }
0x781: {  	[tilespmem:$0x1F230] =	vst v21  }
0x782: {  	v29 =	vadd.s32 $0x5C0, v0;
	[tilespmem:s19+$0x6C30] =	vst v16;
	v16 =	vld.idx.msk [tilespmem:v17+s1+$0x0], $0xffff;
	v17 =	vadd.s32 $0x800, v6  }
0x783: {  	[tilespmem:$0x1F240] =	vst v17;
	v17 =	vadd.s32 $0x840, v6  }
0x784: {  	[tilespmem:$0x1F250] =	vst v17;
	v17 =	vadd.s32 $0x880, v6  }
0x785: {  	[tilespmem:$0x1F260] =	vst v17  }
0x786: {  	v19 =	vadd.s32 $0x5C0, v6;
	v17 =	vadd.s32 $0x8C0, v6;
	[tilespmem:s19+$0x6C10] =	vst v5  }
0x787: {  	v5 =	vld.idx.msk [tilespmem:v29+s1+$0x0], $0xffff;
	[tilespmem:$0x1F270] =	vst v17;
	v17 =	vadd.s32 $0x900, v6  }
0x788: {  	[tilespmem:$0x1F280] =	vst v17;
	v17 =	vadd.s32 $0x940, v6  }
0x789: {  	v24 =	vadd.s32 $0x5C0, v28;
	[tilespmem:$0x1F290] =	vst v17  }
0x78a: {  	[tilespmem:s19+$0x6C20] =	vst v18;
	v18 =	vadd.s32 $0x980, v6  }
0x78b: {  	v17 =	vld.idx.msk [tilespmem:v19+s1+$0x0], $0xffff;
	[tilespmem:$0x1F2A0] =	vst v18;
	v18 =	vadd.s32 $0x9C0, v6  }
0x78c: {  	[tilespmem:$0x1F2B0] =	vst v18  }
0x78d: {  	v21 =	vadd.s32 $0xA00, v6;
	[tilespmem:s20+$0x9000] =	vst v27  }
0x78e: {  	v19 =	vld.idx.msk [tilespmem:v24+s1+$0x0], $0xffff;
	[tilespmem:$0x1F2C0] =	vst v21;
	v21 =	vadd.s32 $0xA40, v6  }
0x78f: {  	[tilespmem:$0x1F2D0] =	vst v21  }
0x790: {  	v21 =	vadd.s32 $0xA80, v6;
	[tilespmem:s18+$0xEC00] =	vst v12  }
0x791: {  	v12 =	vld.idx.msk [tilespmem:v31+s1+$0x0], $0xffff;
	[tilespmem:$0x1F2E0] =	vst v21;
	v21 =	vadd.s32 $0xAC0, v6  }
0x792: {  	[tilespmem:$0x1F2F0] =	vst v21;
	v21 =	vadd.s32 $0xB00, v6  }
0x793: {  	[tilespmem:$0x1F300] =	vst v21  }
0x794: {  	[tilespmem:s17+$0xF010] =	vst v15;
	v15 =	vadd.s32 $0xB40, v6  }
0x795: {  	v13 =	vld.idx.msk [tilespmem:v13+s1+$0x0], $0xffff;
	[tilespmem:$0x1F310] =	vst v15;
	v15 =	vadd.s32 $0xB80, v6  }
0x796: {  	[tilespmem:$0x1F320] =	vst v15;
	v15 =	vadd.s32 $0xBC0, v6  }
0x797: {  	v18 =	vadd.s32 $0xF40, v2;
	[tilespmem:$0x1F330] =	vst v15  }
0x798: {  	v22 =	vadd.s32 $0x600, v0;
	v15 =	vadd.s32 $0xC00, v6;
	[tilespmem:s17+$0x10430] =	vst v16  }
0x799: {  	v20 =	vadd.s32 $0x600, v6;
	v9 =	vld.idx.msk [tilespmem:v9+s1+$0x0], $0xffff;
	[tilespmem:$0x1F340] =	vst v15;
	v15 =	vadd.s32 $0xC40, v6  }
0x79a: {  	v26 =	vadd.s32 $0x600, v28;
	[tilespmem:$0x1F350] =	vst v15  }
0x79b: {  	[tilespmem:s19+$0x7030] =	vst v5  }
0x79c: {  	v5 =	vld.idx.msk [tilespmem:v18+s1+$0x0], $0xffff;
	[tilespmem:s19+$0x7010] =	vst v17  }
0x79d: {  	v52 =	vadd.s32 $0xE80, v6;
	[tilespmem:s19+$0x7020] =	vst v19;
	v15 =	vld.idx.msk [tilespmem:v22+s1+$0x0], $0xffff  }
0x79e: {  	v25 =	vadd.s32 $0x640, v6;
	v14 =	vadd.s32 $0x680, v6;
	[tilespmem:s20+$0x9400] =	vst v12;
	v18 =	vadd.s32 $0xF00, v6;
	v16 =	vld.idx.msk [tilespmem:v20+s1+$0x0], $0xffff  }
0x79f: {  	v23 =	vadd.s32 $0xD80, v6;
	v30 =	vadd.s32 $0xCC0, v6;
	v29 =	vadd.s32 $0xD00, v6;
	v12 =	vld.idx.msk [tilespmem:v26+s1+$0x0], $0xffff;
	[tilespmem:$0x1F360] =	vst v18  }
0x7a0: {  	v27 =	vadd.s32 $0xD40, v6;
	v24 =	vadd.s32 $0xEC0, v6;
	[tilespmem:s17+$0xF020] =	vst v13;
	v13 =	vadd.s32 $0xF40, v6  }
0x7a1: {  	v31 =	vadd.s32 $0xC80, v6;
	v21 =	vadd.s32 $0xE00, v6;
	[tilespmem:$0x1F370] =	vst v13;
	v13 =	vadd.s32 $0xF80, v6  }
0x7a2: {  	v19 =	vadd.s32 $0xE40, v6;
	v22 =	vadd.s32 $0xDC0, v6;
	v6 =	vadd.s32 $0xFC0, v6;
	[tilespmem:$0x1F380] =	vst v13  }
0x7a3: {  	v17 =	vadd.s32 $0xF80, v2;
	[tilespmem:$0x1F390] =	vst v6  }
0x7a4: {  	v3 =	vld.idx.msk [tilespmem:v3+s1+$0x0], $0xffff;
	[tilespmem:s18+$0xF000] =	vst v9  }
0x7a5: {  	[tilespmem:s17+$0x10830] =	vst v5;
	v5 =	vld.idx.msk [tilespmem:v11+s1+$0x0], $0xffff;
	v11 =	vadd.s32 $0x700, v28  }
0x7a6: {  	v6 =	vld.idx.msk [tilespmem:v10+s1+$0x0], $0xffff;
	[tilespmem:$0x1F3A0] =	vst v11  }
0x7a7: {  	v18 =	vadd.s32 $0x640, v0;
	v13 =	vadd.s32 $0x780, v28;
	[tilespmem:s19+$0x7430] =	vst v15  }
0x7a8: {  	v11 =	vld.idx.msk [tilespmem:v17+s1+$0x0], $0xffff;
	[tilespmem:$0x1F3B0] =	vst v13;
	v13 =	vadd.s32 $0x7C0, v28  }
0x7a9: {  	[tilespmem:$0x1F3C0] =	vst v13;
	v13 =	vadd.s32 $0x800, v28  }
0x7aa: {  	[tilespmem:$0x1F3D0] =	vst v13  }
0x7ab: {  	v15 =	vadd.s32 $0x840, v28;
	[tilespmem:s19+$0x7410] =	vst v16  }
0x7ac: {  	v13 =	vld.idx.msk [tilespmem:v18+s1+$0x0], $0xffff;
	[tilespmem:$0x1F3E0] =	vst v15;
	v15 =	vadd.s32 $0x880, v28  }
0x7ad: {  	[tilespmem:$0x1F3F0] =	vst v15;
	v15 =	vadd.s32 $0x8C0, v28  }
0x7ae: {  	v9 =	vadd.s32 $0x640, v28;
	[tilespmem:$0x1F400] =	vst v15  }
0x7af: {  	v15 =	vadd.s32 $0x900, v28;
	[tilespmem:s19+$0x7420] =	vst v12  }
0x7b0: {  	v12 =	vld.idx.msk [tilespmem:v25+s1+$0x0], $0xffff;
	[tilespmem:$0x1F410] =	vst v15;
	v15 =	vadd.s32 $0x940, v28  }
0x7b1: {  	[tilespmem:$0x1F420] =	vst v15;
	v15 =	vadd.s32 $0x980, v28  }
0x7b2: {  	[tilespmem:$0x1F430] =	vst v15  }
0x7b3: {  	[tilespmem:s20+$0x9800] =	vst v3;
	v3 =	vld.idx.msk [tilespmem:v9+s1+$0x0], $0xffff;
	v9 =	vadd.s32 $0x9C0, v28  }
0x7b4: {  	[tilespmem:$0x1F440] =	vst v9;
	v9 =	vadd.s32 $0xA00, v28  }
0x7b5: {  	[tilespmem:$0x1F450] =	vst v9  }
0x7b6: {  	[tilespmem:s17+$0xF410] =	vst v6;
	v6 =	vld.idx.msk [tilespmem:v1+s1+$0x0], $0xffff;
	v1 =	vadd.s32 $0xA40, v28  }
0x7b7: {  	[tilespmem:$0x1F460] =	vst v1;
	v1 =	vadd.s32 $0xA80, v28  }
0x7b8: {  	[tilespmem:$0x1F470] =	vst v1;
	v1 =	vadd.s32 $0xAC0, v28  }
0x7b9: {  	[tilespmem:$0x1F480] =	vst v1  }
0x7ba: {  	v1 =	vadd.s32 $0xB00, v28;
	[tilespmem:s17+$0xF420] =	vst v5  }
0x7bb: {  	v15 =	vld.idx.msk [tilespmem:v7+s1+$0x0], $0xffff;
	[tilespmem:$0x1F490] =	vst v1;
	v1 =	vadd.s32 $0xB40, v28  }
0x7bc: {  	[tilespmem:$0x1F4A0] =	vst v1;
	v1 =	vadd.s32 $0xB80, v28  }
0x7bd: {  	[tilespmem:$0x1F4B0] =	vst v1  }
0x7be: {  	v2 =	vadd.s32 $0xFC0, v2;
	[tilespmem:s17+$0x10C30] =	vst v11;
	v1 =	vld.idx.msk [tilespmem:v4+s1+$0x0], $0xffff;
	v4 =	vadd.s32 $0xBC0, v28  }
0x7bf: {  	v9 =	vadd.s32 $0x680, v0;
	[tilespmem:$0x1F4C0] =	vst v4;
	v4 =	vadd.s32 $0xC00, v28  }
0x7c0: {  	[tilespmem:$0x1F4D0] =	vst v4;
	v4 =	vadd.s32 $0xC40, v28  }
0x7c1: {  	v10 =	vadd.s32 $0x680, v28;
	[tilespmem:$0x1F4E0] =	vst v4  }
0x7c2: {  	[tilespmem:s19+$0x7830] =	vst v13  }
0x7c3: {  	v2 =	vld.idx.msk [tilespmem:v2+s1+$0x0], $0xffff;
	[tilespmem:s19+$0x7810] =	vst v12  }
0x7c4: {  	[tilespmem:s19+$0x7820] =	vst v3;
	v4 =	vld.idx.msk [tilespmem:v9+s1+$0x0], $0xffff  }
0x7c5: {  	v60 =	vadd.s32 $0x6C0, v28;
	[tilespmem:s20+$0x9C00] =	vst v6;
	v3 =	vadd.s32 $0xF00, v28;
	v5 =	vld.idx.msk [tilespmem:v14+s1+$0x0], $0xffff  }
0x7c6: {  	v62 =	vadd.s32 $0xEC0, v28;
	v63 =	vadd.s32 $0xE80, v28;
	v7 =	vld.idx.msk [tilespmem:v10+s1+$0x0], $0xffff;
	[tilespmem:$0x1F4F0] =	vst v3;
	v3 =	vadd.s32 $0xF40, v28  }
0x7c7: {  	v26 =	vadd.s32 $0x740, v28;
	v20 =	vadd.s32 $0xE40, v28;
	v17 =	vadd.s32 $0xD00, v28;
	[tilespmem:$0x1F500] =	vst v3  }
0x7c8: {  	v18 =	vadd.s32 $0xCC0, v28;
	v16 =	vadd.s32 $0xD40, v28;
	v3 =	vadd.s32 $0xF80, v28;
	[tilespmem:s18+$0xF400] =	vst v15  }
0x7c9: {  	v25 =	vadd.s32 $0xC80, v28;
	v11 =	vadd.s32 $0xE00, v28;
	v13 =	vadd.s32 $0xD80, v28;
	[tilespmem:$0x1F510] =	vst v3  }
0x7ca: {  	s22 =	simm.s32 $0x4;
	s23 =	simm.s32 $0x200;
	v12 =	vadd.s32 $0xDC0, v28;
	v28 =	vadd.s32 $0xFC0, v28;
	v3 =	vld.idx.msk [tilespmem:v8+s1+$0x0], $0xffff;
	v8 =	vadd.s32 $0x6C0, v0  }
.LBB2_4:
0x7cb: {  	[tilespmem:$0x1ED80] =	vst v29  }
0x7cc: {  	[tilespmem:$0x1EDE0] =	vst v27  }
0x7cd: {  	[tilespmem:$0x1ED90] =	vst v17  }
0x7ce: {  	[tilespmem:$0x1EE30] =	vst v16  }
0x7cf: {  	[tilespmem:$0x1EE80] =	vst v23  }
0x7d0: {  	[tilespmem:$0x1EEF0] =	vst v22  }
0x7d1: {  	[tilespmem:$0x1EE90] =	vst v13  }
0x7d2: {  	[tilespmem:$0x1F060] =	vst v19  }
0x7d3: {  	[tilespmem:$0x1EF50] =	vst v12  }
0x7d4: {  	[tilespmem:s17+$0xF810] =	vst v1;
	v1 =	vmov v20  }
0x7d5: {  	[tilespmem:$0x1EA50] =	vst v1  }
0x7d6: {  	v17 =	vmov v52;
	[tilespmem:s19+$0x7C10] =	vst v5  }
0x7d7: {  	v14 =	vmov v63;
	[tilespmem:$0x1EF10] =	vst v17  }
0x7d8: {  	s24 =	sshra.s32 s23, $0x2;
	v27 =	vmov v62;
	[tilespmem:$0x1EA40] =	vst v14  }
0x7d9: {  	v6 =	vld [tilespmem:s24+$0x1000];
	[tilespmem:$0x1EAD0] =	vst v27  }
0x7da: {  	v5 =	vld [tilespmem:$0x1F0B0];
	[tilespmem:s17+$0x11030] =	vst v2  }
0x7db: {  	v9 =	vld.idx.msk [tilespmem:v55+s1+$0x0], $0xffff;
	[tilespmem:s19+$0x7C20] =	vst v7  }
0x7dc: {  	v10 =	vld.idx.msk [tilespmem:v47+s1+$0x0], $0xffff;
	[tilespmem:s20+$0xA000] =	vst v3  }
0x7dd: {  	v20 =	vmov v59;
	[tilespmem:s19+$0x7C30] =	vst v4  }
0x7de: {  	v1 =	vld [tilespmem:$0x1F1E0];
	[tilespmem:$0x1EB90] =	vst v20;
	v16 =	vadd.s32 $0x3C0, v6  }
0x7df: {  	v15 =	vadd.s32 $0x400, v6;
	[tilespmem:$0x1EA60] =	vst v16  }
0x7e0: {  	[tilespmem:$0x1EAB0] =	vst v15;
	v15 =	vadd.s32 $0x440, v6  }
0x7e1: {  	v3 =	vld.idx.msk [tilespmem:v60+s1+$0x0], $0xffff;
	v16 =	vadd.s32 $0x8C0, v6;
	[tilespmem:$0x1EB00] =	vst v15  }
0x7e2: {  	v8 =	vld.idx.msk [tilespmem:v8+s1+$0x0], $0xffff;
	[tilespmem:$0x1F0A0] =	vst v16  }
0x7e3: {  	v2 =	vmov v1;
	v1 =	vld [tilespmem:$0x1F1F0];
	[tilespmem:s17+$0xF820] =	vst v9  }
0x7e4: {  	v15 =	vadd.s32 $0x480, v6;
	v13 =	vld.idx.msk [tilespmem:v5+s1+$0x0], $0xffff;
	[tilespmem:s18+$0xF800] =	vst v10  }
0x7e5: {  	[tilespmem:$0x1EB20] =	vst v15;
	v15 =	vadd.s32 $0x4C0, v6  }
0x7e6: {  	[tilespmem:$0x1EB60] =	vst v15  }
0x7e7: {  	v10 =	vld.idx.msk [tilespmem:v54+s1+$0x0], $0xffff;
	[tilespmem:s19+$0x8020] =	vst v3  }
0x7e8: {  	v3 =	vadd.s32 $0x640, v6;
	[tilespmem:s19+$0x8030] =	vst v8  }
0x7e9: {  	v15 =	vadd.s32 $0x6C0, v6;
	[tilespmem:$0x1ECC0] =	vst v3  }
0x7ea: {  	v8 =	vadd.s32 $0x500, v6;
	[tilespmem:$0x1ED70] =	vst v15  }
0x7eb: {  	v7 =	vadd.s32 $0x700, v0;
	v3 =	vadd.s32 $0x680, v6;
	[tilespmem:$0x1EB80] =	vst v8;
	v12 =	vld.idx.msk [tilespmem:v1+s1+$0x0], $0xffff  }
0x7ec: {  	v15 =	vadd.s32 $0x700, v6;
	[tilespmem:$0x1ED20] =	vst v3  }
0x7ed: {  	v8 =	vadd.s32 $0x540, v6;
	[tilespmem:$0x1EDC0] =	vst v15  }
0x7ee: {  	v3 =	vld [tilespmem:$0x1F3A0];
	v15 =	vadd.s32 $0x740, v6;
	[tilespmem:$0x1EBB0] =	vst v8  }
0x7ef: {  	v9 =	vld.idx.msk [tilespmem:v51+s1+$0x0], $0xffff;
	[tilespmem:$0x1EE20] =	vst v15  }
0x7f0: {  	v7 =	vld.idx.msk [tilespmem:v7+s1+$0x0], $0xffff;
	[tilespmem:s19+$0x8010] =	vst v12;
	v12 =	vadd.s32 $0x5C0, v6  }
0x7f1: {  	[tilespmem:$0x1EC10] =	vst v12;
	v12 =	vadd.s32 $0x600, v6  }
0x7f2: {  	v8 =	vadd.s32 $0x580, v6;
	[tilespmem:$0x1EC50] =	vst v12;
	v12 =	vld [tilespmem:$0x1F200]  }
0x7f3: {  	v15 =	vld [tilespmem:$0x1F0C0];
	[tilespmem:$0x1EBE0] =	vst v8  }
0x7f4: {  	v14 =	vld.idx.msk [tilespmem:v6+s1+$0x0], $0xffff;
	[tilespmem:s20+$0xA400] =	vst v13  }
0x7f5: {  	[tilespmem:s19+$0x8430] =	vst v7  }
0x7f6: {  	v3 =	vld.idx.msk [tilespmem:v3+s1+$0x0], $0xffff;
	[tilespmem:s17+$0xFC20] =	vst v10;
	v10 =	vmov v24;
	v24 =	vadd.s32 $0xB80, v6  }
0x7f7: {  	[tilespmem:$0x1EB70] =	vst v24;
	v24 =	vadd.s32 $0xBC0, v6  }
0x7f8: {  	v7 =	vld [tilespmem:$0x1F210];
	[tilespmem:$0x1EBA0] =	vst v24;
	v24 =	vadd.s32 $0xC00, v6  }
0x7f9: {  	[tilespmem:$0x1EBF0] =	vst v24;
	v24 =	vld [tilespmem:$0x1F0D0]  }
0x7fa: {  	v8 =	vadd.s32 $0x40, v6;
	v12 =	vld.idx.msk [tilespmem:v12+s1+$0x0], $0xffff;
	[tilespmem:s17+$0xFC10] =	vst v9;
	v9 =	vadd.s32 $0x780, v6  }
0x7fb: {  	v15 =	vld.idx.msk [tilespmem:v15+s1+$0x0], $0xffff;
	[tilespmem:$0x1EE70] =	vst v9;
	v9 =	vadd.s32 $0x7C0, v6  }
0x7fc: {  	v27 =	vld [tilespmem:$0x1F0E0];
	v13 =	vadd.s32 $0x740, v0;
	[tilespmem:$0x1EED0] =	vst v9;
	v9 =	vadd.s32 $0x800, v6  }
0x7fd: {  	[tilespmem:$0x1EF40] =	vst v9;
	v9 =	vld.idx.msk [tilespmem:v43+s1+$0x0], $0xffff  }
0x7fe: {  	[tilespmem:s24+$0x1400] =	vst v14;
	v14 =	vld.idx.msk [tilespmem:v49+s1+$0x0], $0xffff  }
0x7ff: {  	[tilespmem:s19+$0x8420] =	vst v3;
	v16 =	vld.idx.msk [tilespmem:v8+s1+$0x0], $0xffff  }
0x800: {  	[tilespmem:s20+$0xA800] =	vst v15;
	v15 =	vld.idx.msk [tilespmem:v26+s1+$0x0], $0xffff  }
0x801: {  	[tilespmem:s19+$0x8410] =	vst v12;
	v12 =	vld.idx.msk [tilespmem:v13+s1+$0x0], $0xffff  }
0x802: {  	s21 =	sadd.s32 $0x40, s21;
	v24 =	vld.idx.msk [tilespmem:v24+s1+$0x0], $0xffff;
	[tilespmem:s18+$0xFC00] =	vst v9  }
0x803: {  	s25 =	sand.u32 $0x3C0, s21;
	v13 =	vadd.s32 $0x80, v6;
	v22 =	vld.idx.msk [tilespmem:v7+s1+$0x0], $0xffff;
	[tilespmem:s17+$0x10010] =	vst v14  }
0x804: {  	v9 =	vmov v57;
	[tilespmem:s25+$0x1800] =	vst v16  }
0x805: {  	[tilespmem:$0x1EC00] =	vst v9  }
0x806: {  	v14 =	vld.idx.msk [tilespmem:v48+s1+$0x0], $0xffff;
	v9 =	vadd.s32 $0xDC0, v6;
	[tilespmem:s19+$0x8820] =	vst v15  }
0x807: {  	v16 =	vld.idx.msk [tilespmem:v40+s1+$0x0], $0xffff;
	[tilespmem:$0x1EF80] =	vst v9  }
0x808: {  	v13 =	vld.idx.msk [tilespmem:v13+s1+$0x0], $0xffff;
	v9 =	vadd.s32 $0xE00, v6;
	[tilespmem:s20+$0xAC00] =	vst v24  }
0x809: {  	v15 =	vld [tilespmem:$0x1F3B0];
	[tilespmem:$0x1F050] =	vst v9;
	v9 =	vadd.s32 $0xE40, v6  }
0x80a: {  	[tilespmem:$0x1F1E0] =	vst v9;
	v9 =	vadd.s32 $0xE80, v6  }
0x80b: {  	v27 =	vld.idx.msk [tilespmem:v27+s1+$0x0], $0xffff;
	[tilespmem:$0x1F010] =	vst v9;
	v9 =	vadd.s32 $0xEC0, v6  }
0x80c: {  	[tilespmem:$0x1EAE0] =	vst v9;
	v9 =	vld [tilespmem:$0x1F220]  }
0x80d: {  	v17 =	vadd.s32 $0x880, v6;
	[tilespmem:s18+$0x10000] =	vst v16;
	v16 =	vld [tilespmem:$0x1F360]  }
0x80e: {  	v19 =	vadd.s32 $0x840, v6;
	[tilespmem:$0x1F030] =	vst v17;
	v17 =	vadd.s32 $0x980, v6  }
0x80f: {  	[tilespmem:$0x1EFB0] =	vst v19;
	v29 =	vmov v17  }
0x810: {  	[tilespmem:$0x1F0D0] =	vst v29;
	v26 =	vadd.s32 $0xC40, v6  }
0x811: {  	[tilespmem:$0x1EC20] =	vst v26;
	v15 =	vld.idx.msk [tilespmem:v15+s1+$0x0], $0xffff  }
0x812: {  	[tilespmem:s19+$0x8810] =	vst v22;
	v22 =	vadd.s32 $0xC0, v6;
	v29 =	vmov v16;
	v16 =	vld [tilespmem:$0x1F4F0]  }
0x813: {  	[tilespmem:s17+$0x10020] =	vst v14  }
0x814: {  	v19 =	vadd.s32 $0x9C0, v6;
	v26 =	vadd.s32 $0xD00, v6;
	[tilespmem:s25+$0x1C00] =	vst v13;
	v13 =	vld.idx.msk [tilespmem:v46+s1+$0x0], $0xffff  }
0x815: {  	[tilespmem:$0x1EDD0] =	vst v26;
	v26 =	vld.idx.msk [tilespmem:v9+s1+$0x0], $0xffff  }
0x816: {  	v17 =	vadd.s32 $0xCC0, v6;
	[tilespmem:s19+$0x8C20] =	vst v15;
	v15 =	vld [tilespmem:$0x1F3C0]  }
0x817: {  	[tilespmem:$0x1ED40] =	vst v17;
	v17 =	vadd.s32 $0xD80, v6;
	v14 =	vmov v19;
	v19 =	vmov v16;
	v16 =	vld.idx.msk [tilespmem:v22+s1+$0x0], $0xffff  }
0x818: {  	v23 =	vadd.s32 $0x780, v0;
	[tilespmem:$0x1EEE0] =	vst v17;
	v22 =	vld [tilespmem:$0x1F230]  }
0x819: {  	[tilespmem:$0x1F0E0] =	vst v14;
	v14 =	vld.idx.msk [tilespmem:v45+s1+$0x0], $0xffff  }
0x81a: {  	[tilespmem:s19+$0x8C10] =	vst v26;
	v26 =	vld [tilespmem:$0x1F0F0]  }
0x81b: {  	[tilespmem:s19+$0x8830] =	vst v12  }
0x81c: {  	[tilespmem:s20+$0xB000] =	vst v27  }
0x81d: {  	v12 =	vadd.s32 $0xF00, v6;
	v17 =	vld.idx.msk [tilespmem:v23+s1+$0x0], $0xffff;
	[tilespmem:$0x1EB10] =	vst v19  }
0x81e: {  	v15 =	vld.idx.msk [tilespmem:v15+s1+$0x0], $0xffff;
	[tilespmem:s17+$0x10420] =	vst v13;
	v13 =	vmov v12  }
0x81f: {  	v20 =	vadd.s32 $0xA00, v6;
	v19 =	vadd.s32 $0x100, v6;
	[tilespmem:$0x1EA70] =	vst v13;
	v13 =	vld [tilespmem:$0x1F370]  }
0x820: {  	v22 =	vld.idx.msk [tilespmem:v22+s1+$0x0], $0xffff;
	[tilespmem:s17+$0x10410] =	vst v14;
	v14 =	vmov v20  }
0x821: {  	[tilespmem:$0x1F0F0] =	vst v14;
	v14 =	vld.idx.msk [tilespmem:v37+s1+$0x0], $0xffff  }
0x822: {  	v26 =	vld.idx.msk [tilespmem:v26+s1+$0x0], $0xffff;
	[tilespmem:s25+$0x2000] =	vst v16  }
0x823: {  	[tilespmem:s19+$0x9020] =	vst v15;
	v15 =	vld [tilespmem:$0x1F3D0]  }
0x824: {  	v16 =	vmov v13;
	v13 =	vld.idx.msk [tilespmem:v19+s1+$0x0], $0xffff  }
0x825: {  	v19 =	vld [tilespmem:$0x1F240]  }
0x826: {  	v24 =	vadd.s32 $0x7C0, v0;
	v12 =	vld.idx.msk [tilespmem:v44+s1+$0x0], $0xffff  }
0x827: {  	[tilespmem:s19+$0x9010] =	vst v22;
	v22 =	vld [tilespmem:$0x1F100];
	_ =	sdelay $0x2  }
0x828: {  	[tilespmem:s19+$0x8C30] =	vst v17  }
0x829: {  	v17 =	vld.idx.msk [tilespmem:v24+s1+$0x0], $0xffff  }
0x82a: {  	[tilespmem:$0x1EFC0] =	vst v21;
	v15 =	vld.idx.msk [tilespmem:v15+s1+$0x0], $0xffff  }
0x82b: {  	[tilespmem:s20+$0xB400] =	vst v26;
	v19 =	vld.idx.msk [tilespmem:v19+s1+$0x0], $0xffff  }
0x82c: {  	v21 =	vadd.s32 $0xA40, v6;
	[tilespmem:s17+$0x10810] =	vst v12;
	v12 =	vld.idx.msk [tilespmem:v42+s1+$0x0], $0xffff  }
0x82d: {  	v22 =	vld.idx.msk [tilespmem:v22+s1+$0x0], $0xffff;
	[tilespmem:s18+$0x10400] =	vst v14;
	v14 =	vmov v21  }
0x82e: {  	[tilespmem:$0x1F100] =	vst v14;
	v14 =	vld [tilespmem:$0x1F500]  }
0x82f: {  	v24 =	vadd.s32 $0x800, v0;
	[tilespmem:s19+$0x9420] =	vst v15;
	v15 =	vld [tilespmem:$0x1F3E0];
	_ =	sdelay $0x1  }
0x830: {  	[tilespmem:$0x1EA90] =	vst v10  }
0x831: {  	[tilespmem:s19+$0x9030] =	vst v17  }
0x832: {  	[tilespmem:$0x1EB50] =	vst v16  }
0x833: {  	v16 =	vld.idx.msk [tilespmem:v24+s1+$0x0], $0xffff;
	[tilespmem:s25+$0x2400] =	vst v13;
	v21 =	vmov v14  }
0x834: {  	v20 =	vmov v56;
	[tilespmem:$0x1EBC0] =	vst v21;
	v21 =	vld [tilespmem:$0x1F110]  }
0x835: {  	v10 =	vadd.s32 $0xA80, v6;
	[tilespmem:$0x1EAF0] =	vst v20;
	v20 =	vadd.s32 $0x840, v0;
	v13 =	vld.idx.msk [tilespmem:v35+s1+$0x0], $0xffff  }
0x836: {  	v17 =	vadd.s32 $0x140, v6;
	v15 =	vld.idx.msk [tilespmem:v15+s1+$0x0], $0xffff;
	[tilespmem:s17+$0x10820] =	vst v12;
	v12 =	vmov v10  }
0x837: {  	[tilespmem:$0x1F110] =	vst v12;
	v12 =	vld [tilespmem:$0x1F380]  }
0x838: {  	[tilespmem:s19+$0x9410] =	vst v19;
	v19 =	vld [tilespmem:$0x1F250]  }
0x839: {  	[tilespmem:s19+$0x9430] =	vst v16;
	v14 =	vmov v53  }
0x83a: {  	v16 =	vld.idx.msk [tilespmem:v20+s1+$0x0], $0xffff;
	[tilespmem:$0x1EC90] =	vst v14  }
0x83b: {  	v14 =	vld.idx.msk [tilespmem:v17+s1+$0x0], $0xffff;
	[tilespmem:s20+$0xB800] =	vst v22  }
0x83c: {  	v21 =	vld.idx.msk [tilespmem:v21+s1+$0x0], $0xffff;
	[tilespmem:s18+$0x10800] =	vst v13;
	v13 =	vmov v12  }
0x83d: {  	[tilespmem:$0x1EAA0] =	vst v13;
	v13 =	vld [tilespmem:$0x1F510]  }
0x83e: {  	v20 =	vadd.s32 $0x880, v0;
	_ =	sdelay $0x1  }
0x83f: {  	[tilespmem:s19+$0x9830] =	vst v16;
	v19 =	vld.idx.msk [tilespmem:v19+s1+$0x0], $0xffff  }
0x840: {  	[tilespmem:s25+$0x2800] =	vst v14;
	v12 =	vld.idx.msk [tilespmem:v41+s1+$0x0], $0xffff  }
0x841: {  	[tilespmem:s19+$0x9820] =	vst v15;
	v15 =	vld [tilespmem:$0x1F3F0];
	v14 =	vmov v13  }
0x842: {  	[tilespmem:$0x1EAC0] =	vst v14;
	v14 =	vld.idx.msk [tilespmem:v20+s1+$0x0], $0xffff  }
0x843: {  	v17 =	vadd.s32 $0x180, v6  }
0x844: {  	v10 =	vld.idx.msk [tilespmem:v39+s1+$0x0], $0xffff  }
0x845: {  	[tilespmem:s19+$0x9810] =	vst v19;
	v19 =	vld [tilespmem:$0x1F120];
	_ =	sdelay $0x1  }
0x846: {  	v8 =	vadd.s32 $0x900, v6;
	[tilespmem:s19+$0x9C30] =	vst v14;
	v14 =	vld [tilespmem:$0x1F400]  }
0x847: {  	[tilespmem:$0x1F0B0] =	vst v8;
	v8 =	vadd.s32 $0x940, v6;
	v13 =	vld.idx.msk [tilespmem:v17+s1+$0x0], $0xffff  }
0x848: {  	[tilespmem:$0x1F0C0] =	vst v8;
	v15 =	vld.idx.msk [tilespmem:v15+s1+$0x0], $0xffff  }
0x849: {  	v16 =	vld [tilespmem:$0x1F260];
	[tilespmem:s20+$0xBC00] =	vst v21  }
0x84a: {  	v8 =	vadd.s32 $0xAC0, v6;
	v17 =	vadd.s32 $0x8C0, v0;
	[tilespmem:s17+$0x10C20] =	vst v12;
	v12 =	vld [tilespmem:$0x1F390]  }
0x84b: {  	v20 =	vmov v8;
	v8 =	vld.idx.msk [tilespmem:v34+s1+$0x0], $0xffff  }
0x84c: {  	v19 =	vld.idx.msk [tilespmem:v19+s1+$0x0], $0xffff;
	[tilespmem:s25+$0x2C00] =	vst v13  }
0x84d: {  	v13 =	vld [tilespmem:$0x1F270];
	[tilespmem:s19+$0x9C20] =	vst v15  }
0x84e: {  	v14 =	vld.idx.msk [tilespmem:v14+s1+$0x0], $0xffff  }
0x84f: {  	[tilespmem:$0x1F040] =	vst v58;
	v3 =	vadd.s32 $0xB00, v6;
	v58 =	vmov v12;
	v12 =	vld.idx.msk [tilespmem:v17+s1+$0x0], $0xffff  }
0x850: {  	[tilespmem:$0x1EC80] =	vst v25;
	v17 =	vmov v3;
	v3 =	vld.idx.msk [tilespmem:v36+s1+$0x0], $0xffff  }
0x851: {  	[tilespmem:$0x1ED30] =	vst v18;
	v16 =	vld.idx.msk [tilespmem:v16+s1+$0x0], $0xffff  }
0x852: {  	[tilespmem:s17+$0x10C10] =	vst v10  }
0x853: {  	v10 =	vmov v50;
	[tilespmem:s19+$0xA020] =	vst v14  }
0x854: {  	[tilespmem:$0x1EB30] =	vst v10;
	v14 =	vld [tilespmem:s24+$0x1020]  }
0x855: {  	[tilespmem:s17+$0x11020] =	vst v3;
	v3 =	vld [tilespmem:$0x1F280]  }
0x856: {  	v10 =	vld.idx.msk [tilespmem:v38+s1+$0x0], $0xffff;
	[tilespmem:s19+$0x9C10] =	vst v16  }
0x857: {  	[tilespmem:$0x1EFE0] =	vst v11;
	v13 =	vld.idx.msk [tilespmem:v13+s1+$0x0], $0xffff  }
0x858: {  	v25 =	vadd.s32 $0xC80, v6;
	[tilespmem:$0x1EA80] =	vst v2  }
0x859: {  	[tilespmem:$0x1ECD0] =	vst v25;
	v25 =	vadd.s32 $0xD40, v6  }
0x85a: {  	v4 =	vadd.s32 $0x200, v6;
	v18 =	vadd.s32 $0x300, v6;
	v11 =	vadd.s32 $0x340, v6;
	[tilespmem:$0x1EE40] =	vst v25  }
0x85b: {  	v55 =	vadd.s32 $0x380, v6;
	v2 =	vadd.s32 $0x240, v6;
	v25 =	vadd.s32 $0xF80, v6;
	[tilespmem:s17+$0x11010] =	vst v10  }
0x85c: {  	v5 =	vadd.s32 $0x2C0, v6;
	v1 =	vadd.s32 $0x280, v6;
	v7 =	vadd.s32 $0xB40, v6;
	v16 =	vld [tilespmem:$0x1F130];
	v10 =	vmovc v28;
	[tilespmem:s19+$0xA010] =	vst v13  }
0x85d: {  	v23 =	vadd.s32 $0xF40, v6;
	v9 =	vadd.s32 $0xFC0, v6;
	v6 =	vadd.s32 $0x1C0, v6;
	[tilespmem:$0x1EC70] =	vst v10;
	v10 =	vld.idx.msk [tilespmem:v3+s1+$0x0], $0xffff  }
0x85e: {  	v3 =	vld [tilespmem:$0x1F410];
	_ =	sdelay $0x3  }
0x85f: {  	v6 =	vld.idx.msk [tilespmem:v6+s1+$0x0], $0xffff  }
0x860: {  	[tilespmem:s20+$0xC000] =	vst v19  }
0x861: {  	v15 =	vadd.s32 $0x900, v0;
	v16 =	vld.idx.msk [tilespmem:v16+s1+$0x0], $0xffff  }
0x862: {  	v59 =	vld [tilespmem:s24+$0x1030];
	[tilespmem:s18+$0x10C00] =	vst v8  }
0x863: {  	[tilespmem:s19+$0xA030] =	vst v12;
	v12 =	vld.idx.msk [tilespmem:v3+s1+$0x0], $0xffff  }
0x864: {  	v8 =	vmov v9;
	[tilespmem:s25+$0x3000] =	vst v6;
	v3 =	vld [tilespmem:$0x1F140]  }
0x865: {  	[tilespmem:$0x1ECF0] =	vst v8;
	v6 =	vld.idx.msk [tilespmem:v33+s1+$0x0], $0xffff  }
0x866: {  	v8 =	vld.idx.msk [tilespmem:v15+s1+$0x0], $0xffff;
	[tilespmem:s20+$0xC400] =	vst v16  }
0x867: {  	v4 =	vld.idx.msk [tilespmem:v4+s1+$0x0], $0xffff  }
0x868: {  	v15 =	vld [tilespmem:s24+$0x1010];
	_ =	sdelay $0x2  }
0x869: {  	[tilespmem:s18+$0x11000] =	vst v6;
	s18 =	smov.u32 s20;
	s20 =	smov.u32 s25  }
0x86a: {  	v27 =	vmov v23;
	v23 =	vld.idx.msk [tilespmem:v3+s1+$0x0], $0xffff;
	[tilespmem:s20+$0x3400] =	vst v4  }
0x86b: {  	v2 =	vld.idx.msk [tilespmem:v2+s1+$0x0], $0xffff;
	_ =	sdelay $0x1  }
0x86c: {  	s17 =	smov.u32 s19  }
0x86d: {  	v4 =	vld.idx.msk [tilespmem:v15+s1+$0x0], $0xffff;
	[tilespmem:s17+$0xA410] =	vst v10  }
0x86e: {  	[tilespmem:s18+$0xC800] =	vst v23  }
0x86f: {  	[tilespmem:s20+$0x3800] =	vst v2;
	v2 =	vadd.s32 $0x400, v15  }
0x870: {  	[tilespmem:$0x1ECA0] =	vst v2;
	v2 =	vadd.s32 $0x400, v14  }
0x871: {  	v10 =	vld [tilespmem:$0x1F290];
	[tilespmem:$0x1ECB0] =	vst v2;
	v2 =	vadd.s32 $0x440, v15  }
0x872: {  	[tilespmem:$0x1ED00] =	vst v2;
	v2 =	vadd.s32 $0x480, v15  }
0x873: {  	[tilespmem:$0x1ED50] =	vst v2;
	v2 =	vadd.s32 $0x440, v14  }
0x874: {  	[tilespmem:$0x1ED10] =	vst v2;
	v2 =	vadd.s32 $0x4C0, v15  }
0x875: {  	[tilespmem:$0x1EDA0] =	vst v2;
	v2 =	vadd.s32 $0x480, v14  }
0x876: {  	[tilespmem:$0x1ED60] =	vst v2;
	v2 =	vadd.s32 $0x4C0, v14  }
0x877: {  	[tilespmem:$0x1EDB0] =	vst v2;
	v2 =	vld [tilespmem:$0x1F2A0]  }
0x878: {  	[tilespmem:$0x1EC60] =	vst v31  }
0x879: {  	[tilespmem:$0x1EF70] =	vst v61;
	v21 =	vadd.s32 $0x40, v15;
	v54 =	vld.idx.msk [tilespmem:v10+s1+$0x0], $0xffff  }
0x87a: {  	[tilespmem:$0x1ECE0] =	vst v30  }
0x87b: {  	[tilespmem:$0x1EB40] =	vst v29  }
0x87c: {  	[tilespmem:$0x1F120] =	vst v20;
	v9 =	vadd.s32 $0x940, v0;
	s19 =	smov.u32 s24;
	v10 =	vld [tilespmem:$0x1F420]  }
0x87d: {  	[tilespmem:s19+$0x1410] =	vst v4  }
0x87e: {  	v61 =	vld.idx.msk [tilespmem:v21+s1+$0x0], $0xffff;
	[tilespmem:s17+$0xA810] =	vst v54  }
0x87f: {  	[tilespmem:s17+$0xA430] =	vst v8;
	v36 =	vld.idx.msk [tilespmem:v2+s1+$0x0], $0xffff;
	v2 =	vadd.s32 $0x500, v15  }
0x880: {  	v8 =	vld.idx.msk [tilespmem:v59+s1+$0x0], $0xffff;
	[tilespmem:$0x1EE00] =	vst v2;
	v2 =	vadd.s32 $0x540, v15  }
0x881: {  	v3 =	vmov v7;
	v7 =	vld.idx.msk [tilespmem:v9+s1+$0x0], $0xffff;
	[tilespmem:$0x1EE50] =	vst v2;
	v2 =	vadd.s32 $0x500, v14  }
0x882: {  	[tilespmem:$0x1EE10] =	vst v2;
	v2 =	vld [tilespmem:$0x1F430]  }
0x883: {  	v52 =	vld.idx.msk [tilespmem:v14+s1+$0x0], $0xffff;
	[tilespmem:s17+$0xA420] =	vst v12  }
0x884: {  	[tilespmem:$0x1F130] =	vst v17;
	v26 =	vadd.s32 $0x40, v14;
	v56 =	vld.idx.msk [tilespmem:v10+s1+$0x0], $0xffff  }
0x885: {  	[tilespmem:$0x1F140] =	vst v3  }
0x886: {  	[tilespmem:s17+$0xA830] =	vst v7  }
0x887: {  	[tilespmem:s19+$0x1430] =	vst v8  }
0x888: {  	[tilespmem:s19+$0x1420] =	vst v52  }
0x889: {  	v21 =	vadd.s32 $0x3C0, v15;
	v26 =	vld.idx.msk [tilespmem:v26+s1+$0x0], $0xffff;
	[tilespmem:s17+$0xA820] =	vst v56  }
0x88a: {  	[tilespmem:$0x1EC30] =	vst v21;
	v40 =	vld.idx.msk [tilespmem:v2+s1+$0x0], $0xffff;
	v2 =	vadd.s32 $0x580, v15  }
0x88b: {  	[tilespmem:$0x1EEB0] =	vst v2;
	v2 =	vadd.s32 $0x540, v14  }
0x88c: {  	[tilespmem:$0x1EE60] =	vst v2;
	v2 =	vadd.s32 $0x580, v14  }
0x88d: {  	[tilespmem:$0x1EEC0] =	vst v2;
	v2 =	vadd.s32 $0x5C0, v15  }
0x88e: {  	[tilespmem:$0x1EF20] =	vst v2;
	v2 =	vadd.s32 $0x600, v15  }
0x88f: {  	[tilespmem:$0x1EF90] =	vst v2;
	v2 =	vadd.s32 $0x5C0, v14  }
0x890: {  	v9 =	vadd.s32 $0x980, v0;
	[tilespmem:$0x1EF30] =	vst v2;
	v2 =	vadd.s32 $0x640, v15  }
0x891: {  	[tilespmem:$0x1F000] =	vst v2;
	v2 =	vadd.s32 $0x600, v14  }
0x892: {  	v53 =	vadd.s32 $0x40, v59;
	[tilespmem:$0x1EFA0] =	vst v2;
	v2 =	vadd.s32 $0x640, v14  }
0x893: {  	[tilespmem:$0x1F020] =	vst v2;
	v2 =	vadd.s32 $0x6C0, v15  }
0x894: {  	[tilespmem:$0x1F1F0] =	vst v2;
	v2 =	vadd.s32 $0x680, v14  }
0x895: {  	v60 =	vld.idx.msk [tilespmem:v9+s1+$0x0], $0xffff;
	[tilespmem:$0x1F090] =	vst v2;
	v2 =	vadd.s32 $0x700, v15  }
0x896: {  	v1 =	vld.idx.msk [tilespmem:v1+s1+$0x0], $0xffff;
	[tilespmem:$0x1F200] =	vst v2;
	v2 =	vadd.s32 $0x740, v15  }
0x897: {  	v35 =	vld.idx.msk [tilespmem:v53+s1+$0x0], $0xffff;
	[tilespmem:$0x1F210] =	vst v2;
	v2 =	vadd.s32 $0x700, v14  }
0x898: {  	v21 =	vadd.s32 $0x3C0, v14;
	[tilespmem:$0x1F3A0] =	vst v2;
	v2 =	vld [tilespmem:$0x1F2B0]  }
0x899: {  	[tilespmem:$0x1EC40] =	vst v21  }
0x89a: {  	v24 =	vadd.s32 $0x80, v15;
	[tilespmem:s17+$0xAC30] =	vst v60  }
0x89b: {  	[tilespmem:s20+$0x3C00] =	vst v1  }
0x89c: {  	v62 =	vadd.s32 $0x9C0, v0;
	v1 =	vadd.s32 $0x680, v15;
	[tilespmem:s19+$0x1830] =	vst v35  }
0x89d: {  	v63 =	vadd.s32 $0x80, v59;
	[tilespmem:$0x1F080] =	vst v1  }
0x89e: {  	v5 =	vld.idx.msk [tilespmem:v5+s1+$0x0], $0xffff;
	[tilespmem:s19+$0x1810] =	vst v61  }
0x89f: {  	v10 =	vadd.s32 $0x340, v15;
	v24 =	vld.idx.msk [tilespmem:v24+s1+$0x0], $0xffff;
	[tilespmem:s17+$0xAC10] =	vst v36  }
0x8a0: {  	[tilespmem:$0x1EBD0] =	vst v10;
	v36 =	vld.idx.msk [tilespmem:v2+s1+$0x0], $0xffff;
	v2 =	vadd.s32 $0x780, v15  }
0x8a1: {  	v57 =	vmovc v25;
	v25 =	vmov v32;
	v28 =	vadd.s32 $0x80, v14;
	v32 =	vld.idx.msk [tilespmem:v62+s1+$0x0], $0xffff;
	[tilespmem:$0x1F220] =	vst v2;
	v2 =	vadd.s32 $0x740, v14  }
0x8a2: {  	v35 =	vld.idx.msk [tilespmem:v63+s1+$0x0], $0xffff;
	[tilespmem:$0x1EDF0] =	vst v2;
	v2 =	vadd.s32 $0x780, v14  }
0x8a3: {  	[tilespmem:$0x1F3B0] =	vst v2;
	v2 =	vld [tilespmem:$0x1F440]  }
0x8a4: {  	[tilespmem:s20+$0x4000] =	vst v5  }
0x8a5: {  	v22 =	vadd.s32 $0xC0, v15;
	[tilespmem:s19+$0x1820] =	vst v26  }
0x8a6: {  	[tilespmem:s17+$0xB030] =	vst v32;
	v1 =	vld.idx.msk [tilespmem:v28+s1+$0x0], $0xffff  }
0x8a7: {  	[tilespmem:s19+$0x1C30] =	vst v35  }
0x8a8: {  	[tilespmem:s17+$0xAC20] =	vst v40  }
0x8a9: {  	[tilespmem:s19+$0x1C10] =	vst v24  }
0x8aa: {  	v22 =	vld.idx.msk [tilespmem:v22+s1+$0x0], $0xffff;
	[tilespmem:s17+$0xB010] =	vst v36  }
0x8ab: {  	v40 =	vld.idx.msk [tilespmem:v2+s1+$0x0], $0xffff;
	v2 =	vadd.s32 $0x7C0, v15;
	[tilespmem:s19+$0x1C20] =	vst v1  }
0x8ac: {  	v1 =	vadd.s32 $0x880, v14;
	[tilespmem:$0x1F230] =	vst v2  }
0x8ad: {  	v2 =	vadd.s32 $0x800, v15;
	[tilespmem:$0x1F3F0] =	vst v1  }
0x8ae: {  	[tilespmem:$0x1F240] =	vst v2;
	v2 =	vadd.s32 $0x7C0, v14  }
0x8af: {  	[tilespmem:$0x1F3C0] =	vst v2;
	v2 =	vadd.s32 $0x840, v15  }
0x8b0: {  	[tilespmem:$0x1F250] =	vst v2;
	v2 =	vadd.s32 $0x800, v14  }
0x8b1: {  	[tilespmem:$0x1F3D0] =	vst v2;
	v2 =	vadd.s32 $0x840, v14  }
0x8b2: {  	[tilespmem:$0x1F3E0] =	vst v2;
	v2 =	vadd.s32 $0x880, v15  }
0x8b3: {  	v26 =	vadd.s32 $0xA00, v0;
	[tilespmem:$0x1F260] =	vst v2;
	v2 =	vadd.s32 $0x8C0, v15  }
0x8b4: {  	v28 =	vadd.s32 $0xC0, v59;
	[tilespmem:$0x1F270] =	vst v2;
	v2 =	vadd.s32 $0x8C0, v14  }
0x8b5: {  	v19 =	vadd.s32 $0xC0, v14;
	[tilespmem:$0x1F400] =	vst v2;
	v2 =	vadd.s32 $0x900, v15  }
0x8b6: {  	[tilespmem:$0x1F280] =	vst v2;
	v2 =	vadd.s32 $0x940, v15  }
0x8b7: {  	v18 =	vld.idx.msk [tilespmem:v18+s1+$0x0], $0xffff;
	[tilespmem:$0x1F290] =	vst v2;
	v2 =	vadd.s32 $0x900, v14  }
0x8b8: {  	v26 =	vld.idx.msk [tilespmem:v26+s1+$0x0], $0xffff;
	[tilespmem:$0x1F410] =	vst v2;
	v2 =	vadd.s32 $0x980, v15  }
0x8b9: {  	v24 =	vld.idx.msk [tilespmem:v28+s1+$0x0], $0xffff;
	[tilespmem:$0x1F2A0] =	vst v2;
	v2 =	vadd.s32 $0x940, v14  }
0x8ba: {  	v5 =	vld.idx.msk [tilespmem:v19+s1+$0x0], $0xffff;
	[tilespmem:$0x1F420] =	vst v2;
	v2 =	vadd.s32 $0x980, v14  }
0x8bb: {  	[tilespmem:$0x1F430] =	vst v2;
	v2 =	vld [tilespmem:$0x1F2C0];
	_ =	sdelay $0x4  }
0x8bc: {  	[tilespmem:s20+$0x4400] =	vst v18  }
0x8bd: {  	v56 =	vld.idx.msk [tilespmem:v11+s1+$0x0], $0xffff  }
0x8be: {  	v11 =	vld [tilespmem:$0x1F2D0]  }
0x8bf: {  	v1 =	vadd.s32 $0xA40, v0;
	[tilespmem:s17+$0xB430] =	vst v26;
	v28 =	vld.idx.msk [tilespmem:v2+s1+$0x0], $0xffff;
	v2 =	vadd.s32 $0x9C0, v15  }
0x8c0: {  	v19 =	vadd.s32 $0x100, v59;
	[tilespmem:$0x1F2B0] =	vst v2;
	v2 =	vadd.s32 $0xA00, v15  }
0x8c1: {  	v17 =	vadd.s32 $0x100, v15;
	[tilespmem:$0x1F2C0] =	vst v2;
	v2 =	vadd.s32 $0x9C0, v14  }
0x8c2: {  	[tilespmem:$0x1F440] =	vst v2;
	v2 =	vld [tilespmem:$0x1F450]  }
0x8c3: {  	[tilespmem:s19+$0x2030] =	vst v24  }
0x8c4: {  	v1 =	vld.idx.msk [tilespmem:v1+s1+$0x0], $0xffff  }
0x8c5: {  	[tilespmem:s19+$0x2010] =	vst v22;
	v22 =	vld.idx.msk [tilespmem:v19+s1+$0x0], $0xffff  }
0x8c6: {  	v26 =	vadd.s32 $0xA40, v15;
	v24 =	vld.idx.msk [tilespmem:v17+s1+$0x0], $0xffff;
	[tilespmem:s17+$0xB410] =	vst v28  }
0x8c7: {  	[tilespmem:s17+$0xB020] =	vst v40;
	v52 =	vld.idx.msk [tilespmem:v11+s1+$0x0], $0xffff;
	v11 =	vmov v26  }
0x8c8: {  	v6 =	vadd.s32 $0x140, v15;
	[tilespmem:$0x1F2D0] =	vst v11;
	v11 =	vld [tilespmem:$0x1F460]  }
0x8c9: {  	v3 =	vadd.s32 $0x100, v14;
	[tilespmem:s20+$0x4800] =	vst v56;
	v56 =	vld [tilespmem:$0x1F2E0]  }
0x8ca: {  	v54 =	vadd.s32 $0x140, v59;
	[tilespmem:s17+$0xB830] =	vst v1;
	v32 =	vld.idx.msk [tilespmem:v2+s1+$0x0], $0xffff  }
0x8cb: {  	[tilespmem:s19+$0x2410] =	vst v24  }
0x8cc: {  	v36 =	vadd.s32 $0xA40, v14;
	[tilespmem:s19+$0x2020] =	vst v5;
	v5 =	vadd.s32 $0xA80, v0  }
0x8cd: {  	v1 =	vmov v36;
	[tilespmem:s19+$0x2430] =	vst v22;
	v21 =	vld.idx.msk [tilespmem:v6+s1+$0x0], $0xffff  }
0x8ce: {  	[tilespmem:$0x1F460] =	vst v1;
	v18 =	vld.idx.msk [tilespmem:v3+s1+$0x0], $0xffff  }
0x8cf: {  	v20 =	vadd.s32 $0x140, v14;
	v53 =	vld.idx.msk [tilespmem:v54+s1+$0x0], $0xffff;
	[tilespmem:s17+$0xB420] =	vst v32  }
0x8d0: {  	v2 =	vadd.s32 $0xA00, v14;
	[tilespmem:s17+$0xB810] =	vst v52;
	v63 =	vld.idx.msk [tilespmem:v11+s1+$0x0], $0xffff  }
0x8d1: {  	[tilespmem:$0x1F450] =	vst v2;
	v22 =	vld.idx.msk [tilespmem:v5+s1+$0x0], $0xffff  }
0x8d2: {  	v56 =	vld.idx.msk [tilespmem:v56+s1+$0x0], $0xffff;
	[tilespmem:s19+$0x2810] =	vst v21  }
0x8d3: {  	v21 =	vadd.s32 $0xF40, v15;
	[tilespmem:s19+$0x2420] =	vst v18  }
0x8d4: {  	v47 =	vadd.s32 $0xA80, v15;
	[tilespmem:$0x1F370] =	vst v21;
	v23 =	vld.idx.msk [tilespmem:v20+s1+$0x0], $0xffff  }
0x8d5: {  	v16 =	vadd.s32 $0x180, v15;
	[tilespmem:s17+$0xB820] =	vst v63;
	v63 =	vmov v47;
	v47 =	vld [tilespmem:$0x1F470]  }
0x8d6: {  	[tilespmem:s17+$0xBC30] =	vst v22  }
0x8d7: {  	v21 =	vadd.s32 $0xF80, v15;
	[tilespmem:s19+$0x2830] =	vst v53;
	v53 =	vmov v27;
	v27 =	vld [tilespmem:$0x1F2F0]  }
0x8d8: {  	v38 =	vadd.s32 $0x1C0, v15;
	[tilespmem:$0x1F380] =	vst v21;
	v21 =	vadd.s32 $0xF40, v14  }
0x8d9: {  	v37 =	vadd.s32 $0x200, v15;
	v41 =	vadd.s32 $0x180, v14;
	v62 =	vadd.s32 $0xA80, v14;
	[tilespmem:$0x1F500] =	vst v21  }
0x8da: {  	v33 =	vadd.s32 $0x240, v15;
	v30 =	vadd.s32 $0x280, v15;
	v48 =	vadd.s32 $0xB00, v15;
	v16 =	vld.idx.msk [tilespmem:v16+s1+$0x0], $0xffff;
	[tilespmem:s17+$0xBC10] =	vst v56;
	v22 =	vmovc v62  }
0x8db: {  	v45 =	vadd.s32 $0xB80, v15;
	v51 =	vadd.s32 $0xD80, v15;
	[tilespmem:$0x1F470] =	vst v22;
	v22 =	vadd.s32 $0xF00, v15  }
0x8dc: {  	v39 =	vadd.s32 $0x1C0, v14;
	v34 =	vadd.s32 $0x200, v14;
	v13 =	vadd.s32 $0x240, v14;
	[tilespmem:$0x1F360] =	vst v22  }
0x8dd: {  	v31 =	vadd.s32 $0x280, v14;
	v12 =	vadd.s32 $0x2C0, v15;
	v22 =	vadd.s32 $0xF00, v14;
	v47 =	vld.idx.msk [tilespmem:v47+s1+$0x0], $0xffff;
	[tilespmem:s19+$0x2820] =	vst v23  }
0x8de: {  	v7 =	vadd.s32 $0x300, v15;
	v8 =	vadd.s32 $0x380, v15;
	v20 =	vadd.s32 $0xD80, v14;
	[tilespmem:$0x1F4F0] =	vst v22;
	v22 =	vld.idx.msk [tilespmem:v41+s1+$0x0], $0xffff  }
0x8df: {  	v2 =	vadd.s32 $0xAC0, v15;
	v18 =	vadd.s32 $0xAC0, v0;
	[tilespmem:$0x1EEA0] =	vst v20;
	v20 =	vadd.s32 $0xDC0, v15;
	v41 =	vld.idx.msk [tilespmem:v27+s1+$0x0], $0xffff  }
0x8e0: {  	v40 =	vadd.s32 $0xC40, v15;
	v54 =	vadd.s32 $0x180, v59;
	[tilespmem:$0x1EF00] =	vst v20;
	v20 =	vadd.s32 $0xE00, v15;
	v27 =	vmovc v2;
	v2 =	vld [tilespmem:$0x1F480]  }
0x8e1: {  	v19 =	vadd.s32 $0xB40, v15;
	v36 =	vadd.s32 $0xC80, v15;
	[tilespmem:$0x1EFD0] =	vst v20;
	v20 =	vadd.s32 $0xDC0, v14  }
0x8e2: {  	v17 =	vadd.s32 $0xC00, v15;
	v26 =	vadd.s32 $0xD40, v15;
	[tilespmem:$0x1EF60] =	vst v20;
	v20 =	vadd.s32 $0xE40, v15  }
0x8e3: {  	v24 =	vadd.s32 $0xEC0, v15;
	v52 =	vadd.s32 $0xE80, v15;
	v3 =	vadd.s32 $0xBC0, v15;
	[tilespmem:$0x1F070] =	vst v20  }
0x8e4: {  	v32 =	vadd.s32 $0xCC0, v15;
	v11 =	vadd.s32 $0xD00, v15;
	v15 =	vadd.s32 $0xFC0, v15;
	[tilespmem:$0x1F2E0] =	vst v63;
	v18 =	vld.idx.msk [tilespmem:v18+s1+$0x0], $0xffff  }
0x8e5: {  	v29 =	vadd.s32 $0x2C0, v14;
	v49 =	vadd.s32 $0xAC0, v14;
	v20 =	vadd.s32 $0xE00, v14;
	v21 =	vld.idx.msk [tilespmem:v54+s1+$0x0], $0xffff;
	[tilespmem:$0x1F390] =	vst v15  }
0x8e6: {  	v50 =	vadd.s32 $0xB00, v14;
	v46 =	vadd.s32 $0xB40, v14;
	v44 =	vadd.s32 $0xB80, v14;
	[tilespmem:$0x1EFF0] =	vst v20  }
0x8e7: {  	v43 =	vadd.s32 $0xBC0, v14;
	v42 =	vadd.s32 $0xC00, v14;
	v15 =	vadd.s32 $0xF80, v14;
	v23 =	vld [tilespmem:$0x1EA60];
	[tilespmem:s17+$0xBC20] =	vst v47  }
0x8e8: {  	v9 =	vadd.s32 $0x340, v14;
	v4 =	vadd.s32 $0x380, v14;
	v60 =	vadd.s32 $0x6C0, v14;
	[tilespmem:$0x1F510] =	vst v15;
	v2 =	vld.idx.msk [tilespmem:v2+s1+$0x0], $0xffff  }
0x8e9: {  	v10 =	vadd.s32 $0x300, v14;
	v35 =	vadd.s32 $0xC80, v14;
	v61 =	vadd.s32 $0xC40, v14;
	[tilespmem:s17+$0xC030] =	vst v18  }
0x8ea: {  	v55 =	vld.idx.msk [tilespmem:v55+s1+$0x0], $0xffff;
	v28 =	vadd.s32 $0xFC0, v14;
	v1 =	vadd.s32 $0xCC0, v14;
	v15 =	vadd.s32 $0xB00, v0;
	[tilespmem:s19+$0x2C30] =	vst v21  }
0x8eb: {  	v6 =	vadd.s32 $0xD40, v14;
	v5 =	vadd.s32 $0xD00, v14;
	v62 =	vadd.s32 $0xEC0, v14;
	[tilespmem:$0x1F2F0] =	vst v27  }
0x8ec: {  	v63 =	vadd.s32 $0xE80, v14;
	v20 =	vadd.s32 $0xE40, v14;
	v14 =	vadd.s32 $0x1C0, v59;
	v27 =	vld [tilespmem:$0x1F300];
	[tilespmem:s19+$0x2C20] =	vst v22  }
0x8ed: {  	v21 =	vld.idx.msk [tilespmem:v39+s1+$0x0], $0xffff;
	[tilespmem:s17+$0xC020] =	vst v2;
	v2 =	vmov v48  }
0x8ee: {  	[tilespmem:$0x1F300] =	vst v2;
	v2 =	vld [tilespmem:$0x1F490]  }
0x8ef: {  	[tilespmem:s20+$0x4C00] =	vst v55;
	v15 =	vld.idx.msk [tilespmem:v15+s1+$0x0], $0xffff  }
0x8f0: {  	v23 =	vld.idx.msk [tilespmem:v23+s1+$0x0], $0xffff  }
0x8f1: {  	v18 =	vmov v49;
	v14 =	vld.idx.msk [tilespmem:v14+s1+$0x0], $0xffff  }
0x8f2: {  	[tilespmem:$0x1F480] =	vst v18;
	v18 =	vadd.s32 $0xB40, v0  }
0x8f3: {  	[tilespmem:s19+$0x2C10] =	vst v16  }
0x8f4: {  	v16 =	vld.idx.msk [tilespmem:v38+s1+$0x0], $0xffff;
	[tilespmem:s17+$0xC430] =	vst v15  }
0x8f5: {  	v22 =	vadd.s32 $0x200, v59;
	[tilespmem:s20+$0x5000] =	vst v23;
	v23 =	vld [tilespmem:$0x1EAB0]  }
0x8f6: {  	[tilespmem:s19+$0x3030] =	vst v14;
	v2 =	vld.idx.msk [tilespmem:v2+s1+$0x0], $0xffff  }
0x8f7: {  	[tilespmem:s17+$0xC010] =	vst v41;
	v14 =	vld.idx.msk [tilespmem:v18+s1+$0x0], $0xffff  }
0x8f8: {  	v15 =	vmov v50;
	v38 =	vld.idx.msk [tilespmem:v27+s1+$0x0], $0xffff  }
0x8f9: {  	v27 =	vld [tilespmem:$0x1F310];
	[tilespmem:$0x1F490] =	vst v15  }
0x8fa: {  	v15 =	vld.idx.msk [tilespmem:v22+s1+$0x0], $0xffff;
	[tilespmem:s19+$0x3020] =	vst v21  }
0x8fb: {  	v21 =	vld.idx.msk [tilespmem:v34+s1+$0x0], $0xffff;
	[tilespmem:s17+$0xC420] =	vst v2;
	v2 =	vmov v19  }
0x8fc: {  	[tilespmem:$0x1F310] =	vst v2;
	v2 =	vld [tilespmem:$0x1F4A0]  }
0x8fd: {  	v22 =	vadd.s32 $0x240, v59  }
0x8fe: {  	v23 =	vld.idx.msk [tilespmem:v23+s1+$0x0], $0xffff  }
0x8ff: {  	[tilespmem:s19+$0x3010] =	vst v16  }
0x900: {  	[tilespmem:s17+$0xC830] =	vst v14  }
0x901: {  	v16 =	vld.idx.msk [tilespmem:v37+s1+$0x0], $0xffff;
	[tilespmem:s19+$0x3430] =	vst v15  }
0x902: {  	v15 =	vld.idx.msk [tilespmem:v22+s1+$0x0], $0xffff  }
0x903: {  	[tilespmem:s20+$0x5400] =	vst v23;
	v23 =	vld [tilespmem:$0x1EB00]  }
0x904: {  	v2 =	vld.idx.msk [tilespmem:v2+s1+$0x0], $0xffff  }
0x905: {  	v22 =	vld [tilespmem:$0x1F320]  }
0x906: {  	v18 =	vadd.s32 $0xB80, v0;
	[tilespmem:s17+$0xC410] =	vst v38  }
0x907: {  	v38 =	vmov v58;
	v58 =	vld.idx.msk [tilespmem:v27+s1+$0x0], $0xffff;
	[tilespmem:s19+$0x3410] =	vst v16  }
0x908: {  	v16 =	vld.idx.msk [tilespmem:v33+s1+$0x0], $0xffff;
	[tilespmem:s19+$0x3420] =	vst v21  }
0x909: {  	v13 =	vld.idx.msk [tilespmem:v13+s1+$0x0], $0xffff;
	[tilespmem:s17+$0xC820] =	vst v2;
	v2 =	vmov v45  }
0x90a: {  	v14 =	vmov v46;
	[tilespmem:$0x1F320] =	vst v2;
	v2 =	vld [tilespmem:$0x1F4B0]  }
0x90b: {  	[tilespmem:$0x1F4A0] =	vst v14;
	v14 =	vld.idx.msk [tilespmem:v18+s1+$0x0], $0xffff  }
0x90c: {  	[tilespmem:s17+$0xC810] =	vst v58;
	v23 =	vld.idx.msk [tilespmem:v23+s1+$0x0], $0xffff  }
0x90d: {  	v22 =	vld.idx.msk [tilespmem:v22+s1+$0x0], $0xffff  }
0x90e: {  	v21 =	vld [tilespmem:$0x1EB20];
	_ =	sdelay $0x1  }
0x90f: {  	v18 =	vadd.s32 $0xBC0, v0;
	[tilespmem:s19+$0x3810] =	vst v16  }
0x910: {  	[tilespmem:s20+$0x5800] =	vst v23;
	v23 =	vld [tilespmem:$0x1EB70]  }
0x911: {  	[tilespmem:s17+$0xCC30] =	vst v14;
	v2 =	vld.idx.msk [tilespmem:v2+s1+$0x0], $0xffff  }
0x912: {  	v16 =	vld.idx.msk [tilespmem:v30+s1+$0x0], $0xffff;
	[tilespmem:s17+$0xCC10] =	vst v22  }
0x913: {  	v19 =	vadd.s32 $0x280, v59;
	v14 =	vmov v44;
	v22 =	vld [tilespmem:$0x1F150];
	[tilespmem:s19+$0x3830] =	vst v15  }
0x914: {  	[tilespmem:$0x1F4B0] =	vst v14;
	v14 =	vld.idx.msk [tilespmem:v18+s1+$0x0], $0xffff  }
0x915: {  	v21 =	vld.idx.msk [tilespmem:v21+s1+$0x0], $0xffff;
	[tilespmem:s19+$0x3820] =	vst v13  }
0x916: {  	v18 =	vld.idx.msk [tilespmem:v31+s1+$0x0], $0xffff;
	[tilespmem:s17+$0xCC20] =	vst v2;
	v2 =	vmov v23  }
0x917: {  	[tilespmem:$0x1F150] =	vst v2;
	v2 =	vld [tilespmem:$0x1F330]  }
0x918: {  	v15 =	vld.idx.msk [tilespmem:v19+s1+$0x0], $0xffff  }
0x919: {  	v13 =	vadd.s32 $0xC00, v0;
	_ =	sdelay $0x1  }
0x91a: {  	v19 =	vadd.s32 $0x2C0, v59;
	[tilespmem:s20+$0x5C00] =	vst v21;
	v21 =	vld [tilespmem:$0x1EB60]  }
0x91b: {  	[tilespmem:s17+$0xD030] =	vst v14  }
0x91c: {  	[tilespmem:s19+$0x3C30] =	vst v15  }
0x91d: {  	v14 =	vmov v3;
	v3 =	vld.idx.msk [tilespmem:v13+s1+$0x0], $0xffff  }
0x91e: {  	v2 =	vld.idx.msk [tilespmem:v2+s1+$0x0], $0xffff  }
0x91f: {  	v13 =	vld.idx.msk [tilespmem:v19+s1+$0x0], $0xffff;
	[tilespmem:s19+$0x3C10] =	vst v16  }
0x920: {  	v12 =	vld.idx.msk [tilespmem:v12+s1+$0x0], $0xffff  }
0x921: {  	[tilespmem:s19+$0x3C20] =	vst v18;
	v18 =	vld [tilespmem:$0x1EB80]  }
0x922: {  	v21 =	vld.idx.msk [tilespmem:v21+s1+$0x0], $0xffff;
	[tilespmem:s17+$0xD430] =	vst v3  }
0x923: {  	v19 =	vmov v43;
	[tilespmem:s17+$0xD010] =	vst v2;
	v2 =	vld [tilespmem:$0x1F4C0]  }
0x924: {  	v22 =	vld.idx.msk [tilespmem:v22+s1+$0x0], $0xffff;
	[tilespmem:$0x1F4C0] =	vst v19  }
0x925: {  	v19 =	vld [tilespmem:$0x1F160];
	[tilespmem:s19+$0x4010] =	vst v12  }
0x926: {  	[tilespmem:s19+$0x4030] =	vst v13;
	v13 =	vld.idx.msk [tilespmem:v7+s1+$0x0], $0xffff  }
0x927: {  	v16 =	vadd.s32 $0x300, v59;
	v7 =	vld [tilespmem:$0x1EBB0]  }
0x928: {  	v15 =	vld.idx.msk [tilespmem:v29+s1+$0x0], $0xffff;
	[tilespmem:s20+$0x6000] =	vst v21  }
0x929: {  	v18 =	vld.idx.msk [tilespmem:v18+s1+$0x0], $0xffff;
	_ =	sdelay $0x1  }
0x92a: {  	v2 =	vld.idx.msk [tilespmem:v2+s1+$0x0], $0xffff  }
0x92b: {  	[tilespmem:s18+$0xCC00] =	vst v22;
	v12 =	vld.idx.msk [tilespmem:v16+s1+$0x0], $0xffff  }
0x92c: {  	v19 =	vld.idx.msk [tilespmem:v19+s1+$0x0], $0xffff;
	[tilespmem:s19+$0x4020] =	vst v15  }
0x92d: {  	[tilespmem:s20+$0x6400] =	vst v18;
	v10 =	vld.idx.msk [tilespmem:v10+s1+$0x0], $0xffff  }
0x92e: {  	v16 =	vld.idx.msk [tilespmem:v7+s1+$0x0], $0xffff  }
0x92f: {  	v7 =	vmov v17;
	[tilespmem:s17+$0xD020] =	vst v2;
	v2 =	vld [tilespmem:$0x1F340]  }
0x930: {  	[tilespmem:$0x1F340] =	vst v7;
	v7 =	vld [tilespmem:$0x1F4D0];
	_ =	sdelay $0x6  }
0x931: {  	v21 =	vld [tilespmem:$0x1EBA0]  }
0x932: {  	v17 =	vld.idx.msk [tilespmem:v7+s1+$0x0], $0xffff  }
0x933: {  	v7 =	vld [tilespmem:$0x1EBD0]  }
0x934: {  	[tilespmem:$0x1F330] =	vst v14;
	v14 =	vadd.s32 $0xC40, v0;
	_ =	sdelay $0x3  }
0x935: {  	v3 =	vmov v21  }
0x936: {  	[tilespmem:$0x1F160] =	vst v3;
	v3 =	vld.idx.msk [tilespmem:v14+s1+$0x0], $0xffff  }
0x937: {  	v2 =	vld.idx.msk [tilespmem:v2+s1+$0x0], $0xffff;
	[tilespmem:s19+$0x4410] =	vst v13  }
0x938: {  	v13 =	vld.idx.msk [tilespmem:v7+s1+$0x0], $0xffff  }
0x939: {  	v7 =	vld [tilespmem:$0x1EBE0]  }
0x93a: {  	v15 =	vadd.s32 $0x340, v59  }
0x93b: {  	[tilespmem:s18+$0xD000] =	vst v19  }
0x93c: {  	[tilespmem:s20+$0x6800] =	vst v16;
	v16 =	vld [tilespmem:$0x1EBF0]  }
0x93d: {  	[tilespmem:s17+$0xD830] =	vst v3  }
0x93e: {  	[tilespmem:s19+$0x4430] =	vst v12  }
0x93f: {  	v12 =	vld.idx.msk [tilespmem:v15+s1+$0x0], $0xffff  }
0x940: {  	[tilespmem:s17+$0xD410] =	vst v2;
	v2 =	vld [tilespmem:$0x1F170]  }
0x941: {  	v15 =	vld.idx.msk [tilespmem:v7+s1+$0x0], $0xffff;
	v7 =	vmov v16  }
0x942: {  	[tilespmem:$0x1F170] =	vst v7;
	v7 =	vld [tilespmem:$0x1F350];
	_ =	sdelay $0x1  }
0x943: {  	[tilespmem:s19+$0x4420] =	vst v10  }
0x944: {  	v9 =	vld.idx.msk [tilespmem:v9+s1+$0x0], $0xffff;
	_ =	sdelay $0x3  }
0x945: {  	[tilespmem:s17+$0xD420] =	vst v17  }
0x946: {  	[tilespmem:s19+$0x4820] =	vst v9;
	v16 =	vld.idx.msk [tilespmem:v7+s1+$0x0], $0xffff  }
0x947: {  	v7 =	vld.idx.msk [tilespmem:v4+s1+$0x0], $0xffff  }
0x948: {  	v4 =	vld [tilespmem:$0x1EC10];
	_ =	sdelay $0x1  }
0x949: {  	v14 =	vadd.s32 $0xC80, v0;
	_ =	sdelay $0x1  }
0x94a: {  	v2 =	vld.idx.msk [tilespmem:v2+s1+$0x0], $0xffff  }
0x94b: {  	v3 =	vmov v42  }
0x94c: {  	[tilespmem:$0x1F4D0] =	vst v3  }
0x94d: {  	v3 =	vld.idx.msk [tilespmem:v14+s1+$0x0], $0xffff;
	[tilespmem:s20+$0x6C00] =	vst v15  }
0x94e: {  	[tilespmem:s19+$0x4810] =	vst v13;
	v13 =	vld.idx.msk [tilespmem:v4+s1+$0x0], $0xffff  }
0x94f: {  	[tilespmem:s18+$0xD400] =	vst v2;
	v2 =	vld [tilespmem:$0x1F4E0];
	v4 =	vmov v61  }
0x950: {  	[tilespmem:$0x1F4E0] =	vst v4;
	v4 =	vld [tilespmem:$0x1F180]  }
0x951: {  	v10 =	vadd.s32 $0xCC0, v0  }
0x952: {  	v14 =	vadd.s32 $0x380, v59;
	_ =	sdelay $0x1  }
0x953: {  	[tilespmem:s17+$0xDC30] =	vst v3  }
0x954: {  	v3 =	vmov v40;
	[tilespmem:s19+$0x4830] =	vst v12  }
0x955: {  	[tilespmem:$0x1F350] =	vst v3;
	v3 =	vld.idx.msk [tilespmem:v10+s1+$0x0], $0xffff  }
0x956: {  	v10 =	vld.idx.msk [tilespmem:v14+s1+$0x0], $0xffff  }
0x957: {  	v14 =	vld.idx.msk [tilespmem:v4+s1+$0x0], $0xffff  }
0x958: {  	v4 =	vld [tilespmem:$0x1EC20]  }
0x959: {  	v9 =	vadd.s32 $0xD00, v0;
	_ =	sdelay $0x2  }
0x95a: {  	v12 =	vadd.s32 $0x3C0, v59;
	[tilespmem:s17+$0xE030] =	vst v3;
	v8 =	vld.idx.msk [tilespmem:v8+s1+$0x0], $0xffff  }
0x95b: {  	[tilespmem:s19+$0x4C30] =	vst v10;
	v3 =	vmov v4  }
0x95c: {  	[tilespmem:$0x1F180] =	vst v3;
	v3 =	vld.idx.msk [tilespmem:v9+s1+$0x0], $0xffff  }
0x95d: {  	v9 =	vld [tilespmem:$0x1EC40]  }
0x95e: {  	[tilespmem:s17+$0xD810] =	vst v16  }
0x95f: {  	[tilespmem:s19+$0x4C10] =	vst v8;
	v8 =	vld.idx.msk [tilespmem:v12+s1+$0x0], $0xffff  }
0x960: {  	v12 =	vld [tilespmem:$0x1EC50]  }
0x961: {  	v2 =	vld.idx.msk [tilespmem:v2+s1+$0x0], $0xffff;
	_ =	sdelay $0x1  }
0x962: {  	[tilespmem:s19+$0x4C20] =	vst v7;
	v4 =	vld [tilespmem:$0x1EC30]  }
0x963: {  	v7 =	vadd.s32 $0xD40, v0;
	[tilespmem:s20+$0x7000] =	vst v13;
	v13 =	vld [tilespmem:$0x1EC80]  }
0x964: {  	v9 =	vld.idx.msk [tilespmem:v9+s1+$0x0], $0xffff  }
0x965: {  	[tilespmem:s17+$0xD820] =	vst v2;
	v2 =	vld [tilespmem:$0x1EC60]  }
0x966: {  	[tilespmem:s17+$0xE430] =	vst v3  }
0x967: {  	v12 =	vld.idx.msk [tilespmem:v12+s1+$0x0], $0xffff;
	[tilespmem:s19+$0x5030] =	vst v8  }
0x968: {  	v3 =	vld.idx.msk [tilespmem:v7+s1+$0x0], $0xffff  }
0x969: {  	v7 =	vld [tilespmem:$0x1ECA0]  }
0x96a: {  	v4 =	vld.idx.msk [tilespmem:v4+s1+$0x0], $0xffff  }
0x96b: {  	v13 =	vld.idx.msk [tilespmem:v13+s1+$0x0], $0xffff  }
0x96c: {  	[tilespmem:s19+$0x5020] =	vst v9;
	v9 =	vld [tilespmem:$0x1ECB0]  }
0x96d: {  	[tilespmem:s18+$0xD800] =	vst v14;
	v2 =	vld.idx.msk [tilespmem:v2+s1+$0x0], $0xffff  }
0x96e: {  	[tilespmem:s20+$0x7400] =	vst v12;
	v12 =	vld [tilespmem:$0x1ECC0]  }
0x96f: {  	v14 =	vld [tilespmem:$0x1ECD0]  }
0x970: {  	[tilespmem:s19+$0x5010] =	vst v4  }
0x971: {  	v7 =	vld.idx.msk [tilespmem:v7+s1+$0x0], $0xffff  }
0x972: {  	[tilespmem:s17+$0xDC10] =	vst v2;
	v2 =	vld [tilespmem:$0x1F190];
	_ =	sdelay $0x1  }
0x973: {  	v9 =	vld.idx.msk [tilespmem:v9+s1+$0x0], $0xffff;
	[tilespmem:s17+$0xDC20] =	vst v13;
	v13 =	vmov v14  }
0x974: {  	[tilespmem:$0x1F190] =	vst v13;
	v13 =	vld [tilespmem:$0x1ECE0]  }
0x975: {  	v12 =	vld.idx.msk [tilespmem:v12+s1+$0x0], $0xffff;
	_ =	sdelay $0x3  }
0x976: {  	v2 =	vld.idx.msk [tilespmem:v2+s1+$0x0], $0xffff  }
0x977: {  	[tilespmem:s20+$0x7800] =	vst v12;
	v12 =	vld [tilespmem:$0x1ED20];
	_ =	sdelay $0x1  }
0x978: {  	v13 =	vld.idx.msk [tilespmem:v13+s1+$0x0], $0xffff  }
0x979: {  	[tilespmem:s19+$0x5410] =	vst v7;
	v7 =	vld [tilespmem:$0x1ED00]  }
0x97a: {  	v18 =	vmov v1;
	v1 =	vld [tilespmem:$0x1F1A0];
	_ =	sdelay $0x2  }
0x97b: {  	[tilespmem:s19+$0x5420] =	vst v9;
	v9 =	vld [tilespmem:$0x1ED10]  }
0x97c: {  	v12 =	vld.idx.msk [tilespmem:v12+s1+$0x0], $0xffff;
	_ =	sdelay $0x1  }
0x97d: {  	[tilespmem:s18+$0xDC00] =	vst v2;
	v2 =	vld [tilespmem:$0x1ED30]  }
0x97e: {  	v7 =	vld.idx.msk [tilespmem:v7+s1+$0x0], $0xffff  }
0x97f: {  	v1 =	vld.idx.msk [tilespmem:v1+s1+$0x0], $0xffff  }
0x980: {  	[tilespmem:s20+$0x7C00] =	vst v12;
	v12 =	vld [tilespmem:$0x1ED70];
	_ =	sdelay $0x1  }
0x981: {  	v9 =	vld.idx.msk [tilespmem:v9+s1+$0x0], $0xffff  }
0x982: {  	[tilespmem:s17+$0xE010] =	vst v13  }
0x983: {  	[tilespmem:s19+$0x5810] =	vst v7;
	v7 =	vld [tilespmem:$0x1ED50];
	_ =	sdelay $0x1  }
0x984: {  	v2 =	vld.idx.msk [tilespmem:v2+s1+$0x0], $0xffff  }
0x985: {  	[tilespmem:s19+$0x5820] =	vst v9;
	v9 =	vld [tilespmem:$0x1ED60]  }
0x986: {  	v12 =	vld.idx.msk [tilespmem:v12+s1+$0x0], $0xffff  }
0x987: {  	[tilespmem:s18+$0xE000] =	vst v1;
	v1 =	vld [tilespmem:$0x1ED80]  }
0x988: {  	v17 =	vmov v5;
	v5 =	vld [tilespmem:$0x1EDA0];
	_ =	sdelay $0x1  }
0x989: {  	v7 =	vld.idx.msk [tilespmem:v7+s1+$0x0], $0xffff;
	_ =	sdelay $0x2  }
0x98a: {  	v9 =	vld.idx.msk [tilespmem:v9+s1+$0x0], $0xffff  }
0x98b: {  	[tilespmem:s17+$0xE020] =	vst v2;
	v2 =	vld [tilespmem:$0x1ED90]  }
0x98c: {  	v1 =	vld.idx.msk [tilespmem:v1+s1+$0x0], $0xffff;
	[tilespmem:s19+$0x5C10] =	vst v7  }
0x98d: {  	v7 =	vld.idx.msk [tilespmem:v5+s1+$0x0], $0xffff  }
0x98e: {  	v5 =	vld [tilespmem:$0x1EDB0];
	_ =	sdelay $0x6  }
0x98f: {  	v2 =	vld.idx.msk [tilespmem:v2+s1+$0x0], $0xffff;
	[tilespmem:s19+$0x5C20] =	vst v9  }
0x990: {  	v9 =	vld.idx.msk [tilespmem:v5+s1+$0x0], $0xffff  }
0x991: {  	v10 =	vadd.s32 $0x400, v59;
	v5 =	vld [tilespmem:$0x1EDC0];
	_ =	sdelay $0x4  }
0x992: {  	v4 =	vld.idx.msk [tilespmem:v10+s1+$0x0], $0xffff  }
0x993: {  	v8 =	vadd.s32 $0xD80, v0  }
0x994: {  	v10 =	vadd.s32 $0x440, v59;
	[tilespmem:s20+$0x8000] =	vst v12  }
0x995: {  	v29 =	vmov v11;
	v11 =	vld.idx.msk [tilespmem:v5+s1+$0x0], $0xffff  }
0x996: {  	[tilespmem:s17+$0xE830] =	vst v3;
	v5 =	vld [tilespmem:$0x1EDD0]  }
0x997: {  	[tilespmem:s19+$0x5430] =	vst v4  }
0x998: {  	v3 =	vld.idx.msk [tilespmem:v8+s1+$0x0], $0xffff  }
0x999: {  	v4 =	vld.idx.msk [tilespmem:v10+s1+$0x0], $0xffff  }
0x99a: {  	v13 =	vld [tilespmem:$0x1ED40];
	[tilespmem:s17+$0xE410] =	vst v1  }
0x99b: {  	v1 =	vld [tilespmem:$0x1F1B0];
	[tilespmem:s17+$0xE420] =	vst v2;
	v2 =	vmov v5  }
0x99c: {  	[tilespmem:$0x1F1B0] =	vst v2;
	v2 =	vld [tilespmem:$0x1EDE0]  }
0x99d: {  	v10 =	vadd.s32 $0x480, v59;
	v5 =	vld [tilespmem:$0x1EE00]  }
0x99e: {  	v8 =	vadd.s32 $0xDC0, v0;
	_ =	sdelay $0x1  }
0x99f: {  	[tilespmem:s17+$0xEC30] =	vst v3  }
0x9a0: {  	[tilespmem:s19+$0x5830] =	vst v4  }
0x9a1: {  	v4 =	vld.idx.msk [tilespmem:v10+s1+$0x0], $0xffff;
	v3 =	vmov v13  }
0x9a2: {  	[tilespmem:$0x1F1A0] =	vst v3;
	v3 =	vld.idx.msk [tilespmem:v8+s1+$0x0], $0xffff  }
0x9a3: {  	v2 =	vld.idx.msk [tilespmem:v2+s1+$0x0], $0xffff;
	[tilespmem:s19+$0x6010] =	vst v7  }
0x9a4: {  	v7 =	vld.idx.msk [tilespmem:v5+s1+$0x0], $0xffff  }
0x9a5: {  	v5 =	vld [tilespmem:$0x1EE10]  }
0x9a6: {  	v8 =	vadd.s32 $0xE00, v0  }
0x9a7: {  	v10 =	vadd.s32 $0x4C0, v59;
	_ =	sdelay $0x1  }
0x9a8: {  	[tilespmem:s17+$0xF030] =	vst v3  }
0x9a9: {  	[tilespmem:s19+$0x5C30] =	vst v4  }
0x9aa: {  	v3 =	vld.idx.msk [tilespmem:v8+s1+$0x0], $0xffff  }
0x9ab: {  	v4 =	vld.idx.msk [tilespmem:v10+s1+$0x0], $0xffff;
	[tilespmem:s19+$0x6020] =	vst v9  }
0x9ac: {  	v9 =	vld.idx.msk [tilespmem:v5+s1+$0x0], $0xffff  }
0x9ad: {  	v5 =	vld [tilespmem:$0x1EE20]  }
0x9ae: {  	v8 =	vadd.s32 $0xE40, v0;
	_ =	sdelay $0x2  }
0x9af: {  	[tilespmem:s17+$0xF430] =	vst v3  }
0x9b0: {  	[tilespmem:s19+$0x6030] =	vst v4  }
0x9b1: {  	v3 =	vld.idx.msk [tilespmem:v8+s1+$0x0], $0xffff  }
0x9b2: {  	v1 =	vld.idx.msk [tilespmem:v1+s1+$0x0], $0xffff;
	[tilespmem:s20+$0x8400] =	vst v11  }
0x9b3: {  	v10 =	vadd.s32 $0x500, v59;
	v11 =	vld.idx.msk [tilespmem:v5+s1+$0x0], $0xffff  }
0x9b4: {  	v5 =	vld [tilespmem:$0x1EE40];
	_ =	sdelay $0x3  }
0x9b5: {  	v4 =	vld.idx.msk [tilespmem:v10+s1+$0x0], $0xffff  }
0x9b6: {  	[tilespmem:s17+$0xF830] =	vst v3;
	v3 =	vmov v5;
	v5 =	vld [tilespmem:$0x1EE50];
	_ =	sdelay $0x4  }
0x9b7: {  	[tilespmem:s17+$0xE810] =	vst v2  }
0x9b8: {  	[tilespmem:s19+$0x6410] =	vst v7  }
0x9b9: {  	[tilespmem:s18+$0xE400] =	vst v1;
	v1 =	vld [tilespmem:$0x1EE30]  }
0x9ba: {  	v7 =	vld.idx.msk [tilespmem:v5+s1+$0x0], $0xffff  }
0x9bb: {  	v5 =	vld [tilespmem:$0x1EE60];
	_ =	sdelay $0x4  }
0x9bc: {  	v2 =	vld [tilespmem:$0x1F1C0];
	_ =	sdelay $0x1  }
0x9bd: {  	v1 =	vld.idx.msk [tilespmem:v1+s1+$0x0], $0xffff;
	[tilespmem:s19+$0x6420] =	vst v9  }
0x9be: {  	v9 =	vld.idx.msk [tilespmem:v5+s1+$0x0], $0xffff  }
0x9bf: {  	v5 =	vld [tilespmem:$0x1EE70];
	_ =	sdelay $0x3  }
0x9c0: {  	v2 =	vld.idx.msk [tilespmem:v2+s1+$0x0], $0xffff;
	_ =	sdelay $0x1  }
0x9c1: {  	v8 =	vadd.s32 $0xE80, v0;
	[tilespmem:s20+$0x8800] =	vst v11  }
0x9c2: {  	v10 =	vadd.s32 $0x540, v59;
	[tilespmem:s17+$0xE820] =	vst v1;
	v1 =	vld [tilespmem:$0x1EE80]  }
0x9c3: {  	v11 =	vld.idx.msk [tilespmem:v5+s1+$0x0], $0xffff  }
0x9c4: {  	[tilespmem:s18+$0xE800] =	vst v2;
	v2 =	vld [tilespmem:$0x1EE90]  }
0x9c5: {  	[tilespmem:s19+$0x6430] =	vst v4  }
0x9c6: {  	[tilespmem:$0x1F1C0] =	vst v3;
	v3 =	vld.idx.msk [tilespmem:v8+s1+$0x0], $0xffff  }
0x9c7: {  	v4 =	vld.idx.msk [tilespmem:v10+s1+$0x0], $0xffff  }
0x9c8: {  	v5 =	vld [tilespmem:$0x1EEB0]  }
0x9c9: {  	v10 =	vadd.s32 $0x580, v59;
	_ =	sdelay $0x1  }
0x9ca: {  	[tilespmem:s17+$0xFC30] =	vst v3;
	v1 =	vld.idx.msk [tilespmem:v1+s1+$0x0], $0xffff  }
0x9cb: {  	[tilespmem:s19+$0x6830] =	vst v4;
	v2 =	vld.idx.msk [tilespmem:v2+s1+$0x0], $0xffff  }
0x9cc: {  	[tilespmem:s19+$0x6820] =	vst v9;
	v9 =	vld [tilespmem:$0x1EED0]  }
0x9cd: {  	v4 =	vld.idx.msk [tilespmem:v10+s1+$0x0], $0xffff  }
0x9ce: {  	[tilespmem:s19+$0x6810] =	vst v7;
	v7 =	vld [tilespmem:$0x1EEC0]  }
0x9cf: {  	v5 =	vld.idx.msk [tilespmem:v5+s1+$0x0], $0xffff  }
0x9d0: {  	[tilespmem:s17+$0xEC10] =	vst v1;
	v1 =	vld [tilespmem:$0x1F1D0]  }
0x9d1: {  	v10 =	vld [tilespmem:$0x1EEE0];
	_ =	sdelay $0x1  }
0x9d2: {  	[tilespmem:s20+$0x8C00] =	vst v11  }
0x9d3: {  	v9 =	vld.idx.msk [tilespmem:v9+s1+$0x0], $0xffff;
	_ =	sdelay $0x1  }
0x9d4: {  	v7 =	vld.idx.msk [tilespmem:v7+s1+$0x0], $0xffff;
	[tilespmem:s17+$0xEC20] =	vst v2;
	v2 =	vmov v10  }
0x9d5: {  	[tilespmem:$0x1F1D0] =	vst v2;
	v2 =	vld [tilespmem:$0x1EEF0]  }
0x9d6: {  	v1 =	vld.idx.msk [tilespmem:v1+s1+$0x0], $0xffff  }
0x9d7: {  	[tilespmem:s20+$0x9000] =	vst v9;
	v9 =	vld [tilespmem:$0x1EF40];
	_ =	sdelay $0x4  }
0x9d8: {  	[tilespmem:s19+$0x6C20] =	vst v7;
	v7 =	vld [tilespmem:$0x1EF30]  }
0x9d9: {  	v2 =	vld.idx.msk [tilespmem:v2+s1+$0x0], $0xffff  }
0x9da: {  	[tilespmem:s19+$0x6C10] =	vst v5;
	v5 =	vld [tilespmem:$0x1EF20]  }
0x9db: {  	v9 =	vld.idx.msk [tilespmem:v9+s1+$0x0], $0xffff  }
0x9dc: {  	[tilespmem:s18+$0xEC00] =	vst v1;
	v1 =	vld [tilespmem:$0x1EF50]  }
0x9dd: {  	v8 =	vadd.s32 $0xEC0, v0;
	v3 =	vld [tilespmem:$0x1EEA0];
	_ =	sdelay $0x2  }
0x9de: {  	v7 =	vld.idx.msk [tilespmem:v7+s1+$0x0], $0xffff;
	_ =	sdelay $0x1  }
0x9df: {  	v13 =	vmov v3;
	v3 =	vld.idx.msk [tilespmem:v8+s1+$0x0], $0xffff  }
0x9e0: {  	v5 =	vld.idx.msk [tilespmem:v5+s1+$0x0], $0xffff  }
0x9e1: {  	v1 =	vld.idx.msk [tilespmem:v1+s1+$0x0], $0xffff  }
0x9e2: {  	[tilespmem:s19+$0x7020] =	vst v7;
	v7 =	vld [tilespmem:$0x1EFA0];
	_ =	sdelay $0x2  }
0x9e3: {  	[tilespmem:s17+$0x10030] =	vst v3  }
0x9e4: {  	v3 =	vld [tilespmem:$0x1EF00];
	[tilespmem:s17+$0xF010] =	vst v2  }
0x9e5: {  	v16 =	vmov v6;
	v6 =	vadd.s32 $0xF00, v0;
	[tilespmem:s19+$0x7010] =	vst v5;
	v5 =	vld [tilespmem:$0x1EF90]  }
0x9e6: {  	v2 =	vld [tilespmem:$0x1EF60]  }
0x9e7: {  	v55 =	vld [tilespmem:$0x1EA50]  }
0x9e8: {  	[tilespmem:s19+$0x6C30] =	vst v4;
	v7 =	vld.idx.msk [tilespmem:v7+s1+$0x0], $0xffff  }
0x9e9: {  	[tilespmem:s17+$0xF020] =	vst v1;
	v1 =	vld [tilespmem:$0x1EFC0]  }
0x9ea: {  	v8 =	vadd.s32 $0x5C0, v59;
	v22 =	vmov v3;
	v3 =	vld.idx.msk [tilespmem:v6+s1+$0x0], $0xffff  }
0x9eb: {  	v12 =	vmov v2;
	v2 =	vld [tilespmem:$0x1EF70]  }
0x9ec: {  	v56 =	vld [tilespmem:$0x1EA70]  }
0x9ed: {  	v5 =	vld.idx.msk [tilespmem:v5+s1+$0x0], $0xffff  }
0x9ee: {  	v54 =	vld [tilespmem:$0x1EA40]  }
0x9ef: {  	v4 =	vld.idx.msk [tilespmem:v8+s1+$0x0], $0xffff  }
0x9f0: {  	[tilespmem:s17+$0x10430] =	vst v3;
	v3 =	vld [tilespmem:$0x1EF80]  }
0x9f1: {  	v1 =	vld.idx.msk [tilespmem:v1+s1+$0x0], $0xffff  }
0x9f2: {  	[tilespmem:s19+$0x7410] =	vst v5;
	v5 =	vld [tilespmem:$0x1F000]  }
0x9f3: {  	v2 =	vld.idx.msk [tilespmem:v2+s1+$0x0], $0xffff  }
0x9f4: {  	v6 =	vadd.s32 $0xF40, v0;
	[tilespmem:s20+$0x9400] =	vst v9;
	v9 =	vld [tilespmem:$0x1EFB0]  }
0x9f5: {  	v49 =	vld [tilespmem:$0x1EA90]  }
0x9f6: {  	v47 =	vld [tilespmem:$0x1EA80]  }
0x9f7: {  	v50 =	vmov v57;
	v57 =	vld [tilespmem:$0x1EAE0]  }
0x9f8: {  	v41 =	vld [tilespmem:$0x1EAC0];
	[tilespmem:s19+$0x7030] =	vst v4  }
0x9f9: {  	v61 =	vmov v3;
	v3 =	vld.idx.msk [tilespmem:v6+s1+$0x0], $0xffff  }
0x9fa: {  	v8 =	vadd.s32 $0x600, v59;
	v5 =	vld.idx.msk [tilespmem:v5+s1+$0x0], $0xffff  }
0x9fb: {  	[tilespmem:s17+$0xF410] =	vst v1;
	v1 =	vld [tilespmem:$0x1F040]  }
0x9fc: {  	v9 =	vld.idx.msk [tilespmem:v9+s1+$0x0], $0xffff  }
0x9fd: {  	[tilespmem:s18+$0xF000] =	vst v2;
	v2 =	vld [tilespmem:$0x1EFD0]  }
0x9fe: {  	v39 =	vld [tilespmem:$0x1EAA0]  }
0x9ff: {  	v4 =	vld.idx.msk [tilespmem:v8+s1+$0x0], $0xffff  }
0xa00: {  	v6 =	vadd.s32 $0xF80, v0;
	[tilespmem:s17+$0x10830] =	vst v3;
	v3 =	vld [tilespmem:$0x1EFF0]  }
0xa01: {  	v37 =	vld [tilespmem:$0x1EAF0]  }
0xa02: {  	v21 =	vmov v2;
	v2 =	vld [tilespmem:$0x1EFE0];
	[tilespmem:s20+$0x9800] =	vst v9  }
0xa03: {  	v8 =	vadd.s32 $0x640, v59;
	v10 =	vld.idx.msk [tilespmem:v1+s1+$0x0], $0xffff  }
0xa04: {  	[tilespmem:s19+$0x7430] =	vst v4;
	v1 =	vld [tilespmem:$0x1F050]  }
0xa05: {  	v11 =	vmov v3;
	v3 =	vld.idx.msk [tilespmem:v6+s1+$0x0], $0xffff  }
0xa06: {  	v48 =	vld [tilespmem:$0x1EAD0]  }
0xa07: {  	v46 =	vld [tilespmem:$0x1EB10]  }
0xa08: {  	v4 =	vld.idx.msk [tilespmem:v8+s1+$0x0], $0xffff  }
0xa09: {  	v58 =	vmov v1;
	v1 =	vld [tilespmem:$0x1F060]  }
0xa0a: {  	[tilespmem:s17+$0x10C30] =	vst v3;
	v3 =	vld [tilespmem:$0x1F080]  }
0xa0b: {  	v27 =	vmov v26;
	v26 =	vld [tilespmem:$0x1EDF0]  }
0xa0c: {  	v2 =	vld.idx.msk [tilespmem:v2+s1+$0x0], $0xffff  }
0xa0d: {  	[tilespmem:s19+$0x7420] =	vst v7;
	v7 =	vld [tilespmem:$0x1F020]  }
0xa0e: {  	v33 =	vmov v25;
	v25 =	vmov v35;
	v35 =	vld [tilespmem:$0x1EC90]  }
0xa0f: {  	v34 =	vld [tilespmem:$0x1EB30]  }
0xa10: {  	v30 =	vmov v32;
	v32 =	vld [tilespmem:$0x1ECF0]  }
0xa11: {  	v1 =	vld.idx.msk [tilespmem:v1+s1+$0x0], $0xffff;
	[tilespmem:s19+$0x7810] =	vst v5  }
0xa12: {  	v5 =	vld.idx.msk [tilespmem:v3+s1+$0x0], $0xffff  }
0xa13: {  	v3 =	vld [tilespmem:$0x1F090]  }
0xa14: {  	v9 =	vld [tilespmem:$0x1F030]  }
0xa15: {  	v7 =	vld.idx.msk [tilespmem:v7+s1+$0x0], $0xffff  }
0xa16: {  	v44 =	vld [tilespmem:$0x1EB50]  }
0xa17: {  	v45 =	vld [tilespmem:$0x1EB40]  }
0xa18: {  	v31 =	vmov v36;
	v36 =	vld [tilespmem:$0x1EC70]  }
0xa19: {  	v43 =	vld [tilespmem:$0x1EB90];
	[tilespmem:s17+$0xF420] =	vst v2  }
0xa1a: {  	v23 =	vmov v51;
	v51 =	vld [tilespmem:$0x1EF10];
	[tilespmem:s19+$0x7820] =	vst v7  }
0xa1b: {  	v7 =	vld.idx.msk [tilespmem:v3+s1+$0x0], $0xffff  }
0xa1c: {  	v6 =	vadd.s32 $0xFC0, v0;
	v0 =	vmov v59;
	v3 =	vld [tilespmem:$0x1F0A0]  }
0xa1d: {  	v8 =	vadd.s32 $0x680, v0;
	v9 =	vld.idx.msk [tilespmem:v9+s1+$0x0], $0xffff  }
0xa1e: {  	s22 =	sadd.s32 $0x4, s22;
	v2 =	vld [tilespmem:$0x1F070]  }
0xa1f: {  	p0 =	slt.u32 s22, $0x3C;
	v42 =	vld [tilespmem:$0x1EBC0]  }
.Ltmp1:
0xa20: {  	v40 =	vld [tilespmem:$0x1EC00];
	(pc) =	sbr.rel @p0 .LBB2_4-.Ltmp1, $4  }
0xa21: {  	v59 =	vld [tilespmem:$0x1F010];
	[tilespmem:s19+$0x7830] =	vst v4  }
0xa22: {  	v4 =	vld.idx.msk [tilespmem:v8+s1+$0x0], $0xffff  }
0xa23: {  	[tilespmem:s20+$0x9C00] =	vst v9;
	v19 =	vmov v2;
	v2 =	vld.idx.msk [tilespmem:v6+s1+$0x0], $0xffff  }
0xa24: {  	s23 =	sadd.s32 $0x100, s23;
	v8 =	vadd.s32 $0x6C0, v0;
	v3 =	vld.idx.msk [tilespmem:v3+s1+$0x0], $0xffff;
	[tilespmem:s18+$0xF400] =	vst v10  }
0xa25: {  	[tilespmem:s19+$0x7C10] =	vst v5  }
0xa26: {  	[tilespmem:s19+$0x7C20] =	vst v7  }
0xa27: {  	[tilespmem:s19+$0x7C30] =	vst v4  }
0xa28: {  	v5 =	vld [tilespmem:$0x1F1F0];
	_ =	sdelay $0x5  }
0xa29: {  	v7 =	vld.idx.msk [tilespmem:v60+s1+$0x0], $0xffff  }
0xa2a: {  	v4 =	vld.idx.msk [tilespmem:v8+s1+$0x0], $0xffff  }
0xa2b: {  	v5 =	vld.idx.msk [tilespmem:v5+s1+$0x0], $0xffff;
	_ =	sdelay $0x2  }
0xa2c: {  	[tilespmem:s19+$0x8020] =	vst v7  }
0xa2d: {  	[tilespmem:s19+$0x8030] =	vst v4  }
0xa2e: {  	[tilespmem:s19+$0x8010] =	vst v5  }
0xa2f: {  	v5 =	vld [tilespmem:$0x1F200]  }
0xa30: {  	v7 =	vld [tilespmem:$0x1F3A0]  }
0xa31: {  	v6 =	vadd.s32 $0x700, v0;
	_ =	sdelay $0x4  }
0xa32: {  	v4 =	vld.idx.msk [tilespmem:v6+s1+$0x0], $0xffff  }
0xa33: {  	v5 =	vld.idx.msk [tilespmem:v5+s1+$0x0], $0xffff  }
0xa34: {  	v7 =	vld.idx.msk [tilespmem:v7+s1+$0x0], $0xffff;
	_ =	sdelay $0x2  }
0xa35: {  	[tilespmem:s19+$0x8430] =	vst v4  }
0xa36: {  	[tilespmem:s19+$0x8410] =	vst v5  }
0xa37: {  	[tilespmem:s19+$0x8420] =	vst v7  }
0xa38: {  	v5 =	vld [tilespmem:$0x1F210]  }
0xa39: {  	v14 =	vadd.s32 $0x740, v0;
	_ =	sdelay $0x4  }
0xa3a: {  	v4 =	vld.idx.msk [tilespmem:v14+s1+$0x0], $0xffff  }
0xa3b: {  	v7 =	vld.idx.msk [tilespmem:v26+s1+$0x0], $0xffff  }
0xa3c: {  	v5 =	vld.idx.msk [tilespmem:v5+s1+$0x0], $0xffff;
	_ =	sdelay $0x2  }
0xa3d: {  	[tilespmem:s19+$0x8830] =	vst v4  }
0xa3e: {  	[tilespmem:s19+$0x8820] =	vst v7  }
0xa3f: {  	[tilespmem:s19+$0x8810] =	vst v5  }
0xa40: {  	v5 =	vld [tilespmem:$0x1F220]  }
0xa41: {  	v7 =	vld [tilespmem:$0x1F3B0]  }
0xa42: {  	v15 =	vadd.s32 $0x780, v0;
	_ =	sdelay $0x4  }
0xa43: {  	v4 =	vld.idx.msk [tilespmem:v15+s1+$0x0], $0xffff  }
0xa44: {  	v5 =	vld.idx.msk [tilespmem:v5+s1+$0x0], $0xffff  }
0xa45: {  	v7 =	vld.idx.msk [tilespmem:v7+s1+$0x0], $0xffff;
	_ =	sdelay $0x2  }
0xa46: {  	[tilespmem:s19+$0x8C30] =	vst v4  }
0xa47: {  	[tilespmem:s19+$0x8C10] =	vst v5  }
0xa48: {  	[tilespmem:s19+$0x8C20] =	vst v7  }
0xa49: {  	v5 =	vld [tilespmem:$0x1F230]  }
0xa4a: {  	v7 =	vld [tilespmem:$0x1F3C0]  }
0xa4b: {  	v26 =	vadd.s32 $0x7C0, v0;
	_ =	sdelay $0x4  }
0xa4c: {  	v4 =	vld.idx.msk [tilespmem:v26+s1+$0x0], $0xffff  }
0xa4d: {  	v5 =	vld.idx.msk [tilespmem:v5+s1+$0x0], $0xffff  }
0xa4e: {  	v7 =	vld.idx.msk [tilespmem:v7+s1+$0x0], $0xffff;
	_ =	sdelay $0x2  }
0xa4f: {  	[tilespmem:s19+$0x9030] =	vst v4  }
0xa50: {  	[tilespmem:s19+$0x9010] =	vst v5  }
0xa51: {  	[tilespmem:s19+$0x9020] =	vst v7  }
0xa52: {  	v5 =	vld [tilespmem:$0x1F240]  }
0xa53: {  	v7 =	vld [tilespmem:$0x1F3D0]  }
0xa54: {  	v60 =	vadd.s32 $0x800, v0;
	_ =	sdelay $0x4  }
0xa55: {  	v4 =	vld.idx.msk [tilespmem:v60+s1+$0x0], $0xffff  }
0xa56: {  	v5 =	vld.idx.msk [tilespmem:v5+s1+$0x0], $0xffff  }
0xa57: {  	v7 =	vld.idx.msk [tilespmem:v7+s1+$0x0], $0xffff;
	_ =	sdelay $0x2  }
0xa58: {  	[tilespmem:s19+$0x9430] =	vst v4  }
0xa59: {  	[tilespmem:s19+$0x9410] =	vst v5  }
0xa5a: {  	[tilespmem:s19+$0x9420] =	vst v7  }
0xa5b: {  	v5 =	vld [tilespmem:$0x1F250]  }
0xa5c: {  	v7 =	vld [tilespmem:$0x1F3E0]  }
0xa5d: {  	v9 =	vadd.s32 $0x840, v0;
	_ =	sdelay $0x4  }
0xa5e: {  	v4 =	vld.idx.msk [tilespmem:v9+s1+$0x0], $0xffff  }
0xa5f: {  	v5 =	vld.idx.msk [tilespmem:v5+s1+$0x0], $0xffff  }
0xa60: {  	v7 =	vld.idx.msk [tilespmem:v7+s1+$0x0], $0xffff;
	_ =	sdelay $0x2  }
0xa61: {  	[tilespmem:s19+$0x9830] =	vst v4  }
0xa62: {  	[tilespmem:s19+$0x9810] =	vst v5  }
0xa63: {  	[tilespmem:s19+$0x9820] =	vst v7  }
0xa64: {  	v5 =	vld [tilespmem:$0x1F260]  }
0xa65: {  	v7 =	vld [tilespmem:$0x1F3F0]  }
0xa66: {  	v10 =	vadd.s32 $0x880, v0;
	_ =	sdelay $0x4  }
0xa67: {  	v4 =	vld.idx.msk [tilespmem:v10+s1+$0x0], $0xffff  }
0xa68: {  	v5 =	vld.idx.msk [tilespmem:v5+s1+$0x0], $0xffff  }
0xa69: {  	v7 =	vld.idx.msk [tilespmem:v7+s1+$0x0], $0xffff;
	_ =	sdelay $0x2  }
0xa6a: {  	[tilespmem:s19+$0x9C30] =	vst v4  }
0xa6b: {  	[tilespmem:s19+$0x9C10] =	vst v5  }
0xa6c: {  	[tilespmem:s19+$0x9C20] =	vst v7  }
0xa6d: {  	v5 =	vld [tilespmem:$0x1F270]  }
0xa6e: {  	v7 =	vld [tilespmem:$0x1F400]  }
0xa6f: {  	v14 =	vadd.s32 $0x8C0, v0;
	_ =	sdelay $0x4  }
0xa70: {  	v4 =	vld.idx.msk [tilespmem:v14+s1+$0x0], $0xffff  }
0xa71: {  	v5 =	vld.idx.msk [tilespmem:v5+s1+$0x0], $0xffff  }
0xa72: {  	v7 =	vld.idx.msk [tilespmem:v7+s1+$0x0], $0xffff;
	_ =	sdelay $0x2  }
0xa73: {  	[tilespmem:s19+$0xA030] =	vst v4  }
0xa74: {  	[tilespmem:s19+$0xA010] =	vst v5  }
0xa75: {  	[tilespmem:s19+$0xA020] =	vst v7  }
0xa76: {  	v5 =	vld [tilespmem:$0x1F280];
	[tilespmem:s20+$0xA000] =	vst v3  }
0xa77: {  	v3 =	vld [tilespmem:$0x1F410]  }
0xa78: {  	v15 =	vadd.s32 $0x900, v0;
	v7 =	vld [tilespmem:$0x1F0B0];
	_ =	sdelay $0x4  }
0xa79: {  	v4 =	vld.idx.msk [tilespmem:v15+s1+$0x0], $0xffff  }
0xa7a: {  	v5 =	vld.idx.msk [tilespmem:v5+s1+$0x0], $0xffff  }
0xa7b: {  	v3 =	vld.idx.msk [tilespmem:v3+s1+$0x0], $0xffff  }
0xa7c: {  	v7 =	vld.idx.msk [tilespmem:v7+s1+$0x0], $0xffff;
	_ =	sdelay $0x1  }
0xa7d: {  	[tilespmem:s19+$0xA430] =	vst v4  }
0xa7e: {  	[tilespmem:s19+$0xA410] =	vst v5  }
0xa7f: {  	[tilespmem:s19+$0xA420] =	vst v3  }
0xa80: {  	v3 =	vld [tilespmem:$0x1F290];
	[tilespmem:s20+$0xA400] =	vst v7  }
0xa81: {  	v9 =	vld [tilespmem:$0x1F420]  }
0xa82: {  	v26 =	vadd.s32 $0x940, v0;
	v7 =	vld [tilespmem:$0x1F0C0];
	_ =	sdelay $0x4  }
0xa83: {  	v4 =	vld.idx.msk [tilespmem:v26+s1+$0x0], $0xffff  }
0xa84: {  	v3 =	vld.idx.msk [tilespmem:v3+s1+$0x0], $0xffff  }
0xa85: {  	v6 =	vld.idx.msk [tilespmem:v9+s1+$0x0], $0xffff  }
0xa86: {  	v7 =	vld.idx.msk [tilespmem:v7+s1+$0x0], $0xffff;
	_ =	sdelay $0x1  }
0xa87: {  	[tilespmem:s19+$0xA830] =	vst v4  }
0xa88: {  	[tilespmem:s19+$0xA810] =	vst v3  }
0xa89: {  	[tilespmem:s19+$0xA820] =	vst v6  }
0xa8a: {  	v4 =	vld [tilespmem:$0x1F2A0];
	[tilespmem:s20+$0xA800] =	vst v7  }
0xa8b: {  	v6 =	vld [tilespmem:$0x1F430]  }
0xa8c: {  	v60 =	vadd.s32 $0x980, v0;
	v7 =	vld [tilespmem:$0x1F0D0];
	_ =	sdelay $0x4  }
0xa8d: {  	v10 =	vld.idx.msk [tilespmem:v60+s1+$0x0], $0xffff  }
0xa8e: {  	v4 =	vld.idx.msk [tilespmem:v4+s1+$0x0], $0xffff  }
0xa8f: {  	v6 =	vld.idx.msk [tilespmem:v6+s1+$0x0], $0xffff  }
0xa90: {  	v7 =	vld.idx.msk [tilespmem:v7+s1+$0x0], $0xffff;
	_ =	sdelay $0x1  }
0xa91: {  	[tilespmem:s19+$0xAC30] =	vst v10  }
0xa92: {  	[tilespmem:s19+$0xAC10] =	vst v4  }
0xa93: {  	[tilespmem:s19+$0xAC20] =	vst v6  }
0xa94: {  	v4 =	vld [tilespmem:$0x1F2B0];
	[tilespmem:s20+$0xAC00] =	vst v7  }
0xa95: {  	v6 =	vld [tilespmem:$0x1F440]  }
0xa96: {  	v14 =	vadd.s32 $0x9C0, v0;
	v7 =	vld [tilespmem:$0x1F0E0];
	_ =	sdelay $0x4  }
0xa97: {  	v3 =	vld.idx.msk [tilespmem:v14+s1+$0x0], $0xffff  }
0xa98: {  	v4 =	vld.idx.msk [tilespmem:v4+s1+$0x0], $0xffff  }
0xa99: {  	v6 =	vld.idx.msk [tilespmem:v6+s1+$0x0], $0xffff  }
0xa9a: {  	v7 =	vld.idx.msk [tilespmem:v7+s1+$0x0], $0xffff;
	_ =	sdelay $0x1  }
0xa9b: {  	[tilespmem:s19+$0xB030] =	vst v3  }
0xa9c: {  	[tilespmem:s19+$0xB010] =	vst v4  }
0xa9d: {  	[tilespmem:s19+$0xB020] =	vst v6  }
0xa9e: {  	v4 =	vld [tilespmem:$0x1F2C0];
	[tilespmem:s20+$0xB000] =	vst v7  }
0xa9f: {  	v6 =	vld [tilespmem:$0x1F450]  }
0xaa0: {  	v15 =	vadd.s32 $0xA00, v0;
	v7 =	vld [tilespmem:$0x1F0F0];
	_ =	sdelay $0x4  }
0xaa1: {  	v3 =	vld.idx.msk [tilespmem:v15+s1+$0x0], $0xffff  }
0xaa2: {  	v4 =	vld.idx.msk [tilespmem:v4+s1+$0x0], $0xffff  }
0xaa3: {  	v6 =	vld.idx.msk [tilespmem:v6+s1+$0x0], $0xffff  }
0xaa4: {  	v7 =	vld.idx.msk [tilespmem:v7+s1+$0x0], $0xffff;
	_ =	sdelay $0x1  }
0xaa5: {  	[tilespmem:s19+$0xB430] =	vst v3  }
0xaa6: {  	[tilespmem:s19+$0xB410] =	vst v4  }
0xaa7: {  	[tilespmem:s19+$0xB420] =	vst v6  }
0xaa8: {  	v4 =	vld [tilespmem:$0x1F2D0];
	[tilespmem:s20+$0xB400] =	vst v7  }
0xaa9: {  	v6 =	vld [tilespmem:$0x1F460]  }
0xaaa: {  	v26 =	vadd.s32 $0xA40, v0;
	v7 =	vld [tilespmem:$0x1F100];
	_ =	sdelay $0x4  }
0xaab: {  	v3 =	vld.idx.msk [tilespmem:v26+s1+$0x0], $0xffff  }
0xaac: {  	v4 =	vld.idx.msk [tilespmem:v4+s1+$0x0], $0xffff  }
0xaad: {  	v6 =	vld.idx.msk [tilespmem:v6+s1+$0x0], $0xffff  }
0xaae: {  	v7 =	vld.idx.msk [tilespmem:v7+s1+$0x0], $0xffff;
	_ =	sdelay $0x1  }
0xaaf: {  	[tilespmem:s19+$0xB830] =	vst v3  }
0xab0: {  	[tilespmem:s19+$0xB810] =	vst v4  }
0xab1: {  	[tilespmem:s19+$0xB820] =	vst v6  }
0xab2: {  	v4 =	vld [tilespmem:$0x1F2E0];
	[tilespmem:s20+$0xB800] =	vst v7  }
0xab3: {  	v6 =	vld [tilespmem:$0x1F470]  }
0xab4: {  	v60 =	vadd.s32 $0xA80, v0;
	v7 =	vld [tilespmem:$0x1F110];
	_ =	sdelay $0x4  }
0xab5: {  	v3 =	vld.idx.msk [tilespmem:v60+s1+$0x0], $0xffff  }
0xab6: {  	v4 =	vld.idx.msk [tilespmem:v4+s1+$0x0], $0xffff  }
0xab7: {  	v6 =	vld.idx.msk [tilespmem:v6+s1+$0x0], $0xffff  }
0xab8: {  	v7 =	vld.idx.msk [tilespmem:v7+s1+$0x0], $0xffff;
	_ =	sdelay $0x1  }
0xab9: {  	[tilespmem:s19+$0xBC30] =	vst v3  }
0xaba: {  	[tilespmem:s19+$0xBC10] =	vst v4  }
0xabb: {  	[tilespmem:s19+$0xBC20] =	vst v6  }
0xabc: {  	v4 =	vld [tilespmem:$0x1F2F0];
	[tilespmem:s20+$0xBC00] =	vst v7  }
0xabd: {  	v6 =	vld [tilespmem:$0x1F480]  }
0xabe: {  	v9 =	vadd.s32 $0xAC0, v0;
	v7 =	vld [tilespmem:$0x1F120];
	_ =	sdelay $0x4  }
0xabf: {  	v3 =	vld.idx.msk [tilespmem:v9+s1+$0x0], $0xffff  }
0xac0: {  	v4 =	vld.idx.msk [tilespmem:v4+s1+$0x0], $0xffff  }
0xac1: {  	v6 =	vld.idx.msk [tilespmem:v6+s1+$0x0], $0xffff  }
0xac2: {  	v7 =	vld.idx.msk [tilespmem:v7+s1+$0x0], $0xffff;
	_ =	sdelay $0x1  }
0xac3: {  	[tilespmem:s19+$0xC030] =	vst v3  }
0xac4: {  	[tilespmem:s19+$0xC010] =	vst v4  }
0xac5: {  	[tilespmem:s19+$0xC020] =	vst v6  }
0xac6: {  	v4 =	vld [tilespmem:$0x1F300];
	[tilespmem:s20+$0xC000] =	vst v7  }
0xac7: {  	v6 =	vld [tilespmem:$0x1F490]  }
0xac8: {  	v10 =	vadd.s32 $0xB00, v0;
	v7 =	vld [tilespmem:$0x1F130];
	_ =	sdelay $0x4  }
0xac9: {  	v3 =	vld.idx.msk [tilespmem:v10+s1+$0x0], $0xffff  }
0xaca: {  	v4 =	vld.idx.msk [tilespmem:v4+s1+$0x0], $0xffff  }
0xacb: {  	v6 =	vld.idx.msk [tilespmem:v6+s1+$0x0], $0xffff  }
0xacc: {  	v7 =	vld.idx.msk [tilespmem:v7+s1+$0x0], $0xffff;
	_ =	sdelay $0x1  }
0xacd: {  	[tilespmem:s19+$0xC430] =	vst v3  }
0xace: {  	[tilespmem:s19+$0xC410] =	vst v4  }
0xacf: {  	[tilespmem:s19+$0xC420] =	vst v6  }
0xad0: {  	v4 =	vld [tilespmem:$0x1F310];
	[tilespmem:s20+$0xC400] =	vst v7  }
0xad1: {  	v6 =	vld [tilespmem:$0x1F4A0]  }
0xad2: {  	v14 =	vadd.s32 $0xB40, v0;
	v7 =	vld [tilespmem:$0x1F140];
	_ =	sdelay $0x4  }
0xad3: {  	v3 =	vld.idx.msk [tilespmem:v14+s1+$0x0], $0xffff  }
0xad4: {  	v4 =	vld.idx.msk [tilespmem:v4+s1+$0x0], $0xffff  }
0xad5: {  	v6 =	vld.idx.msk [tilespmem:v6+s1+$0x0], $0xffff  }
0xad6: {  	v7 =	vld.idx.msk [tilespmem:v7+s1+$0x0], $0xffff;
	_ =	sdelay $0x1  }
0xad7: {  	[tilespmem:s19+$0xC830] =	vst v3  }
0xad8: {  	[tilespmem:s19+$0xC810] =	vst v4  }
0xad9: {  	[tilespmem:s19+$0xC820] =	vst v6  }
0xada: {  	v4 =	vld [tilespmem:$0x1F320];
	[tilespmem:s20+$0xC800] =	vst v7  }
0xadb: {  	v6 =	vld [tilespmem:$0x1F4B0]  }
0xadc: {  	v15 =	vadd.s32 $0xB80, v0;
	v7 =	vld [tilespmem:$0x1F150];
	_ =	sdelay $0x4  }
0xadd: {  	v3 =	vld.idx.msk [tilespmem:v15+s1+$0x0], $0xffff  }
0xade: {  	v4 =	vld.idx.msk [tilespmem:v4+s1+$0x0], $0xffff  }
0xadf: {  	v6 =	vld.idx.msk [tilespmem:v6+s1+$0x0], $0xffff  }
0xae0: {  	v7 =	vld.idx.msk [tilespmem:v7+s1+$0x0], $0xffff;
	_ =	sdelay $0x1  }
0xae1: {  	[tilespmem:s19+$0xCC30] =	vst v3  }
0xae2: {  	[tilespmem:s19+$0xCC10] =	vst v4  }
0xae3: {  	[tilespmem:s19+$0xCC20] =	vst v6  }
0xae4: {  	v4 =	vld [tilespmem:$0x1F330];
	[tilespmem:s20+$0xCC00] =	vst v7  }
0xae5: {  	v6 =	vld [tilespmem:$0x1F4C0]  }
0xae6: {  	v26 =	vadd.s32 $0xBC0, v0;
	v7 =	vld [tilespmem:$0x1F160];
	_ =	sdelay $0x4  }
0xae7: {  	v3 =	vld.idx.msk [tilespmem:v26+s1+$0x0], $0xffff  }
0xae8: {  	v4 =	vld.idx.msk [tilespmem:v4+s1+$0x0], $0xffff  }
0xae9: {  	v6 =	vld.idx.msk [tilespmem:v6+s1+$0x0], $0xffff  }
0xaea: {  	v7 =	vld.idx.msk [tilespmem:v7+s1+$0x0], $0xffff;
	_ =	sdelay $0x1  }
0xaeb: {  	[tilespmem:s19+$0xD030] =	vst v3  }
0xaec: {  	[tilespmem:s19+$0xD010] =	vst v4  }
0xaed: {  	[tilespmem:s19+$0xD020] =	vst v6  }
0xaee: {  	v4 =	vld [tilespmem:$0x1F340];
	[tilespmem:s20+$0xD000] =	vst v7  }
0xaef: {  	v6 =	vld [tilespmem:$0x1F4D0]  }
0xaf0: {  	v60 =	vadd.s32 $0xC00, v0;
	v7 =	vld [tilespmem:$0x1F170];
	_ =	sdelay $0x4  }
0xaf1: {  	v3 =	vld.idx.msk [tilespmem:v60+s1+$0x0], $0xffff  }
0xaf2: {  	v4 =	vld.idx.msk [tilespmem:v4+s1+$0x0], $0xffff  }
0xaf3: {  	v6 =	vld.idx.msk [tilespmem:v6+s1+$0x0], $0xffff  }
0xaf4: {  	v7 =	vld.idx.msk [tilespmem:v7+s1+$0x0], $0xffff;
	_ =	sdelay $0x1  }
0xaf5: {  	[tilespmem:s19+$0xD430] =	vst v3  }
0xaf6: {  	[tilespmem:s19+$0xD410] =	vst v4  }
0xaf7: {  	[tilespmem:s19+$0xD420] =	vst v6  }
0xaf8: {  	v4 =	vld [tilespmem:$0x1F350];
	[tilespmem:s20+$0xD400] =	vst v7  }
0xaf9: {  	v6 =	vld [tilespmem:$0x1F4E0]  }
0xafa: {  	v9 =	vadd.s32 $0xC40, v0;
	v7 =	vld [tilespmem:$0x1F180];
	_ =	sdelay $0x4  }
0xafb: {  	v3 =	vld.idx.msk [tilespmem:v9+s1+$0x0], $0xffff  }
0xafc: {  	v4 =	vld.idx.msk [tilespmem:v4+s1+$0x0], $0xffff  }
0xafd: {  	v6 =	vld.idx.msk [tilespmem:v6+s1+$0x0], $0xffff  }
0xafe: {  	v7 =	vld.idx.msk [tilespmem:v7+s1+$0x0], $0xffff;
	_ =	sdelay $0x1  }
0xaff: {  	[tilespmem:s19+$0xD830] =	vst v3  }
0xb00: {  	[tilespmem:s19+$0xD810] =	vst v4  }
0xb01: {  	[tilespmem:s19+$0xD820] =	vst v6  }
0xb02: {  	[tilespmem:s20+$0xD800] =	vst v7  }
0xb03: {  	v10 =	vadd.s32 $0xC80, v0;
	v7 =	vld [tilespmem:$0x1F190];
	_ =	sdelay $0x4  }
0xb04: {  	v3 =	vld.idx.msk [tilespmem:v10+s1+$0x0], $0xffff  }
0xb05: {  	v4 =	vld.idx.msk [tilespmem:v31+s1+$0x0], $0xffff  }
0xb06: {  	v6 =	vld.idx.msk [tilespmem:v25+s1+$0x0], $0xffff  }
0xb07: {  	v7 =	vld.idx.msk [tilespmem:v7+s1+$0x0], $0xffff;
	_ =	sdelay $0x1  }
0xb08: {  	[tilespmem:s19+$0xDC30] =	vst v3  }
0xb09: {  	[tilespmem:s19+$0xDC10] =	vst v4  }
0xb0a: {  	[tilespmem:s19+$0xDC20] =	vst v6  }
0xb0b: {  	[tilespmem:s20+$0xDC00] =	vst v7  }
0xb0c: {  	v14 =	vadd.s32 $0xCC0, v0;
	v7 =	vld [tilespmem:$0x1F1A0];
	_ =	sdelay $0x4  }
0xb0d: {  	v3 =	vld.idx.msk [tilespmem:v14+s1+$0x0], $0xffff  }
0xb0e: {  	v4 =	vld.idx.msk [tilespmem:v30+s1+$0x0], $0xffff  }
0xb0f: {  	v6 =	vld.idx.msk [tilespmem:v18+s1+$0x0], $0xffff  }
0xb10: {  	v7 =	vld.idx.msk [tilespmem:v7+s1+$0x0], $0xffff;
	_ =	sdelay $0x1  }
0xb11: {  	[tilespmem:s19+$0xE030] =	vst v3  }
0xb12: {  	[tilespmem:s19+$0xE010] =	vst v4  }
0xb13: {  	[tilespmem:s19+$0xE020] =	vst v6  }
0xb14: {  	v15 =	vadd.s32 $0xD00, v0;
	[tilespmem:s20+$0xE000] =	vst v7  }
0xb15: {  	v7 =	vld [tilespmem:$0x1F1B0];
	_ =	sdelay $0x3  }
0xb16: {  	v3 =	vld.idx.msk [tilespmem:v15+s1+$0x0], $0xffff  }
0xb17: {  	v25 =	vld.idx.msk [tilespmem:v29+s1+$0x0], $0xffff  }
0xb18: {  	v6 =	vld.idx.msk [tilespmem:v17+s1+$0x0], $0xffff;
	_ =	sdelay $0x1  }
0xb19: {  	v7 =	vld.idx.msk [tilespmem:v7+s1+$0x0], $0xffff  }
0xb1a: {  	[tilespmem:s19+$0xE430] =	vst v3  }
0xb1b: {  	[tilespmem:s19+$0xE410] =	vst v25  }
0xb1c: {  	[tilespmem:s19+$0xE420] =	vst v6  }
0xb1d: {  	[tilespmem:s17+$0xF810] =	vst v1  }
0xb1e: {  	v18 =	vadd.s32 $0xD40, v0;
	[tilespmem:s20+$0xE400] =	vst v7  }
0xb1f: {  	v1 =	vld [tilespmem:$0x1F1C0];
	_ =	sdelay $0x3  }
0xb20: {  	v3 =	vld.idx.msk [tilespmem:v18+s1+$0x0], $0xffff  }
0xb21: {  	v5 =	vld.idx.msk [tilespmem:v27+s1+$0x0], $0xffff  }
0xb22: {  	v6 =	vld.idx.msk [tilespmem:v16+s1+$0x0], $0xffff  }
0xb23: {  	v29 =	vld.idx.msk [tilespmem:v55+s1+$0x0], $0xffff  }
0xb24: {  	[tilespmem:s17+$0x11030] =	vst v2;
	v1 =	vld.idx.msk [tilespmem:v1+s1+$0x0], $0xffff  }
0xb25: {  	[tilespmem:s19+$0xE830] =	vst v3  }
0xb26: {  	[tilespmem:s19+$0xE810] =	vst v5  }
0xb27: {  	[tilespmem:s19+$0xE820] =	vst v6  }
0xb28: {  	[tilespmem:s17+$0xF820] =	vst v29  }
0xb29: {  	v26 =	vadd.s32 $0xD80, v0;
	[tilespmem:s20+$0xE800] =	vst v1  }
0xb2a: {  	v2 =	vld [tilespmem:$0x1F1D0];
	_ =	sdelay $0x2  }
0xb2b: {  	v30 =	vld.idx.msk [tilespmem:v47+s1+$0x0], $0xffff  }
0xb2c: {  	v4 =	vld.idx.msk [tilespmem:v26+s1+$0x0], $0xffff  }
0xb2d: {  	v31 =	vadd.s32 $0xDC0, v0;
	v47 =	vld.idx.msk [tilespmem:v23+s1+$0x0], $0xffff  }
0xb2e: {  	v55 =	vld.idx.msk [tilespmem:v13+s1+$0x0], $0xffff  }
0xb2f: {  	v60 =	vld.idx.msk [tilespmem:v51+s1+$0x0], $0xffff  }
0xb30: {  	[tilespmem:s18+$0xF800] =	vst v30;
	v2 =	vld.idx.msk [tilespmem:v2+s1+$0x0], $0xffff  }
0xb31: {  	v9 =	vld.idx.msk [tilespmem:v54+s1+$0x0], $0xffff;
	[tilespmem:s19+$0xEC30] =	vst v4  }
0xb32: {  	[tilespmem:s19+$0xEC10] =	vst v47;
	v5 =	vld.idx.msk [tilespmem:v31+s1+$0x0], $0xffff  }
0xb33: {  	v10 =	vadd.s32 $0xE00, v0;
	[tilespmem:s19+$0xEC20] =	vst v55;
	v6 =	vld.idx.msk [tilespmem:v22+s1+$0x0], $0xffff  }
0xb34: {  	[tilespmem:s17+$0xFC10] =	vst v60;
	v12 =	vld.idx.msk [tilespmem:v12+s1+$0x0], $0xffff  }
0xb35: {  	v14 =	vld.idx.msk [tilespmem:v43+s1+$0x0], $0xffff;
	[tilespmem:s20+$0xEC00] =	vst v2  }
0xb36: {  	[tilespmem:s17+$0xFC20] =	vst v9;
	v13 =	vld.idx.msk [tilespmem:v61+s1+$0x0], $0xffff  }
0xb37: {  	v15 =	vld.idx.msk [tilespmem:v49+s1+$0x0], $0xffff;
	[tilespmem:s19+$0xF030] =	vst v5  }
0xb38: {  	[tilespmem:s19+$0xF010] =	vst v6;
	v1 =	vld.idx.msk [tilespmem:v10+s1+$0x0], $0xffff  }
0xb39: {  	[tilespmem:s19+$0xF020] =	vst v12;
	v6 =	vld.idx.msk [tilespmem:v21+s1+$0x0], $0xffff  }
0xb3a: {  	[tilespmem:s18+$0xFC00] =	vst v14;
	v17 =	vld.idx.msk [tilespmem:v11+s1+$0x0], $0xffff  }
0xb3b: {  	v21 =	vld.idx.msk [tilespmem:v48+s1+$0x0], $0xffff;
	[tilespmem:s20+$0xF000] =	vst v13  }
0xb3c: {  	[tilespmem:s17+$0x10010] =	vst v15;
	v18 =	vld.idx.msk [tilespmem:v58+s1+$0x0], $0xffff  }
0xb3d: {  	[tilespmem:s19+$0xF430] =	vst v1  }
0xb3e: {  	[tilespmem:s19+$0xF410] =	vst v6  }
0xb3f: {  	[tilespmem:s19+$0xF420] =	vst v17  }
0xb40: {  	[tilespmem:s17+$0x10020] =	vst v21  }
0xb41: {  	[tilespmem:s20+$0xF400] =	vst v18  }
0xb42: {  	v16 =	vadd.s32 $0xE40, v0;
	v5 =	vld [tilespmem:$0x1F1E0];
	_ =	sdelay $0x3  }
0xb43: {  	v22 =	vld.idx.msk [tilespmem:v40+s1+$0x0], $0xffff  }
0xb44: {  	v2 =	vld.idx.msk [tilespmem:v16+s1+$0x0], $0xffff  }
0xb45: {  	v23 =	vadd.s32 $0xE80, v0;
	v6 =	vld.idx.msk [tilespmem:v19+s1+$0x0], $0xffff  }
0xb46: {  	v25 =	vld.idx.msk [tilespmem:v20+s1+$0x0], $0xffff  }
0xb47: {  	v5 =	vld.idx.msk [tilespmem:v5+s1+$0x0], $0xffff  }
0xb48: {  	v26 =	vld.idx.msk [tilespmem:v45+s1+$0x0], $0xffff;
	[tilespmem:s18+$0x10000] =	vst v22  }
0xb49: {  	v27 =	vld.idx.msk [tilespmem:v46+s1+$0x0], $0xffff;
	[tilespmem:s19+$0xF830] =	vst v2  }
0xb4a: {  	[tilespmem:s19+$0xF810] =	vst v6;
	v3 =	vld.idx.msk [tilespmem:v23+s1+$0x0], $0xffff  }
0xb4b: {  	v29 =	vadd.s32 $0xEC0, v0;
	[tilespmem:s19+$0xF820] =	vst v25;
	v6 =	vld.idx.msk [tilespmem:v52+s1+$0x0], $0xffff  }
0xb4c: {  	v30 =	vld.idx.msk [tilespmem:v63+s1+$0x0], $0xffff;
	[tilespmem:s20+$0xF800] =	vst v5  }
0xb4d: {  	[tilespmem:s17+$0x10410] =	vst v26;
	v31 =	vld.idx.msk [tilespmem:v59+s1+$0x0], $0xffff  }
0xb4e: {  	[tilespmem:s17+$0x10420] =	vst v27;
	v40 =	vld.idx.msk [tilespmem:v37+s1+$0x0], $0xffff  }
0xb4f: {  	v43 =	vld.idx.msk [tilespmem:v44+s1+$0x0], $0xffff;
	[tilespmem:s19+$0xFC30] =	vst v3  }
0xb50: {  	[tilespmem:s19+$0xFC10] =	vst v6;
	v4 =	vld.idx.msk [tilespmem:v29+s1+$0x0], $0xffff  }
0xb51: {  	[tilespmem:s19+$0xFC20] =	vst v30;
	v6 =	vld.idx.msk [tilespmem:v24+s1+$0x0], $0xffff  }
0xb52: {  	v45 =	vld.idx.msk [tilespmem:v62+s1+$0x0], $0xffff;
	[tilespmem:s20+$0xFC00] =	vst v31  }
0xb53: {  	[tilespmem:s18+$0x10400] =	vst v40;
	v46 =	vld.idx.msk [tilespmem:v57+s1+$0x0], $0xffff  }
0xb54: {  	[tilespmem:s17+$0x10810] =	vst v43  }
0xb55: {  	[tilespmem:s19+$0x10030] =	vst v4  }
0xb56: {  	[tilespmem:s19+$0x10010] =	vst v6  }
0xb57: {  	[tilespmem:s19+$0x10020] =	vst v45  }
0xb58: {  	v6 =	vld [tilespmem:$0x1F360];
	[tilespmem:s20+$0x10000] =	vst v46  }
0xb59: {  	v2 =	vld [tilespmem:$0x1F4F0]  }
0xb5a: {  	v44 =	vadd.s32 $0xF00, v0;
	_ =	sdelay $0x2  }
0xb5b: {  	v47 =	vld.idx.msk [tilespmem:v42+s1+$0x0], $0xffff  }
0xb5c: {  	v48 =	vld.idx.msk [tilespmem:v35+s1+$0x0], $0xffff  }
0xb5d: {  	v5 =	vld.idx.msk [tilespmem:v44+s1+$0x0], $0xffff  }
0xb5e: {  	v6 =	vld.idx.msk [tilespmem:v6+s1+$0x0], $0xffff  }
0xb5f: {  	v2 =	vld.idx.msk [tilespmem:v2+s1+$0x0], $0xffff  }
0xb60: {  	[tilespmem:s17+$0x10820] =	vst v47;
	v51 =	vld.idx.msk [tilespmem:v56+s1+$0x0], $0xffff  }
0xb61: {  	[tilespmem:s18+$0x10800] =	vst v48  }
0xb62: {  	[tilespmem:s19+$0x10430] =	vst v5  }
0xb63: {  	[tilespmem:s19+$0x10410] =	vst v6  }
0xb64: {  	[tilespmem:s19+$0x10420] =	vst v2  }
0xb65: {  	v6 =	vld [tilespmem:$0x1F370];
	[tilespmem:s20+$0x10400] =	vst v51  }
0xb66: {  	v3 =	vld [tilespmem:$0x1F500]  }
0xb67: {  	v49 =	vadd.s32 $0xF40, v0;
	_ =	sdelay $0x2  }
0xb68: {  	v52 =	vld.idx.msk [tilespmem:v39+s1+$0x0], $0xffff  }
0xb69: {  	v54 =	vld.idx.msk [tilespmem:v41+s1+$0x0], $0xffff  }
0xb6a: {  	v1 =	vld.idx.msk [tilespmem:v49+s1+$0x0], $0xffff  }
0xb6b: {  	v6 =	vld.idx.msk [tilespmem:v6+s1+$0x0], $0xffff  }
0xb6c: {  	v3 =	vld.idx.msk [tilespmem:v3+s1+$0x0], $0xffff  }
0xb6d: {  	[tilespmem:s17+$0x10C10] =	vst v52;
	v56 =	vld.idx.msk [tilespmem:v53+s1+$0x0], $0xffff  }
0xb6e: {  	[tilespmem:s17+$0x10C20] =	vst v54  }
0xb6f: {  	[tilespmem:s19+$0x10830] =	vst v1  }
0xb70: {  	[tilespmem:s19+$0x10810] =	vst v6  }
0xb71: {  	[tilespmem:s19+$0x10820] =	vst v3  }
0xb72: {  	v3 =	vld [tilespmem:$0x1F380];
	[tilespmem:s20+$0x10800] =	vst v56  }
0xb73: {  	v4 =	vld [tilespmem:$0x1F510]  }
0xb74: {  	v55 =	vadd.s32 $0xF80, v0;
	_ =	sdelay $0x2  }
0xb75: {  	v57 =	vld.idx.msk [tilespmem:v34+s1+$0x0], $0xffff  }
0xb76: {  	v58 =	vld.idx.msk [tilespmem:v38+s1+$0x0], $0xffff  }
0xb77: {  	v2 =	vld.idx.msk [tilespmem:v55+s1+$0x0], $0xffff  }
0xb78: {  	v3 =	vld.idx.msk [tilespmem:v3+s1+$0x0], $0xffff  }
0xb79: {  	v4 =	vld.idx.msk [tilespmem:v4+s1+$0x0], $0xffff  }
0xb7a: {  	[tilespmem:s18+$0x10C00] =	vst v57  }
0xb7b: {  	[tilespmem:s17+$0x11010] =	vst v58  }
0xb7c: {  	[tilespmem:s19+$0x10C30] =	vst v2  }
0xb7d: {  	[tilespmem:s19+$0x10C10] =	vst v3  }
0xb7e: {  	[tilespmem:s19+$0x10C20] =	vst v4  }
0xb7f: {  	v59 =	vadd.s32 $0xFC0, v0;
	v3 =	vld [tilespmem:$0x1F390]  }
0xb80: {  	v60 =	vld.idx.msk [tilespmem:v50+s1+$0x0], $0xffff;
	_ =	sdelay $0x1  }
0xb81: {  	v61 =	vld.idx.msk [tilespmem:v36+s1+$0x0], $0xffff  }
0xb82: {  	v62 =	vld.idx.msk [tilespmem:v33+s1+$0x0], $0xffff  }
0xb83: {  	v0 =	vld.idx.msk [tilespmem:v59+s1+$0x0], $0xffff  }
0xb84: {  	[tilespmem:s20+$0x10C00] =	vst v60;
	v4 =	vld.idx.msk [tilespmem:v28+s1+$0x0], $0xffff  }
0xb85: {  	v63 =	vld.idx.msk [tilespmem:v32+s1+$0x0], $0xffff  }
0xb86: {  	[tilespmem:s17+$0x11020] =	vst v61;
	v3 =	vld.idx.msk [tilespmem:v3+s1+$0x0], $0xffff  }
0xb87: {  	[tilespmem:s18+$0x11000] =	vst v62  }
0xb88: {  	[tilespmem:s19+$0x11030] =	vst v0  }
0xb89: {  	[tilespmem:s19+$0x11020] =	vst v4  }
0xb8a: {  	[tilespmem:s20+$0x11000] =	vst v63  }
0xb8b: {  	[tilespmem:s19+$0x11010] =	vst v3  }
0xb8c: {  	[hbm4b:s8+s12] =	stream.strided.scatter [tilespmem:s15], [sflag:$0x1], $0x10000, s13, s12, $0x38;
	[tilespmem:$0x11400] =	vst v63  }
0xb8d: {  	s16 =	sadd.s32 $0x1, s16;
	_ =	swait.ge [sflag:s11], $0x10000  }
0xb8e: {  	p0 =	sne.s32 s16, s10;
	[sflag:s11] =	ssyncset.done $0x0  }
.Ltmp2:
0xb8f: {  	[sflag:s11] =	ssyncadd.s32 $0xFFFF0000;
	(pc) =	sbr.rel @p0 .LBB2_1-.Ltmp2, $4  }
0xb90: {  	[hbm4b:s9+s12] =	stream.strided.scatter [tilespmem:s15], [sflag:$0x1], $0x10000, s13, s12, $0x38;
	[tilespmem:$0x11400] =	vst v63  }
0xb91: {  	_ =	swait.ge [sflag:s11], $0x10000  }
0xb92: {  	[sflag:s11] =	ssyncset.done $0x0  }
0xb93: {  	[sflag:s11] =	ssyncadd.s32 $0xFFFF0000  }
0xb94: {  	_ =	sfence.sel $0x180000  }
0xb95: {  	[bflag:$0x0] =	sbarrier.arrive $0xFFFF  }
0xb96: {  	p0 =	sne.s32 s2, $0x0;
	_ =	strace $0x90000047  }
0xb97: {  	s0 =	sadd.s32 @!p0 $0x100000, s0;
	[bflag:$0x2] =	sbarrier.arrive $0xFFFF  }
0xb98: {  	[sflag:s0] =	ssyncadd.tile.s32 @!p0 $0x1;
	_ =	shalt  }
.Lfunc_end2:
_tile_overlayer_lowered:
.L_overlay_start_2:
0xb99: {  	(tag) =	ssettag $0x2  }
0xb9a: {  	s0 =	rddreg [dreg:$0x0];
	s2 =	stileid.u32  }
0xb9b: {  	s1 =	rddreg [dreg:$0x1];
	p0 =	sne.s32 s2, $0x0  }
0xb9c: {  	s3 =	rddreg [dreg:$0x2];
	[bflag:$0x3] =	sbarrier.arrive $0xFFFF;
	s2 =	simm.s32 @!p0 $0x1C01  }
0xb9d: {  	[timem:s3], [sflag:s2] =	dma.local @!p0 [hbm:s0], s1  }
0xb9e: {  	s0 =	simm.s32 @!p0 $0x1  }
0xb9f: {  	_ =	swait.ge @!p0 [sflag:s0], s1  }
0xba0: {  	s1 =	ssub.s32 @!p0 $0x0, s1;
	[sflag:s0] =	ssyncset.done @!p0 $0x0  }
0xba1: {  	[sflag:s0] =	ssyncadd.s32 @!p0 s1  }
0xba2: {  	[bflag:$0x3] =	sbarrier.arrive $0xFFFF  }
0xba3: {  	_ =	shalt  }

</sc_bundles>
